<compile_context>
chip_gen: v7x
topology: tpu7x:2x2x1
jax: 0.10.2.dev20260603
libtpu: 0.0.44.dev20260713+nightly
codegen_flags: <defaults>
</compile_context>

<pallas_src>
import functools

import jax
import jax.numpy as jnp
from jax import lax
from jax.experimental import pallas as pl
from jax.experimental.pallas import tpu as pltpu
from jax.experimental.pallas import tpu_sc as plsc

N = 10000
NPAD = 10112
E = 320000
CHUNK = 128
NROWS = 2560
EPAD = NROWS * CHUNK
NC, NS = 2, 16
RPT = NPAD // NS
SPLIT128 = 116
RBLK = 2528
GRID = NPAD // RBLK
G = 128
OUT = 10


def _make_sc_pass(F, gather, chunk, nbuf, split0=None, dtype=jnp.float32):
    cpp = EPAD // chunk // NS
    cpw0 = (cpp // 2 if split0 is None else split0)
    cpw1 = cpp - cpw0
    assert cpw0 % nbuf == 0 and cpw1 % nbuf == 0
    mesh = plsc.VectorSubcoreMesh(core_axis_name="c", subcore_axis_name="s",
                                  num_cores=NC, num_subcores=NS)

    @functools.partial(
        pl.kernel,
        out_type=jax.ShapeDtypeStruct((NC, NPAD, F), dtype),
        mesh=mesh,
        compiler_params=pltpu.CompilerParams(use_tc_tiling_on_sc=False),
        scratch_types=[
            pltpu.VMEM((2, nbuf, chunk), jnp.int32),
            pltpu.VMEM((2, nbuf, chunk), jnp.int32),
            [pltpu.VMEM((chunk, F), dtype) for _ in range(nbuf)],
            pltpu.VMEM_SHARED((NPAD, F), dtype),
            [pltpu.SemaphoreType.DMA for _ in range(nbuf)],
            [pltpu.SemaphoreType.DMA for _ in range(nbuf)],
            pltpu.SemaphoreType.DMA,
        ],
    )
    def sc_pass(init_hbm, src_hbm, row_hbm, col_hbm, out_hbm,
                idx_r, idx_c, rows, acc, gsem, ssem, isem):
        cid = lax.axis_index("c")
        sid = lax.axis_index("s")
        sl = pl.ds(sid * RPT, RPT)
        pltpu.sync_copy(init_hbm.at[sl], acc.at[sl])
        base = sid * cpp + jnp.where(cid == 0, 0, cpw0)
        nrnd = jnp.where(cid == 0, cpw0 // nbuf, cpw1 // nbuf)
        pltpu.sync_copy(col_hbm.at[pl.ds(base, nbuf)], idx_c.at[0])
        if gather:
            pltpu.sync_copy(row_hbm.at[pl.ds(base, nbuf)], idx_r.at[0])
        else:
            for b in range(nbuf):
                pltpu.sync_copy(init_hbm.at[pl.ds(0, chunk)], rows[b])
        plsc.subcore_barrier()

        def round_(r, carry):
            rp = lax.rem(r, 2)
            rn = lax.rem(r + 1, 2)

            @pl.when(r + 1 < nrnd)
            def _():
                nxt = pl.ds(base + (r + 1) * nbuf, nbuf)
                pltpu.async_copy(col_hbm.at[nxt], idx_c.at[rn], isem)
                if gather:
                    pltpu.async_copy(row_hbm.at[nxt], idx_r.at[rn], isem)

            if gather:
                for b in range(nbuf):
                    @pl.when(r > 0)
                    def _(b=b):
                        pltpu.make_async_copy(
                            rows[b], acc.at[idx_c.at[0, b]], ssem[b]).wait()
                    pltpu.async_copy(
                        src_hbm.at[idx_r.at[rp, b]], rows[b], gsem[b])
                for b in range(nbuf):
                    pltpu.make_async_copy(
                        src_hbm.at[idx_r.at[0, b]], rows[b], gsem[b]).wait()
                    pltpu.async_copy(
                        rows[b], acc.at[idx_c.at[rp, b]], ssem[b], add=True)
            else:
                for b in range(nbuf):
                    @pl.when(r > 0)
                    def _(b=b):
                        pltpu.make_async_copy(
                            rows[b], acc.at[idx_c.at[0, b]], ssem[b]).wait()
                    pltpu.async_copy(
                        rows[b], acc.at[idx_c.at[rp, b]], ssem[b], add=True)

            @pl.when(r + 1 < nrnd)
            def _():
                pltpu.make_async_copy(
                    col_hbm.at[pl.ds(0, nbuf)], idx_c.at[0], isem).wait()
                if gather:
                    pltpu.make_async_copy(
                        row_hbm.at[pl.ds(0, nbuf)], idx_r.at[0], isem).wait()
            return carry

        lax.fori_loop(0, nrnd, round_, 0)
        for b in range(nbuf):
            pltpu.make_async_copy(rows[b], acc.at[idx_c.at[0, b]],
                                  ssem[b]).wait()
        plsc.subcore_barrier()
        pltpu.sync_copy(acc.at[sl], out_hbm.at[cid, sl])

    return sc_pass


_SC_CACHE = {}


def _sc_pass(F, gather, chunk, nbuf, split0, dtype, *args):
    key = (F, gather, chunk, nbuf, split0, dtype)
    if key not in _SC_CACHE:
        _SC_CACHE[key] = _make_sc_pass(F, gather, chunk, nbuf, split0, dtype)
    return _SC_CACHE[key](*args)


def _tc_prep(degp, x, W1):
    def body(degp_ref, x_ref, w_ref, dis_ref, v_ref):
        deg = degp_ref[0, :, 0:1] + degp_ref[1, :, 0:1]
        dis = lax.rsqrt(deg)
        dis_ref[...] = jnp.broadcast_to(dis, (RBLK, 8))
        xw = jnp.dot(x_ref[...], w_ref[...], preferred_element_type=jnp.float32)
        v_ref[...] = (dis * xw).astype(v_ref.dtype)

    return pl.pallas_call(
        body,
        grid=(GRID,),
        in_specs=[pl.BlockSpec((2, RBLK, 16), lambda i: (0, i, 0)),
                  pl.BlockSpec((RBLK, 128), lambda i: (i, 0)),
                  pl.BlockSpec((128, 160), lambda i: (0, 0))],
        out_specs=[pl.BlockSpec((RBLK, 8), lambda i: (i, 0)),
                   pl.BlockSpec((RBLK, 160), lambda i: (i, 0))],
        out_shape=[jax.ShapeDtypeStruct((NPAD, 8), jnp.float32),
                   jax.ShapeDtypeStruct((NPAD, 160), jnp.bfloat16)],
    )(degp, x, W1)


def _tc_combine(S, dis8, b, W, fin, fout):
    def body(s_ref, dis_ref, b_ref, w_ref, o_ref):
        dis = dis_ref[:, 0:1]
        s = (s_ref[0].astype(jnp.float32) + s_ref[1].astype(jnp.float32))
        h = dis * s + b_ref[...]
        o_ref[...] = (dis * jnp.dot(h, w_ref[...],
                                    preferred_element_type=jnp.float32)
                      ).astype(o_ref.dtype)

    return pl.pallas_call(
        body,
        grid=(GRID,),
        in_specs=[pl.BlockSpec((2, RBLK, fin), lambda i: (0, i, 0)),
                  pl.BlockSpec((RBLK, 8), lambda i: (i, 0)),
                  pl.BlockSpec((1, fin), lambda i: (0, 0)),
                  pl.BlockSpec((fin, fout), lambda i: (0, 0))],
        out_specs=pl.BlockSpec((RBLK, fout), lambda i: (i, 0)),
        out_shape=jax.ShapeDtypeStruct((NPAD, fout), jnp.bfloat16),
    )(S, dis8, b, W)


def _tc_final(S, dis8, b3, batch2d, fcW, fcb):
    def body(s_ref, dis_ref, b_ref, batch_ref, fcw_ref, fcb_ref,
             out_ref, sums, cnts):
        i = pl.program_id(0)

        @pl.when(i == 0)
        def _():
            sums[...] = jnp.zeros_like(sums)
            cnts[...] = jnp.zeros_like(cnts)

        dis = dis_ref[:, 0:1]
        s = (s_ref[0].astype(jnp.float32) + s_ref[1].astype(jnp.float32))
        h = dis * s + b_ref[...]
        oh = (batch_ref[...] ==
              lax.broadcasted_iota(jnp.int32, (RBLK, G), 1)
              ).astype(jnp.float32)
        dnum = (((0,), (0,)), ((), ()))
        sums[...] += lax.dot_general(oh, h, dnum,
                                     preferred_element_type=jnp.float32)
        cnts[...] += lax.dot_general(oh, jnp.ones((RBLK, G), jnp.float32),
                                     dnum, preferred_element_type=jnp.float32)

        @pl.when(i == GRID - 1)
        def _():
            pooled = sums[...] / jnp.maximum(cnts[...], 1.0)
            logits = jnp.dot(pooled, fcw_ref[...],
                             preferred_element_type=jnp.float32) + fcb_ref[...]
            m = jnp.max(logits, axis=1, keepdims=True)
            lse = jnp.log(jnp.sum(jnp.exp(logits - m), axis=1,
                                  keepdims=True)) + m
            out_ref[...] = logits - lse

    return pl.pallas_call(
        body,
        grid=(GRID,),
        in_specs=[pl.BlockSpec((2, RBLK, G), lambda i: (0, i, 0)),
                  pl.BlockSpec((RBLK, 8), lambda i: (i, 0)),
                  pl.BlockSpec((1, G), lambda i: (0, 0)),
                  pl.BlockSpec((RBLK, 1), lambda i: (i, 0)),
                  pl.BlockSpec((G, OUT), lambda i: (0, 0)),
                  pl.BlockSpec((1, OUT), lambda i: (0, 0))],
        out_specs=pl.BlockSpec((G, OUT), lambda i: (0, 0)),
        out_shape=jax.ShapeDtypeStruct((G, OUT), jnp.float32),
        scratch_shapes=[pltpu.VMEM((G, G), jnp.float32),
                        pltpu.VMEM((G, G), jnp.float32)],
    )(S, dis8, b3, batch2d, fcW, fcb)


def kernel(x, edge_index, batch, W1, b1, W2, b2, W3, b3, fcW, fcb):
    xp = jnp.concatenate([x, jnp.zeros((NPAD - N, x.shape[1]), jnp.float32)])
    rowflat = jnp.concatenate([edge_index[0], jnp.zeros((EPAD - E,), jnp.int32)])
    colflat = jnp.concatenate([edge_index[1], jnp.full((EPAD - E,), N, jnp.int32)])
    row128 = rowflat.reshape(-1, 128)
    col128 = colflat.reshape(-1, 128)
    batch2d = jnp.concatenate(
        [batch, jnp.full((NPAD - N,), G, jnp.int32)]).reshape(NPAD, 1)
    ones16 = jnp.ones((NPAD, 16), jnp.float32)

    BF = jnp.bfloat16
    F32 = jnp.float32
    degp = _sc_pass(16, False, 128, 4, None, F32, ones16, ones16,
                    row128, col128)
    dis8, v1 = _tc_prep(degp, xp, W1)
    S1 = _sc_pass(160, True, 128, 4, SPLIT128, BF, v1, v1, row128, col128)
    v2 = _tc_combine(S1, dis8, b1.reshape(1, -1), W2, 160, 160)
    S2 = _sc_pass(160, True, 128, 4, SPLIT128, BF, v2, v2, row128, col128)
    v3 = _tc_combine(S2, dis8, b2.reshape(1, -1), W3, 160, 128)
    S3 = _sc_pass(128, True, 128, 4, SPLIT128, BF, v3, v3, row128, col128)
    return _tc_final(S3, dis8, b3.reshape(1, -1), batch2d,
                     fcW, fcb.reshape(1, -1))

# --- scband reference (transcript-rebuilt; emitter-appended) ---
"""Pipeline reference for scband-gcnconv-net-51754355916835 (READ-ONLY COPY).

The authoritative reference and input builder live on the scoring server;
editing this copy changes nothing except your own understanding.
"""

import jax, jax.numpy as jnp
import numpy as np

N = 10000
E = 320000
D = 128
H = 160
OC = 128
G = 128
OUT = 10


def _glorot(key, shape):
    fan_in, fan_out = shape[0], shape[1]
    lim = np.sqrt(6.0 / (fan_in + fan_out))
    return jax.random.uniform(key, shape, dtype=jnp.float32, minval=-lim, maxval=lim)


def setup_inputs(seed: int = 0) -> dict:
    key = jax.random.key(seed)
    ks = jax.random.split(key, 12)
    x = jax.random.normal(ks[0], (N, D), dtype=jnp.float32)
    edge_index = jax.random.randint(ks[1], (2, E), 0, N, dtype=jnp.int32)
    batch = jnp.sort(jax.random.randint(ks[2], (N,), 0, G, dtype=jnp.int32))
    W1 = _glorot(ks[3], (D, H)); b1 = jnp.zeros((H,), jnp.float32)
    W2 = _glorot(ks[4], (H, H)); b2 = jnp.zeros((H,), jnp.float32)
    W3 = _glorot(ks[5], (H, OC)); b3 = jnp.zeros((OC,), jnp.float32)
    fcW = _glorot(ks[6], (OC, OUT)); fcb = jnp.zeros((OUT,), jnp.float32)
    return {"x": x, "edge_index": edge_index, "batch": batch,
            "W1": W1, "b1": b1, "W2": W2, "b2": b2, "W3": W3, "b3": b3,
            "fcW": fcW, "fcb": fcb}


def _gcn_conv(x, edge_index, W, b):
    # GCNConv with improved=True (self-loop weight 2.0), aggr='add'
    n = x.shape[0]
    row = edge_index[0]
    col = edge_index[1]
    loop = jnp.arange(n, dtype=edge_index.dtype)
    row = jnp.concatenate([row, loop])
    col = jnp.concatenate([col, loop])
    ew = jnp.concatenate([jnp.ones((edge_index.shape[1],), x.dtype),
                          2.0 * jnp.ones((n,), x.dtype)])
    deg = jnp.zeros((n,), x.dtype).at[col].add(ew)
    dis = jnp.where(deg > 0, 1.0 / jnp.sqrt(deg), 0.0)
    norm = dis[row] * ew * dis[col]
    xw = x @ W
    msg = norm[:, None] * jnp.take(xw, row, axis=0)
    out = jnp.zeros((n, W.shape[1]), x.dtype).at[col].add(msg)
    return out + b


def reference(x, edge_index, batch, W1, b1, W2, b2, W3, b3, fcW, fcb):
    h = _gcn_conv(x, edge_index, W1, b1)
    h = _gcn_conv(h, edge_index, W2, b2)
    h = _gcn_conv(h, edge_index, W3, b3)
    # global_mean_pool
    s = jax.ops.segment_sum(h, batch, num_segments=G)
    cnt = jax.ops.segment_sum(jnp.ones((h.shape[0], 1), h.dtype), batch, num_segments=G)
    pooled = s / jnp.maximum(cnt, 1.0)
    logits = pooled @ fcW + fcb
    return jax.nn.log_softmax(logits, axis=1)

if __name__ == "__main__":
    import jax
    _d = setup_inputs()
    print(jax.jit(kernel)(*tuple(_d.values())))

</pallas_src>

<mosaic_0001>
#map = affine_map<(d0, d1) -> (0, 0)>
#map1 = affine_map<(d0, d1) -> (0, 0, 0)>
module attributes {stable_mosaic.version = 14 : i64} {
  func.func @sc_pass(%arg0: i32, %arg1: i32, %arg2: memref<10112x16xf32, #tpu.memory_space<hbm>>, %arg3: memref<10112x16xf32, #tpu.memory_space<hbm>>, %arg4: memref<2560x128xi32, #tpu.memory_space<hbm>>, %arg5: memref<2560x128xi32, #tpu.memory_space<hbm>>, %arg6: memref<2x10112x16xf32, #tpu.memory_space<hbm>>, %arg7: memref<2x4x128xi32, #tpu.memory_space<vmem>>, %arg8: memref<2x4x128xi32, #tpu.memory_space<vmem>>, %arg9: memref<128x16xf32, #tpu.memory_space<vmem>>, %arg10: memref<128x16xf32, #tpu.memory_space<vmem>>, %arg11: memref<128x16xf32, #tpu.memory_space<vmem>>, %arg12: memref<128x16xf32, #tpu.memory_space<vmem>>, %arg13: memref<10112x16xf32, #tpu.memory_space<vmem_shared>>, %arg14: memref<!tpu.dma_semaphore, #tpu.memory_space<semaphore_mem>>, %arg15: memref<!tpu.dma_semaphore, #tpu.memory_space<semaphore_mem>>, %arg16: memref<!tpu.dma_semaphore, #tpu.memory_space<semaphore_mem>>, %arg17: memref<!tpu.dma_semaphore, #tpu.memory_space<semaphore_mem>>, %arg18: memref<!tpu.dma_semaphore, #tpu.memory_space<semaphore_mem>>, %arg19: memref<!tpu.dma_semaphore, #tpu.memory_space<semaphore_mem>>, %arg20: memref<!tpu.dma_semaphore, #tpu.memory_space<semaphore_mem>>, %arg21: memref<!tpu.dma_semaphore, #tpu.memory_space<semaphore_mem>>, %arg22: memref<!tpu.dma_semaphore, #tpu.memory_space<semaphore_mem>>) attributes {dimension_semantics = [#tpu.dimension_semantics<core_parallel>, #tpu.dimension_semantics<subcore_parallel>], iteration_bounds = array<i64: 2, 16>, scalar_prefetch = 0 : i64, scratch_operands = 16 : i64, tpu.core_type = #tpu.core_type<sc_vector_subcore>, window_params = [{transform_indices = #map}, {transform_indices = #map}, {transform_indices = #map}, {transform_indices = #map}, {transform_indices = #map1}]} {
    %mul3A = arith.constant 632 : i32
    %mul3A_0 = arith.muli %arg1, %mul3A : i32
    "tpu.region"() ({
      %run_scoped3A_51 = tpu.sem_alloc : memref<!tpu.dma_semaphore, #tpu.memory_space<semaphore_mem>>
      %dma_start3A = arith.constant 0 : i32
      %dma_start3A_52 = tpu.memref_slice %arg13[%mul3A_0, %dma_start3A] : memref<10112x16xf32, #tpu.memory_space<vmem_shared>> -> memref<632x16xf32, #tpu.memory_space<vmem_shared>>
      %dma_start3A_53 = arith.constant 0 : i32
      %dma_start3A_54 = tpu.memref_slice %arg2[%mul3A_0, %dma_start3A_53] : memref<10112x16xf32, #tpu.memory_space<hbm>> -> memref<632x16xf32, #tpu.memory_space<hbm>>
      tpu.enqueue_dma source(%dma_start3A_54 : memref<632x16xf32, #tpu.memory_space<hbm>>) target(%dma_start3A_52 : memref<632x16xf32, #tpu.memory_space<vmem_shared>>) target_semaphore(%run_scoped3A_51 : memref<!tpu.dma_semaphore, #tpu.memory_space<semaphore_mem>>)
      %dma_wait3A_55 = arith.constant 0 : i32
      %dma_wait3A_56 = tpu.memref_slice %arg13[%mul3A_0, %dma_wait3A_55] : memref<10112x16xf32, #tpu.memory_space<vmem_shared>> -> memref<632x16xf32, #tpu.memory_space<vmem_shared>>
      %dma_wait3A_57 = arith.constant 0 : i32
      %dma_wait3A_58 = tpu.memref_slice %arg2[%mul3A_0, %dma_wait3A_57] : memref<10112x16xf32, #tpu.memory_space<hbm>> -> memref<632x16xf32, #tpu.memory_space<hbm>>
      tpu.wait_dma2 semaphore(%run_scoped3A_51 : memref<!tpu.dma_semaphore, #tpu.memory_space<semaphore_mem>>) src(%dma_wait3A_58 : memref<632x16xf32, #tpu.memory_space<hbm>>) dst(%dma_wait3A_56 : memref<632x16xf32, #tpu.memory_space<vmem_shared>>)
      tpu.yield
    }) : () -> ()
    %mul3A_1 = arith.constant 160 : i32
    %mul3A_2 = arith.muli %arg1, %mul3A_1 : i32
    %eq3A = arith.constant 0 : i32
    %eq3A_3 = arith.cmpi eq, %arg0, %eq3A : i32
    %jit3A = arith.constant 0 : i32
    %jit3A_4 = arith.constant 80 : i32
    %select_n3A = arith.select %eq3A_3, %jit3A, %jit3A_4 : i32
    %add3A = arith.addi %mul3A_2, %select_n3A : i32
    %eq3A_5 = arith.constant 0 : i32
    %eq3A_6 = arith.cmpi eq, %arg0, %eq3A_5 : i32
    %jit3A_7 = arith.constant 20 : i32
    %jit3A_8 = arith.constant 20 : i32
    %select_n3A_9 = arith.select %eq3A_6, %jit3A_7, %jit3A_8 : i32
    %run_scoped3A = arith.constant 0 : i32
    "tpu.region"() ({
      %run_scoped3A_51 = tpu.sem_alloc : memref<!tpu.dma_semaphore, #tpu.memory_space<semaphore_mem>>
      %dma_start3A = arith.constant 0 : i32
      %dma_start3A_52 = arith.constant 0 : i32
      %dma_start3A_53 = tpu.memref_slice %arg8[%run_scoped3A, %dma_start3A, %dma_start3A_52] : memref<2x4x128xi32, #tpu.memory_space<vmem>> -> memref<1x4x128xi32, #tpu.memory_space<vmem>>
      %dma_start3A_54 = tpu.memref_squeeze %dma_start3A_53 : memref<1x4x128xi32, #tpu.memory_space<vmem>> -> memref<4x128xi32, #tpu.memory_space<vmem>>
      %dma_start3A_55 = arith.constant 0 : i32
      %dma_start3A_56 = tpu.memref_slice %arg5[%add3A, %dma_start3A_55] : memref<2560x128xi32, #tpu.memory_space<hbm>> -> memref<4x128xi32, #tpu.memory_space<hbm>>
      %dma_start3A_57 = arith.constant 0 : i32
      %dma_start3A_58 = arith.constant 0 : i32
      %dma_start3A_59 = tpu.memref_slice %arg8[%run_scoped3A, %dma_start3A_57, %dma_start3A_58] : memref<2x4x128xi32, #tpu.memory_space<vmem>> -> memref<1x4x128xi32, #tpu.memory_space<vmem>>
      %dma_start3A_60 = tpu.memref_squeeze %dma_start3A_59 : memref<1x4x128xi32, #tpu.memory_space<vmem>> -> memref<4x128xi32, #tpu.memory_space<vmem>>
      %dma_start3A_61 = arith.constant 0 : i32
      %dma_start3A_62 = tpu.memref_slice %arg5[%add3A, %dma_start3A_61] : memref<2560x128xi32, #tpu.memory_space<hbm>> -> memref<4x128xi32, #tpu.memory_space<hbm>>
      tpu.enqueue_dma source(%dma_start3A_62 : memref<4x128xi32, #tpu.memory_space<hbm>>) target(%dma_start3A_60 : memref<4x128xi32, #tpu.memory_space<vmem>>) target_semaphore(%run_scoped3A_51 : memref<!tpu.dma_semaphore, #tpu.memory_space<semaphore_mem>>)
      %dma_wait3A_63 = arith.constant 0 : i32
      %dma_wait3A_64 = arith.constant 0 : i32
      %dma_wait3A_65 = tpu.memref_slice %arg8[%run_scoped3A, %dma_wait3A_63, %dma_wait3A_64] : memref<2x4x128xi32, #tpu.memory_space<vmem>> -> memref<1x4x128xi32, #tpu.memory_space<vmem>>
      %dma_wait3A_66 = tpu.memref_squeeze %dma_wait3A_65 : memref<1x4x128xi32, #tpu.memory_space<vmem>> -> memref<4x128xi32, #tpu.memory_space<vmem>>
      %dma_wait3A_67 = arith.constant 0 : i32
      %dma_wait3A_68 = tpu.memref_slice %arg5[%add3A, %dma_wait3A_67] : memref<2560x128xi32, #tpu.memory_space<hbm>> -> memref<4x128xi32, #tpu.memory_space<hbm>>
      %dma_wait3A_69 = arith.constant 0 : i32
      %dma_wait3A_70 = arith.constant 0 : i32
      %dma_wait3A_71 = tpu.memref_slice %arg8[%run_scoped3A, %dma_wait3A_69, %dma_wait3A_70] : memref<2x4x128xi32, #tpu.memory_space<vmem>> -> memref<1x4x128xi32, #tpu.memory_space<vmem>>
      %dma_wait3A_72 = tpu.memref_squeeze %dma_wait3A_71 : memref<1x4x128xi32, #tpu.memory_space<vmem>> -> memref<4x128xi32, #tpu.memory_space<vmem>>
      %dma_wait3A_73 = arith.constant 0 : i32
      %dma_wait3A_74 = tpu.memref_slice %arg5[%add3A, %dma_wait3A_73] : memref<2560x128xi32, #tpu.memory_space<hbm>> -> memref<4x128xi32, #tpu.memory_space<hbm>>
      tpu.wait_dma2 semaphore(%run_scoped3A_51 : memref<!tpu.dma_semaphore, #tpu.memory_space<semaphore_mem>>) src(%dma_wait3A_74 : memref<4x128xi32, #tpu.memory_space<hbm>>) dst(%dma_wait3A_72 : memref<4x128xi32, #tpu.memory_space<vmem>>)
      tpu.yield
    }) : () -> ()
    "tpu.region"() ({
      %run_scoped3A_51 = tpu.sem_alloc : memref<!tpu.dma_semaphore, #tpu.memory_space<semaphore_mem>>
      %dma_start3A = arith.constant 0 : i32
      %dma_start3A_52 = arith.constant 0 : i32
      %dma_start3A_53 = tpu.memref_slice %arg2[%dma_start3A, %dma_start3A_52] : memref<10112x16xf32, #tpu.memory_space<hbm>> -> memref<128x16xf32, #tpu.memory_space<hbm>>
      %dma_start3A_54 = arith.constant 0 : i32
      %dma_start3A_55 = arith.constant 0 : i32
      %dma_start3A_56 = tpu.memref_slice %arg2[%dma_start3A_54, %dma_start3A_55] : memref<10112x16xf32, #tpu.memory_space<hbm>> -> memref<128x16xf32, #tpu.memory_space<hbm>>
      tpu.enqueue_dma source(%dma_start3A_56 : memref<128x16xf32, #tpu.memory_space<hbm>>) target(%arg9 : memref<128x16xf32, #tpu.memory_space<vmem>>) target_semaphore(%run_scoped3A_51 : memref<!tpu.dma_semaphore, #tpu.memory_space<semaphore_mem>>)
      %dma_wait3A_57 = arith.constant 0 : i32
      %dma_wait3A_58 = arith.constant 0 : i32
      %dma_wait3A_59 = tpu.memref_slice %arg2[%dma_wait3A_57, %dma_wait3A_58] : memref<10112x16xf32, #tpu.memory_space<hbm>> -> memref<128x16xf32, #tpu.memory_space<hbm>>
      %dma_wait3A_60 = arith.constant 0 : i32
      %dma_wait3A_61 = arith.constant 0 : i32
      %dma_wait3A_62 = tpu.memref_slice %arg2[%dma_wait3A_60, %dma_wait3A_61] : memref<10112x16xf32, #tpu.memory_space<hbm>> -> memref<128x16xf32, #tpu.memory_space<hbm>>
      tpu.wait_dma2 semaphore(%run_scoped3A_51 : memref<!tpu.dma_semaphore, #tpu.memory_space<semaphore_mem>>) src(%dma_wait3A_62 : memref<128x16xf32, #tpu.memory_space<hbm>>) dst(%arg9 : memref<128x16xf32, #tpu.memory_space<vmem>>)
      tpu.yield
    }) : () -> ()
    "tpu.region"() ({
      %run_scoped3A_51 = tpu.sem_alloc : memref<!tpu.dma_semaphore, #tpu.memory_space<semaphore_mem>>
      %dma_start3A = arith.constant 0 : i32
      %dma_start3A_52 = arith.constant 0 : i32
      %dma_start3A_53 = tpu.memref_slice %arg2[%dma_start3A, %dma_start3A_52] : memref<10112x16xf32, #tpu.memory_space<hbm>> -> memref<128x16xf32, #tpu.memory_space<hbm>>
      %dma_start3A_54 = arith.constant 0 : i32
      %dma_start3A_55 = arith.constant 0 : i32
      %dma_start3A_56 = tpu.memref_slice %arg2[%dma_start3A_54, %dma_start3A_55] : memref<10112x16xf32, #tpu.memory_space<hbm>> -> memref<128x16xf32, #tpu.memory_space<hbm>>
      tpu.enqueue_dma source(%dma_start3A_56 : memref<128x16xf32, #tpu.memory_space<hbm>>) target(%arg10 : memref<128x16xf32, #tpu.memory_space<vmem>>) target_semaphore(%run_scoped3A_51 : memref<!tpu.dma_semaphore, #tpu.memory_space<semaphore_mem>>)
      %dma_wait3A_57 = arith.constant 0 : i32
      %dma_wait3A_58 = arith.constant 0 : i32
      %dma_wait3A_59 = tpu.memref_slice %arg2[%dma_wait3A_57, %dma_wait3A_58] : memref<10112x16xf32, #tpu.memory_space<hbm>> -> memref<128x16xf32, #tpu.memory_space<hbm>>
      %dma_wait3A_60 = arith.constant 0 : i32
      %dma_wait3A_61 = arith.constant 0 : i32
      %dma_wait3A_62 = tpu.memref_slice %arg2[%dma_wait3A_60, %dma_wait3A_61] : memref<10112x16xf32, #tpu.memory_space<hbm>> -> memref<128x16xf32, #tpu.memory_space<hbm>>
      tpu.wait_dma2 semaphore(%run_scoped3A_51 : memref<!tpu.dma_semaphore, #tpu.memory_space<semaphore_mem>>) src(%dma_wait3A_62 : memref<128x16xf32, #tpu.memory_space<hbm>>) dst(%arg10 : memref<128x16xf32, #tpu.memory_space<vmem>>)
      tpu.yield
    }) : () -> ()
    "tpu.region"() ({
      %run_scoped3A_51 = tpu.sem_alloc : memref<!tpu.dma_semaphore, #tpu.memory_space<semaphore_mem>>
      %dma_start3A = arith.constant 0 : i32
      %dma_start3A_52 = arith.constant 0 : i32
      %dma_start3A_53 = tpu.memref_slice %arg2[%dma_start3A, %dma_start3A_52] : memref<10112x16xf32, #tpu.memory_space<hbm>> -> memref<128x16xf32, #tpu.memory_space<hbm>>
      %dma_start3A_54 = arith.constant 0 : i32
      %dma_start3A_55 = arith.constant 0 : i32
      %dma_start3A_56 = tpu.memref_slice %arg2[%dma_start3A_54, %dma_start3A_55] : memref<10112x16xf32, #tpu.memory_space<hbm>> -> memref<128x16xf32, #tpu.memory_space<hbm>>
      tpu.enqueue_dma source(%dma_start3A_56 : memref<128x16xf32, #tpu.memory_space<hbm>>) target(%arg11 : memref<128x16xf32, #tpu.memory_space<vmem>>) target_semaphore(%run_scoped3A_51 : memref<!tpu.dma_semaphore, #tpu.memory_space<semaphore_mem>>)
      %dma_wait3A_57 = arith.constant 0 : i32
      %dma_wait3A_58 = arith.constant 0 : i32
      %dma_wait3A_59 = tpu.memref_slice %arg2[%dma_wait3A_57, %dma_wait3A_58] : memref<10112x16xf32, #tpu.memory_space<hbm>> -> memref<128x16xf32, #tpu.memory_space<hbm>>
      %dma_wait3A_60 = arith.constant 0 : i32
      %dma_wait3A_61 = arith.constant 0 : i32
      %dma_wait3A_62 = tpu.memref_slice %arg2[%dma_wait3A_60, %dma_wait3A_61] : memref<10112x16xf32, #tpu.memory_space<hbm>> -> memref<128x16xf32, #tpu.memory_space<hbm>>
      tpu.wait_dma2 semaphore(%run_scoped3A_51 : memref<!tpu.dma_semaphore, #tpu.memory_space<semaphore_mem>>) src(%dma_wait3A_62 : memref<128x16xf32, #tpu.memory_space<hbm>>) dst(%arg11 : memref<128x16xf32, #tpu.memory_space<vmem>>)
      tpu.yield
    }) : () -> ()
    "tpu.region"() ({
      %run_scoped3A_51 = tpu.sem_alloc : memref<!tpu.dma_semaphore, #tpu.memory_space<semaphore_mem>>
      %dma_start3A = arith.constant 0 : i32
      %dma_start3A_52 = arith.constant 0 : i32
      %dma_start3A_53 = tpu.memref_slice %arg2[%dma_start3A, %dma_start3A_52] : memref<10112x16xf32, #tpu.memory_space<hbm>> -> memref<128x16xf32, #tpu.memory_space<hbm>>
      %dma_start3A_54 = arith.constant 0 : i32
      %dma_start3A_55 = arith.constant 0 : i32
      %dma_start3A_56 = tpu.memref_slice %arg2[%dma_start3A_54, %dma_start3A_55] : memref<10112x16xf32, #tpu.memory_space<hbm>> -> memref<128x16xf32, #tpu.memory_space<hbm>>
      tpu.enqueue_dma source(%dma_start3A_56 : memref<128x16xf32, #tpu.memory_space<hbm>>) target(%arg12 : memref<128x16xf32, #tpu.memory_space<vmem>>) target_semaphore(%run_scoped3A_51 : memref<!tpu.dma_semaphore, #tpu.memory_space<semaphore_mem>>)
      %dma_wait3A_57 = arith.constant 0 : i32
      %dma_wait3A_58 = arith.constant 0 : i32
      %dma_wait3A_59 = tpu.memref_slice %arg2[%dma_wait3A_57, %dma_wait3A_58] : memref<10112x16xf32, #tpu.memory_space<hbm>> -> memref<128x16xf32, #tpu.memory_space<hbm>>
      %dma_wait3A_60 = arith.constant 0 : i32
      %dma_wait3A_61 = arith.constant 0 : i32
      %dma_wait3A_62 = tpu.memref_slice %arg2[%dma_wait3A_60, %dma_wait3A_61] : memref<10112x16xf32, #tpu.memory_space<hbm>> -> memref<128x16xf32, #tpu.memory_space<hbm>>
      tpu.wait_dma2 semaphore(%run_scoped3A_51 : memref<!tpu.dma_semaphore, #tpu.memory_space<semaphore_mem>>) src(%dma_wait3A_62 : memref<128x16xf32, #tpu.memory_space<hbm>>) dst(%arg12 : memref<128x16xf32, #tpu.memory_space<vmem>>)
      tpu.yield
    }) : () -> ()
    %barrier3A = arith.constant 0 : index
    tpu.barrier barrier_id(%barrier3A)
    %while3A = arith.constant 0 : i32
    %while3A_10 = arith.constant 0 : i32
    %while3A_11 = arith.subi %select_n3A_9, %while3A_10 : i32
    %while3A_12 = arith.addi %while3A_10, %while3A_11 : i32
    %while3A_13 = arith.constant 1 : i32
    %while3A_14 = arith.divsi %while3A_11, %while3A_13 : i32
    %while3A_15 = arith.muli %while3A_14, %while3A_13 : i32
    %while3A_16 = arith.addi %while3A_10, %while3A_15 : i32
    %while3A_17 = arith.constant 1 : i32
    scf.for %while3A_51 = %while3A_10 to %while3A_16 step %while3A_17  : i32 {
      %rem3A = arith.constant 2 : i32
      %rem3A_52 = arith.remsi %while3A_51, %rem3A : i32
      %add3A_53 = arith.constant 1 : i32
      %add3A_54 = arith.addi %while3A_51, %add3A_53 : i32
      %rem3A_55 = arith.constant 2 : i32
      %rem3A_56 = arith.remsi %add3A_54, %rem3A_55 : i32
      %add3A_57 = arith.constant 1 : i32
      %add3A_58 = arith.addi %while3A_51, %add3A_57 : i32
      %lt3A = arith.cmpi slt, %add3A_58, %select_n3A_9 : i32
      %convert_element_type3A = arith.extui %lt3A : i1 to i32
      %cond3A = arith.constant 0 : i32
      %cond3A_59 = arith.cmpi ne, %convert_element_type3A, %cond3A : i32
      scf.if %cond3A_59 {
        %add3A_112 = arith.constant 1 : i32
        %add3A_113 = arith.addi %while3A_51, %add3A_112 : i32
        %mul3A_114 = arith.constant 4 : i32
        %mul3A_115 = arith.muli %add3A_113, %mul3A_114 : i32
        %add3A_116 = arith.addi %add3A, %mul3A_115 : i32
        %dma_start3A_117 = arith.constant 0 : i32
        %dma_start3A_118 = arith.constant 0 : i32
        %dma_start3A_119 = tpu.memref_slice %arg8[%rem3A_56, %dma_start3A_117, %dma_start3A_118] : memref<2x4x128xi32, #tpu.memory_space<vmem>> -> memref<1x4x128xi32, #tpu.memory_space<vmem>>
        %dma_start3A_120 = tpu.memref_squeeze %dma_start3A_119 : memref<1x4x128xi32, #tpu.memory_space<vmem>> -> memref<4x128xi32, #tpu.memory_space<vmem>>
        %dma_start3A_121 = arith.constant 0 : i32
        %dma_start3A_122 = tpu.memref_slice %arg5[%add3A_116, %dma_start3A_121] : memref<2560x128xi32, #tpu.memory_space<hbm>> -> memref<4x128xi32, #tpu.memory_space<hbm>>
        %dma_start3A_123 = arith.constant 0 : i32
        %dma_start3A_124 = arith.constant 0 : i32
        %dma_start3A_125 = tpu.memref_slice %arg8[%rem3A_56, %dma_start3A_123, %dma_start3A_124] : memref<2x4x128xi32, #tpu.memory_space<vmem>> -> memref<1x4x128xi32, #tpu.memory_space<vmem>>
        %dma_start3A_126 = tpu.memref_squeeze %dma_start3A_125 : memref<1x4x128xi32, #tpu.memory_space<vmem>> -> memref<4x128xi32, #tpu.memory_space<vmem>>
        %dma_start3A_127 = arith.constant 0 : i32
        %dma_start3A_128 = tpu.memref_slice %arg5[%add3A_116, %dma_start3A_127] : memref<2560x128xi32, #tpu.memory_space<hbm>> -> memref<4x128xi32, #tpu.memory_space<hbm>>
        tpu.enqueue_dma source(%dma_start3A_128 : memref<4x128xi32, #tpu.memory_space<hbm>>) target(%dma_start3A_126 : memref<4x128xi32, #tpu.memory_space<vmem>>) target_semaphore(%arg22 : memref<!tpu.dma_semaphore, #tpu.memory_space<semaphore_mem>>)
      } else {
      }
      %gt3A = arith.constant 0 : i32
      %gt3A_60 = arith.cmpi sgt, %while3A_51, %gt3A : i32
      %convert_element_type3A_61 = arith.extui %gt3A_60 : i1 to i32
      %cond3A_62 = arith.constant 0 : i32
      %cond3A_63 = arith.cmpi ne, %convert_element_type3A_61, %cond3A_62 : i32
      scf.if %cond3A_63 {
        %dma_wait3A_112 = arith.constant 0 : i32
        %dma_wait3A_113 = arith.constant 0 : i32
        %dma_wait3A_114 = arith.constant 0 : i32
        %dma_wait3A_115 = tpu.memref_slice %arg8[%dma_wait3A_112, %dma_wait3A_113, %dma_wait3A_114] : memref<2x4x128xi32, #tpu.memory_space<vmem>> -> memref<1x1x128xi32, #tpu.memory_space<vmem>>
        %dma_wait3A_116 = tpu.memref_squeeze %dma_wait3A_115 : memref<1x1x128xi32, #tpu.memory_space<vmem>> -> memref<128xi32, #tpu.memory_space<vmem>>
        %dma_wait3A_117 = arith.constant 0 : i32
        %dma_wait3A_118 = arith.constant 0 : i32
        %dma_wait3A_119 = tpu.memref_slice %arg13[%dma_wait3A_117, %dma_wait3A_118] : memref<10112x16xf32, #tpu.memory_space<vmem_shared>> -> memref<10112x16xf32, #tpu.memory_space<vmem_shared>>
        tpu.wait_indirect_dma semaphore(%arg18 : memref<!tpu.dma_semaphore, #tpu.memory_space<semaphore_mem>>) src(%arg9 : memref<128x16xf32, #tpu.memory_space<vmem>>) dst(%dma_wait3A_119 : memref<10112x16xf32, #tpu.memory_space<vmem_shared>>)
      } else {
      }
      %dma_start3A = arith.constant 0 : i32
      %dma_start3A_64 = arith.constant 0 : i32
      %dma_start3A_65 = tpu.memref_slice %arg8[%rem3A_52, %dma_start3A, %dma_start3A_64] : memref<2x4x128xi32, #tpu.memory_space<vmem>> -> memref<1x1x128xi32, #tpu.memory_space<vmem>>
      %dma_start3A_66 = tpu.memref_squeeze %dma_start3A_65 : memref<1x1x128xi32, #tpu.memory_space<vmem>> -> memref<128xi32, #tpu.memory_space<vmem>>
      %dma_start3A_67 = arith.constant 0 : i32
      %dma_start3A_68 = arith.constant 0 : i32
      %dma_start3A_69 = tpu.memref_slice %arg13[%dma_start3A_67, %dma_start3A_68] : memref<10112x16xf32, #tpu.memory_space<vmem_shared>> -> memref<10112x16xf32, #tpu.memory_space<vmem_shared>>
      tpu.enqueue_indirect_dma source(%arg9 : memref<128x16xf32, #tpu.memory_space<vmem>>) target(%dma_start3A_69 : memref<10112x16xf32, #tpu.memory_space<vmem_shared>>) offsets(%dma_start3A_66 : memref<128xi32, #tpu.memory_space<vmem>>) semaphore(%arg18 : memref<!tpu.dma_semaphore, #tpu.memory_space<semaphore_mem>>) {add = true}
      %gt3A_70 = arith.constant 0 : i32
      %gt3A_71 = arith.cmpi sgt, %while3A_51, %gt3A_70 : i32
      %convert_element_type3A_72 = arith.extui %gt3A_71 : i1 to i32
      %cond3A_73 = arith.constant 0 : i32
      %cond3A_74 = arith.cmpi ne, %convert_element_type3A_72, %cond3A_73 : i32
      scf.if %cond3A_74 {
        %dma_wait3A_112 = arith.constant 0 : i32
        %dma_wait3A_113 = arith.constant 1 : i32
        %dma_wait3A_114 = arith.constant 0 : i32
        %dma_wait3A_115 = tpu.memref_slice %arg8[%dma_wait3A_112, %dma_wait3A_113, %dma_wait3A_114] : memref<2x4x128xi32, #tpu.memory_space<vmem>> -> memref<1x1x128xi32, #tpu.memory_space<vmem>>
        %dma_wait3A_116 = tpu.memref_squeeze %dma_wait3A_115 : memref<1x1x128xi32, #tpu.memory_space<vmem>> -> memref<128xi32, #tpu.memory_space<vmem>>
        %dma_wait3A_117 = arith.constant 0 : i32
        %dma_wait3A_118 = arith.constant 0 : i32
        %dma_wait3A_119 = tpu.memref_slice %arg13[%dma_wait3A_117, %dma_wait3A_118] : memref<10112x16xf32, #tpu.memory_space<vmem_shared>> -> memref<10112x16xf32, #tpu.memory_space<vmem_shared>>
        tpu.wait_indirect_dma semaphore(%arg19 : memref<!tpu.dma_semaphore, #tpu.memory_space<semaphore_mem>>) src(%arg10 : memref<128x16xf32, #tpu.memory_space<vmem>>) dst(%dma_wait3A_119 : memref<10112x16xf32, #tpu.memory_space<vmem_shared>>)
      } else {
      }
      %dma_start3A_75 = arith.constant 1 : i32
      %dma_start3A_76 = arith.constant 0 : i32
      %dma_start3A_77 = tpu.memref_slice %arg8[%rem3A_52, %dma_start3A_75, %dma_start3A_76] : memref<2x4x128xi32, #tpu.memory_space<vmem>> -> memref<1x1x128xi32, #tpu.memory_space<vmem>>
      %dma_start3A_78 = tpu.memref_squeeze %dma_start3A_77 : memref<1x1x128xi32, #tpu.memory_space<vmem>> -> memref<128xi32, #tpu.memory_space<vmem>>
      %dma_start3A_79 = arith.constant 0 : i32
      %dma_start3A_80 = arith.constant 0 : i32
      %dma_start3A_81 = tpu.memref_slice %arg13[%dma_start3A_79, %dma_start3A_80] : memref<10112x16xf32, #tpu.memory_space<vmem_shared>> -> memref<10112x16xf32, #tpu.memory_space<vmem_shared>>
      tpu.enqueue_indirect_dma source(%arg10 : memref<128x16xf32, #tpu.memory_space<vmem>>) target(%dma_start3A_81 : memref<10112x16xf32, #tpu.memory_space<vmem_shared>>) offsets(%dma_start3A_78 : memref<128xi32, #tpu.memory_space<vmem>>) semaphore(%arg19 : memref<!tpu.dma_semaphore, #tpu.memory_space<semaphore_mem>>) {add = true}
      %gt3A_82 = arith.constant 0 : i32
      %gt3A_83 = arith.cmpi sgt, %while3A_51, %gt3A_82 : i32
      %convert_element_type3A_84 = arith.extui %gt3A_83 : i1 to i32
      %cond3A_85 = arith.constant 0 : i32
      %cond3A_86 = arith.cmpi ne, %convert_element_type3A_84, %cond3A_85 : i32
      scf.if %cond3A_86 {
        %dma_wait3A_112 = arith.constant 0 : i32
        %dma_wait3A_113 = arith.constant 2 : i32
        %dma_wait3A_114 = arith.constant 0 : i32
        %dma_wait3A_115 = tpu.memref_slice %arg8[%dma_wait3A_112, %dma_wait3A_113, %dma_wait3A_114] : memref<2x4x128xi32, #tpu.memory_space<vmem>> -> memref<1x1x128xi32, #tpu.memory_space<vmem>>
        %dma_wait3A_116 = tpu.memref_squeeze %dma_wait3A_115 : memref<1x1x128xi32, #tpu.memory_space<vmem>> -> memref<128xi32, #tpu.memory_space<vmem>>
        %dma_wait3A_117 = arith.constant 0 : i32
        %dma_wait3A_118 = arith.constant 0 : i32
        %dma_wait3A_119 = tpu.memref_slice %arg13[%dma_wait3A_117, %dma_wait3A_118] : memref<10112x16xf32, #tpu.memory_space<vmem_shared>> -> memref<10112x16xf32, #tpu.memory_space<vmem_shared>>
        tpu.wait_indirect_dma semaphore(%arg20 : memref<!tpu.dma_semaphore, #tpu.memory_space<semaphore_mem>>) src(%arg11 : memref<128x16xf32, #tpu.memory_space<vmem>>) dst(%dma_wait3A_119 : memref<10112x16xf32, #tpu.memory_space<vmem_shared>>)
      } else {
      }
      %dma_start3A_87 = arith.constant 2 : i32
      %dma_start3A_88 = arith.constant 0 : i32
      %dma_start3A_89 = tpu.memref_slice %arg8[%rem3A_52, %dma_start3A_87, %dma_start3A_88] : memref<2x4x128xi32, #tpu.memory_space<vmem>> -> memref<1x1x128xi32, #tpu.memory_space<vmem>>
      %dma_start3A_90 = tpu.memref_squeeze %dma_start3A_89 : memref<1x1x128xi32, #tpu.memory_space<vmem>> -> memref<128xi32, #tpu.memory_space<vmem>>
      %dma_start3A_91 = arith.constant 0 : i32
      %dma_start3A_92 = arith.constant 0 : i32
      %dma_start3A_93 = tpu.memref_slice %arg13[%dma_start3A_91, %dma_start3A_92] : memref<10112x16xf32, #tpu.memory_space<vmem_shared>> -> memref<10112x16xf32, #tpu.memory_space<vmem_shared>>
      tpu.enqueue_indirect_dma source(%arg11 : memref<128x16xf32, #tpu.memory_space<vmem>>) target(%dma_start3A_93 : memref<10112x16xf32, #tpu.memory_space<vmem_shared>>) offsets(%dma_start3A_90 : memref<128xi32, #tpu.memory_space<vmem>>) semaphore(%arg20 : memref<!tpu.dma_semaphore, #tpu.memory_space<semaphore_mem>>) {add = true}
      %gt3A_94 = arith.constant 0 : i32
      %gt3A_95 = arith.cmpi sgt, %while3A_51, %gt3A_94 : i32
      %convert_element_type3A_96 = arith.extui %gt3A_95 : i1 to i32
      %cond3A_97 = arith.constant 0 : i32
      %cond3A_98 = arith.cmpi ne, %convert_element_type3A_96, %cond3A_97 : i32
      scf.if %cond3A_98 {
        %dma_wait3A_112 = arith.constant 0 : i32
        %dma_wait3A_113 = arith.constant 3 : i32
        %dma_wait3A_114 = arith.constant 0 : i32
        %dma_wait3A_115 = tpu.memref_slice %arg8[%dma_wait3A_112, %dma_wait3A_113, %dma_wait3A_114] : memref<2x4x128xi32, #tpu.memory_space<vmem>> -> memref<1x1x128xi32, #tpu.memory_space<vmem>>
        %dma_wait3A_116 = tpu.memref_squeeze %dma_wait3A_115 : memref<1x1x128xi32, #tpu.memory_space<vmem>> -> memref<128xi32, #tpu.memory_space<vmem>>
        %dma_wait3A_117 = arith.constant 0 : i32
        %dma_wait3A_118 = arith.constant 0 : i32
        %dma_wait3A_119 = tpu.memref_slice %arg13[%dma_wait3A_117, %dma_wait3A_118] : memref<10112x16xf32, #tpu.memory_space<vmem_shared>> -> memref<10112x16xf32, #tpu.memory_space<vmem_shared>>
        tpu.wait_indirect_dma semaphore(%arg21 : memref<!tpu.dma_semaphore, #tpu.memory_space<semaphore_mem>>) src(%arg12 : memref<128x16xf32, #tpu.memory_space<vmem>>) dst(%dma_wait3A_119 : memref<10112x16xf32, #tpu.memory_space<vmem_shared>>)
      } else {
      }
      %dma_start3A_99 = arith.constant 3 : i32
      %dma_start3A_100 = arith.constant 0 : i32
      %dma_start3A_101 = tpu.memref_slice %arg8[%rem3A_52, %dma_start3A_99, %dma_start3A_100] : memref<2x4x128xi32, #tpu.memory_space<vmem>> -> memref<1x1x128xi32, #tpu.memory_space<vmem>>
      %dma_start3A_102 = tpu.memref_squeeze %dma_start3A_101 : memref<1x1x128xi32, #tpu.memory_space<vmem>> -> memref<128xi32, #tpu.memory_space<vmem>>
      %dma_start3A_103 = arith.constant 0 : i32
      %dma_start3A_104 = arith.constant 0 : i32
      %dma_start3A_105 = tpu.memref_slice %arg13[%dma_start3A_103, %dma_start3A_104] : memref<10112x16xf32, #tpu.memory_space<vmem_shared>> -> memref<10112x16xf32, #tpu.memory_space<vmem_shared>>
      tpu.enqueue_indirect_dma source(%arg12 : memref<128x16xf32, #tpu.memory_space<vmem>>) target(%dma_start3A_105 : memref<10112x16xf32, #tpu.memory_space<vmem_shared>>) offsets(%dma_start3A_102 : memref<128xi32, #tpu.memory_space<vmem>>) semaphore(%arg21 : memref<!tpu.dma_semaphore, #tpu.memory_space<semaphore_mem>>) {add = true}
      %add3A_106 = arith.constant 1 : i32
      %add3A_107 = arith.addi %while3A_51, %add3A_106 : i32
      %lt3A_108 = arith.cmpi slt, %add3A_107, %select_n3A_9 : i32
      %convert_element_type3A_109 = arith.extui %lt3A_108 : i1 to i32
      %cond3A_110 = arith.constant 0 : i32
      %cond3A_111 = arith.cmpi ne, %convert_element_type3A_109, %cond3A_110 : i32
      scf.if %cond3A_111 {
        %dma_wait3A_112 = arith.constant 0 : i32
        %dma_wait3A_113 = arith.constant 0 : i32
        %dma_wait3A_114 = arith.constant 0 : i32
        %dma_wait3A_115 = tpu.memref_slice %arg8[%dma_wait3A_112, %dma_wait3A_113, %dma_wait3A_114] : memref<2x4x128xi32, #tpu.memory_space<vmem>> -> memref<1x4x128xi32, #tpu.memory_space<vmem>>
        %dma_wait3A_116 = tpu.memref_squeeze %dma_wait3A_115 : memref<1x4x128xi32, #tpu.memory_space<vmem>> -> memref<4x128xi32, #tpu.memory_space<vmem>>
        %dma_wait3A_117 = arith.constant 0 : i32
        %dma_wait3A_118 = arith.constant 0 : i32
        %dma_wait3A_119 = tpu.memref_slice %arg5[%dma_wait3A_117, %dma_wait3A_118] : memref<2560x128xi32, #tpu.memory_space<hbm>> -> memref<4x128xi32, #tpu.memory_space<hbm>>
        %dma_wait3A_120 = arith.constant 0 : i32
        %dma_wait3A_121 = arith.constant 0 : i32
        %dma_wait3A_122 = tpu.memref_slice %arg8[%dma_wait3A_112, %dma_wait3A_120, %dma_wait3A_121] : memref<2x4x128xi32, #tpu.memory_space<vmem>> -> memref<1x4x128xi32, #tpu.memory_space<vmem>>
        %dma_wait3A_123 = tpu.memref_squeeze %dma_wait3A_122 : memref<1x4x128xi32, #tpu.memory_space<vmem>> -> memref<4x128xi32, #tpu.memory_space<vmem>>
        %dma_wait3A_124 = arith.constant 0 : i32
        %dma_wait3A_125 = arith.constant 0 : i32
        %dma_wait3A_126 = tpu.memref_slice %arg5[%dma_wait3A_124, %dma_wait3A_125] : memref<2560x128xi32, #tpu.memory_space<hbm>> -> memref<4x128xi32, #tpu.memory_space<hbm>>
        tpu.wait_dma2 semaphore(%arg22 : memref<!tpu.dma_semaphore, #tpu.memory_space<semaphore_mem>>) src(%dma_wait3A_126 : memref<4x128xi32, #tpu.memory_space<hbm>>) dst(%dma_wait3A_123 : memref<4x128xi32, #tpu.memory_space<vmem>>)
      } else {
      }
    }
    %while3A_18 = arith.constant 1 : i32
    scf.for %while3A_51 = %while3A_16 to %while3A_12 step %while3A_18  : i32 {
      %rem3A = arith.constant 2 : i32
      %rem3A_52 = arith.remsi %while3A_51, %rem3A : i32
      %add3A_53 = arith.constant 1 : i32
      %add3A_54 = arith.addi %while3A_51, %add3A_53 : i32
      %rem3A_55 = arith.constant 2 : i32
      %rem3A_56 = arith.remsi %add3A_54, %rem3A_55 : i32
      %add3A_57 = arith.constant 1 : i32
      %add3A_58 = arith.addi %while3A_51, %add3A_57 : i32
      %lt3A = arith.cmpi slt, %add3A_58, %select_n3A_9 : i32
      %convert_element_type3A = arith.extui %lt3A : i1 to i32
      %cond3A = arith.constant 0 : i32
      %cond3A_59 = arith.cmpi ne, %convert_element_type3A, %cond3A : i32
      scf.if %cond3A_59 {
        %add3A_112 = arith.constant 1 : i32
        %add3A_113 = arith.addi %while3A_51, %add3A_112 : i32
        %mul3A_114 = arith.constant 4 : i32
        %mul3A_115 = arith.muli %add3A_113, %mul3A_114 : i32
        %add3A_116 = arith.addi %add3A, %mul3A_115 : i32
        %dma_start3A_117 = arith.constant 0 : i32
        %dma_start3A_118 = arith.constant 0 : i32
        %dma_start3A_119 = tpu.memref_slice %arg8[%rem3A_56, %dma_start3A_117, %dma_start3A_118] : memref<2x4x128xi32, #tpu.memory_space<vmem>> -> memref<1x4x128xi32, #tpu.memory_space<vmem>>
        %dma_start3A_120 = tpu.memref_squeeze %dma_start3A_119 : memref<1x4x128xi32, #tpu.memory_space<vmem>> -> memref<4x128xi32, #tpu.memory_space<vmem>>
        %dma_start3A_121 = arith.constant 0 : i32
        %dma_start3A_122 = tpu.memref_slice %arg5[%add3A_116, %dma_start3A_121] : memref<2560x128xi32, #tpu.memory_space<hbm>> -> memref<4x128xi32, #tpu.memory_space<hbm>>
        %dma_start3A_123 = arith.constant 0 : i32
        %dma_start3A_124 = arith.constant 0 : i32
        %dma_start3A_125 = tpu.memref_slice %arg8[%rem3A_56, %dma_start3A_123, %dma_start3A_124] : memref<2x4x128xi32, #tpu.memory_space<vmem>> -> memref<1x4x128xi32, #tpu.memory_space<vmem>>
        %dma_start3A_126 = tpu.memref_squeeze %dma_start3A_125 : memref<1x4x128xi32, #tpu.memory_space<vmem>> -> memref<4x128xi32, #tpu.memory_space<vmem>>
        %dma_start3A_127 = arith.constant 0 : i32
        %dma_start3A_128 = tpu.memref_slice %arg5[%add3A_116, %dma_start3A_127] : memref<2560x128xi32, #tpu.memory_space<hbm>> -> memref<4x128xi32, #tpu.memory_space<hbm>>
        tpu.enqueue_dma source(%dma_start3A_128 : memref<4x128xi32, #tpu.memory_space<hbm>>) target(%dma_start3A_126 : memref<4x128xi32, #tpu.memory_space<vmem>>) target_semaphore(%arg22 : memref<!tpu.dma_semaphore, #tpu.memory_space<semaphore_mem>>)
      } else {
      }
      %gt3A = arith.constant 0 : i32
      %gt3A_60 = arith.cmpi sgt, %while3A_51, %gt3A : i32
      %convert_element_type3A_61 = arith.extui %gt3A_60 : i1 to i32
      %cond3A_62 = arith.constant 0 : i32
      %cond3A_63 = arith.cmpi ne, %convert_element_type3A_61, %cond3A_62 : i32
      scf.if %cond3A_63 {
        %dma_wait3A_112 = arith.constant 0 : i32
        %dma_wait3A_113 = arith.constant 0 : i32
        %dma_wait3A_114 = arith.constant 0 : i32
        %dma_wait3A_115 = tpu.memref_slice %arg8[%dma_wait3A_112, %dma_wait3A_113, %dma_wait3A_114] : memref<2x4x128xi32, #tpu.memory_space<vmem>> -> memref<1x1x128xi32, #tpu.memory_space<vmem>>
        %dma_wait3A_116 = tpu.memref_squeeze %dma_wait3A_115 : memref<1x1x128xi32, #tpu.memory_space<vmem>> -> memref<128xi32, #tpu.memory_space<vmem>>
        %dma_wait3A_117 = arith.constant 0 : i32
        %dma_wait3A_118 = arith.constant 0 : i32
        %dma_wait3A_119 = tpu.memref_slice %arg13[%dma_wait3A_117, %dma_wait3A_118] : memref<10112x16xf32, #tpu.memory_space<vmem_shared>> -> memref<10112x16xf32, #tpu.memory_space<vmem_shared>>
        tpu.wait_indirect_dma semaphore(%arg18 : memref<!tpu.dma_semaphore, #tpu.memory_space<semaphore_mem>>) src(%arg9 : memref<128x16xf32, #tpu.memory_space<vmem>>) dst(%dma_wait3A_119 : memref<10112x16xf32, #tpu.memory_space<vmem_shared>>)
      } else {
      }
      %dma_start3A = arith.constant 0 : i32
      %dma_start3A_64 = arith.constant 0 : i32
      %dma_start3A_65 = tpu.memref_slice %arg8[%rem3A_52, %dma_start3A, %dma_start3A_64] : memref<2x4x128xi32, #tpu.memory_space<vmem>> -> memref<1x1x128xi32, #tpu.memory_space<vmem>>
      %dma_start3A_66 = tpu.memref_squeeze %dma_start3A_65 : memref<1x1x128xi32, #tpu.memory_space<vmem>> -> memref<128xi32, #tpu.memory_space<vmem>>
      %dma_start3A_67 = arith.constant 0 : i32
      %dma_start3A_68 = arith.constant 0 : i32
      %dma_start3A_69 = tpu.memref_slice %arg13[%dma_start3A_67, %dma_start3A_68] : memref<10112x16xf32, #tpu.memory_space<vmem_shared>> -> memref<10112x16xf32, #tpu.memory_space<vmem_shared>>
      tpu.enqueue_indirect_dma source(%arg9 : memref<128x16xf32, #tpu.memory_space<vmem>>) target(%dma_start3A_69 : memref<10112x16xf32, #tpu.memory_space<vmem_shared>>) offsets(%dma_start3A_66 : memref<128xi32, #tpu.memory_space<vmem>>) semaphore(%arg18 : memref<!tpu.dma_semaphore, #tpu.memory_space<semaphore_mem>>) {add = true}
      %gt3A_70 = arith.constant 0 : i32
      %gt3A_71 = arith.cmpi sgt, %while3A_51, %gt3A_70 : i32
      %convert_element_type3A_72 = arith.extui %gt3A_71 : i1 to i32
      %cond3A_73 = arith.constant 0 : i32
      %cond3A_74 = arith.cmpi ne, %convert_element_type3A_72, %cond3A_73 : i32
      scf.if %cond3A_74 {
        %dma_wait3A_112 = arith.constant 0 : i32
        %dma_wait3A_113 = arith.constant 1 : i32
        %dma_wait3A_114 = arith.constant 0 : i32
        %dma_wait3A_115 = tpu.memref_slice %arg8[%dma_wait3A_112, %dma_wait3A_113, %dma_wait3A_114] : memref<2x4x128xi32, #tpu.memory_space<vmem>> -> memref<1x1x128xi32, #tpu.memory_space<vmem>>
        %dma_wait3A_116 = tpu.memref_squeeze %dma_wait3A_115 : memref<1x1x128xi32, #tpu.memory_space<vmem>> -> memref<128xi32, #tpu.memory_space<vmem>>
        %dma_wait3A_117 = arith.constant 0 : i32
        %dma_wait3A_118 = arith.constant 0 : i32
        %dma_wait3A_119 = tpu.memref_slice %arg13[%dma_wait3A_117, %dma_wait3A_118] : memref<10112x16xf32, #tpu.memory_space<vmem_shared>> -> memref<10112x16xf32, #tpu.memory_space<vmem_shared>>
        tpu.wait_indirect_dma semaphore(%arg19 : memref<!tpu.dma_semaphore, #tpu.memory_space<semaphore_mem>>) src(%arg10 : memref<128x16xf32, #tpu.memory_space<vmem>>) dst(%dma_wait3A_119 : memref<10112x16xf32, #tpu.memory_space<vmem_shared>>)
      } else {
      }
      %dma_start3A_75 = arith.constant 1 : i32
      %dma_start3A_76 = arith.constant 0 : i32
      %dma_start3A_77 = tpu.memref_slice %arg8[%rem3A_52, %dma_start3A_75, %dma_start3A_76] : memref<2x4x128xi32, #tpu.memory_space<vmem>> -> memref<1x1x128xi32, #tpu.memory_space<vmem>>
      %dma_start3A_78 = tpu.memref_squeeze %dma_start3A_77 : memref<1x1x128xi32, #tpu.memory_space<vmem>> -> memref<128xi32, #tpu.memory_space<vmem>>
      %dma_start3A_79 = arith.constant 0 : i32
      %dma_start3A_80 = arith.constant 0 : i32
      %dma_start3A_81 = tpu.memref_slice %arg13[%dma_start3A_79, %dma_start3A_80] : memref<10112x16xf32, #tpu.memory_space<vmem_shared>> -> memref<10112x16xf32, #tpu.memory_space<vmem_shared>>
      tpu.enqueue_indirect_dma source(%arg10 : memref<128x16xf32, #tpu.memory_space<vmem>>) target(%dma_start3A_81 : memref<10112x16xf32, #tpu.memory_space<vmem_shared>>) offsets(%dma_start3A_78 : memref<128xi32, #tpu.memory_space<vmem>>) semaphore(%arg19 : memref<!tpu.dma_semaphore, #tpu.memory_space<semaphore_mem>>) {add = true}
      %gt3A_82 = arith.constant 0 : i32
      %gt3A_83 = arith.cmpi sgt, %while3A_51, %gt3A_82 : i32
      %convert_element_type3A_84 = arith.extui %gt3A_83 : i1 to i32
      %cond3A_85 = arith.constant 0 : i32
      %cond3A_86 = arith.cmpi ne, %convert_element_type3A_84, %cond3A_85 : i32
      scf.if %cond3A_86 {
        %dma_wait3A_112 = arith.constant 0 : i32
        %dma_wait3A_113 = arith.constant 2 : i32
        %dma_wait3A_114 = arith.constant 0 : i32
        %dma_wait3A_115 = tpu.memref_slice %arg8[%dma_wait3A_112, %dma_wait3A_113, %dma_wait3A_114] : memref<2x4x128xi32, #tpu.memory_space<vmem>> -> memref<1x1x128xi32, #tpu.memory_space<vmem>>
        %dma_wait3A_116 = tpu.memref_squeeze %dma_wait3A_115 : memref<1x1x128xi32, #tpu.memory_space<vmem>> -> memref<128xi32, #tpu.memory_space<vmem>>
        %dma_wait3A_117 = arith.constant 0 : i32
        %dma_wait3A_118 = arith.constant 0 : i32
        %dma_wait3A_119 = tpu.memref_slice %arg13[%dma_wait3A_117, %dma_wait3A_118] : memref<10112x16xf32, #tpu.memory_space<vmem_shared>> -> memref<10112x16xf32, #tpu.memory_space<vmem_shared>>
        tpu.wait_indirect_dma semaphore(%arg20 : memref<!tpu.dma_semaphore, #tpu.memory_space<semaphore_mem>>) src(%arg11 : memref<128x16xf32, #tpu.memory_space<vmem>>) dst(%dma_wait3A_119 : memref<10112x16xf32, #tpu.memory_space<vmem_shared>>)
      } else {
      }
      %dma_start3A_87 = arith.constant 2 : i32
      %dma_start3A_88 = arith.constant 0 : i32
      %dma_start3A_89 = tpu.memref_slice %arg8[%rem3A_52, %dma_start3A_87, %dma_start3A_88] : memref<2x4x128xi32, #tpu.memory_space<vmem>> -> memref<1x1x128xi32, #tpu.memory_space<vmem>>
      %dma_start3A_90 = tpu.memref_squeeze %dma_start3A_89 : memref<1x1x128xi32, #tpu.memory_space<vmem>> -> memref<128xi32, #tpu.memory_space<vmem>>
      %dma_start3A_91 = arith.constant 0 : i32
      %dma_start3A_92 = arith.constant 0 : i32
      %dma_start3A_93 = tpu.memref_slice %arg13[%dma_start3A_91, %dma_start3A_92] : memref<10112x16xf32, #tpu.memory_space<vmem_shared>> -> memref<10112x16xf32, #tpu.memory_space<vmem_shared>>
      tpu.enqueue_indirect_dma source(%arg11 : memref<128x16xf32, #tpu.memory_space<vmem>>) target(%dma_start3A_93 : memref<10112x16xf32, #tpu.memory_space<vmem_shared>>) offsets(%dma_start3A_90 : memref<128xi32, #tpu.memory_space<vmem>>) semaphore(%arg20 : memref<!tpu.dma_semaphore, #tpu.memory_space<semaphore_mem>>) {add = true}
      %gt3A_94 = arith.constant 0 : i32
      %gt3A_95 = arith.cmpi sgt, %while3A_51, %gt3A_94 : i32
      %convert_element_type3A_96 = arith.extui %gt3A_95 : i1 to i32
      %cond3A_97 = arith.constant 0 : i32
      %cond3A_98 = arith.cmpi ne, %convert_element_type3A_96, %cond3A_97 : i32
      scf.if %cond3A_98 {
        %dma_wait3A_112 = arith.constant 0 : i32
        %dma_wait3A_113 = arith.constant 3 : i32
        %dma_wait3A_114 = arith.constant 0 : i32
        %dma_wait3A_115 = tpu.memref_slice %arg8[%dma_wait3A_112, %dma_wait3A_113, %dma_wait3A_114] : memref<2x4x128xi32, #tpu.memory_space<vmem>> -> memref<1x1x128xi32, #tpu.memory_space<vmem>>
        %dma_wait3A_116 = tpu.memref_squeeze %dma_wait3A_115 : memref<1x1x128xi32, #tpu.memory_space<vmem>> -> memref<128xi32, #tpu.memory_space<vmem>>
        %dma_wait3A_117 = arith.constant 0 : i32
        %dma_wait3A_118 = arith.constant 0 : i32
        %dma_wait3A_119 = tpu.memref_slice %arg13[%dma_wait3A_117, %dma_wait3A_118] : memref<10112x16xf32, #tpu.memory_space<vmem_shared>> -> memref<10112x16xf32, #tpu.memory_space<vmem_shared>>
        tpu.wait_indirect_dma semaphore(%arg21 : memref<!tpu.dma_semaphore, #tpu.memory_space<semaphore_mem>>) src(%arg12 : memref<128x16xf32, #tpu.memory_space<vmem>>) dst(%dma_wait3A_119 : memref<10112x16xf32, #tpu.memory_space<vmem_shared>>)
      } else {
      }
      %dma_start3A_99 = arith.constant 3 : i32
      %dma_start3A_100 = arith.constant 0 : i32
      %dma_start3A_101 = tpu.memref_slice %arg8[%rem3A_52, %dma_start3A_99, %dma_start3A_100] : memref<2x4x128xi32, #tpu.memory_space<vmem>> -> memref<1x1x128xi32, #tpu.memory_space<vmem>>
      %dma_start3A_102 = tpu.memref_squeeze %dma_start3A_101 : memref<1x1x128xi32, #tpu.memory_space<vmem>> -> memref<128xi32, #tpu.memory_space<vmem>>
      %dma_start3A_103 = arith.constant 0 : i32
      %dma_start3A_104 = arith.constant 0 : i32
      %dma_start3A_105 = tpu.memref_slice %arg13[%dma_start3A_103, %dma_start3A_104] : memref<10112x16xf32, #tpu.memory_space<vmem_shared>> -> memref<10112x16xf32, #tpu.memory_space<vmem_shared>>
      tpu.enqueue_indirect_dma source(%arg12 : memref<128x16xf32, #tpu.memory_space<vmem>>) target(%dma_start3A_105 : memref<10112x16xf32, #tpu.memory_space<vmem_shared>>) offsets(%dma_start3A_102 : memref<128xi32, #tpu.memory_space<vmem>>) semaphore(%arg21 : memref<!tpu.dma_semaphore, #tpu.memory_space<semaphore_mem>>) {add = true}
      %add3A_106 = arith.constant 1 : i32
      %add3A_107 = arith.addi %while3A_51, %add3A_106 : i32
      %lt3A_108 = arith.cmpi slt, %add3A_107, %select_n3A_9 : i32
      %convert_element_type3A_109 = arith.extui %lt3A_108 : i1 to i32
      %cond3A_110 = arith.constant 0 : i32
      %cond3A_111 = arith.cmpi ne, %convert_element_type3A_109, %cond3A_110 : i32
      scf.if %cond3A_111 {
        %dma_wait3A_112 = arith.constant 0 : i32
        %dma_wait3A_113 = arith.constant 0 : i32
        %dma_wait3A_114 = arith.constant 0 : i32
        %dma_wait3A_115 = tpu.memref_slice %arg8[%dma_wait3A_112, %dma_wait3A_113, %dma_wait3A_114] : memref<2x4x128xi32, #tpu.memory_space<vmem>> -> memref<1x4x128xi32, #tpu.memory_space<vmem>>
        %dma_wait3A_116 = tpu.memref_squeeze %dma_wait3A_115 : memref<1x4x128xi32, #tpu.memory_space<vmem>> -> memref<4x128xi32, #tpu.memory_space<vmem>>
        %dma_wait3A_117 = arith.constant 0 : i32
        %dma_wait3A_118 = arith.constant 0 : i32
        %dma_wait3A_119 = tpu.memref_slice %arg5[%dma_wait3A_117, %dma_wait3A_118] : memref<2560x128xi32, #tpu.memory_space<hbm>> -> memref<4x128xi32, #tpu.memory_space<hbm>>
        %dma_wait3A_120 = arith.constant 0 : i32
        %dma_wait3A_121 = arith.constant 0 : i32
        %dma_wait3A_122 = tpu.memref_slice %arg8[%dma_wait3A_112, %dma_wait3A_120, %dma_wait3A_121] : memref<2x4x128xi32, #tpu.memory_space<vmem>> -> memref<1x4x128xi32, #tpu.memory_space<vmem>>
        %dma_wait3A_123 = tpu.memref_squeeze %dma_wait3A_122 : memref<1x4x128xi32, #tpu.memory_space<vmem>> -> memref<4x128xi32, #tpu.memory_space<vmem>>
        %dma_wait3A_124 = arith.constant 0 : i32
        %dma_wait3A_125 = arith.constant 0 : i32
        %dma_wait3A_126 = tpu.memref_slice %arg5[%dma_wait3A_124, %dma_wait3A_125] : memref<2560x128xi32, #tpu.memory_space<hbm>> -> memref<4x128xi32, #tpu.memory_space<hbm>>
        tpu.wait_dma2 semaphore(%arg22 : memref<!tpu.dma_semaphore, #tpu.memory_space<semaphore_mem>>) src(%dma_wait3A_126 : memref<4x128xi32, #tpu.memory_space<hbm>>) dst(%dma_wait3A_123 : memref<4x128xi32, #tpu.memory_space<vmem>>)
      } else {
      }
    }
    %dma_wait3A = arith.constant 0 : i32
    %dma_wait3A_19 = arith.constant 0 : i32
    %dma_wait3A_20 = arith.constant 0 : i32
    %dma_wait3A_21 = tpu.memref_slice %arg8[%dma_wait3A, %dma_wait3A_19, %dma_wait3A_20] : memref<2x4x128xi32, #tpu.memory_space<vmem>> -> memref<1x1x128xi32, #tpu.memory_space<vmem>>
    %dma_wait3A_22 = tpu.memref_squeeze %dma_wait3A_21 : memref<1x1x128xi32, #tpu.memory_space<vmem>> -> memref<128xi32, #tpu.memory_space<vmem>>
    %dma_wait3A_23 = arith.constant 0 : i32
    %dma_wait3A_24 = arith.constant 0 : i32
    %dma_wait3A_25 = tpu.memref_slice %arg13[%dma_wait3A_23, %dma_wait3A_24] : memref<10112x16xf32, #tpu.memory_space<vmem_shared>> -> memref<10112x16xf32, #tpu.memory_space<vmem_shared>>
    tpu.wait_indirect_dma semaphore(%arg18 : memref<!tpu.dma_semaphore, #tpu.memory_space<semaphore_mem>>) src(%arg9 : memref<128x16xf32, #tpu.memory_space<vmem>>) dst(%dma_wait3A_25 : memref<10112x16xf32, #tpu.memory_space<vmem_shared>>)
    %dma_wait3A_26 = arith.constant 0 : i32
    %dma_wait3A_27 = arith.constant 1 : i32
    %dma_wait3A_28 = arith.constant 0 : i32
    %dma_wait3A_29 = tpu.memref_slice %arg8[%dma_wait3A_26, %dma_wait3A_27, %dma_wait3A_28] : memref<2x4x128xi32, #tpu.memory_space<vmem>> -> memref<1x1x128xi32, #tpu.memory_space<vmem>>
    %dma_wait3A_30 = tpu.memref_squeeze %dma_wait3A_29 : memref<1x1x128xi32, #tpu.memory_space<vmem>> -> memref<128xi32, #tpu.memory_space<vmem>>
    %dma_wait3A_31 = arith.constant 0 : i32
    %dma_wait3A_32 = arith.constant 0 : i32
    %dma_wait3A_33 = tpu.memref_slice %arg13[%dma_wait3A_31, %dma_wait3A_32] : memref<10112x16xf32, #tpu.memory_space<vmem_shared>> -> memref<10112x16xf32, #tpu.memory_space<vmem_shared>>
    tpu.wait_indirect_dma semaphore(%arg19 : memref<!tpu.dma_semaphore, #tpu.memory_space<semaphore_mem>>) src(%arg10 : memref<128x16xf32, #tpu.memory_space<vmem>>) dst(%dma_wait3A_33 : memref<10112x16xf32, #tpu.memory_space<vmem_shared>>)
    %dma_wait3A_34 = arith.constant 0 : i32
    %dma_wait3A_35 = arith.constant 2 : i32
    %dma_wait3A_36 = arith.constant 0 : i32
    %dma_wait3A_37 = tpu.memref_slice %arg8[%dma_wait3A_34, %dma_wait3A_35, %dma_wait3A_36] : memref<2x4x128xi32, #tpu.memory_space<vmem>> -> memref<1x1x128xi32, #tpu.memory_space<vmem>>
    %dma_wait3A_38 = tpu.memref_squeeze %dma_wait3A_37 : memref<1x1x128xi32, #tpu.memory_space<vmem>> -> memref<128xi32, #tpu.memory_space<vmem>>
    %dma_wait3A_39 = arith.constant 0 : i32
    %dma_wait3A_40 = arith.constant 0 : i32
    %dma_wait3A_41 = tpu.memref_slice %arg13[%dma_wait3A_39, %dma_wait3A_40] : memref<10112x16xf32, #tpu.memory_space<vmem_shared>> -> memref<10112x16xf32, #tpu.memory_space<vmem_shared>>
    tpu.wait_indirect_dma semaphore(%arg20 : memref<!tpu.dma_semaphore, #tpu.memory_space<semaphore_mem>>) src(%arg11 : memref<128x16xf32, #tpu.memory_space<vmem>>) dst(%dma_wait3A_41 : memref<10112x16xf32, #tpu.memory_space<vmem_shared>>)
    %dma_wait3A_42 = arith.constant 0 : i32
    %dma_wait3A_43 = arith.constant 3 : i32
    %dma_wait3A_44 = arith.constant 0 : i32
    %dma_wait3A_45 = tpu.memref_slice %arg8[%dma_wait3A_42, %dma_wait3A_43, %dma_wait3A_44] : memref<2x4x128xi32, #tpu.memory_space<vmem>> -> memref<1x1x128xi32, #tpu.memory_space<vmem>>
    %dma_wait3A_46 = tpu.memref_squeeze %dma_wait3A_45 : memref<1x1x128xi32, #tpu.memory_space<vmem>> -> memref<128xi32, #tpu.memory_space<vmem>>
    %dma_wait3A_47 = arith.constant 0 : i32
    %dma_wait3A_48 = arith.constant 0 : i32
    %dma_wait3A_49 = tpu.memref_slice %arg13[%dma_wait3A_47, %dma_wait3A_48] : memref<10112x16xf32, #tpu.memory_space<vmem_shared>> -> memref<10112x16xf32, #tpu.memory_space<vmem_shared>>
    tpu.wait_indirect_dma semaphore(%arg21 : memref<!tpu.dma_semaphore, #tpu.memory_space<semaphore_mem>>) src(%arg12 : memref<128x16xf32, #tpu.memory_space<vmem>>) dst(%dma_wait3A_49 : memref<10112x16xf32, #tpu.memory_space<vmem_shared>>)
    %barrier3A_50 = arith.constant 0 : index
    tpu.barrier barrier_id(%barrier3A_50)
    "tpu.region"() ({
      %run_scoped3A_51 = tpu.sem_alloc : memref<!tpu.dma_semaphore, #tpu.memory_space<semaphore_mem>>
      %dma_start3A = arith.constant 0 : i32
      %dma_start3A_52 = tpu.memref_slice %arg6[%arg0, %mul3A_0, %dma_start3A] : memref<2x10112x16xf32, #tpu.memory_space<hbm>> -> memref<1x632x16xf32, #tpu.memory_space<hbm>>
      %dma_start3A_53 = tpu.memref_squeeze %dma_start3A_52 : memref<1x632x16xf32, #tpu.memory_space<hbm>> -> memref<632x16xf32, #tpu.memory_space<hbm>>
      %dma_start3A_54 = arith.constant 0 : i32
      %dma_start3A_55 = tpu.memref_slice %arg13[%mul3A_0, %dma_start3A_54] : memref<10112x16xf32, #tpu.memory_space<vmem_shared>> -> memref<632x16xf32, #tpu.memory_space<vmem_shared>>
      tpu.enqueue_dma source(%dma_start3A_55 : memref<632x16xf32, #tpu.memory_space<vmem_shared>>) target(%dma_start3A_53 : memref<632x16xf32, #tpu.memory_space<hbm>>) target_semaphore(%run_scoped3A_51 : memref<!tpu.dma_semaphore, #tpu.memory_space<semaphore_mem>>)
      %dma_wait3A_56 = arith.constant 0 : i32
      %dma_wait3A_57 = tpu.memref_slice %arg6[%arg0, %mul3A_0, %dma_wait3A_56] : memref<2x10112x16xf32, #tpu.memory_space<hbm>> -> memref<1x632x16xf32, #tpu.memory_space<hbm>>
      %dma_wait3A_58 = tpu.memref_squeeze %dma_wait3A_57 : memref<1x632x16xf32, #tpu.memory_space<hbm>> -> memref<632x16xf32, #tpu.memory_space<hbm>>
      %dma_wait3A_59 = arith.constant 0 : i32
      %dma_wait3A_60 = tpu.memref_slice %arg13[%mul3A_0, %dma_wait3A_59] : memref<10112x16xf32, #tpu.memory_space<vmem_shared>> -> memref<632x16xf32, #tpu.memory_space<vmem_shared>>
      tpu.wait_dma2 semaphore(%run_scoped3A_51 : memref<!tpu.dma_semaphore, #tpu.memory_space<semaphore_mem>>) src(%dma_wait3A_60 : memref<632x16xf32, #tpu.memory_space<vmem_shared>>) dst(%dma_wait3A_58 : memref<632x16xf32, #tpu.memory_space<hbm>>)
      tpu.yield
    }) : () -> ()
    return
  }
}

#map = affine_map<(d0, d1) -> (0, 0)>
#map1 = affine_map<(d0, d1) -> (0, 0, 0)>
module attributes {stable_mosaic.version = 14 : i64} {
  func.func @sc_pass(%arg0: i32, %arg1: i32, %arg2: memref<10112x128xbf16, #tpu.memory_space<hbm>>, %arg3: memref<10112x128xbf16, #tpu.memory_space<hbm>>, %arg4: memref<2560x128xi32, #tpu.memory_space<hbm>>, %arg5: memref<2560x128xi32, #tpu.memory_space<hbm>>, %arg6: memref<2x10112x128xbf16, #tpu.memory_space<hbm>>, %arg7: memref<2x4x128xi32, #tpu.memory_space<vmem>>, %arg8: memref<2x4x128xi32, #tpu.memory_space<vmem>>, %arg9: memref<128x128xbf16, #tpu.memory_space<vmem>>, %arg10: memref<128x128xbf16, #tpu.memory_space<vmem>>, %arg11: memref<128x128xbf16, #tpu.memory_space<vmem>>, %arg12: memref<128x128xbf16, #tpu.memory_space<vmem>>, %arg13: memref<10112x128xbf16, #tpu.memory_space<vmem_shared>>, %arg14: memref<!tpu.dma_semaphore, #tpu.memory_space<semaphore_mem>>, %arg15: memref<!tpu.dma_semaphore, #tpu.memory_space<semaphore_mem>>, %arg16: memref<!tpu.dma_semaphore, #tpu.memory_space<semaphore_mem>>, %arg17: memref<!tpu.dma_semaphore, #tpu.memory_space<semaphore_mem>>, %arg18: memref<!tpu.dma_semaphore, #tpu.memory_space<semaphore_mem>>, %arg19: memref<!tpu.dma_semaphore, #tpu.memory_space<semaphore_mem>>, %arg20: memref<!tpu.dma_semaphore, #tpu.memory_space<semaphore_mem>>, %arg21: memref<!tpu.dma_semaphore, #tpu.memory_space<semaphore_mem>>, %arg22: memref<!tpu.dma_semaphore, #tpu.memory_space<semaphore_mem>>) attributes {dimension_semantics = [#tpu.dimension_semantics<core_parallel>, #tpu.dimension_semantics<subcore_parallel>], iteration_bounds = array<i64: 2, 16>, scalar_prefetch = 0 : i64, scratch_operands = 16 : i64, tpu.core_type = #tpu.core_type<sc_vector_subcore>, window_params = [{transform_indices = #map}, {transform_indices = #map}, {transform_indices = #map}, {transform_indices = #map}, {transform_indices = #map1}]} {
    %mul3A = arith.constant 632 : i32
    %mul3A_0 = arith.muli %arg1, %mul3A : i32
    "tpu.region"() ({
      %run_scoped3A_52 = tpu.sem_alloc : memref<!tpu.dma_semaphore, #tpu.memory_space<semaphore_mem>>
      %dma_start3A = arith.constant 0 : i32
      %dma_start3A_53 = tpu.memref_slice %arg13[%mul3A_0, %dma_start3A] : memref<10112x128xbf16, #tpu.memory_space<vmem_shared>> -> memref<632x128xbf16, #tpu.memory_space<vmem_shared>>
      %dma_start3A_54 = arith.constant 0 : i32
      %dma_start3A_55 = tpu.memref_slice %arg2[%mul3A_0, %dma_start3A_54] : memref<10112x128xbf16, #tpu.memory_space<hbm>> -> memref<632x128xbf16, #tpu.memory_space<hbm>>
      tpu.enqueue_dma source(%dma_start3A_55 : memref<632x128xbf16, #tpu.memory_space<hbm>>) target(%dma_start3A_53 : memref<632x128xbf16, #tpu.memory_space<vmem_shared>>) target_semaphore(%run_scoped3A_52 : memref<!tpu.dma_semaphore, #tpu.memory_space<semaphore_mem>>)
      %dma_wait3A_56 = arith.constant 0 : i32
      %dma_wait3A_57 = tpu.memref_slice %arg13[%mul3A_0, %dma_wait3A_56] : memref<10112x128xbf16, #tpu.memory_space<vmem_shared>> -> memref<632x128xbf16, #tpu.memory_space<vmem_shared>>
      %dma_wait3A_58 = arith.constant 0 : i32
      %dma_wait3A_59 = tpu.memref_slice %arg2[%mul3A_0, %dma_wait3A_58] : memref<10112x128xbf16, #tpu.memory_space<hbm>> -> memref<632x128xbf16, #tpu.memory_space<hbm>>
      tpu.wait_dma2 semaphore(%run_scoped3A_52 : memref<!tpu.dma_semaphore, #tpu.memory_space<semaphore_mem>>) src(%dma_wait3A_59 : memref<632x128xbf16, #tpu.memory_space<hbm>>) dst(%dma_wait3A_57 : memref<632x128xbf16, #tpu.memory_space<vmem_shared>>)
      tpu.yield
    }) : () -> ()
    %mul3A_1 = arith.constant 160 : i32
    %mul3A_2 = arith.muli %arg1, %mul3A_1 : i32
    %eq3A = arith.constant 0 : i32
    %eq3A_3 = arith.cmpi eq, %arg0, %eq3A : i32
    %jit3A = arith.constant 0 : i32
    %jit3A_4 = arith.constant 116 : i32
    %select_n3A = arith.select %eq3A_3, %jit3A, %jit3A_4 : i32
    %add3A = arith.addi %mul3A_2, %select_n3A : i32
    %eq3A_5 = arith.constant 0 : i32
    %eq3A_6 = arith.cmpi eq, %arg0, %eq3A_5 : i32
    %jit3A_7 = arith.constant 29 : i32
    %jit3A_8 = arith.constant 11 : i32
    %select_n3A_9 = arith.select %eq3A_6, %jit3A_7, %jit3A_8 : i32
    %run_scoped3A = arith.constant 0 : i32
    "tpu.region"() ({
      %run_scoped3A_52 = tpu.sem_alloc : memref<!tpu.dma_semaphore, #tpu.memory_space<semaphore_mem>>
      %dma_start3A = arith.constant 0 : i32
      %dma_start3A_53 = arith.constant 0 : i32
      %dma_start3A_54 = tpu.memref_slice %arg8[%run_scoped3A, %dma_start3A, %dma_start3A_53] : memref<2x4x128xi32, #tpu.memory_space<vmem>> -> memref<1x4x128xi32, #tpu.memory_space<vmem>>
      %dma_start3A_55 = tpu.memref_squeeze %dma_start3A_54 : memref<1x4x128xi32, #tpu.memory_space<vmem>> -> memref<4x128xi32, #tpu.memory_space<vmem>>
      %dma_start3A_56 = arith.constant 0 : i32
      %dma_start3A_57 = tpu.memref_slice %arg5[%add3A, %dma_start3A_56] : memref<2560x128xi32, #tpu.memory_space<hbm>> -> memref<4x128xi32, #tpu.memory_space<hbm>>
      %dma_start3A_58 = arith.constant 0 : i32
      %dma_start3A_59 = arith.constant 0 : i32
      %dma_start3A_60 = tpu.memref_slice %arg8[%run_scoped3A, %dma_start3A_58, %dma_start3A_59] : memref<2x4x128xi32, #tpu.memory_space<vmem>> -> memref<1x4x128xi32, #tpu.memory_space<vmem>>
      %dma_start3A_61 = tpu.memref_squeeze %dma_start3A_60 : memref<1x4x128xi32, #tpu.memory_space<vmem>> -> memref<4x128xi32, #tpu.memory_space<vmem>>
      %dma_start3A_62 = arith.constant 0 : i32
      %dma_start3A_63 = tpu.memref_slice %arg5[%add3A, %dma_start3A_62] : memref<2560x128xi32, #tpu.memory_space<hbm>> -> memref<4x128xi32, #tpu.memory_space<hbm>>
      tpu.enqueue_dma source(%dma_start3A_63 : memref<4x128xi32, #tpu.memory_space<hbm>>) target(%dma_start3A_61 : memref<4x128xi32, #tpu.memory_space<vmem>>) target_semaphore(%run_scoped3A_52 : memref<!tpu.dma_semaphore, #tpu.memory_space<semaphore_mem>>)
      %dma_wait3A_64 = arith.constant 0 : i32
      %dma_wait3A_65 = arith.constant 0 : i32
      %dma_wait3A_66 = tpu.memref_slice %arg8[%run_scoped3A, %dma_wait3A_64, %dma_wait3A_65] : memref<2x4x128xi32, #tpu.memory_space<vmem>> -> memref<1x4x128xi32, #tpu.memory_space<vmem>>
      %dma_wait3A_67 = tpu.memref_squeeze %dma_wait3A_66 : memref<1x4x128xi32, #tpu.memory_space<vmem>> -> memref<4x128xi32, #tpu.memory_space<vmem>>
      %dma_wait3A_68 = arith.constant 0 : i32
      %dma_wait3A_69 = tpu.memref_slice %arg5[%add3A, %dma_wait3A_68] : memref<2560x128xi32, #tpu.memory_space<hbm>> -> memref<4x128xi32, #tpu.memory_space<hbm>>
      %dma_wait3A_70 = arith.constant 0 : i32
      %dma_wait3A_71 = arith.constant 0 : i32
      %dma_wait3A_72 = tpu.memref_slice %arg8[%run_scoped3A, %dma_wait3A_70, %dma_wait3A_71] : memref<2x4x128xi32, #tpu.memory_space<vmem>> -> memref<1x4x128xi32, #tpu.memory_space<vmem>>
      %dma_wait3A_73 = tpu.memref_squeeze %dma_wait3A_72 : memref<1x4x128xi32, #tpu.memory_space<vmem>> -> memref<4x128xi32, #tpu.memory_space<vmem>>
      %dma_wait3A_74 = arith.constant 0 : i32
      %dma_wait3A_75 = tpu.memref_slice %arg5[%add3A, %dma_wait3A_74] : memref<2560x128xi32, #tpu.memory_space<hbm>> -> memref<4x128xi32, #tpu.memory_space<hbm>>
      tpu.wait_dma2 semaphore(%run_scoped3A_52 : memref<!tpu.dma_semaphore, #tpu.memory_space<semaphore_mem>>) src(%dma_wait3A_75 : memref<4x128xi32, #tpu.memory_space<hbm>>) dst(%dma_wait3A_73 : memref<4x128xi32, #tpu.memory_space<vmem>>)
      tpu.yield
    }) : () -> ()
    %run_scoped3A_10 = arith.constant 0 : i32
    "tpu.region"() ({
      %run_scoped3A_52 = tpu.sem_alloc : memref<!tpu.dma_semaphore, #tpu.memory_space<semaphore_mem>>
      %dma_start3A = arith.constant 0 : i32
      %dma_start3A_53 = arith.constant 0 : i32
      %dma_start3A_54 = tpu.memref_slice %arg7[%run_scoped3A_10, %dma_start3A, %dma_start3A_53] : memref<2x4x128xi32, #tpu.memory_space<vmem>> -> memref<1x4x128xi32, #tpu.memory_space<vmem>>
      %dma_start3A_55 = tpu.memref_squeeze %dma_start3A_54 : memref<1x4x128xi32, #tpu.memory_space<vmem>> -> memref<4x128xi32, #tpu.memory_space<vmem>>
      %dma_start3A_56 = arith.constant 0 : i32
      %dma_start3A_57 = tpu.memref_slice %arg4[%add3A, %dma_start3A_56] : memref<2560x128xi32, #tpu.memory_space<hbm>> -> memref<4x128xi32, #tpu.memory_space<hbm>>
      %dma_start3A_58 = arith.constant 0 : i32
      %dma_start3A_59 = arith.constant 0 : i32
      %dma_start3A_60 = tpu.memref_slice %arg7[%run_scoped3A_10, %dma_start3A_58, %dma_start3A_59] : memref<2x4x128xi32, #tpu.memory_space<vmem>> -> memref<1x4x128xi32, #tpu.memory_space<vmem>>
      %dma_start3A_61 = tpu.memref_squeeze %dma_start3A_60 : memref<1x4x128xi32, #tpu.memory_space<vmem>> -> memref<4x128xi32, #tpu.memory_space<vmem>>
      %dma_start3A_62 = arith.constant 0 : i32
      %dma_start3A_63 = tpu.memref_slice %arg4[%add3A, %dma_start3A_62] : memref<2560x128xi32, #tpu.memory_space<hbm>> -> memref<4x128xi32, #tpu.memory_space<hbm>>
      tpu.enqueue_dma source(%dma_start3A_63 : memref<4x128xi32, #tpu.memory_space<hbm>>) target(%dma_start3A_61 : memref<4x128xi32, #tpu.memory_space<vmem>>) target_semaphore(%run_scoped3A_52 : memref<!tpu.dma_semaphore, #tpu.memory_space<semaphore_mem>>)
      %dma_wait3A_64 = arith.constant 0 : i32
      %dma_wait3A_65 = arith.constant 0 : i32
      %dma_wait3A_66 = tpu.memref_slice %arg7[%run_scoped3A_10, %dma_wait3A_64, %dma_wait3A_65] : memref<2x4x128xi32, #tpu.memory_space<vmem>> -> memref<1x4x128xi32, #tpu.memory_space<vmem>>
      %dma_wait3A_67 = tpu.memref_squeeze %dma_wait3A_66 : memref<1x4x128xi32, #tpu.memory_space<vmem>> -> memref<4x128xi32, #tpu.memory_space<vmem>>
      %dma_wait3A_68 = arith.constant 0 : i32
      %dma_wait3A_69 = tpu.memref_slice %arg4[%add3A, %dma_wait3A_68] : memref<2560x128xi32, #tpu.memory_space<hbm>> -> memref<4x128xi32, #tpu.memory_space<hbm>>
      %dma_wait3A_70 = arith.constant 0 : i32
      %dma_wait3A_71 = arith.constant 0 : i32
      %dma_wait3A_72 = tpu.memref_slice %arg7[%run_scoped3A_10, %dma_wait3A_70, %dma_wait3A_71] : memref<2x4x128xi32, #tpu.memory_space<vmem>> -> memref<1x4x128xi32, #tpu.memory_space<vmem>>
      %dma_wait3A_73 = tpu.memref_squeeze %dma_wait3A_72 : memref<1x4x128xi32, #tpu.memory_space<vmem>> -> memref<4x128xi32, #tpu.memory_space<vmem>>
      %dma_wait3A_74 = arith.constant 0 : i32
      %dma_wait3A_75 = tpu.memref_slice %arg4[%add3A, %dma_wait3A_74] : memref<2560x128xi32, #tpu.memory_space<hbm>> -> memref<4x128xi32, #tpu.memory_space<hbm>>
      tpu.wait_dma2 semaphore(%run_scoped3A_52 : memref<!tpu.dma_semaphore, #tpu.memory_space<semaphore_mem>>) src(%dma_wait3A_75 : memref<4x128xi32, #tpu.memory_space<hbm>>) dst(%dma_wait3A_73 : memref<4x128xi32, #tpu.memory_space<vmem>>)
      tpu.yield
    }) : () -> ()
    %barrier3A = arith.constant 0 : index
    tpu.barrier barrier_id(%barrier3A)
    %while3A = arith.constant 0 : i32
    %while3A_11 = arith.constant 0 : i32
    %while3A_12 = arith.subi %select_n3A_9, %while3A_11 : i32
    %while3A_13 = arith.addi %while3A_11, %while3A_12 : i32
    %while3A_14 = arith.constant 1 : i32
    %while3A_15 = arith.divsi %while3A_12, %while3A_14 : i32
    %while3A_16 = arith.muli %while3A_15, %while3A_14 : i32
    %while3A_17 = arith.addi %while3A_11, %while3A_16 : i32
    %while3A_18 = arith.constant 1 : i32
    scf.for %while3A_52 = %while3A_11 to %while3A_17 step %while3A_18  : i32 {
      %rem3A = arith.constant 2 : i32
      %rem3A_53 = arith.remsi %while3A_52, %rem3A : i32
      %add3A_54 = arith.constant 1 : i32
      %add3A_55 = arith.addi %while3A_52, %add3A_54 : i32
      %rem3A_56 = arith.constant 2 : i32
      %rem3A_57 = arith.remsi %add3A_55, %rem3A_56 : i32
      %add3A_58 = arith.constant 1 : i32
      %add3A_59 = arith.addi %while3A_52, %add3A_58 : i32
      %lt3A = arith.cmpi slt, %add3A_59, %select_n3A_9 : i32
      %convert_element_type3A = arith.extui %lt3A : i1 to i32
      %cond3A = arith.constant 0 : i32
      %cond3A_60 = arith.cmpi ne, %convert_element_type3A, %cond3A : i32
      scf.if %cond3A_60 {
        %add3A_173 = arith.constant 1 : i32
        %add3A_174 = arith.addi %while3A_52, %add3A_173 : i32
        %mul3A_175 = arith.constant 4 : i32
        %mul3A_176 = arith.muli %add3A_174, %mul3A_175 : i32
        %add3A_177 = arith.addi %add3A, %mul3A_176 : i32
        %dma_start3A_178 = arith.constant 0 : i32
        %dma_start3A_179 = arith.constant 0 : i32
        %dma_start3A_180 = tpu.memref_slice %arg8[%rem3A_57, %dma_start3A_178, %dma_start3A_179] : memref<2x4x128xi32, #tpu.memory_space<vmem>> -> memref<1x4x128xi32, #tpu.memory_space<vmem>>
        %dma_start3A_181 = tpu.memref_squeeze %dma_start3A_180 : memref<1x4x128xi32, #tpu.memory_space<vmem>> -> memref<4x128xi32, #tpu.memory_space<vmem>>
        %dma_start3A_182 = arith.constant 0 : i32
        %dma_start3A_183 = tpu.memref_slice %arg5[%add3A_177, %dma_start3A_182] : memref<2560x128xi32, #tpu.memory_space<hbm>> -> memref<4x128xi32, #tpu.memory_space<hbm>>
        %dma_start3A_184 = arith.constant 0 : i32
        %dma_start3A_185 = arith.constant 0 : i32
        %dma_start3A_186 = tpu.memref_slice %arg8[%rem3A_57, %dma_start3A_184, %dma_start3A_185] : memref<2x4x128xi32, #tpu.memory_space<vmem>> -> memref<1x4x128xi32, #tpu.memory_space<vmem>>
        %dma_start3A_187 = tpu.memref_squeeze %dma_start3A_186 : memref<1x4x128xi32, #tpu.memory_space<vmem>> -> memref<4x128xi32, #tpu.memory_space<vmem>>
        %dma_start3A_188 = arith.constant 0 : i32
        %dma_start3A_189 = tpu.memref_slice %arg5[%add3A_177, %dma_start3A_188] : memref<2560x128xi32, #tpu.memory_space<hbm>> -> memref<4x128xi32, #tpu.memory_space<hbm>>
        tpu.enqueue_dma source(%dma_start3A_189 : memref<4x128xi32, #tpu.memory_space<hbm>>) target(%dma_start3A_187 : memref<4x128xi32, #tpu.memory_space<vmem>>) target_semaphore(%arg22 : memref<!tpu.dma_semaphore, #tpu.memory_space<semaphore_mem>>)
        %dma_start3A_190 = arith.constant 0 : i32
        %dma_start3A_191 = arith.constant 0 : i32
        %dma_start3A_192 = tpu.memref_slice %arg7[%rem3A_57, %dma_start3A_190, %dma_start3A_191] : memref<2x4x128xi32, #tpu.memory_space<vmem>> -> memref<1x4x128xi32, #tpu.memory_space<vmem>>
        %dma_start3A_193 = tpu.memref_squeeze %dma_start3A_192 : memref<1x4x128xi32, #tpu.memory_space<vmem>> -> memref<4x128xi32, #tpu.memory_space<vmem>>
        %dma_start3A_194 = arith.constant 0 : i32
        %dma_start3A_195 = tpu.memref_slice %arg4[%add3A_177, %dma_start3A_194] : memref<2560x128xi32, #tpu.memory_space<hbm>> -> memref<4x128xi32, #tpu.memory_space<hbm>>
        %dma_start3A_196 = arith.constant 0 : i32
        %dma_start3A_197 = arith.constant 0 : i32
        %dma_start3A_198 = tpu.memref_slice %arg7[%rem3A_57, %dma_start3A_196, %dma_start3A_197] : memref<2x4x128xi32, #tpu.memory_space<vmem>> -> memref<1x4x128xi32, #tpu.memory_space<vmem>>
        %dma_start3A_199 = tpu.memref_squeeze %dma_start3A_198 : memref<1x4x128xi32, #tpu.memory_space<vmem>> -> memref<4x128xi32, #tpu.memory_space<vmem>>
        %dma_start3A_200 = arith.constant 0 : i32
        %dma_start3A_201 = tpu.memref_slice %arg4[%add3A_177, %dma_start3A_200] : memref<2560x128xi32, #tpu.memory_space<hbm>> -> memref<4x128xi32, #tpu.memory_space<hbm>>
        tpu.enqueue_dma source(%dma_start3A_201 : memref<4x128xi32, #tpu.memory_space<hbm>>) target(%dma_start3A_199 : memref<4x128xi32, #tpu.memory_space<vmem>>) target_semaphore(%arg22 : memref<!tpu.dma_semaphore, #tpu.memory_space<semaphore_mem>>)
      } else {
      }
      %gt3A = arith.constant 0 : i32
      %gt3A_61 = arith.cmpi sgt, %while3A_52, %gt3A : i32
      %convert_element_type3A_62 = arith.extui %gt3A_61 : i1 to i32
      %cond3A_63 = arith.constant 0 : i32
      %cond3A_64 = arith.cmpi ne, %convert_element_type3A_62, %cond3A_63 : i32
      scf.if %cond3A_64 {
        %dma_wait3A_173 = arith.constant 0 : i32
        %dma_wait3A_174 = arith.constant 0 : i32
        %dma_wait3A_175 = arith.constant 0 : i32
        %dma_wait3A_176 = tpu.memref_slice %arg8[%dma_wait3A_173, %dma_wait3A_174, %dma_wait3A_175] : memref<2x4x128xi32, #tpu.memory_space<vmem>> -> memref<1x1x128xi32, #tpu.memory_space<vmem>>
        %dma_wait3A_177 = tpu.memref_squeeze %dma_wait3A_176 : memref<1x1x128xi32, #tpu.memory_space<vmem>> -> memref<128xi32, #tpu.memory_space<vmem>>
        %dma_wait3A_178 = arith.constant 0 : i32
        %dma_wait3A_179 = arith.constant 0 : i32
        %dma_wait3A_180 = tpu.memref_slice %arg13[%dma_wait3A_178, %dma_wait3A_179] : memref<10112x128xbf16, #tpu.memory_space<vmem_shared>> -> memref<10112x128xbf16, #tpu.memory_space<vmem_shared>>
        tpu.wait_indirect_dma semaphore(%arg18 : memref<!tpu.dma_semaphore, #tpu.memory_space<semaphore_mem>>) src(%arg9 : memref<128x128xbf16, #tpu.memory_space<vmem>>) dst(%dma_wait3A_180 : memref<10112x128xbf16, #tpu.memory_space<vmem_shared>>)
      } else {
      }
      %dma_start3A = arith.constant 0 : i32
      %dma_start3A_65 = arith.constant 0 : i32
      %dma_start3A_66 = tpu.memref_slice %arg7[%rem3A_53, %dma_start3A, %dma_start3A_65] : memref<2x4x128xi32, #tpu.memory_space<vmem>> -> memref<1x1x128xi32, #tpu.memory_space<vmem>>
      %dma_start3A_67 = tpu.memref_squeeze %dma_start3A_66 : memref<1x1x128xi32, #tpu.memory_space<vmem>> -> memref<128xi32, #tpu.memory_space<vmem>>
      %dma_start3A_68 = arith.constant 0 : i32
      %dma_start3A_69 = arith.constant 0 : i32
      %dma_start3A_70 = tpu.memref_slice %arg3[%dma_start3A_68, %dma_start3A_69] : memref<10112x128xbf16, #tpu.memory_space<hbm>> -> memref<10112x128xbf16, #tpu.memory_space<hbm>>
      tpu.enqueue_indirect_dma source(%dma_start3A_70 : memref<10112x128xbf16, #tpu.memory_space<hbm>>) target(%arg9 : memref<128x128xbf16, #tpu.memory_space<vmem>>) offsets(%dma_start3A_67 : memref<128xi32, #tpu.memory_space<vmem>>) semaphore(%arg14 : memref<!tpu.dma_semaphore, #tpu.memory_space<semaphore_mem>>)
      %gt3A_71 = arith.constant 0 : i32
      %gt3A_72 = arith.cmpi sgt, %while3A_52, %gt3A_71 : i32
      %convert_element_type3A_73 = arith.extui %gt3A_72 : i1 to i32
      %cond3A_74 = arith.constant 0 : i32
      %cond3A_75 = arith.cmpi ne, %convert_element_type3A_73, %cond3A_74 : i32
      scf.if %cond3A_75 {
        %dma_wait3A_173 = arith.constant 0 : i32
        %dma_wait3A_174 = arith.constant 1 : i32
        %dma_wait3A_175 = arith.constant 0 : i32
        %dma_wait3A_176 = tpu.memref_slice %arg8[%dma_wait3A_173, %dma_wait3A_174, %dma_wait3A_175] : memref<2x4x128xi32, #tpu.memory_space<vmem>> -> memref<1x1x128xi32, #tpu.memory_space<vmem>>
        %dma_wait3A_177 = tpu.memref_squeeze %dma_wait3A_176 : memref<1x1x128xi32, #tpu.memory_space<vmem>> -> memref<128xi32, #tpu.memory_space<vmem>>
        %dma_wait3A_178 = arith.constant 0 : i32
        %dma_wait3A_179 = arith.constant 0 : i32
        %dma_wait3A_180 = tpu.memref_slice %arg13[%dma_wait3A_178, %dma_wait3A_179] : memref<10112x128xbf16, #tpu.memory_space<vmem_shared>> -> memref<10112x128xbf16, #tpu.memory_space<vmem_shared>>
        tpu.wait_indirect_dma semaphore(%arg19 : memref<!tpu.dma_semaphore, #tpu.memory_space<semaphore_mem>>) src(%arg10 : memref<128x128xbf16, #tpu.memory_space<vmem>>) dst(%dma_wait3A_180 : memref<10112x128xbf16, #tpu.memory_space<vmem_shared>>)
      } else {
      }
      %dma_start3A_76 = arith.constant 1 : i32
      %dma_start3A_77 = arith.constant 0 : i32
      %dma_start3A_78 = tpu.memref_slice %arg7[%rem3A_53, %dma_start3A_76, %dma_start3A_77] : memref<2x4x128xi32, #tpu.memory_space<vmem>> -> memref<1x1x128xi32, #tpu.memory_space<vmem>>
      %dma_start3A_79 = tpu.memref_squeeze %dma_start3A_78 : memref<1x1x128xi32, #tpu.memory_space<vmem>> -> memref<128xi32, #tpu.memory_space<vmem>>
      %dma_start3A_80 = arith.constant 0 : i32
      %dma_start3A_81 = arith.constant 0 : i32
      %dma_start3A_82 = tpu.memref_slice %arg3[%dma_start3A_80, %dma_start3A_81] : memref<10112x128xbf16, #tpu.memory_space<hbm>> -> memref<10112x128xbf16, #tpu.memory_space<hbm>>
      tpu.enqueue_indirect_dma source(%dma_start3A_82 : memref<10112x128xbf16, #tpu.memory_space<hbm>>) target(%arg10 : memref<128x128xbf16, #tpu.memory_space<vmem>>) offsets(%dma_start3A_79 : memref<128xi32, #tpu.memory_space<vmem>>) semaphore(%arg15 : memref<!tpu.dma_semaphore, #tpu.memory_space<semaphore_mem>>)
      %gt3A_83 = arith.constant 0 : i32
      %gt3A_84 = arith.cmpi sgt, %while3A_52, %gt3A_83 : i32
      %convert_element_type3A_85 = arith.extui %gt3A_84 : i1 to i32
      %cond3A_86 = arith.constant 0 : i32
      %cond3A_87 = arith.cmpi ne, %convert_element_type3A_85, %cond3A_86 : i32
      scf.if %cond3A_87 {
        %dma_wait3A_173 = arith.constant 0 : i32
        %dma_wait3A_174 = arith.constant 2 : i32
        %dma_wait3A_175 = arith.constant 0 : i32
        %dma_wait3A_176 = tpu.memref_slice %arg8[%dma_wait3A_173, %dma_wait3A_174, %dma_wait3A_175] : memref<2x4x128xi32, #tpu.memory_space<vmem>> -> memref<1x1x128xi32, #tpu.memory_space<vmem>>
        %dma_wait3A_177 = tpu.memref_squeeze %dma_wait3A_176 : memref<1x1x128xi32, #tpu.memory_space<vmem>> -> memref<128xi32, #tpu.memory_space<vmem>>
        %dma_wait3A_178 = arith.constant 0 : i32
        %dma_wait3A_179 = arith.constant 0 : i32
        %dma_wait3A_180 = tpu.memref_slice %arg13[%dma_wait3A_178, %dma_wait3A_179] : memref<10112x128xbf16, #tpu.memory_space<vmem_shared>> -> memref<10112x128xbf16, #tpu.memory_space<vmem_shared>>
        tpu.wait_indirect_dma semaphore(%arg20 : memref<!tpu.dma_semaphore, #tpu.memory_space<semaphore_mem>>) src(%arg11 : memref<128x128xbf16, #tpu.memory_space<vmem>>) dst(%dma_wait3A_180 : memref<10112x128xbf16, #tpu.memory_space<vmem_shared>>)
      } else {
      }
      %dma_start3A_88 = arith.constant 2 : i32
      %dma_start3A_89 = arith.constant 0 : i32
      %dma_start3A_90 = tpu.memref_slice %arg7[%rem3A_53, %dma_start3A_88, %dma_start3A_89] : memref<2x4x128xi32, #tpu.memory_space<vmem>> -> memref<1x1x128xi32, #tpu.memory_space<vmem>>
      %dma_start3A_91 = tpu.memref_squeeze %dma_start3A_90 : memref<1x1x128xi32, #tpu.memory_space<vmem>> -> memref<128xi32, #tpu.memory_space<vmem>>
      %dma_start3A_92 = arith.constant 0 : i32
      %dma_start3A_93 = arith.constant 0 : i32
      %dma_start3A_94 = tpu.memref_slice %arg3[%dma_start3A_92, %dma_start3A_93] : memref<10112x128xbf16, #tpu.memory_space<hbm>> -> memref<10112x128xbf16, #tpu.memory_space<hbm>>
      tpu.enqueue_indirect_dma source(%dma_start3A_94 : memref<10112x128xbf16, #tpu.memory_space<hbm>>) target(%arg11 : memref<128x128xbf16, #tpu.memory_space<vmem>>) offsets(%dma_start3A_91 : memref<128xi32, #tpu.memory_space<vmem>>) semaphore(%arg16 : memref<!tpu.dma_semaphore, #tpu.memory_space<semaphore_mem>>)
      %gt3A_95 = arith.constant 0 : i32
      %gt3A_96 = arith.cmpi sgt, %while3A_52, %gt3A_95 : i32
      %convert_element_type3A_97 = arith.extui %gt3A_96 : i1 to i32
      %cond3A_98 = arith.constant 0 : i32
      %cond3A_99 = arith.cmpi ne, %convert_element_type3A_97, %cond3A_98 : i32
      scf.if %cond3A_99 {
        %dma_wait3A_173 = arith.constant 0 : i32
        %dma_wait3A_174 = arith.constant 3 : i32
        %dma_wait3A_175 = arith.constant 0 : i32
        %dma_wait3A_176 = tpu.memref_slice %arg8[%dma_wait3A_173, %dma_wait3A_174, %dma_wait3A_175] : memref<2x4x128xi32, #tpu.memory_space<vmem>> -> memref<1x1x128xi32, #tpu.memory_space<vmem>>
        %dma_wait3A_177 = tpu.memref_squeeze %dma_wait3A_176 : memref<1x1x128xi32, #tpu.memory_space<vmem>> -> memref<128xi32, #tpu.memory_space<vmem>>
        %dma_wait3A_178 = arith.constant 0 : i32
        %dma_wait3A_179 = arith.constant 0 : i32
        %dma_wait3A_180 = tpu.memref_slice %arg13[%dma_wait3A_178, %dma_wait3A_179] : memref<10112x128xbf16, #tpu.memory_space<vmem_shared>> -> memref<10112x128xbf16, #tpu.memory_space<vmem_shared>>
        tpu.wait_indirect_dma semaphore(%arg21 : memref<!tpu.dma_semaphore, #tpu.memory_space<semaphore_mem>>) src(%arg12 : memref<128x128xbf16, #tpu.memory_space<vmem>>) dst(%dma_wait3A_180 : memref<10112x128xbf16, #tpu.memory_space<vmem_shared>>)
      } else {
      }
      %dma_start3A_100 = arith.constant 3 : i32
      %dma_start3A_101 = arith.constant 0 : i32
      %dma_start3A_102 = tpu.memref_slice %arg7[%rem3A_53, %dma_start3A_100, %dma_start3A_101] : memref<2x4x128xi32, #tpu.memory_space<vmem>> -> memref<1x1x128xi32, #tpu.memory_space<vmem>>
      %dma_start3A_103 = tpu.memref_squeeze %dma_start3A_102 : memref<1x1x128xi32, #tpu.memory_space<vmem>> -> memref<128xi32, #tpu.memory_space<vmem>>
      %dma_start3A_104 = arith.constant 0 : i32
      %dma_start3A_105 = arith.constant 0 : i32
      %dma_start3A_106 = tpu.memref_slice %arg3[%dma_start3A_104, %dma_start3A_105] : memref<10112x128xbf16, #tpu.memory_space<hbm>> -> memref<10112x128xbf16, #tpu.memory_space<hbm>>
      tpu.enqueue_indirect_dma source(%dma_start3A_106 : memref<10112x128xbf16, #tpu.memory_space<hbm>>) target(%arg12 : memref<128x128xbf16, #tpu.memory_space<vmem>>) offsets(%dma_start3A_103 : memref<128xi32, #tpu.memory_space<vmem>>) semaphore(%arg17 : memref<!tpu.dma_semaphore, #tpu.memory_space<semaphore_mem>>)
      %dma_wait3A_107 = arith.constant 0 : i32
      %dma_wait3A_108 = arith.constant 0 : i32
      %dma_wait3A_109 = arith.constant 0 : i32
      %dma_wait3A_110 = tpu.memref_slice %arg7[%dma_wait3A_107, %dma_wait3A_108, %dma_wait3A_109] : memref<2x4x128xi32, #tpu.memory_space<vmem>> -> memref<1x1x128xi32, #tpu.memory_space<vmem>>
      %dma_wait3A_111 = tpu.memref_squeeze %dma_wait3A_110 : memref<1x1x128xi32, #tpu.memory_space<vmem>> -> memref<128xi32, #tpu.memory_space<vmem>>
      %dma_wait3A_112 = arith.constant 0 : i32
      %dma_wait3A_113 = arith.constant 0 : i32
      %dma_wait3A_114 = tpu.memref_slice %arg3[%dma_wait3A_112, %dma_wait3A_113] : memref<10112x128xbf16, #tpu.memory_space<hbm>> -> memref<10112x128xbf16, #tpu.memory_space<hbm>>
      tpu.wait_indirect_dma semaphore(%arg14 : memref<!tpu.dma_semaphore, #tpu.memory_space<semaphore_mem>>) src(%dma_wait3A_114 : memref<10112x128xbf16, #tpu.memory_space<hbm>>) dst(%arg9 : memref<128x128xbf16, #tpu.memory_space<vmem>>)
      %dma_start3A_115 = arith.constant 0 : i32
      %dma_start3A_116 = arith.constant 0 : i32
      %dma_start3A_117 = tpu.memref_slice %arg8[%rem3A_53, %dma_start3A_115, %dma_start3A_116] : memref<2x4x128xi32, #tpu.memory_space<vmem>> -> memref<1x1x128xi32, #tpu.memory_space<vmem>>
      %dma_start3A_118 = tpu.memref_squeeze %dma_start3A_117 : memref<1x1x128xi32, #tpu.memory_space<vmem>> -> memref<128xi32, #tpu.memory_space<vmem>>
      %dma_start3A_119 = arith.constant 0 : i32
      %dma_start3A_120 = arith.constant 0 : i32
      %dma_start3A_121 = tpu.memref_slice %arg13[%dma_start3A_119, %dma_start3A_120] : memref<10112x128xbf16, #tpu.memory_space<vmem_shared>> -> memref<10112x128xbf16, #tpu.memory_space<vmem_shared>>
      tpu.enqueue_indirect_dma source(%arg9 : memref<128x128xbf16, #tpu.memory_space<vmem>>) target(%dma_start3A_121 : memref<10112x128xbf16, #tpu.memory_space<vmem_shared>>) offsets(%dma_start3A_118 : memref<128xi32, #tpu.memory_space<vmem>>) semaphore(%arg18 : memref<!tpu.dma_semaphore, #tpu.memory_space<semaphore_mem>>) {add = true}
      %dma_wait3A_122 = arith.constant 0 : i32
      %dma_wait3A_123 = arith.constant 1 : i32
      %dma_wait3A_124 = arith.constant 0 : i32
      %dma_wait3A_125 = tpu.memref_slice %arg7[%dma_wait3A_122, %dma_wait3A_123, %dma_wait3A_124] : memref<2x4x128xi32, #tpu.memory_space<vmem>> -> memref<1x1x128xi32, #tpu.memory_space<vmem>>
      %dma_wait3A_126 = tpu.memref_squeeze %dma_wait3A_125 : memref<1x1x128xi32, #tpu.memory_space<vmem>> -> memref<128xi32, #tpu.memory_space<vmem>>
      %dma_wait3A_127 = arith.constant 0 : i32
      %dma_wait3A_128 = arith.constant 0 : i32
      %dma_wait3A_129 = tpu.memref_slice %arg3[%dma_wait3A_127, %dma_wait3A_128] : memref<10112x128xbf16, #tpu.memory_space<hbm>> -> memref<10112x128xbf16, #tpu.memory_space<hbm>>
      tpu.wait_indirect_dma semaphore(%arg15 : memref<!tpu.dma_semaphore, #tpu.memory_space<semaphore_mem>>) src(%dma_wait3A_129 : memref<10112x128xbf16, #tpu.memory_space<hbm>>) dst(%arg10 : memref<128x128xbf16, #tpu.memory_space<vmem>>)
      %dma_start3A_130 = arith.constant 1 : i32
      %dma_start3A_131 = arith.constant 0 : i32
      %dma_start3A_132 = tpu.memref_slice %arg8[%rem3A_53, %dma_start3A_130, %dma_start3A_131] : memref<2x4x128xi32, #tpu.memory_space<vmem>> -> memref<1x1x128xi32, #tpu.memory_space<vmem>>
      %dma_start3A_133 = tpu.memref_squeeze %dma_start3A_132 : memref<1x1x128xi32, #tpu.memory_space<vmem>> -> memref<128xi32, #tpu.memory_space<vmem>>
      %dma_start3A_134 = arith.constant 0 : i32
      %dma_start3A_135 = arith.constant 0 : i32
      %dma_start3A_136 = tpu.memref_slice %arg13[%dma_start3A_134, %dma_start3A_135] : memref<10112x128xbf16, #tpu.memory_space<vmem_shared>> -> memref<10112x128xbf16, #tpu.memory_space<vmem_shared>>
      tpu.enqueue_indirect_dma source(%arg10 : memref<128x128xbf16, #tpu.memory_space<vmem>>) target(%dma_start3A_136 : memref<10112x128xbf16, #tpu.memory_space<vmem_shared>>) offsets(%dma_start3A_133 : memref<128xi32, #tpu.memory_space<vmem>>) semaphore(%arg19 : memref<!tpu.dma_semaphore, #tpu.memory_space<semaphore_mem>>) {add = true}
      %dma_wait3A_137 = arith.constant 0 : i32
      %dma_wait3A_138 = arith.constant 2 : i32
      %dma_wait3A_139 = arith.constant 0 : i32
      %dma_wait3A_140 = tpu.memref_slice %arg7[%dma_wait3A_137, %dma_wait3A_138, %dma_wait3A_139] : memref<2x4x128xi32, #tpu.memory_space<vmem>> -> memref<1x1x128xi32, #tpu.memory_space<vmem>>
      %dma_wait3A_141 = tpu.memref_squeeze %dma_wait3A_140 : memref<1x1x128xi32, #tpu.memory_space<vmem>> -> memref<128xi32, #tpu.memory_space<vmem>>
      %dma_wait3A_142 = arith.constant 0 : i32
      %dma_wait3A_143 = arith.constant 0 : i32
      %dma_wait3A_144 = tpu.memref_slice %arg3[%dma_wait3A_142, %dma_wait3A_143] : memref<10112x128xbf16, #tpu.memory_space<hbm>> -> memref<10112x128xbf16, #tpu.memory_space<hbm>>
      tpu.wait_indirect_dma semaphore(%arg16 : memref<!tpu.dma_semaphore, #tpu.memory_space<semaphore_mem>>) src(%dma_wait3A_144 : memref<10112x128xbf16, #tpu.memory_space<hbm>>) dst(%arg11 : memref<128x128xbf16, #tpu.memory_space<vmem>>)
      %dma_start3A_145 = arith.constant 2 : i32
      %dma_start3A_146 = arith.constant 0 : i32
      %dma_start3A_147 = tpu.memref_slice %arg8[%rem3A_53, %dma_start3A_145, %dma_start3A_146] : memref<2x4x128xi32, #tpu.memory_space<vmem>> -> memref<1x1x128xi32, #tpu.memory_space<vmem>>
      %dma_start3A_148 = tpu.memref_squeeze %dma_start3A_147 : memref<1x1x128xi32, #tpu.memory_space<vmem>> -> memref<128xi32, #tpu.memory_space<vmem>>
      %dma_start3A_149 = arith.constant 0 : i32
      %dma_start3A_150 = arith.constant 0 : i32
      %dma_start3A_151 = tpu.memref_slice %arg13[%dma_start3A_149, %dma_start3A_150] : memref<10112x128xbf16, #tpu.memory_space<vmem_shared>> -> memref<10112x128xbf16, #tpu.memory_space<vmem_shared>>
      tpu.enqueue_indirect_dma source(%arg11 : memref<128x128xbf16, #tpu.memory_space<vmem>>) target(%dma_start3A_151 : memref<10112x128xbf16, #tpu.memory_space<vmem_shared>>) offsets(%dma_start3A_148 : memref<128xi32, #tpu.memory_space<vmem>>) semaphore(%arg20 : memref<!tpu.dma_semaphore, #tpu.memory_space<semaphore_mem>>) {add = true}
      %dma_wait3A_152 = arith.constant 0 : i32
      %dma_wait3A_153 = arith.constant 3 : i32
      %dma_wait3A_154 = arith.constant 0 : i32
      %dma_wait3A_155 = tpu.memref_slice %arg7[%dma_wait3A_152, %dma_wait3A_153, %dma_wait3A_154] : memref<2x4x128xi32, #tpu.memory_space<vmem>> -> memref<1x1x128xi32, #tpu.memory_space<vmem>>
      %dma_wait3A_156 = tpu.memref_squeeze %dma_wait3A_155 : memref<1x1x128xi32, #tpu.memory_space<vmem>> -> memref<128xi32, #tpu.memory_space<vmem>>
      %dma_wait3A_157 = arith.constant 0 : i32
      %dma_wait3A_158 = arith.constant 0 : i32
      %dma_wait3A_159 = tpu.memref_slice %arg3[%dma_wait3A_157, %dma_wait3A_158] : memref<10112x128xbf16, #tpu.memory_space<hbm>> -> memref<10112x128xbf16, #tpu.memory_space<hbm>>
      tpu.wait_indirect_dma semaphore(%arg17 : memref<!tpu.dma_semaphore, #tpu.memory_space<semaphore_mem>>) src(%dma_wait3A_159 : memref<10112x128xbf16, #tpu.memory_space<hbm>>) dst(%arg12 : memref<128x128xbf16, #tpu.memory_space<vmem>>)
      %dma_start3A_160 = arith.constant 3 : i32
      %dma_start3A_161 = arith.constant 0 : i32
      %dma_start3A_162 = tpu.memref_slice %arg8[%rem3A_53, %dma_start3A_160, %dma_start3A_161] : memref<2x4x128xi32, #tpu.memory_space<vmem>> -> memref<1x1x128xi32, #tpu.memory_space<vmem>>
      %dma_start3A_163 = tpu.memref_squeeze %dma_start3A_162 : memref<1x1x128xi32, #tpu.memory_space<vmem>> -> memref<128xi32, #tpu.memory_space<vmem>>
      %dma_start3A_164 = arith.constant 0 : i32
      %dma_start3A_165 = arith.constant 0 : i32
      %dma_start3A_166 = tpu.memref_slice %arg13[%dma_start3A_164, %dma_start3A_165] : memref<10112x128xbf16, #tpu.memory_space<vmem_shared>> -> memref<10112x128xbf16, #tpu.memory_space<vmem_shared>>
      tpu.enqueue_indirect_dma source(%arg12 : memref<128x128xbf16, #tpu.memory_space<vmem>>) target(%dma_start3A_166 : memref<10112x128xbf16, #tpu.memory_space<vmem_shared>>) offsets(%dma_start3A_163 : memref<128xi32, #tpu.memory_space<vmem>>) semaphore(%arg21 : memref<!tpu.dma_semaphore, #tpu.memory_space<semaphore_mem>>) {add = true}
      %add3A_167 = arith.constant 1 : i32
      %add3A_168 = arith.addi %while3A_52, %add3A_167 : i32
      %lt3A_169 = arith.cmpi slt, %add3A_168, %select_n3A_9 : i32
      %convert_element_type3A_170 = arith.extui %lt3A_169 : i1 to i32
      %cond3A_171 = arith.constant 0 : i32
      %cond3A_172 = arith.cmpi ne, %convert_element_type3A_170, %cond3A_171 : i32
      scf.if %cond3A_172 {
        %dma_wait3A_173 = arith.constant 0 : i32
        %dma_wait3A_174 = arith.constant 0 : i32
        %dma_wait3A_175 = arith.constant 0 : i32
        %dma_wait3A_176 = tpu.memref_slice %arg8[%dma_wait3A_173, %dma_wait3A_174, %dma_wait3A_175] : memref<2x4x128xi32, #tpu.memory_space<vmem>> -> memref<1x4x128xi32, #tpu.memory_space<vmem>>
        %dma_wait3A_177 = tpu.memref_squeeze %dma_wait3A_176 : memref<1x4x128xi32, #tpu.memory_space<vmem>> -> memref<4x128xi32, #tpu.memory_space<vmem>>
        %dma_wait3A_178 = arith.constant 0 : i32
        %dma_wait3A_179 = arith.constant 0 : i32
        %dma_wait3A_180 = tpu.memref_slice %arg5[%dma_wait3A_178, %dma_wait3A_179] : memref<2560x128xi32, #tpu.memory_space<hbm>> -> memref<4x128xi32, #tpu.memory_space<hbm>>
        %dma_wait3A_181 = arith.constant 0 : i32
        %dma_wait3A_182 = arith.constant 0 : i32
        %dma_wait3A_183 = tpu.memref_slice %arg8[%dma_wait3A_173, %dma_wait3A_181, %dma_wait3A_182] : memref<2x4x128xi32, #tpu.memory_space<vmem>> -> memref<1x4x128xi32, #tpu.memory_space<vmem>>
        %dma_wait3A_184 = tpu.memref_squeeze %dma_wait3A_183 : memref<1x4x128xi32, #tpu.memory_space<vmem>> -> memref<4x128xi32, #tpu.memory_space<vmem>>
        %dma_wait3A_185 = arith.constant 0 : i32
        %dma_wait3A_186 = arith.constant 0 : i32
        %dma_wait3A_187 = tpu.memref_slice %arg5[%dma_wait3A_185, %dma_wait3A_186] : memref<2560x128xi32, #tpu.memory_space<hbm>> -> memref<4x128xi32, #tpu.memory_space<hbm>>
        tpu.wait_dma2 semaphore(%arg22 : memref<!tpu.dma_semaphore, #tpu.memory_space<semaphore_mem>>) src(%dma_wait3A_187 : memref<4x128xi32, #tpu.memory_space<hbm>>) dst(%dma_wait3A_184 : memref<4x128xi32, #tpu.memory_space<vmem>>)
        %dma_wait3A_188 = arith.constant 0 : i32
        %dma_wait3A_189 = arith.constant 0 : i32
        %dma_wait3A_190 = arith.constant 0 : i32
        %dma_wait3A_191 = tpu.memref_slice %arg7[%dma_wait3A_188, %dma_wait3A_189, %dma_wait3A_190] : memref<2x4x128xi32, #tpu.memory_space<vmem>> -> memref<1x4x128xi32, #tpu.memory_space<vmem>>
        %dma_wait3A_192 = tpu.memref_squeeze %dma_wait3A_191 : memref<1x4x128xi32, #tpu.memory_space<vmem>> -> memref<4x128xi32, #tpu.memory_space<vmem>>
        %dma_wait3A_193 = arith.constant 0 : i32
        %dma_wait3A_194 = arith.constant 0 : i32
        %dma_wait3A_195 = tpu.memref_slice %arg4[%dma_wait3A_193, %dma_wait3A_194] : memref<2560x128xi32, #tpu.memory_space<hbm>> -> memref<4x128xi32, #tpu.memory_space<hbm>>
        %dma_wait3A_196 = arith.constant 0 : i32
        %dma_wait3A_197 = arith.constant 0 : i32
        %dma_wait3A_198 = tpu.memref_slice %arg7[%dma_wait3A_188, %dma_wait3A_196, %dma_wait3A_197] : memref<2x4x128xi32, #tpu.memory_space<vmem>> -> memref<1x4x128xi32, #tpu.memory_space<vmem>>
        %dma_wait3A_199 = tpu.memref_squeeze %dma_wait3A_198 : memref<1x4x128xi32, #tpu.memory_space<vmem>> -> memref<4x128xi32, #tpu.memory_space<vmem>>
        %dma_wait3A_200 = arith.constant 0 : i32
        %dma_wait3A_201 = arith.constant 0 : i32
        %dma_wait3A_202 = tpu.memref_slice %arg4[%dma_wait3A_200, %dma_wait3A_201] : memref<2560x128xi32, #tpu.memory_space<hbm>> -> memref<4x128xi32, #tpu.memory_space<hbm>>
        tpu.wait_dma2 semaphore(%arg22 : memref<!tpu.dma_semaphore, #tpu.memory_space<semaphore_mem>>) src(%dma_wait3A_202 : memref<4x128xi32, #tpu.memory_space<hbm>>) dst(%dma_wait3A_199 : memref<4x128xi32, #tpu.memory_space<vmem>>)
      } else {
      }
    }
    %while3A_19 = arith.constant 1 : i32
    scf.for %while3A_52 = %while3A_17 to %while3A_13 step %while3A_19  : i32 {
      %rem3A = arith.constant 2 : i32
      %rem3A_53 = arith.remsi %while3A_52, %rem3A : i32
      %add3A_54 = arith.constant 1 : i32
      %add3A_55 = arith.addi %while3A_52, %add3A_54 : i32
      %rem3A_56 = arith.constant 2 : i32
      %rem3A_57 = arith.remsi %add3A_55, %rem3A_56 : i32
      %add3A_58 = arith.constant 1 : i32
      %add3A_59 = arith.addi %while3A_52, %add3A_58 : i32
      %lt3A = arith.cmpi slt, %add3A_59, %select_n3A_9 : i32
      %convert_element_type3A = arith.extui %lt3A : i1 to i32
      %cond3A = arith.constant 0 : i32
      %cond3A_60 = arith.cmpi ne, %convert_element_type3A, %cond3A : i32
      scf.if %cond3A_60 {
        %add3A_173 = arith.constant 1 : i32
        %add3A_174 = arith.addi %while3A_52, %add3A_173 : i32
        %mul3A_175 = arith.constant 4 : i32
        %mul3A_176 = arith.muli %add3A_174, %mul3A_175 : i32
        %add3A_177 = arith.addi %add3A, %mul3A_176 : i32
        %dma_start3A_178 = arith.constant 0 : i32
        %dma_start3A_179 = arith.constant 0 : i32
        %dma_start3A_180 = tpu.memref_slice %arg8[%rem3A_57, %dma_start3A_178, %dma_start3A_179] : memref<2x4x128xi32, #tpu.memory_space<vmem>> -> memref<1x4x128xi32, #tpu.memory_space<vmem>>
        %dma_start3A_181 = tpu.memref_squeeze %dma_start3A_180 : memref<1x4x128xi32, #tpu.memory_space<vmem>> -> memref<4x128xi32, #tpu.memory_space<vmem>>
        %dma_start3A_182 = arith.constant 0 : i32
        %dma_start3A_183 = tpu.memref_slice %arg5[%add3A_177, %dma_start3A_182] : memref<2560x128xi32, #tpu.memory_space<hbm>> -> memref<4x128xi32, #tpu.memory_space<hbm>>
        %dma_start3A_184 = arith.constant 0 : i32
        %dma_start3A_185 = arith.constant 0 : i32
        %dma_start3A_186 = tpu.memref_slice %arg8[%rem3A_57, %dma_start3A_184, %dma_start3A_185] : memref<2x4x128xi32, #tpu.memory_space<vmem>> -> memref<1x4x128xi32, #tpu.memory_space<vmem>>
        %dma_start3A_187 = tpu.memref_squeeze %dma_start3A_186 : memref<1x4x128xi32, #tpu.memory_space<vmem>> -> memref<4x128xi32, #tpu.memory_space<vmem>>
        %dma_start3A_188 = arith.constant 0 : i32
        %dma_start3A_189 = tpu.memref_slice %arg5[%add3A_177, %dma_start3A_188] : memref<2560x128xi32, #tpu.memory_space<hbm>> -> memref<4x128xi32, #tpu.memory_space<hbm>>
        tpu.enqueue_dma source(%dma_start3A_189 : memref<4x128xi32, #tpu.memory_space<hbm>>) target(%dma_start3A_187 : memref<4x128xi32, #tpu.memory_space<vmem>>) target_semaphore(%arg22 : memref<!tpu.dma_semaphore, #tpu.memory_space<semaphore_mem>>)
        %dma_start3A_190 = arith.constant 0 : i32
        %dma_start3A_191 = arith.constant 0 : i32
        %dma_start3A_192 = tpu.memref_slice %arg7[%rem3A_57, %dma_start3A_190, %dma_start3A_191] : memref<2x4x128xi32, #tpu.memory_space<vmem>> -> memref<1x4x128xi32, #tpu.memory_space<vmem>>
        %dma_start3A_193 = tpu.memref_squeeze %dma_start3A_192 : memref<1x4x128xi32, #tpu.memory_space<vmem>> -> memref<4x128xi32, #tpu.memory_space<vmem>>
        %dma_start3A_194 = arith.constant 0 : i32
        %dma_start3A_195 = tpu.memref_slice %arg4[%add3A_177, %dma_start3A_194] : memref<2560x128xi32, #tpu.memory_space<hbm>> -> memref<4x128xi32, #tpu.memory_space<hbm>>
        %dma_start3A_196 = arith.constant 0 : i32
        %dma_start3A_197 = arith.constant 0 : i32
        %dma_start3A_198 = tpu.memref_slice %arg7[%rem3A_57, %dma_start3A_196, %dma_start3A_197] : memref<2x4x128xi32, #tpu.memory_space<vmem>> -> memref<1x4x128xi32, #tpu.memory_space<vmem>>
        %dma_start3A_199 = tpu.memref_squeeze %dma_start3A_198 : memref<1x4x128xi32, #tpu.memory_space<vmem>> -> memref<4x128xi32, #tpu.memory_space<vmem>>
        %dma_start3A_200 = arith.constant 0 : i32
        %dma_start3A_201 = tpu.memref_slice %arg4[%add3A_177, %dma_start3A_200] : memref<2560x128xi32, #tpu.memory_space<hbm>> -> memref<4x128xi32, #tpu.memory_space<hbm>>
        tpu.enqueue_dma source(%dma_start3A_201 : memref<4x128xi32, #tpu.memory_space<hbm>>) target(%dma_start3A_199 : memref<4x128xi32, #tpu.memory_space<vmem>>) target_semaphore(%arg22 : memref<!tpu.dma_semaphore, #tpu.memory_space<semaphore_mem>>)
      } else {
      }
      %gt3A = arith.constant 0 : i32
      %gt3A_61 = arith.cmpi sgt, %while3A_52, %gt3A : i32
      %convert_element_type3A_62 = arith.extui %gt3A_61 : i1 to i32
      %cond3A_63 = arith.constant 0 : i32
      %cond3A_64 = arith.cmpi ne, %convert_element_type3A_62, %cond3A_63 : i32
      scf.if %cond3A_64 {
        %dma_wait3A_173 = arith.constant 0 : i32
        %dma_wait3A_174 = arith.constant 0 : i32
        %dma_wait3A_175 = arith.constant 0 : i32
        %dma_wait3A_176 = tpu.memref_slice %arg8[%dma_wait3A_173, %dma_wait3A_174, %dma_wait3A_175] : memref<2x4x128xi32, #tpu.memory_space<vmem>> -> memref<1x1x128xi32, #tpu.memory_space<vmem>>
        %dma_wait3A_177 = tpu.memref_squeeze %dma_wait3A_176 : memref<1x1x128xi32, #tpu.memory_space<vmem>> -> memref<128xi32, #tpu.memory_space<vmem>>
        %dma_wait3A_178 = arith.constant 0 : i32
        %dma_wait3A_179 = arith.constant 0 : i32
        %dma_wait3A_180 = tpu.memref_slice %arg13[%dma_wait3A_178, %dma_wait3A_179] : memref<10112x128xbf16, #tpu.memory_space<vmem_shared>> -> memref<10112x128xbf16, #tpu.memory_space<vmem_shared>>
        tpu.wait_indirect_dma semaphore(%arg18 : memref<!tpu.dma_semaphore, #tpu.memory_space<semaphore_mem>>) src(%arg9 : memref<128x128xbf16, #tpu.memory_space<vmem>>) dst(%dma_wait3A_180 : memref<10112x128xbf16, #tpu.memory_space<vmem_shared>>)
      } else {
      }
      %dma_start3A = arith.constant 0 : i32
      %dma_start3A_65 = arith.constant 0 : i32
      %dma_start3A_66 = tpu.memref_slice %arg7[%rem3A_53, %dma_start3A, %dma_start3A_65] : memref<2x4x128xi32, #tpu.memory_space<vmem>> -> memref<1x1x128xi32, #tpu.memory_space<vmem>>
      %dma_start3A_67 = tpu.memref_squeeze %dma_start3A_66 : memref<1x1x128xi32, #tpu.memory_space<vmem>> -> memref<128xi32, #tpu.memory_space<vmem>>
      %dma_start3A_68 = arith.constant 0 : i32
      %dma_start3A_69 = arith.constant 0 : i32
      %dma_start3A_70 = tpu.memref_slice %arg3[%dma_start3A_68, %dma_start3A_69] : memref<10112x128xbf16, #tpu.memory_space<hbm>> -> memref<10112x128xbf16, #tpu.memory_space<hbm>>
      tpu.enqueue_indirect_dma source(%dma_start3A_70 : memref<10112x128xbf16, #tpu.memory_space<hbm>>) target(%arg9 : memref<128x128xbf16, #tpu.memory_space<vmem>>) offsets(%dma_start3A_67 : memref<128xi32, #tpu.memory_space<vmem>>) semaphore(%arg14 : memref<!tpu.dma_semaphore, #tpu.memory_space<semaphore_mem>>)
      %gt3A_71 = arith.constant 0 : i32
      %gt3A_72 = arith.cmpi sgt, %while3A_52, %gt3A_71 : i32
      %convert_element_type3A_73 = arith.extui %gt3A_72 : i1 to i32
      %cond3A_74 = arith.constant 0 : i32
      %cond3A_75 = arith.cmpi ne, %convert_element_type3A_73, %cond3A_74 : i32
      scf.if %cond3A_75 {
        %dma_wait3A_173 = arith.constant 0 : i32
        %dma_wait3A_174 = arith.constant 1 : i32
        %dma_wait3A_175 = arith.constant 0 : i32
        %dma_wait3A_176 = tpu.memref_slice %arg8[%dma_wait3A_173, %dma_wait3A_174, %dma_wait3A_175] : memref<2x4x128xi32, #tpu.memory_space<vmem>> -> memref<1x1x128xi32, #tpu.memory_space<vmem>>
        %dma_wait3A_177 = tpu.memref_squeeze %dma_wait3A_176 : memref<1x1x128xi32, #tpu.memory_space<vmem>> -> memref<128xi32, #tpu.memory_space<vmem>>
        %dma_wait3A_178 = arith.constant 0 : i32
        %dma_wait3A_179 = arith.constant 0 : i32
        %dma_wait3A_180 = tpu.memref_slice %arg13[%dma_wait3A_178, %dma_wait3A_179] : memref<10112x128xbf16, #tpu.memory_space<vmem_shared>> -> memref<10112x128xbf16, #tpu.memory_space<vmem_shared>>
        tpu.wait_indirect_dma semaphore(%arg19 : memref<!tpu.dma_semaphore, #tpu.memory_space<semaphore_mem>>) src(%arg10 : memref<128x128xbf16, #tpu.memory_space<vmem>>) dst(%dma_wait3A_180 : memref<10112x128xbf16, #tpu.memory_space<vmem_shared>>)
      } else {
      }
      %dma_start3A_76 = arith.constant 1 : i32
      %dma_start3A_77 = arith.constant 0 : i32
      %dma_start3A_78 = tpu.memref_slice %arg7[%rem3A_53, %dma_start3A_76, %dma_start3A_77] : memref<2x4x128xi32, #tpu.memory_space<vmem>> -> memref<1x1x128xi32, #tpu.memory_space<vmem>>
      %dma_start3A_79 = tpu.memref_squeeze %dma_start3A_78 : memref<1x1x128xi32, #tpu.memory_space<vmem>> -> memref<128xi32, #tpu.memory_space<vmem>>
      %dma_start3A_80 = arith.constant 0 : i32
      %dma_start3A_81 = arith.constant 0 : i32
      %dma_start3A_82 = tpu.memref_slice %arg3[%dma_start3A_80, %dma_start3A_81] : memref<10112x128xbf16, #tpu.memory_space<hbm>> -> memref<10112x128xbf16, #tpu.memory_space<hbm>>
      tpu.enqueue_indirect_dma source(%dma_start3A_82 : memref<10112x128xbf16, #tpu.memory_space<hbm>>) target(%arg10 : memref<128x128xbf16, #tpu.memory_space<vmem>>) offsets(%dma_start3A_79 : memref<128xi32, #tpu.memory_space<vmem>>) semaphore(%arg15 : memref<!tpu.dma_semaphore, #tpu.memory_space<semaphore_mem>>)
      %gt3A_83 = arith.constant 0 : i32
      %gt3A_84 = arith.cmpi sgt, %while3A_52, %gt3A_83 : i32
      %convert_element_type3A_85 = arith.extui %gt3A_84 : i1 to i32
      %cond3A_86 = arith.constant 0 : i32
      %cond3A_87 = arith.cmpi ne, %convert_element_type3A_85, %cond3A_86 : i32
      scf.if %cond3A_87 {
        %dma_wait3A_173 = arith.constant 0 : i32
        %dma_wait3A_174 = arith.constant 2 : i32
        %dma_wait3A_175 = arith.constant 0 : i32
        %dma_wait3A_176 = tpu.memref_slice %arg8[%dma_wait3A_173, %dma_wait3A_174, %dma_wait3A_175] : memref<2x4x128xi32, #tpu.memory_space<vmem>> -> memref<1x1x128xi32, #tpu.memory_space<vmem>>
        %dma_wait3A_177 = tpu.memref_squeeze %dma_wait3A_176 : memref<1x1x128xi32, #tpu.memory_space<vmem>> -> memref<128xi32, #tpu.memory_space<vmem>>
        %dma_wait3A_178 = arith.constant 0 : i32
        %dma_wait3A_179 = arith.constant 0 : i32
        %dma_wait3A_180 = tpu.memref_slice %arg13[%dma_wait3A_178, %dma_wait3A_179] : memref<10112x128xbf16, #tpu.memory_space<vmem_shared>> -> memref<10112x128xbf16, #tpu.memory_space<vmem_shared>>
        tpu.wait_indirect_dma semaphore(%arg20 : memref<!tpu.dma_semaphore, #tpu.memory_space<semaphore_mem>>) src(%arg11 : memref<128x128xbf16, #tpu.memory_space<vmem>>) dst(%dma_wait3A_180 : memref<10112x128xbf16, #tpu.memory_space<vmem_shared>>)
      } else {
      }
      %dma_start3A_88 = arith.constant 2 : i32
      %dma_start3A_89 = arith.constant 0 : i32
      %dma_start3A_90 = tpu.memref_slice %arg7[%rem3A_53, %dma_start3A_88, %dma_start3A_89] : memref<2x4x128xi32, #tpu.memory_space<vmem>> -> memref<1x1x128xi32, #tpu.memory_space<vmem>>
      %dma_start3A_91 = tpu.memref_squeeze %dma_start3A_90 : memref<1x1x128xi32, #tpu.memory_space<vmem>> -> memref<128xi32, #tpu.memory_space<vmem>>
      %dma_start3A_92 = arith.constant 0 : i32
      %dma_start3A_93 = arith.constant 0 : i32
      %dma_start3A_94 = tpu.memref_slice %arg3[%dma_start3A_92, %dma_start3A_93] : memref<10112x128xbf16, #tpu.memory_space<hbm>> -> memref<10112x128xbf16, #tpu.memory_space<hbm>>
      tpu.enqueue_indirect_dma source(%dma_start3A_94 : memref<10112x128xbf16, #tpu.memory_space<hbm>>) target(%arg11 : memref<128x128xbf16, #tpu.memory_space<vmem>>) offsets(%dma_start3A_91 : memref<128xi32, #tpu.memory_space<vmem>>) semaphore(%arg16 : memref<!tpu.dma_semaphore, #tpu.memory_space<semaphore_mem>>)
      %gt3A_95 = arith.constant 0 : i32
      %gt3A_96 = arith.cmpi sgt, %while3A_52, %gt3A_95 : i32
      %convert_element_type3A_97 = arith.extui %gt3A_96 : i1 to i32
      %cond3A_98 = arith.constant 0 : i32
      %cond3A_99 = arith.cmpi ne, %convert_element_type3A_97, %cond3A_98 : i32
      scf.if %cond3A_99 {
        %dma_wait3A_173 = arith.constant 0 : i32
        %dma_wait3A_174 = arith.constant 3 : i32
        %dma_wait3A_175 = arith.constant 0 : i32
        %dma_wait3A_176 = tpu.memref_slice %arg8[%dma_wait3A_173, %dma_wait3A_174, %dma_wait3A_175] : memref<2x4x128xi32, #tpu.memory_space<vmem>> -> memref<1x1x128xi32, #tpu.memory_space<vmem>>
        %dma_wait3A_177 = tpu.memref_squeeze %dma_wait3A_176 : memref<1x1x128xi32, #tpu.memory_space<vmem>> -> memref<128xi32, #tpu.memory_space<vmem>>
        %dma_wait3A_178 = arith.constant 0 : i32
        %dma_wait3A_179 = arith.constant 0 : i32
        %dma_wait3A_180 = tpu.memref_slice %arg13[%dma_wait3A_178, %dma_wait3A_179] : memref<10112x128xbf16, #tpu.memory_space<vmem_shared>> -> memref<10112x128xbf16, #tpu.memory_space<vmem_shared>>
        tpu.wait_indirect_dma semaphore(%arg21 : memref<!tpu.dma_semaphore, #tpu.memory_space<semaphore_mem>>) src(%arg12 : memref<128x128xbf16, #tpu.memory_space<vmem>>) dst(%dma_wait3A_180 : memref<10112x128xbf16, #tpu.memory_space<vmem_shared>>)
      } else {
      }
      %dma_start3A_100 = arith.constant 3 : i32
      %dma_start3A_101 = arith.constant 0 : i32
      %dma_start3A_102 = tpu.memref_slice %arg7[%rem3A_53, %dma_start3A_100, %dma_start3A_101] : memref<2x4x128xi32, #tpu.memory_space<vmem>> -> memref<1x1x128xi32, #tpu.memory_space<vmem>>
      %dma_start3A_103 = tpu.memref_squeeze %dma_start3A_102 : memref<1x1x128xi32, #tpu.memory_space<vmem>> -> memref<128xi32, #tpu.memory_space<vmem>>
      %dma_start3A_104 = arith.constant 0 : i32
      %dma_start3A_105 = arith.constant 0 : i32
      %dma_start3A_106 = tpu.memref_slice %arg3[%dma_start3A_104, %dma_start3A_105] : memref<10112x128xbf16, #tpu.memory_space<hbm>> -> memref<10112x128xbf16, #tpu.memory_space<hbm>>
      tpu.enqueue_indirect_dma source(%dma_start3A_106 : memref<10112x128xbf16, #tpu.memory_space<hbm>>) target(%arg12 : memref<128x128xbf16, #tpu.memory_space<vmem>>) offsets(%dma_start3A_103 : memref<128xi32, #tpu.memory_space<vmem>>) semaphore(%arg17 : memref<!tpu.dma_semaphore, #tpu.memory_space<semaphore_mem>>)
      %dma_wait3A_107 = arith.constant 0 : i32
      %dma_wait3A_108 = arith.constant 0 : i32
      %dma_wait3A_109 = arith.constant 0 : i32
      %dma_wait3A_110 = tpu.memref_slice %arg7[%dma_wait3A_107, %dma_wait3A_108, %dma_wait3A_109] : memref<2x4x128xi32, #tpu.memory_space<vmem>> -> memref<1x1x128xi32, #tpu.memory_space<vmem>>
      %dma_wait3A_111 = tpu.memref_squeeze %dma_wait3A_110 : memref<1x1x128xi32, #tpu.memory_space<vmem>> -> memref<128xi32, #tpu.memory_space<vmem>>
      %dma_wait3A_112 = arith.constant 0 : i32
      %dma_wait3A_113 = arith.constant 0 : i32
      %dma_wait3A_114 = tpu.memref_slice %arg3[%dma_wait3A_112, %dma_wait3A_113] : memref<10112x128xbf16, #tpu.memory_space<hbm>> -> memref<10112x128xbf16, #tpu.memory_space<hbm>>
      tpu.wait_indirect_dma semaphore(%arg14 : memref<!tpu.dma_semaphore, #tpu.memory_space<semaphore_mem>>) src(%dma_wait3A_114 : memref<10112x128xbf16, #tpu.memory_space<hbm>>) dst(%arg9 : memref<128x128xbf16, #tpu.memory_space<vmem>>)
      %dma_start3A_115 = arith.constant 0 : i32
      %dma_start3A_116 = arith.constant 0 : i32
      %dma_start3A_117 = tpu.memref_slice %arg8[%rem3A_53, %dma_start3A_115, %dma_start3A_116] : memref<2x4x128xi32, #tpu.memory_space<vmem>> -> memref<1x1x128xi32, #tpu.memory_space<vmem>>
      %dma_start3A_118 = tpu.memref_squeeze %dma_start3A_117 : memref<1x1x128xi32, #tpu.memory_space<vmem>> -> memref<128xi32, #tpu.memory_space<vmem>>
      %dma_start3A_119 = arith.constant 0 : i32
      %dma_start3A_120 = arith.constant 0 : i32
      %dma_start3A_121 = tpu.memref_slice %arg13[%dma_start3A_119, %dma_start3A_120] : memref<10112x128xbf16, #tpu.memory_space<vmem_shared>> -> memref<10112x128xbf16, #tpu.memory_space<vmem_shared>>
      tpu.enqueue_indirect_dma source(%arg9 : memref<128x128xbf16, #tpu.memory_space<vmem>>) target(%dma_start3A_121 : memref<10112x128xbf16, #tpu.memory_space<vmem_shared>>) offsets(%dma_start3A_118 : memref<128xi32, #tpu.memory_space<vmem>>) semaphore(%arg18 : memref<!tpu.dma_semaphore, #tpu.memory_space<semaphore_mem>>) {add = true}
      %dma_wait3A_122 = arith.constant 0 : i32
      %dma_wait3A_123 = arith.constant 1 : i32
      %dma_wait3A_124 = arith.constant 0 : i32
      %dma_wait3A_125 = tpu.memref_slice %arg7[%dma_wait3A_122, %dma_wait3A_123, %dma_wait3A_124] : memref<2x4x128xi32, #tpu.memory_space<vmem>> -> memref<1x1x128xi32, #tpu.memory_space<vmem>>
      %dma_wait3A_126 = tpu.memref_squeeze %dma_wait3A_125 : memref<1x1x128xi32, #tpu.memory_space<vmem>> -> memref<128xi32, #tpu.memory_space<vmem>>
      %dma_wait3A_127 = arith.constant 0 : i32
      %dma_wait3A_128 = arith.constant 0 : i32
      %dma_wait3A_129 = tpu.memref_slice %arg3[%dma_wait3A_127, %dma_wait3A_128] : memref<10112x128xbf16, #tpu.memory_space<hbm>> -> memref<10112x128xbf16, #tpu.memory_space<hbm>>
      tpu.wait_indirect_dma semaphore(%arg15 : memref<!tpu.dma_semaphore, #tpu.memory_space<semaphore_mem>>) src(%dma_wait3A_129 : memref<10112x128xbf16, #tpu.memory_space<hbm>>) dst(%arg10 : memref<128x128xbf16, #tpu.memory_space<vmem>>)
      %dma_start3A_130 = arith.constant 1 : i32
      %dma_start3A_131 = arith.constant 0 : i32
      %dma_start3A_132 = tpu.memref_slice %arg8[%rem3A_53, %dma_start3A_130, %dma_start3A_131] : memref<2x4x128xi32, #tpu.memory_space<vmem>> -> memref<1x1x128xi32, #tpu.memory_space<vmem>>
      %dma_start3A_133 = tpu.memref_squeeze %dma_start3A_132 : memref<1x1x128xi32, #tpu.memory_space<vmem>> -> memref<128xi32, #tpu.memory_space<vmem>>
      %dma_start3A_134 = arith.constant 0 : i32
      %dma_start3A_135 = arith.constant 0 : i32
      %dma_start3A_136 = tpu.memref_slice %arg13[%dma_start3A_134, %dma_start3A_135] : memref<10112x128xbf16, #tpu.memory_space<vmem_shared>> -> memref<10112x128xbf16, #tpu.memory_space<vmem_shared>>
      tpu.enqueue_indirect_dma source(%arg10 : memref<128x128xbf16, #tpu.memory_space<vmem>>) target(%dma_start3A_136 : memref<10112x128xbf16, #tpu.memory_space<vmem_shared>>) offsets(%dma_start3A_133 : memref<128xi32, #tpu.memory_space<vmem>>) semaphore(%arg19 : memref<!tpu.dma_semaphore, #tpu.memory_space<semaphore_mem>>) {add = true}
      %dma_wait3A_137 = arith.constant 0 : i32
      %dma_wait3A_138 = arith.constant 2 : i32
      %dma_wait3A_139 = arith.constant 0 : i32
      %dma_wait3A_140 = tpu.memref_slice %arg7[%dma_wait3A_137, %dma_wait3A_138, %dma_wait3A_139] : memref<2x4x128xi32, #tpu.memory_space<vmem>> -> memref<1x1x128xi32, #tpu.memory_space<vmem>>
      %dma_wait3A_141 = tpu.memref_squeeze %dma_wait3A_140 : memref<1x1x128xi32, #tpu.memory_space<vmem>> -> memref<128xi32, #tpu.memory_space<vmem>>
      %dma_wait3A_142 = arith.constant 0 : i32
      %dma_wait3A_143 = arith.constant 0 : i32
      %dma_wait3A_144 = tpu.memref_slice %arg3[%dma_wait3A_142, %dma_wait3A_143] : memref<10112x128xbf16, #tpu.memory_space<hbm>> -> memref<10112x128xbf16, #tpu.memory_space<hbm>>
      tpu.wait_indirect_dma semaphore(%arg16 : memref<!tpu.dma_semaphore, #tpu.memory_space<semaphore_mem>>) src(%dma_wait3A_144 : memref<10112x128xbf16, #tpu.memory_space<hbm>>) dst(%arg11 : memref<128x128xbf16, #tpu.memory_space<vmem>>)
      %dma_start3A_145 = arith.constant 2 : i32
      %dma_start3A_146 = arith.constant 0 : i32
      %dma_start3A_147 = tpu.memref_slice %arg8[%rem3A_53, %dma_start3A_145, %dma_start3A_146] : memref<2x4x128xi32, #tpu.memory_space<vmem>> -> memref<1x1x128xi32, #tpu.memory_space<vmem>>
      %dma_start3A_148 = tpu.memref_squeeze %dma_start3A_147 : memref<1x1x128xi32, #tpu.memory_space<vmem>> -> memref<128xi32, #tpu.memory_space<vmem>>
      %dma_start3A_149 = arith.constant 0 : i32
      %dma_start3A_150 = arith.constant 0 : i32
      %dma_start3A_151 = tpu.memref_slice %arg13[%dma_start3A_149, %dma_start3A_150] : memref<10112x128xbf16, #tpu.memory_space<vmem_shared>> -> memref<10112x128xbf16, #tpu.memory_space<vmem_shared>>
      tpu.enqueue_indirect_dma source(%arg11 : memref<128x128xbf16, #tpu.memory_space<vmem>>) target(%dma_start3A_151 : memref<10112x128xbf16, #tpu.memory_space<vmem_shared>>) offsets(%dma_start3A_148 : memref<128xi32, #tpu.memory_space<vmem>>) semaphore(%arg20 : memref<!tpu.dma_semaphore, #tpu.memory_space<semaphore_mem>>) {add = true}
      %dma_wait3A_152 = arith.constant 0 : i32
      %dma_wait3A_153 = arith.constant 3 : i32
      %dma_wait3A_154 = arith.constant 0 : i32
      %dma_wait3A_155 = tpu.memref_slice %arg7[%dma_wait3A_152, %dma_wait3A_153, %dma_wait3A_154] : memref<2x4x128xi32, #tpu.memory_space<vmem>> -> memref<1x1x128xi32, #tpu.memory_space<vmem>>
      %dma_wait3A_156 = tpu.memref_squeeze %dma_wait3A_155 : memref<1x1x128xi32, #tpu.memory_space<vmem>> -> memref<128xi32, #tpu.memory_space<vmem>>
      %dma_wait3A_157 = arith.constant 0 : i32
      %dma_wait3A_158 = arith.constant 0 : i32
      %dma_wait3A_159 = tpu.memref_slice %arg3[%dma_wait3A_157, %dma_wait3A_158] : memref<10112x128xbf16, #tpu.memory_space<hbm>> -> memref<10112x128xbf16, #tpu.memory_space<hbm>>
      tpu.wait_indirect_dma semaphore(%arg17 : memref<!tpu.dma_semaphore, #tpu.memory_space<semaphore_mem>>) src(%dma_wait3A_159 : memref<10112x128xbf16, #tpu.memory_space<hbm>>) dst(%arg12 : memref<128x128xbf16, #tpu.memory_space<vmem>>)
      %dma_start3A_160 = arith.constant 3 : i32
      %dma_start3A_161 = arith.constant 0 : i32
      %dma_start3A_162 = tpu.memref_slice %arg8[%rem3A_53, %dma_start3A_160, %dma_start3A_161] : memref<2x4x128xi32, #tpu.memory_space<vmem>> -> memref<1x1x128xi32, #tpu.memory_space<vmem>>
      %dma_start3A_163 = tpu.memref_squeeze %dma_start3A_162 : memref<1x1x128xi32, #tpu.memory_space<vmem>> -> memref<128xi32, #tpu.memory_space<vmem>>
      %dma_start3A_164 = arith.constant 0 : i32
      %dma_start3A_165 = arith.constant 0 : i32
      %dma_start3A_166 = tpu.memref_slice %arg13[%dma_start3A_164, %dma_start3A_165] : memref<10112x128xbf16, #tpu.memory_space<vmem_shared>> -> memref<10112x128xbf16, #tpu.memory_space<vmem_shared>>
      tpu.enqueue_indirect_dma source(%arg12 : memref<128x128xbf16, #tpu.memory_space<vmem>>) target(%dma_start3A_166 : memref<10112x128xbf16, #tpu.memory_space<vmem_shared>>) offsets(%dma_start3A_163 : memref<128xi32, #tpu.memory_space<vmem>>) semaphore(%arg21 : memref<!tpu.dma_semaphore, #tpu.memory_space<semaphore_mem>>) {add = true}
      %add3A_167 = arith.constant 1 : i32
      %add3A_168 = arith.addi %while3A_52, %add3A_167 : i32
      %lt3A_169 = arith.cmpi slt, %add3A_168, %select_n3A_9 : i32
      %convert_element_type3A_170 = arith.extui %lt3A_169 : i1 to i32
      %cond3A_171 = arith.constant 0 : i32
      %cond3A_172 = arith.cmpi ne, %convert_element_type3A_170, %cond3A_171 : i32
      scf.if %cond3A_172 {
        %dma_wait3A_173 = arith.constant 0 : i32
        %dma_wait3A_174 = arith.constant 0 : i32
        %dma_wait3A_175 = arith.constant 0 : i32
        %dma_wait3A_176 = tpu.memref_slice %arg8[%dma_wait3A_173, %dma_wait3A_174, %dma_wait3A_175] : memref<2x4x128xi32, #tpu.memory_space<vmem>> -> memref<1x4x128xi32, #tpu.memory_space<vmem>>
        %dma_wait3A_177 = tpu.memref_squeeze %dma_wait3A_176 : memref<1x4x128xi32, #tpu.memory_space<vmem>> -> memref<4x128xi32, #tpu.memory_space<vmem>>
        %dma_wait3A_178 = arith.constant 0 : i32
        %dma_wait3A_179 = arith.constant 0 : i32
        %dma_wait3A_180 = tpu.memref_slice %arg5[%dma_wait3A_178, %dma_wait3A_179] : memref<2560x128xi32, #tpu.memory_space<hbm>> -> memref<4x128xi32, #tpu.memory_space<hbm>>
        %dma_wait3A_181 = arith.constant 0 : i32
        %dma_wait3A_182 = arith.constant 0 : i32
        %dma_wait3A_183 = tpu.memref_slice %arg8[%dma_wait3A_173, %dma_wait3A_181, %dma_wait3A_182] : memref<2x4x128xi32, #tpu.memory_space<vmem>> -> memref<1x4x128xi32, #tpu.memory_space<vmem>>
        %dma_wait3A_184 = tpu.memref_squeeze %dma_wait3A_183 : memref<1x4x128xi32, #tpu.memory_space<vmem>> -> memref<4x128xi32, #tpu.memory_space<vmem>>
        %dma_wait3A_185 = arith.constant 0 : i32
        %dma_wait3A_186 = arith.constant 0 : i32
        %dma_wait3A_187 = tpu.memref_slice %arg5[%dma_wait3A_185, %dma_wait3A_186] : memref<2560x128xi32, #tpu.memory_space<hbm>> -> memref<4x128xi32, #tpu.memory_space<hbm>>
        tpu.wait_dma2 semaphore(%arg22 : memref<!tpu.dma_semaphore, #tpu.memory_space<semaphore_mem>>) src(%dma_wait3A_187 : memref<4x128xi32, #tpu.memory_space<hbm>>) dst(%dma_wait3A_184 : memref<4x128xi32, #tpu.memory_space<vmem>>)
        %dma_wait3A_188 = arith.constant 0 : i32
        %dma_wait3A_189 = arith.constant 0 : i32
        %dma_wait3A_190 = arith.constant 0 : i32
        %dma_wait3A_191 = tpu.memref_slice %arg7[%dma_wait3A_188, %dma_wait3A_189, %dma_wait3A_190] : memref<2x4x128xi32, #tpu.memory_space<vmem>> -> memref<1x4x128xi32, #tpu.memory_space<vmem>>
        %dma_wait3A_192 = tpu.memref_squeeze %dma_wait3A_191 : memref<1x4x128xi32, #tpu.memory_space<vmem>> -> memref<4x128xi32, #tpu.memory_space<vmem>>
        %dma_wait3A_193 = arith.constant 0 : i32
        %dma_wait3A_194 = arith.constant 0 : i32
        %dma_wait3A_195 = tpu.memref_slice %arg4[%dma_wait3A_193, %dma_wait3A_194] : memref<2560x128xi32, #tpu.memory_space<hbm>> -> memref<4x128xi32, #tpu.memory_space<hbm>>
        %dma_wait3A_196 = arith.constant 0 : i32
        %dma_wait3A_197 = arith.constant 0 : i32
        %dma_wait3A_198 = tpu.memref_slice %arg7[%dma_wait3A_188, %dma_wait3A_196, %dma_wait3A_197] : memref<2x4x128xi32, #tpu.memory_space<vmem>> -> memref<1x4x128xi32, #tpu.memory_space<vmem>>
        %dma_wait3A_199 = tpu.memref_squeeze %dma_wait3A_198 : memref<1x4x128xi32, #tpu.memory_space<vmem>> -> memref<4x128xi32, #tpu.memory_space<vmem>>
        %dma_wait3A_200 = arith.constant 0 : i32
        %dma_wait3A_201 = arith.constant 0 : i32
        %dma_wait3A_202 = tpu.memref_slice %arg4[%dma_wait3A_200, %dma_wait3A_201] : memref<2560x128xi32, #tpu.memory_space<hbm>> -> memref<4x128xi32, #tpu.memory_space<hbm>>
        tpu.wait_dma2 semaphore(%arg22 : memref<!tpu.dma_semaphore, #tpu.memory_space<semaphore_mem>>) src(%dma_wait3A_202 : memref<4x128xi32, #tpu.memory_space<hbm>>) dst(%dma_wait3A_199 : memref<4x128xi32, #tpu.memory_space<vmem>>)
      } else {
      }
    }
    %dma_wait3A = arith.constant 0 : i32
    %dma_wait3A_20 = arith.constant 0 : i32
    %dma_wait3A_21 = arith.constant 0 : i32
    %dma_wait3A_22 = tpu.memref_slice %arg8[%dma_wait3A, %dma_wait3A_20, %dma_wait3A_21] : memref<2x4x128xi32, #tpu.memory_space<vmem>> -> memref<1x1x128xi32, #tpu.memory_space<vmem>>
    %dma_wait3A_23 = tpu.memref_squeeze %dma_wait3A_22 : memref<1x1x128xi32, #tpu.memory_space<vmem>> -> memref<128xi32, #tpu.memory_space<vmem>>
    %dma_wait3A_24 = arith.constant 0 : i32
    %dma_wait3A_25 = arith.constant 0 : i32
    %dma_wait3A_26 = tpu.memref_slice %arg13[%dma_wait3A_24, %dma_wait3A_25] : memref<10112x128xbf16, #tpu.memory_space<vmem_shared>> -> memref<10112x128xbf16, #tpu.memory_space<vmem_shared>>
    tpu.wait_indirect_dma semaphore(%arg18 : memref<!tpu.dma_semaphore, #tpu.memory_space<semaphore_mem>>) src(%arg9 : memref<128x128xbf16, #tpu.memory_space<vmem>>) dst(%dma_wait3A_26 : memref<10112x128xbf16, #tpu.memory_space<vmem_shared>>)
    %dma_wait3A_27 = arith.constant 0 : i32
    %dma_wait3A_28 = arith.constant 1 : i32
    %dma_wait3A_29 = arith.constant 0 : i32
    %dma_wait3A_30 = tpu.memref_slice %arg8[%dma_wait3A_27, %dma_wait3A_28, %dma_wait3A_29] : memref<2x4x128xi32, #tpu.memory_space<vmem>> -> memref<1x1x128xi32, #tpu.memory_space<vmem>>
    %dma_wait3A_31 = tpu.memref_squeeze %dma_wait3A_30 : memref<1x1x128xi32, #tpu.memory_space<vmem>> -> memref<128xi32, #tpu.memory_space<vmem>>
    %dma_wait3A_32 = arith.constant 0 : i32
    %dma_wait3A_33 = arith.constant 0 : i32
    %dma_wait3A_34 = tpu.memref_slice %arg13[%dma_wait3A_32, %dma_wait3A_33] : memref<10112x128xbf16, #tpu.memory_space<vmem_shared>> -> memref<10112x128xbf16, #tpu.memory_space<vmem_shared>>
    tpu.wait_indirect_dma semaphore(%arg19 : memref<!tpu.dma_semaphore, #tpu.memory_space<semaphore_mem>>) src(%arg10 : memref<128x128xbf16, #tpu.memory_space<vmem>>) dst(%dma_wait3A_34 : memref<10112x128xbf16, #tpu.memory_space<vmem_shared>>)
    %dma_wait3A_35 = arith.constant 0 : i32
    %dma_wait3A_36 = arith.constant 2 : i32
    %dma_wait3A_37 = arith.constant 0 : i32
    %dma_wait3A_38 = tpu.memref_slice %arg8[%dma_wait3A_35, %dma_wait3A_36, %dma_wait3A_37] : memref<2x4x128xi32, #tpu.memory_space<vmem>> -> memref<1x1x128xi32, #tpu.memory_space<vmem>>
    %dma_wait3A_39 = tpu.memref_squeeze %dma_wait3A_38 : memref<1x1x128xi32, #tpu.memory_space<vmem>> -> memref<128xi32, #tpu.memory_space<vmem>>
    %dma_wait3A_40 = arith.constant 0 : i32
    %dma_wait3A_41 = arith.constant 0 : i32
    %dma_wait3A_42 = tpu.memref_slice %arg13[%dma_wait3A_40, %dma_wait3A_41] : memref<10112x128xbf16, #tpu.memory_space<vmem_shared>> -> memref<10112x128xbf16, #tpu.memory_space<vmem_shared>>
    tpu.wait_indirect_dma semaphore(%arg20 : memref<!tpu.dma_semaphore, #tpu.memory_space<semaphore_mem>>) src(%arg11 : memref<128x128xbf16, #tpu.memory_space<vmem>>) dst(%dma_wait3A_42 : memref<10112x128xbf16, #tpu.memory_space<vmem_shared>>)
    %dma_wait3A_43 = arith.constant 0 : i32
    %dma_wait3A_44 = arith.constant 3 : i32
    %dma_wait3A_45 = arith.constant 0 : i32
    %dma_wait3A_46 = tpu.memref_slice %arg8[%dma_wait3A_43, %dma_wait3A_44, %dma_wait3A_45] : memref<2x4x128xi32, #tpu.memory_space<vmem>> -> memref<1x1x128xi32, #tpu.memory_space<vmem>>
    %dma_wait3A_47 = tpu.memref_squeeze %dma_wait3A_46 : memref<1x1x128xi32, #tpu.memory_space<vmem>> -> memref<128xi32, #tpu.memory_space<vmem>>
    %dma_wait3A_48 = arith.constant 0 : i32
    %dma_wait3A_49 = arith.constant 0 : i32
    %dma_wait3A_50 = tpu.memref_slice %arg13[%dma_wait3A_48, %dma_wait3A_49] : memref<10112x128xbf16, #tpu.memory_space<vmem_shared>> -> memref<10112x128xbf16, #tpu.memory_space<vmem_shared>>
    tpu.wait_indirect_dma semaphore(%arg21 : memref<!tpu.dma_semaphore, #tpu.memory_space<semaphore_mem>>) src(%arg12 : memref<128x128xbf16, #tpu.memory_space<vmem>>) dst(%dma_wait3A_50 : memref<10112x128xbf16, #tpu.memory_space<vmem_shared>>)
    %barrier3A_51 = arith.constant 0 : index
    tpu.barrier barrier_id(%barrier3A_51)
    "tpu.region"() ({
      %run_scoped3A_52 = tpu.sem_alloc : memref<!tpu.dma_semaphore, #tpu.memory_space<semaphore_mem>>
      %dma_start3A = arith.constant 0 : i32
      %dma_start3A_53 = tpu.memref_slice %arg6[%arg0, %mul3A_0, %dma_start3A] : memref<2x10112x128xbf16, #tpu.memory_space<hbm>> -> memref<1x632x128xbf16, #tpu.memory_space<hbm>>
      %dma_start3A_54 = tpu.memref_squeeze %dma_start3A_53 : memref<1x632x128xbf16, #tpu.memory_space<hbm>> -> memref<632x128xbf16, #tpu.memory_space<hbm>>
      %dma_start3A_55 = arith.constant 0 : i32
      %dma_start3A_56 = tpu.memref_slice %arg13[%mul3A_0, %dma_start3A_55] : memref<10112x128xbf16, #tpu.memory_space<vmem_shared>> -> memref<632x128xbf16, #tpu.memory_space<vmem_shared>>
      tpu.enqueue_dma source(%dma_start3A_56 : memref<632x128xbf16, #tpu.memory_space<vmem_shared>>) target(%dma_start3A_54 : memref<632x128xbf16, #tpu.memory_space<hbm>>) target_semaphore(%run_scoped3A_52 : memref<!tpu.dma_semaphore, #tpu.memory_space<semaphore_mem>>)
      %dma_wait3A_57 = arith.constant 0 : i32
      %dma_wait3A_58 = tpu.memref_slice %arg6[%arg0, %mul3A_0, %dma_wait3A_57] : memref<2x10112x128xbf16, #tpu.memory_space<hbm>> -> memref<1x632x128xbf16, #tpu.memory_space<hbm>>
      %dma_wait3A_59 = tpu.memref_squeeze %dma_wait3A_58 : memref<1x632x128xbf16, #tpu.memory_space<hbm>> -> memref<632x128xbf16, #tpu.memory_space<hbm>>
      %dma_wait3A_60 = arith.constant 0 : i32
      %dma_wait3A_61 = tpu.memref_slice %arg13[%mul3A_0, %dma_wait3A_60] : memref<10112x128xbf16, #tpu.memory_space<vmem_shared>> -> memref<632x128xbf16, #tpu.memory_space<vmem_shared>>
      tpu.wait_dma2 semaphore(%run_scoped3A_52 : memref<!tpu.dma_semaphore, #tpu.memory_space<semaphore_mem>>) src(%dma_wait3A_61 : memref<632x128xbf16, #tpu.memory_space<vmem_shared>>) dst(%dma_wait3A_59 : memref<632x128xbf16, #tpu.memory_space<hbm>>)
      tpu.yield
    }) : () -> ()
    return
  }
}

#map = affine_map<(d0, d1) -> (0, 0)>
#map1 = affine_map<(d0, d1) -> (0, 0, 0)>
module attributes {stable_mosaic.version = 14 : i64} {
  func.func @sc_pass(%arg0: i32, %arg1: i32, %arg2: memref<10112x160xbf16, #tpu.memory_space<hbm>>, %arg3: memref<10112x160xbf16, #tpu.memory_space<hbm>>, %arg4: memref<2560x128xi32, #tpu.memory_space<hbm>>, %arg5: memref<2560x128xi32, #tpu.memory_space<hbm>>, %arg6: memref<2x10112x160xbf16, #tpu.memory_space<hbm>>, %arg7: memref<2x4x128xi32, #tpu.memory_space<vmem>>, %arg8: memref<2x4x128xi32, #tpu.memory_space<vmem>>, %arg9: memref<128x160xbf16, #tpu.memory_space<vmem>>, %arg10: memref<128x160xbf16, #tpu.memory_space<vmem>>, %arg11: memref<128x160xbf16, #tpu.memory_space<vmem>>, %arg12: memref<128x160xbf16, #tpu.memory_space<vmem>>, %arg13: memref<10112x160xbf16, #tpu.memory_space<vmem_shared>>, %arg14: memref<!tpu.dma_semaphore, #tpu.memory_space<semaphore_mem>>, %arg15: memref<!tpu.dma_semaphore, #tpu.memory_space<semaphore_mem>>, %arg16: memref<!tpu.dma_semaphore, #tpu.memory_space<semaphore_mem>>, %arg17: memref<!tpu.dma_semaphore, #tpu.memory_space<semaphore_mem>>, %arg18: memref<!tpu.dma_semaphore, #tpu.memory_space<semaphore_mem>>, %arg19: memref<!tpu.dma_semaphore, #tpu.memory_space<semaphore_mem>>, %arg20: memref<!tpu.dma_semaphore, #tpu.memory_space<semaphore_mem>>, %arg21: memref<!tpu.dma_semaphore, #tpu.memory_space<semaphore_mem>>, %arg22: memref<!tpu.dma_semaphore, #tpu.memory_space<semaphore_mem>>) attributes {dimension_semantics = [#tpu.dimension_semantics<core_parallel>, #tpu.dimension_semantics<subcore_parallel>], iteration_bounds = array<i64: 2, 16>, scalar_prefetch = 0 : i64, scratch_operands = 16 : i64, tpu.core_type = #tpu.core_type<sc_vector_subcore>, window_params = [{transform_indices = #map}, {transform_indices = #map}, {transform_indices = #map}, {transform_indices = #map}, {transform_indices = #map1}]} {
    %mul3A = arith.constant 632 : i32
    %mul3A_0 = arith.muli %arg1, %mul3A : i32
    "tpu.region"() ({
      %run_scoped3A_52 = tpu.sem_alloc : memref<!tpu.dma_semaphore, #tpu.memory_space<semaphore_mem>>
      %dma_start3A = arith.constant 0 : i32
      %dma_start3A_53 = tpu.memref_slice %arg13[%mul3A_0, %dma_start3A] : memref<10112x160xbf16, #tpu.memory_space<vmem_shared>> -> memref<632x160xbf16, #tpu.memory_space<vmem_shared>>
      %dma_start3A_54 = arith.constant 0 : i32
      %dma_start3A_55 = tpu.memref_slice %arg2[%mul3A_0, %dma_start3A_54] : memref<10112x160xbf16, #tpu.memory_space<hbm>> -> memref<632x160xbf16, #tpu.memory_space<hbm>>
      tpu.enqueue_dma source(%dma_start3A_55 : memref<632x160xbf16, #tpu.memory_space<hbm>>) target(%dma_start3A_53 : memref<632x160xbf16, #tpu.memory_space<vmem_shared>>) target_semaphore(%run_scoped3A_52 : memref<!tpu.dma_semaphore, #tpu.memory_space<semaphore_mem>>)
      %dma_wait3A_56 = arith.constant 0 : i32
      %dma_wait3A_57 = tpu.memref_slice %arg13[%mul3A_0, %dma_wait3A_56] : memref<10112x160xbf16, #tpu.memory_space<vmem_shared>> -> memref<632x160xbf16, #tpu.memory_space<vmem_shared>>
      %dma_wait3A_58 = arith.constant 0 : i32
      %dma_wait3A_59 = tpu.memref_slice %arg2[%mul3A_0, %dma_wait3A_58] : memref<10112x160xbf16, #tpu.memory_space<hbm>> -> memref<632x160xbf16, #tpu.memory_space<hbm>>
      tpu.wait_dma2 semaphore(%run_scoped3A_52 : memref<!tpu.dma_semaphore, #tpu.memory_space<semaphore_mem>>) src(%dma_wait3A_59 : memref<632x160xbf16, #tpu.memory_space<hbm>>) dst(%dma_wait3A_57 : memref<632x160xbf16, #tpu.memory_space<vmem_shared>>)
      tpu.yield
    }) : () -> ()
    %mul3A_1 = arith.constant 160 : i32
    %mul3A_2 = arith.muli %arg1, %mul3A_1 : i32
    %eq3A = arith.constant 0 : i32
    %eq3A_3 = arith.cmpi eq, %arg0, %eq3A : i32
    %jit3A = arith.constant 0 : i32
    %jit3A_4 = arith.constant 116 : i32
    %select_n3A = arith.select %eq3A_3, %jit3A, %jit3A_4 : i32
    %add3A = arith.addi %mul3A_2, %select_n3A : i32
    %eq3A_5 = arith.constant 0 : i32
    %eq3A_6 = arith.cmpi eq, %arg0, %eq3A_5 : i32
    %jit3A_7 = arith.constant 29 : i32
    %jit3A_8 = arith.constant 11 : i32
    %select_n3A_9 = arith.select %eq3A_6, %jit3A_7, %jit3A_8 : i32
    %run_scoped3A = arith.constant 0 : i32
    "tpu.region"() ({
      %run_scoped3A_52 = tpu.sem_alloc : memref<!tpu.dma_semaphore, #tpu.memory_space<semaphore_mem>>
      %dma_start3A = arith.constant 0 : i32
      %dma_start3A_53 = arith.constant 0 : i32
      %dma_start3A_54 = tpu.memref_slice %arg8[%run_scoped3A, %dma_start3A, %dma_start3A_53] : memref<2x4x128xi32, #tpu.memory_space<vmem>> -> memref<1x4x128xi32, #tpu.memory_space<vmem>>
      %dma_start3A_55 = tpu.memref_squeeze %dma_start3A_54 : memref<1x4x128xi32, #tpu.memory_space<vmem>> -> memref<4x128xi32, #tpu.memory_space<vmem>>
      %dma_start3A_56 = arith.constant 0 : i32
      %dma_start3A_57 = tpu.memref_slice %arg5[%add3A, %dma_start3A_56] : memref<2560x128xi32, #tpu.memory_space<hbm>> -> memref<4x128xi32, #tpu.memory_space<hbm>>
      %dma_start3A_58 = arith.constant 0 : i32
      %dma_start3A_59 = arith.constant 0 : i32
      %dma_start3A_60 = tpu.memref_slice %arg8[%run_scoped3A, %dma_start3A_58, %dma_start3A_59] : memref<2x4x128xi32, #tpu.memory_space<vmem>> -> memref<1x4x128xi32, #tpu.memory_space<vmem>>
      %dma_start3A_61 = tpu.memref_squeeze %dma_start3A_60 : memref<1x4x128xi32, #tpu.memory_space<vmem>> -> memref<4x128xi32, #tpu.memory_space<vmem>>
      %dma_start3A_62 = arith.constant 0 : i32
      %dma_start3A_63 = tpu.memref_slice %arg5[%add3A, %dma_start3A_62] : memref<2560x128xi32, #tpu.memory_space<hbm>> -> memref<4x128xi32, #tpu.memory_space<hbm>>
      tpu.enqueue_dma source(%dma_start3A_63 : memref<4x128xi32, #tpu.memory_space<hbm>>) target(%dma_start3A_61 : memref<4x128xi32, #tpu.memory_space<vmem>>) target_semaphore(%run_scoped3A_52 : memref<!tpu.dma_semaphore, #tpu.memory_space<semaphore_mem>>)
      %dma_wait3A_64 = arith.constant 0 : i32
      %dma_wait3A_65 = arith.constant 0 : i32
      %dma_wait3A_66 = tpu.memref_slice %arg8[%run_scoped3A, %dma_wait3A_64, %dma_wait3A_65] : memref<2x4x128xi32, #tpu.memory_space<vmem>> -> memref<1x4x128xi32, #tpu.memory_space<vmem>>
      %dma_wait3A_67 = tpu.memref_squeeze %dma_wait3A_66 : memref<1x4x128xi32, #tpu.memory_space<vmem>> -> memref<4x128xi32, #tpu.memory_space<vmem>>
      %dma_wait3A_68 = arith.constant 0 : i32
      %dma_wait3A_69 = tpu.memref_slice %arg5[%add3A, %dma_wait3A_68] : memref<2560x128xi32, #tpu.memory_space<hbm>> -> memref<4x128xi32, #tpu.memory_space<hbm>>
      %dma_wait3A_70 = arith.constant 0 : i32
      %dma_wait3A_71 = arith.constant 0 : i32
      %dma_wait3A_72 = tpu.memref_slice %arg8[%run_scoped3A, %dma_wait3A_70, %dma_wait3A_71] : memref<2x4x128xi32, #tpu.memory_space<vmem>> -> memref<1x4x128xi32, #tpu.memory_space<vmem>>
      %dma_wait3A_73 = tpu.memref_squeeze %dma_wait3A_72 : memref<1x4x128xi32, #tpu.memory_space<vmem>> -> memref<4x128xi32, #tpu.memory_space<vmem>>
      %dma_wait3A_74 = arith.constant 0 : i32
      %dma_wait3A_75 = tpu.memref_slice %arg5[%add3A, %dma_wait3A_74] : memref<2560x128xi32, #tpu.memory_space<hbm>> -> memref<4x128xi32, #tpu.memory_space<hbm>>
      tpu.wait_dma2 semaphore(%run_scoped3A_52 : memref<!tpu.dma_semaphore, #tpu.memory_space<semaphore_mem>>) src(%dma_wait3A_75 : memref<4x128xi32, #tpu.memory_space<hbm>>) dst(%dma_wait3A_73 : memref<4x128xi32, #tpu.memory_space<vmem>>)
      tpu.yield
    }) : () -> ()
    %run_scoped3A_10 = arith.constant 0 : i32
    "tpu.region"() ({
      %run_scoped3A_52 = tpu.sem_alloc : memref<!tpu.dma_semaphore, #tpu.memory_space<semaphore_mem>>
      %dma_start3A = arith.constant 0 : i32
      %dma_start3A_53 = arith.constant 0 : i32
      %dma_start3A_54 = tpu.memref_slice %arg7[%run_scoped3A_10, %dma_start3A, %dma_start3A_53] : memref<2x4x128xi32, #tpu.memory_space<vmem>> -> memref<1x4x128xi32, #tpu.memory_space<vmem>>
      %dma_start3A_55 = tpu.memref_squeeze %dma_start3A_54 : memref<1x4x128xi32, #tpu.memory_space<vmem>> -> memref<4x128xi32, #tpu.memory_space<vmem>>
      %dma_start3A_56 = arith.constant 0 : i32
      %dma_start3A_57 = tpu.memref_slice %arg4[%add3A, %dma_start3A_56] : memref<2560x128xi32, #tpu.memory_space<hbm>> -> memref<4x128xi32, #tpu.memory_space<hbm>>
      %dma_start3A_58 = arith.constant 0 : i32
      %dma_start3A_59 = arith.constant 0 : i32
      %dma_start3A_60 = tpu.memref_slice %arg7[%run_scoped3A_10, %dma_start3A_58, %dma_start3A_59] : memref<2x4x128xi32, #tpu.memory_space<vmem>> -> memref<1x4x128xi32, #tpu.memory_space<vmem>>
      %dma_start3A_61 = tpu.memref_squeeze %dma_start3A_60 : memref<1x4x128xi32, #tpu.memory_space<vmem>> -> memref<4x128xi32, #tpu.memory_space<vmem>>
      %dma_start3A_62 = arith.constant 0 : i32
      %dma_start3A_63 = tpu.memref_slice %arg4[%add3A, %dma_start3A_62] : memref<2560x128xi32, #tpu.memory_space<hbm>> -> memref<4x128xi32, #tpu.memory_space<hbm>>
      tpu.enqueue_dma source(%dma_start3A_63 : memref<4x128xi32, #tpu.memory_space<hbm>>) target(%dma_start3A_61 : memref<4x128xi32, #tpu.memory_space<vmem>>) target_semaphore(%run_scoped3A_52 : memref<!tpu.dma_semaphore, #tpu.memory_space<semaphore_mem>>)
      %dma_wait3A_64 = arith.constant 0 : i32
      %dma_wait3A_65 = arith.constant 0 : i32
      %dma_wait3A_66 = tpu.memref_slice %arg7[%run_scoped3A_10, %dma_wait3A_64, %dma_wait3A_65] : memref<2x4x128xi32, #tpu.memory_space<vmem>> -> memref<1x4x128xi32, #tpu.memory_space<vmem>>
      %dma_wait3A_67 = tpu.memref_squeeze %dma_wait3A_66 : memref<1x4x128xi32, #tpu.memory_space<vmem>> -> memref<4x128xi32, #tpu.memory_space<vmem>>
      %dma_wait3A_68 = arith.constant 0 : i32
      %dma_wait3A_69 = tpu.memref_slice %arg4[%add3A, %dma_wait3A_68] : memref<2560x128xi32, #tpu.memory_space<hbm>> -> memref<4x128xi32, #tpu.memory_space<hbm>>
      %dma_wait3A_70 = arith.constant 0 : i32
      %dma_wait3A_71 = arith.constant 0 : i32
      %dma_wait3A_72 = tpu.memref_slice %arg7[%run_scoped3A_10, %dma_wait3A_70, %dma_wait3A_71] : memref<2x4x128xi32, #tpu.memory_space<vmem>> -> memref<1x4x128xi32, #tpu.memory_space<vmem>>
      %dma_wait3A_73 = tpu.memref_squeeze %dma_wait3A_72 : memref<1x4x128xi32, #tpu.memory_space<vmem>> -> memref<4x128xi32, #tpu.memory_space<vmem>>
      %dma_wait3A_74 = arith.constant 0 : i32
      %dma_wait3A_75 = tpu.memref_slice %arg4[%add3A, %dma_wait3A_74] : memref<2560x128xi32, #tpu.memory_space<hbm>> -> memref<4x128xi32, #tpu.memory_space<hbm>>
      tpu.wait_dma2 semaphore(%run_scoped3A_52 : memref<!tpu.dma_semaphore, #tpu.memory_space<semaphore_mem>>) src(%dma_wait3A_75 : memref<4x128xi32, #tpu.memory_space<hbm>>) dst(%dma_wait3A_73 : memref<4x128xi32, #tpu.memory_space<vmem>>)
      tpu.yield
    }) : () -> ()
    %barrier3A = arith.constant 0 : index
    tpu.barrier barrier_id(%barrier3A)
    %while3A = arith.constant 0 : i32
    %while3A_11 = arith.constant 0 : i32
    %while3A_12 = arith.subi %select_n3A_9, %while3A_11 : i32
    %while3A_13 = arith.addi %while3A_11, %while3A_12 : i32
    %while3A_14 = arith.constant 1 : i32
    %while3A_15 = arith.divsi %while3A_12, %while3A_14 : i32
    %while3A_16 = arith.muli %while3A_15, %while3A_14 : i32
    %while3A_17 = arith.addi %while3A_11, %while3A_16 : i32
    %while3A_18 = arith.constant 1 : i32
    scf.for %while3A_52 = %while3A_11 to %while3A_17 step %while3A_18  : i32 {
      %rem3A = arith.constant 2 : i32
      %rem3A_53 = arith.remsi %while3A_52, %rem3A : i32
      %add3A_54 = arith.constant 1 : i32
      %add3A_55 = arith.addi %while3A_52, %add3A_54 : i32
      %rem3A_56 = arith.constant 2 : i32
      %rem3A_57 = arith.remsi %add3A_55, %rem3A_56 : i32
      %add3A_58 = arith.constant 1 : i32
      %add3A_59 = arith.addi %while3A_52, %add3A_58 : i32
      %lt3A = arith.cmpi slt, %add3A_59, %select_n3A_9 : i32
      %convert_element_type3A = arith.extui %lt3A : i1 to i32
      %cond3A = arith.constant 0 : i32
      %cond3A_60 = arith.cmpi ne, %convert_element_type3A, %cond3A : i32
      scf.if %cond3A_60 {
        %add3A_173 = arith.constant 1 : i32
        %add3A_174 = arith.addi %while3A_52, %add3A_173 : i32
        %mul3A_175 = arith.constant 4 : i32
        %mul3A_176 = arith.muli %add3A_174, %mul3A_175 : i32
        %add3A_177 = arith.addi %add3A, %mul3A_176 : i32
        %dma_start3A_178 = arith.constant 0 : i32
        %dma_start3A_179 = arith.constant 0 : i32
        %dma_start3A_180 = tpu.memref_slice %arg8[%rem3A_57, %dma_start3A_178, %dma_start3A_179] : memref<2x4x128xi32, #tpu.memory_space<vmem>> -> memref<1x4x128xi32, #tpu.memory_space<vmem>>
        %dma_start3A_181 = tpu.memref_squeeze %dma_start3A_180 : memref<1x4x128xi32, #tpu.memory_space<vmem>> -> memref<4x128xi32, #tpu.memory_space<vmem>>
        %dma_start3A_182 = arith.constant 0 : i32
        %dma_start3A_183 = tpu.memref_slice %arg5[%add3A_177, %dma_start3A_182] : memref<2560x128xi32, #tpu.memory_space<hbm>> -> memref<4x128xi32, #tpu.memory_space<hbm>>
        %dma_start3A_184 = arith.constant 0 : i32
        %dma_start3A_185 = arith.constant 0 : i32
        %dma_start3A_186 = tpu.memref_slice %arg8[%rem3A_57, %dma_start3A_184, %dma_start3A_185] : memref<2x4x128xi32, #tpu.memory_space<vmem>> -> memref<1x4x128xi32, #tpu.memory_space<vmem>>
        %dma_start3A_187 = tpu.memref_squeeze %dma_start3A_186 : memref<1x4x128xi32, #tpu.memory_space<vmem>> -> memref<4x128xi32, #tpu.memory_space<vmem>>
        %dma_start3A_188 = arith.constant 0 : i32
        %dma_start3A_189 = tpu.memref_slice %arg5[%add3A_177, %dma_start3A_188] : memref<2560x128xi32, #tpu.memory_space<hbm>> -> memref<4x128xi32, #tpu.memory_space<hbm>>
        tpu.enqueue_dma source(%dma_start3A_189 : memref<4x128xi32, #tpu.memory_space<hbm>>) target(%dma_start3A_187 : memref<4x128xi32, #tpu.memory_space<vmem>>) target_semaphore(%arg22 : memref<!tpu.dma_semaphore, #tpu.memory_space<semaphore_mem>>)
        %dma_start3A_190 = arith.constant 0 : i32
        %dma_start3A_191 = arith.constant 0 : i32
        %dma_start3A_192 = tpu.memref_slice %arg7[%rem3A_57, %dma_start3A_190, %dma_start3A_191] : memref<2x4x128xi32, #tpu.memory_space<vmem>> -> memref<1x4x128xi32, #tpu.memory_space<vmem>>
        %dma_start3A_193 = tpu.memref_squeeze %dma_start3A_192 : memref<1x4x128xi32, #tpu.memory_space<vmem>> -> memref<4x128xi32, #tpu.memory_space<vmem>>
        %dma_start3A_194 = arith.constant 0 : i32
        %dma_start3A_195 = tpu.memref_slice %arg4[%add3A_177, %dma_start3A_194] : memref<2560x128xi32, #tpu.memory_space<hbm>> -> memref<4x128xi32, #tpu.memory_space<hbm>>
        %dma_start3A_196 = arith.constant 0 : i32
        %dma_start3A_197 = arith.constant 0 : i32
        %dma_start3A_198 = tpu.memref_slice %arg7[%rem3A_57, %dma_start3A_196, %dma_start3A_197] : memref<2x4x128xi32, #tpu.memory_space<vmem>> -> memref<1x4x128xi32, #tpu.memory_space<vmem>>
        %dma_start3A_199 = tpu.memref_squeeze %dma_start3A_198 : memref<1x4x128xi32, #tpu.memory_space<vmem>> -> memref<4x128xi32, #tpu.memory_space<vmem>>
        %dma_start3A_200 = arith.constant 0 : i32
        %dma_start3A_201 = tpu.memref_slice %arg4[%add3A_177, %dma_start3A_200] : memref<2560x128xi32, #tpu.memory_space<hbm>> -> memref<4x128xi32, #tpu.memory_space<hbm>>
        tpu.enqueue_dma source(%dma_start3A_201 : memref<4x128xi32, #tpu.memory_space<hbm>>) target(%dma_start3A_199 : memref<4x128xi32, #tpu.memory_space<vmem>>) target_semaphore(%arg22 : memref<!tpu.dma_semaphore, #tpu.memory_space<semaphore_mem>>)
      } else {
      }
      %gt3A = arith.constant 0 : i32
      %gt3A_61 = arith.cmpi sgt, %while3A_52, %gt3A : i32
      %convert_element_type3A_62 = arith.extui %gt3A_61 : i1 to i32
      %cond3A_63 = arith.constant 0 : i32
      %cond3A_64 = arith.cmpi ne, %convert_element_type3A_62, %cond3A_63 : i32
      scf.if %cond3A_64 {
        %dma_wait3A_173 = arith.constant 0 : i32
        %dma_wait3A_174 = arith.constant 0 : i32
        %dma_wait3A_175 = arith.constant 0 : i32
        %dma_wait3A_176 = tpu.memref_slice %arg8[%dma_wait3A_173, %dma_wait3A_174, %dma_wait3A_175] : memref<2x4x128xi32, #tpu.memory_space<vmem>> -> memref<1x1x128xi32, #tpu.memory_space<vmem>>
        %dma_wait3A_177 = tpu.memref_squeeze %dma_wait3A_176 : memref<1x1x128xi32, #tpu.memory_space<vmem>> -> memref<128xi32, #tpu.memory_space<vmem>>
        %dma_wait3A_178 = arith.constant 0 : i32
        %dma_wait3A_179 = arith.constant 0 : i32
        %dma_wait3A_180 = tpu.memref_slice %arg13[%dma_wait3A_178, %dma_wait3A_179] : memref<10112x160xbf16, #tpu.memory_space<vmem_shared>> -> memref<10112x160xbf16, #tpu.memory_space<vmem_shared>>
        tpu.wait_indirect_dma semaphore(%arg18 : memref<!tpu.dma_semaphore, #tpu.memory_space<semaphore_mem>>) src(%arg9 : memref<128x160xbf16, #tpu.memory_space<vmem>>) dst(%dma_wait3A_180 : memref<10112x160xbf16, #tpu.memory_space<vmem_shared>>)
      } else {
      }
      %dma_start3A = arith.constant 0 : i32
      %dma_start3A_65 = arith.constant 0 : i32
      %dma_start3A_66 = tpu.memref_slice %arg7[%rem3A_53, %dma_start3A, %dma_start3A_65] : memref<2x4x128xi32, #tpu.memory_space<vmem>> -> memref<1x1x128xi32, #tpu.memory_space<vmem>>
      %dma_start3A_67 = tpu.memref_squeeze %dma_start3A_66 : memref<1x1x128xi32, #tpu.memory_space<vmem>> -> memref<128xi32, #tpu.memory_space<vmem>>
      %dma_start3A_68 = arith.constant 0 : i32
      %dma_start3A_69 = arith.constant 0 : i32
      %dma_start3A_70 = tpu.memref_slice %arg3[%dma_start3A_68, %dma_start3A_69] : memref<10112x160xbf16, #tpu.memory_space<hbm>> -> memref<10112x160xbf16, #tpu.memory_space<hbm>>
      tpu.enqueue_indirect_dma source(%dma_start3A_70 : memref<10112x160xbf16, #tpu.memory_space<hbm>>) target(%arg9 : memref<128x160xbf16, #tpu.memory_space<vmem>>) offsets(%dma_start3A_67 : memref<128xi32, #tpu.memory_space<vmem>>) semaphore(%arg14 : memref<!tpu.dma_semaphore, #tpu.memory_space<semaphore_mem>>)
      %gt3A_71 = arith.constant 0 : i32
      %gt3A_72 = arith.cmpi sgt, %while3A_52, %gt3A_71 : i32
      %convert_element_type3A_73 = arith.extui %gt3A_72 : i1 to i32
      %cond3A_74 = arith.constant 0 : i32
      %cond3A_75 = arith.cmpi ne, %convert_element_type3A_73, %cond3A_74 : i32
      scf.if %cond3A_75 {
        %dma_wait3A_173 = arith.constant 0 : i32
        %dma_wait3A_174 = arith.constant 1 : i32
        %dma_wait3A_175 = arith.constant 0 : i32
        %dma_wait3A_176 = tpu.memref_slice %arg8[%dma_wait3A_173, %dma_wait3A_174, %dma_wait3A_175] : memref<2x4x128xi32, #tpu.memory_space<vmem>> -> memref<1x1x128xi32, #tpu.memory_space<vmem>>
        %dma_wait3A_177 = tpu.memref_squeeze %dma_wait3A_176 : memref<1x1x128xi32, #tpu.memory_space<vmem>> -> memref<128xi32, #tpu.memory_space<vmem>>
        %dma_wait3A_178 = arith.constant 0 : i32
        %dma_wait3A_179 = arith.constant 0 : i32
        %dma_wait3A_180 = tpu.memref_slice %arg13[%dma_wait3A_178, %dma_wait3A_179] : memref<10112x160xbf16, #tpu.memory_space<vmem_shared>> -> memref<10112x160xbf16, #tpu.memory_space<vmem_shared>>
        tpu.wait_indirect_dma semaphore(%arg19 : memref<!tpu.dma_semaphore, #tpu.memory_space<semaphore_mem>>) src(%arg10 : memref<128x160xbf16, #tpu.memory_space<vmem>>) dst(%dma_wait3A_180 : memref<10112x160xbf16, #tpu.memory_space<vmem_shared>>)
      } else {
      }
      %dma_start3A_76 = arith.constant 1 : i32
      %dma_start3A_77 = arith.constant 0 : i32
      %dma_start3A_78 = tpu.memref_slice %arg7[%rem3A_53, %dma_start3A_76, %dma_start3A_77] : memref<2x4x128xi32, #tpu.memory_space<vmem>> -> memref<1x1x128xi32, #tpu.memory_space<vmem>>
      %dma_start3A_79 = tpu.memref_squeeze %dma_start3A_78 : memref<1x1x128xi32, #tpu.memory_space<vmem>> -> memref<128xi32, #tpu.memory_space<vmem>>
      %dma_start3A_80 = arith.constant 0 : i32
      %dma_start3A_81 = arith.constant 0 : i32
      %dma_start3A_82 = tpu.memref_slice %arg3[%dma_start3A_80, %dma_start3A_81] : memref<10112x160xbf16, #tpu.memory_space<hbm>> -> memref<10112x160xbf16, #tpu.memory_space<hbm>>
      tpu.enqueue_indirect_dma source(%dma_start3A_82 : memref<10112x160xbf16, #tpu.memory_space<hbm>>) target(%arg10 : memref<128x160xbf16, #tpu.memory_space<vmem>>) offsets(%dma_start3A_79 : memref<128xi32, #tpu.memory_space<vmem>>) semaphore(%arg15 : memref<!tpu.dma_semaphore, #tpu.memory_space<semaphore_mem>>)
      %gt3A_83 = arith.constant 0 : i32
      %gt3A_84 = arith.cmpi sgt, %while3A_52, %gt3A_83 : i32
      %convert_element_type3A_85 = arith.extui %gt3A_84 : i1 to i32
      %cond3A_86 = arith.constant 0 : i32
      %cond3A_87 = arith.cmpi ne, %convert_element_type3A_85, %cond3A_86 : i32
      scf.if %cond3A_87 {
        %dma_wait3A_173 = arith.constant 0 : i32
        %dma_wait3A_174 = arith.constant 2 : i32
        %dma_wait3A_175 = arith.constant 0 : i32
        %dma_wait3A_176 = tpu.memref_slice %arg8[%dma_wait3A_173, %dma_wait3A_174, %dma_wait3A_175] : memref<2x4x128xi32, #tpu.memory_space<vmem>> -> memref<1x1x128xi32, #tpu.memory_space<vmem>>
        %dma_wait3A_177 = tpu.memref_squeeze %dma_wait3A_176 : memref<1x1x128xi32, #tpu.memory_space<vmem>> -> memref<128xi32, #tpu.memory_space<vmem>>
        %dma_wait3A_178 = arith.constant 0 : i32
        %dma_wait3A_179 = arith.constant 0 : i32
        %dma_wait3A_180 = tpu.memref_slice %arg13[%dma_wait3A_178, %dma_wait3A_179] : memref<10112x160xbf16, #tpu.memory_space<vmem_shared>> -> memref<10112x160xbf16, #tpu.memory_space<vmem_shared>>
        tpu.wait_indirect_dma semaphore(%arg20 : memref<!tpu.dma_semaphore, #tpu.memory_space<semaphore_mem>>) src(%arg11 : memref<128x160xbf16, #tpu.memory_space<vmem>>) dst(%dma_wait3A_180 : memref<10112x160xbf16, #tpu.memory_space<vmem_shared>>)
      } else {
      }
      %dma_start3A_88 = arith.constant 2 : i32
      %dma_start3A_89 = arith.constant 0 : i32
      %dma_start3A_90 = tpu.memref_slice %arg7[%rem3A_53, %dma_start3A_88, %dma_start3A_89] : memref<2x4x128xi32, #tpu.memory_space<vmem>> -> memref<1x1x128xi32, #tpu.memory_space<vmem>>
      %dma_start3A_91 = tpu.memref_squeeze %dma_start3A_90 : memref<1x1x128xi32, #tpu.memory_space<vmem>> -> memref<128xi32, #tpu.memory_space<vmem>>
      %dma_start3A_92 = arith.constant 0 : i32
      %dma_start3A_93 = arith.constant 0 : i32
      %dma_start3A_94 = tpu.memref_slice %arg3[%dma_start3A_92, %dma_start3A_93] : memref<10112x160xbf16, #tpu.memory_space<hbm>> -> memref<10112x160xbf16, #tpu.memory_space<hbm>>
      tpu.enqueue_indirect_dma source(%dma_start3A_94 : memref<10112x160xbf16, #tpu.memory_space<hbm>>) target(%arg11 : memref<128x160xbf16, #tpu.memory_space<vmem>>) offsets(%dma_start3A_91 : memref<128xi32, #tpu.memory_space<vmem>>) semaphore(%arg16 : memref<!tpu.dma_semaphore, #tpu.memory_space<semaphore_mem>>)
      %gt3A_95 = arith.constant 0 : i32
      %gt3A_96 = arith.cmpi sgt, %while3A_52, %gt3A_95 : i32
      %convert_element_type3A_97 = arith.extui %gt3A_96 : i1 to i32
      %cond3A_98 = arith.constant 0 : i32
      %cond3A_99 = arith.cmpi ne, %convert_element_type3A_97, %cond3A_98 : i32
      scf.if %cond3A_99 {
        %dma_wait3A_173 = arith.constant 0 : i32
        %dma_wait3A_174 = arith.constant 3 : i32
        %dma_wait3A_175 = arith.constant 0 : i32
        %dma_wait3A_176 = tpu.memref_slice %arg8[%dma_wait3A_173, %dma_wait3A_174, %dma_wait3A_175] : memref<2x4x128xi32, #tpu.memory_space<vmem>> -> memref<1x1x128xi32, #tpu.memory_space<vmem>>
        %dma_wait3A_177 = tpu.memref_squeeze %dma_wait3A_176 : memref<1x1x128xi32, #tpu.memory_space<vmem>> -> memref<128xi32, #tpu.memory_space<vmem>>
        %dma_wait3A_178 = arith.constant 0 : i32
        %dma_wait3A_179 = arith.constant 0 : i32
        %dma_wait3A_180 = tpu.memref_slice %arg13[%dma_wait3A_178, %dma_wait3A_179] : memref<10112x160xbf16, #tpu.memory_space<vmem_shared>> -> memref<10112x160xbf16, #tpu.memory_space<vmem_shared>>
        tpu.wait_indirect_dma semaphore(%arg21 : memref<!tpu.dma_semaphore, #tpu.memory_space<semaphore_mem>>) src(%arg12 : memref<128x160xbf16, #tpu.memory_space<vmem>>) dst(%dma_wait3A_180 : memref<10112x160xbf16, #tpu.memory_space<vmem_shared>>)
      } else {
      }
      %dma_start3A_100 = arith.constant 3 : i32
      %dma_start3A_101 = arith.constant 0 : i32
      %dma_start3A_102 = tpu.memref_slice %arg7[%rem3A_53, %dma_start3A_100, %dma_start3A_101] : memref<2x4x128xi32, #tpu.memory_space<vmem>> -> memref<1x1x128xi32, #tpu.memory_space<vmem>>
      %dma_start3A_103 = tpu.memref_squeeze %dma_start3A_102 : memref<1x1x128xi32, #tpu.memory_space<vmem>> -> memref<128xi32, #tpu.memory_space<vmem>>
      %dma_start3A_104 = arith.constant 0 : i32
      %dma_start3A_105 = arith.constant 0 : i32
      %dma_start3A_106 = tpu.memref_slice %arg3[%dma_start3A_104, %dma_start3A_105] : memref<10112x160xbf16, #tpu.memory_space<hbm>> -> memref<10112x160xbf16, #tpu.memory_space<hbm>>
      tpu.enqueue_indirect_dma source(%dma_start3A_106 : memref<10112x160xbf16, #tpu.memory_space<hbm>>) target(%arg12 : memref<128x160xbf16, #tpu.memory_space<vmem>>) offsets(%dma_start3A_103 : memref<128xi32, #tpu.memory_space<vmem>>) semaphore(%arg17 : memref<!tpu.dma_semaphore, #tpu.memory_space<semaphore_mem>>)
      %dma_wait3A_107 = arith.constant 0 : i32
      %dma_wait3A_108 = arith.constant 0 : i32
      %dma_wait3A_109 = arith.constant 0 : i32
      %dma_wait3A_110 = tpu.memref_slice %arg7[%dma_wait3A_107, %dma_wait3A_108, %dma_wait3A_109] : memref<2x4x128xi32, #tpu.memory_space<vmem>> -> memref<1x1x128xi32, #tpu.memory_space<vmem>>
      %dma_wait3A_111 = tpu.memref_squeeze %dma_wait3A_110 : memref<1x1x128xi32, #tpu.memory_space<vmem>> -> memref<128xi32, #tpu.memory_space<vmem>>
      %dma_wait3A_112 = arith.constant 0 : i32
      %dma_wait3A_113 = arith.constant 0 : i32
      %dma_wait3A_114 = tpu.memref_slice %arg3[%dma_wait3A_112, %dma_wait3A_113] : memref<10112x160xbf16, #tpu.memory_space<hbm>> -> memref<10112x160xbf16, #tpu.memory_space<hbm>>
      tpu.wait_indirect_dma semaphore(%arg14 : memref<!tpu.dma_semaphore, #tpu.memory_space<semaphore_mem>>) src(%dma_wait3A_114 : memref<10112x160xbf16, #tpu.memory_space<hbm>>) dst(%arg9 : memref<128x160xbf16, #tpu.memory_space<vmem>>)
      %dma_start3A_115 = arith.constant 0 : i32
      %dma_start3A_116 = arith.constant 0 : i32
      %dma_start3A_117 = tpu.memref_slice %arg8[%rem3A_53, %dma_start3A_115, %dma_start3A_116] : memref<2x4x128xi32, #tpu.memory_space<vmem>> -> memref<1x1x128xi32, #tpu.memory_space<vmem>>
      %dma_start3A_118 = tpu.memref_squeeze %dma_start3A_117 : memref<1x1x128xi32, #tpu.memory_space<vmem>> -> memref<128xi32, #tpu.memory_space<vmem>>
      %dma_start3A_119 = arith.constant 0 : i32
      %dma_start3A_120 = arith.constant 0 : i32
      %dma_start3A_121 = tpu.memref_slice %arg13[%dma_start3A_119, %dma_start3A_120] : memref<10112x160xbf16, #tpu.memory_space<vmem_shared>> -> memref<10112x160xbf16, #tpu.memory_space<vmem_shared>>
      tpu.enqueue_indirect_dma source(%arg9 : memref<128x160xbf16, #tpu.memory_space<vmem>>) target(%dma_start3A_121 : memref<10112x160xbf16, #tpu.memory_space<vmem_shared>>) offsets(%dma_start3A_118 : memref<128xi32, #tpu.memory_space<vmem>>) semaphore(%arg18 : memref<!tpu.dma_semaphore, #tpu.memory_space<semaphore_mem>>) {add = true}
      %dma_wait3A_122 = arith.constant 0 : i32
      %dma_wait3A_123 = arith.constant 1 : i32
      %dma_wait3A_124 = arith.constant 0 : i32
      %dma_wait3A_125 = tpu.memref_slice %arg7[%dma_wait3A_122, %dma_wait3A_123, %dma_wait3A_124] : memref<2x4x128xi32, #tpu.memory_space<vmem>> -> memref<1x1x128xi32, #tpu.memory_space<vmem>>
      %dma_wait3A_126 = tpu.memref_squeeze %dma_wait3A_125 : memref<1x1x128xi32, #tpu.memory_space<vmem>> -> memref<128xi32, #tpu.memory_space<vmem>>
      %dma_wait3A_127 = arith.constant 0 : i32
      %dma_wait3A_128 = arith.constant 0 : i32
      %dma_wait3A_129 = tpu.memref_slice %arg3[%dma_wait3A_127, %dma_wait3A_128] : memref<10112x160xbf16, #tpu.memory_space<hbm>> -> memref<10112x160xbf16, #tpu.memory_space<hbm>>
      tpu.wait_indirect_dma semaphore(%arg15 : memref<!tpu.dma_semaphore, #tpu.memory_space<semaphore_mem>>) src(%dma_wait3A_129 : memref<10112x160xbf16, #tpu.memory_space<hbm>>) dst(%arg10 : memref<128x160xbf16, #tpu.memory_space<vmem>>)
      %dma_start3A_130 = arith.constant 1 : i32
      %dma_start3A_131 = arith.constant 0 : i32
      %dma_start3A_132 = tpu.memref_slice %arg8[%rem3A_53, %dma_start3A_130, %dma_start3A_131] : memref<2x4x128xi32, #tpu.memory_space<vmem>> -> memref<1x1x128xi32, #tpu.memory_space<vmem>>
      %dma_start3A_133 = tpu.memref_squeeze %dma_start3A_132 : memref<1x1x128xi32, #tpu.memory_space<vmem>> -> memref<128xi32, #tpu.memory_space<vmem>>
      %dma_start3A_134 = arith.constant 0 : i32
      %dma_start3A_135 = arith.constant 0 : i32
      %dma_start3A_136 = tpu.memref_slice %arg13[%dma_start3A_134, %dma_start3A_135] : memref<10112x160xbf16, #tpu.memory_space<vmem_shared>> -> memref<10112x160xbf16, #tpu.memory_space<vmem_shared>>
      tpu.enqueue_indirect_dma source(%arg10 : memref<128x160xbf16, #tpu.memory_space<vmem>>) target(%dma_start3A_136 : memref<10112x160xbf16, #tpu.memory_space<vmem_shared>>) offsets(%dma_start3A_133 : memref<128xi32, #tpu.memory_space<vmem>>) semaphore(%arg19 : memref<!tpu.dma_semaphore, #tpu.memory_space<semaphore_mem>>) {add = true}
      %dma_wait3A_137 = arith.constant 0 : i32
      %dma_wait3A_138 = arith.constant 2 : i32
      %dma_wait3A_139 = arith.constant 0 : i32
      %dma_wait3A_140 = tpu.memref_slice %arg7[%dma_wait3A_137, %dma_wait3A_138, %dma_wait3A_139] : memref<2x4x128xi32, #tpu.memory_space<vmem>> -> memref<1x1x128xi32, #tpu.memory_space<vmem>>
      %dma_wait3A_141 = tpu.memref_squeeze %dma_wait3A_140 : memref<1x1x128xi32, #tpu.memory_space<vmem>> -> memref<128xi32, #tpu.memory_space<vmem>>
      %dma_wait3A_142 = arith.constant 0 : i32
      %dma_wait3A_143 = arith.constant 0 : i32
      %dma_wait3A_144 = tpu.memref_slice %arg3[%dma_wait3A_142, %dma_wait3A_143] : memref<10112x160xbf16, #tpu.memory_space<hbm>> -> memref<10112x160xbf16, #tpu.memory_space<hbm>>
      tpu.wait_indirect_dma semaphore(%arg16 : memref<!tpu.dma_semaphore, #tpu.memory_space<semaphore_mem>>) src(%dma_wait3A_144 : memref<10112x160xbf16, #tpu.memory_space<hbm>>) dst(%arg11 : memref<128x160xbf16, #tpu.memory_space<vmem>>)
      %dma_start3A_145 = arith.constant 2 : i32
      %dma_start3A_146 = arith.constant 0 : i32
      %dma_start3A_147 = tpu.memref_slice %arg8[%rem3A_53, %dma_start3A_145, %dma_start3A_146] : memref<2x4x128xi32, #tpu.memory_space<vmem>> -> memref<1x1x128xi32, #tpu.memory_space<vmem>>
      %dma_start3A_148 = tpu.memref_squeeze %dma_start3A_147 : memref<1x1x128xi32, #tpu.memory_space<vmem>> -> memref<128xi32, #tpu.memory_space<vmem>>
      %dma_start3A_149 = arith.constant 0 : i32
      %dma_start3A_150 = arith.constant 0 : i32
      %dma_start3A_151 = tpu.memref_slice %arg13[%dma_start3A_149, %dma_start3A_150] : memref<10112x160xbf16, #tpu.memory_space<vmem_shared>> -> memref<10112x160xbf16, #tpu.memory_space<vmem_shared>>
      tpu.enqueue_indirect_dma source(%arg11 : memref<128x160xbf16, #tpu.memory_space<vmem>>) target(%dma_start3A_151 : memref<10112x160xbf16, #tpu.memory_space<vmem_shared>>) offsets(%dma_start3A_148 : memref<128xi32, #tpu.memory_space<vmem>>) semaphore(%arg20 : memref<!tpu.dma_semaphore, #tpu.memory_space<semaphore_mem>>) {add = true}
      %dma_wait3A_152 = arith.constant 0 : i32
      %dma_wait3A_153 = arith.constant 3 : i32
      %dma_wait3A_154 = arith.constant 0 : i32
      %dma_wait3A_155 = tpu.memref_slice %arg7[%dma_wait3A_152, %dma_wait3A_153, %dma_wait3A_154] : memref<2x4x128xi32, #tpu.memory_space<vmem>> -> memref<1x1x128xi32, #tpu.memory_space<vmem>>
      %dma_wait3A_156 = tpu.memref_squeeze %dma_wait3A_155 : memref<1x1x128xi32, #tpu.memory_space<vmem>> -> memref<128xi32, #tpu.memory_space<vmem>>
      %dma_wait3A_157 = arith.constant 0 : i32
      %dma_wait3A_158 = arith.constant 0 : i32
      %dma_wait3A_159 = tpu.memref_slice %arg3[%dma_wait3A_157, %dma_wait3A_158] : memref<10112x160xbf16, #tpu.memory_space<hbm>> -> memref<10112x160xbf16, #tpu.memory_space<hbm>>
      tpu.wait_indirect_dma semaphore(%arg17 : memref<!tpu.dma_semaphore, #tpu.memory_space<semaphore_mem>>) src(%dma_wait3A_159 : memref<10112x160xbf16, #tpu.memory_space<hbm>>) dst(%arg12 : memref<128x160xbf16, #tpu.memory_space<vmem>>)
      %dma_start3A_160 = arith.constant 3 : i32
      %dma_start3A_161 = arith.constant 0 : i32
      %dma_start3A_162 = tpu.memref_slice %arg8[%rem3A_53, %dma_start3A_160, %dma_start3A_161] : memref<2x4x128xi32, #tpu.memory_space<vmem>> -> memref<1x1x128xi32, #tpu.memory_space<vmem>>
      %dma_start3A_163 = tpu.memref_squeeze %dma_start3A_162 : memref<1x1x128xi32, #tpu.memory_space<vmem>> -> memref<128xi32, #tpu.memory_space<vmem>>
      %dma_start3A_164 = arith.constant 0 : i32
      %dma_start3A_165 = arith.constant 0 : i32
      %dma_start3A_166 = tpu.memref_slice %arg13[%dma_start3A_164, %dma_start3A_165] : memref<10112x160xbf16, #tpu.memory_space<vmem_shared>> -> memref<10112x160xbf16, #tpu.memory_space<vmem_shared>>
      tpu.enqueue_indirect_dma source(%arg12 : memref<128x160xbf16, #tpu.memory_space<vmem>>) target(%dma_start3A_166 : memref<10112x160xbf16, #tpu.memory_space<vmem_shared>>) offsets(%dma_start3A_163 : memref<128xi32, #tpu.memory_space<vmem>>) semaphore(%arg21 : memref<!tpu.dma_semaphore, #tpu.memory_space<semaphore_mem>>) {add = true}
      %add3A_167 = arith.constant 1 : i32
      %add3A_168 = arith.addi %while3A_52, %add3A_167 : i32
      %lt3A_169 = arith.cmpi slt, %add3A_168, %select_n3A_9 : i32
      %convert_element_type3A_170 = arith.extui %lt3A_169 : i1 to i32
      %cond3A_171 = arith.constant 0 : i32
      %cond3A_172 = arith.cmpi ne, %convert_element_type3A_170, %cond3A_171 : i32
      scf.if %cond3A_172 {
        %dma_wait3A_173 = arith.constant 0 : i32
        %dma_wait3A_174 = arith.constant 0 : i32
        %dma_wait3A_175 = arith.constant 0 : i32
        %dma_wait3A_176 = tpu.memref_slice %arg8[%dma_wait3A_173, %dma_wait3A_174, %dma_wait3A_175] : memref<2x4x128xi32, #tpu.memory_space<vmem>> -> memref<1x4x128xi32, #tpu.memory_space<vmem>>
        %dma_wait3A_177 = tpu.memref_squeeze %dma_wait3A_176 : memref<1x4x128xi32, #tpu.memory_space<vmem>> -> memref<4x128xi32, #tpu.memory_space<vmem>>
        %dma_wait3A_178 = arith.constant 0 : i32
        %dma_wait3A_179 = arith.constant 0 : i32
        %dma_wait3A_180 = tpu.memref_slice %arg5[%dma_wait3A_178, %dma_wait3A_179] : memref<2560x128xi32, #tpu.memory_space<hbm>> -> memref<4x128xi32, #tpu.memory_space<hbm>>
        %dma_wait3A_181 = arith.constant 0 : i32
        %dma_wait3A_182 = arith.constant 0 : i32
        %dma_wait3A_183 = tpu.memref_slice %arg8[%dma_wait3A_173, %dma_wait3A_181, %dma_wait3A_182] : memref<2x4x128xi32, #tpu.memory_space<vmem>> -> memref<1x4x128xi32, #tpu.memory_space<vmem>>
        %dma_wait3A_184 = tpu.memref_squeeze %dma_wait3A_183 : memref<1x4x128xi32, #tpu.memory_space<vmem>> -> memref<4x128xi32, #tpu.memory_space<vmem>>
        %dma_wait3A_185 = arith.constant 0 : i32
        %dma_wait3A_186 = arith.constant 0 : i32
        %dma_wait3A_187 = tpu.memref_slice %arg5[%dma_wait3A_185, %dma_wait3A_186] : memref<2560x128xi32, #tpu.memory_space<hbm>> -> memref<4x128xi32, #tpu.memory_space<hbm>>
        tpu.wait_dma2 semaphore(%arg22 : memref<!tpu.dma_semaphore, #tpu.memory_space<semaphore_mem>>) src(%dma_wait3A_187 : memref<4x128xi32, #tpu.memory_space<hbm>>) dst(%dma_wait3A_184 : memref<4x128xi32, #tpu.memory_space<vmem>>)
        %dma_wait3A_188 = arith.constant 0 : i32
        %dma_wait3A_189 = arith.constant 0 : i32
        %dma_wait3A_190 = arith.constant 0 : i32
        %dma_wait3A_191 = tpu.memref_slice %arg7[%dma_wait3A_188, %dma_wait3A_189, %dma_wait3A_190] : memref<2x4x128xi32, #tpu.memory_space<vmem>> -> memref<1x4x128xi32, #tpu.memory_space<vmem>>
        %dma_wait3A_192 = tpu.memref_squeeze %dma_wait3A_191 : memref<1x4x128xi32, #tpu.memory_space<vmem>> -> memref<4x128xi32, #tpu.memory_space<vmem>>
        %dma_wait3A_193 = arith.constant 0 : i32
        %dma_wait3A_194 = arith.constant 0 : i32
        %dma_wait3A_195 = tpu.memref_slice %arg4[%dma_wait3A_193, %dma_wait3A_194] : memref<2560x128xi32, #tpu.memory_space<hbm>> -> memref<4x128xi32, #tpu.memory_space<hbm>>
        %dma_wait3A_196 = arith.constant 0 : i32
        %dma_wait3A_197 = arith.constant 0 : i32
        %dma_wait3A_198 = tpu.memref_slice %arg7[%dma_wait3A_188, %dma_wait3A_196, %dma_wait3A_197] : memref<2x4x128xi32, #tpu.memory_space<vmem>> -> memref<1x4x128xi32, #tpu.memory_space<vmem>>
        %dma_wait3A_199 = tpu.memref_squeeze %dma_wait3A_198 : memref<1x4x128xi32, #tpu.memory_space<vmem>> -> memref<4x128xi32, #tpu.memory_space<vmem>>
        %dma_wait3A_200 = arith.constant 0 : i32
        %dma_wait3A_201 = arith.constant 0 : i32
        %dma_wait3A_202 = tpu.memref_slice %arg4[%dma_wait3A_200, %dma_wait3A_201] : memref<2560x128xi32, #tpu.memory_space<hbm>> -> memref<4x128xi32, #tpu.memory_space<hbm>>
        tpu.wait_dma2 semaphore(%arg22 : memref<!tpu.dma_semaphore, #tpu.memory_space<semaphore_mem>>) src(%dma_wait3A_202 : memref<4x128xi32, #tpu.memory_space<hbm>>) dst(%dma_wait3A_199 : memref<4x128xi32, #tpu.memory_space<vmem>>)
      } else {
      }
    }
    %while3A_19 = arith.constant 1 : i32
    scf.for %while3A_52 = %while3A_17 to %while3A_13 step %while3A_19  : i32 {
      %rem3A = arith.constant 2 : i32
      %rem3A_53 = arith.remsi %while3A_52, %rem3A : i32
      %add3A_54 = arith.constant 1 : i32
      %add3A_55 = arith.addi %while3A_52, %add3A_54 : i32
      %rem3A_56 = arith.constant 2 : i32
      %rem3A_57 = arith.remsi %add3A_55, %rem3A_56 : i32
      %add3A_58 = arith.constant 1 : i32
      %add3A_59 = arith.addi %while3A_52, %add3A_58 : i32
      %lt3A = arith.cmpi slt, %add3A_59, %select_n3A_9 : i32
      %convert_element_type3A = arith.extui %lt3A : i1 to i32
      %cond3A = arith.constant 0 : i32
      %cond3A_60 = arith.cmpi ne, %convert_element_type3A, %cond3A : i32
      scf.if %cond3A_60 {
        %add3A_173 = arith.constant 1 : i32
        %add3A_174 = arith.addi %while3A_52, %add3A_173 : i32
        %mul3A_175 = arith.constant 4 : i32
        %mul3A_176 = arith.muli %add3A_174, %mul3A_175 : i32
        %add3A_177 = arith.addi %add3A, %mul3A_176 : i32
        %dma_start3A_178 = arith.constant 0 : i32
        %dma_start3A_179 = arith.constant 0 : i32
        %dma_start3A_180 = tpu.memref_slice %arg8[%rem3A_57, %dma_start3A_178, %dma_start3A_179] : memref<2x4x128xi32, #tpu.memory_space<vmem>> -> memref<1x4x128xi32, #tpu.memory_space<vmem>>
        %dma_start3A_181 = tpu.memref_squeeze %dma_start3A_180 : memref<1x4x128xi32, #tpu.memory_space<vmem>> -> memref<4x128xi32, #tpu.memory_space<vmem>>
        %dma_start3A_182 = arith.constant 0 : i32
        %dma_start3A_183 = tpu.memref_slice %arg5[%add3A_177, %dma_start3A_182] : memref<2560x128xi32, #tpu.memory_space<hbm>> -> memref<4x128xi32, #tpu.memory_space<hbm>>
        %dma_start3A_184 = arith.constant 0 : i32
        %dma_start3A_185 = arith.constant 0 : i32
        %dma_start3A_186 = tpu.memref_slice %arg8[%rem3A_57, %dma_start3A_184, %dma_start3A_185] : memref<2x4x128xi32, #tpu.memory_space<vmem>> -> memref<1x4x128xi32, #tpu.memory_space<vmem>>
        %dma_start3A_187 = tpu.memref_squeeze %dma_start3A_186 : memref<1x4x128xi32, #tpu.memory_space<vmem>> -> memref<4x128xi32, #tpu.memory_space<vmem>>
        %dma_start3A_188 = arith.constant 0 : i32
        %dma_start3A_189 = tpu.memref_slice %arg5[%add3A_177, %dma_start3A_188] : memref<2560x128xi32, #tpu.memory_space<hbm>> -> memref<4x128xi32, #tpu.memory_space<hbm>>
        tpu.enqueue_dma source(%dma_start3A_189 : memref<4x128xi32, #tpu.memory_space<hbm>>) target(%dma_start3A_187 : memref<4x128xi32, #tpu.memory_space<vmem>>) target_semaphore(%arg22 : memref<!tpu.dma_semaphore, #tpu.memory_space<semaphore_mem>>)
        %dma_start3A_190 = arith.constant 0 : i32
        %dma_start3A_191 = arith.constant 0 : i32
        %dma_start3A_192 = tpu.memref_slice %arg7[%rem3A_57, %dma_start3A_190, %dma_start3A_191] : memref<2x4x128xi32, #tpu.memory_space<vmem>> -> memref<1x4x128xi32, #tpu.memory_space<vmem>>
        %dma_start3A_193 = tpu.memref_squeeze %dma_start3A_192 : memref<1x4x128xi32, #tpu.memory_space<vmem>> -> memref<4x128xi32, #tpu.memory_space<vmem>>
        %dma_start3A_194 = arith.constant 0 : i32
        %dma_start3A_195 = tpu.memref_slice %arg4[%add3A_177, %dma_start3A_194] : memref<2560x128xi32, #tpu.memory_space<hbm>> -> memref<4x128xi32, #tpu.memory_space<hbm>>
        %dma_start3A_196 = arith.constant 0 : i32
        %dma_start3A_197 = arith.constant 0 : i32
        %dma_start3A_198 = tpu.memref_slice %arg7[%rem3A_57, %dma_start3A_196, %dma_start3A_197] : memref<2x4x128xi32, #tpu.memory_space<vmem>> -> memref<1x4x128xi32, #tpu.memory_space<vmem>>
        %dma_start3A_199 = tpu.memref_squeeze %dma_start3A_198 : memref<1x4x128xi32, #tpu.memory_space<vmem>> -> memref<4x128xi32, #tpu.memory_space<vmem>>
        %dma_start3A_200 = arith.constant 0 : i32
        %dma_start3A_201 = tpu.memref_slice %arg4[%add3A_177, %dma_start3A_200] : memref<2560x128xi32, #tpu.memory_space<hbm>> -> memref<4x128xi32, #tpu.memory_space<hbm>>
        tpu.enqueue_dma source(%dma_start3A_201 : memref<4x128xi32, #tpu.memory_space<hbm>>) target(%dma_start3A_199 : memref<4x128xi32, #tpu.memory_space<vmem>>) target_semaphore(%arg22 : memref<!tpu.dma_semaphore, #tpu.memory_space<semaphore_mem>>)
      } else {
      }
      %gt3A = arith.constant 0 : i32
      %gt3A_61 = arith.cmpi sgt, %while3A_52, %gt3A : i32
      %convert_element_type3A_62 = arith.extui %gt3A_61 : i1 to i32
      %cond3A_63 = arith.constant 0 : i32
      %cond3A_64 = arith.cmpi ne, %convert_element_type3A_62, %cond3A_63 : i32
      scf.if %cond3A_64 {
        %dma_wait3A_173 = arith.constant 0 : i32
        %dma_wait3A_174 = arith.constant 0 : i32
        %dma_wait3A_175 = arith.constant 0 : i32
        %dma_wait3A_176 = tpu.memref_slice %arg8[%dma_wait3A_173, %dma_wait3A_174, %dma_wait3A_175] : memref<2x4x128xi32, #tpu.memory_space<vmem>> -> memref<1x1x128xi32, #tpu.memory_space<vmem>>
        %dma_wait3A_177 = tpu.memref_squeeze %dma_wait3A_176 : memref<1x1x128xi32, #tpu.memory_space<vmem>> -> memref<128xi32, #tpu.memory_space<vmem>>
        %dma_wait3A_178 = arith.constant 0 : i32
        %dma_wait3A_179 = arith.constant 0 : i32
        %dma_wait3A_180 = tpu.memref_slice %arg13[%dma_wait3A_178, %dma_wait3A_179] : memref<10112x160xbf16, #tpu.memory_space<vmem_shared>> -> memref<10112x160xbf16, #tpu.memory_space<vmem_shared>>
        tpu.wait_indirect_dma semaphore(%arg18 : memref<!tpu.dma_semaphore, #tpu.memory_space<semaphore_mem>>) src(%arg9 : memref<128x160xbf16, #tpu.memory_space<vmem>>) dst(%dma_wait3A_180 : memref<10112x160xbf16, #tpu.memory_space<vmem_shared>>)
      } else {
      }
      %dma_start3A = arith.constant 0 : i32
      %dma_start3A_65 = arith.constant 0 : i32
      %dma_start3A_66 = tpu.memref_slice %arg7[%rem3A_53, %dma_start3A, %dma_start3A_65] : memref<2x4x128xi32, #tpu.memory_space<vmem>> -> memref<1x1x128xi32, #tpu.memory_space<vmem>>
      %dma_start3A_67 = tpu.memref_squeeze %dma_start3A_66 : memref<1x1x128xi32, #tpu.memory_space<vmem>> -> memref<128xi32, #tpu.memory_space<vmem>>
      %dma_start3A_68 = arith.constant 0 : i32
      %dma_start3A_69 = arith.constant 0 : i32
      %dma_start3A_70 = tpu.memref_slice %arg3[%dma_start3A_68, %dma_start3A_69] : memref<10112x160xbf16, #tpu.memory_space<hbm>> -> memref<10112x160xbf16, #tpu.memory_space<hbm>>
      tpu.enqueue_indirect_dma source(%dma_start3A_70 : memref<10112x160xbf16, #tpu.memory_space<hbm>>) target(%arg9 : memref<128x160xbf16, #tpu.memory_space<vmem>>) offsets(%dma_start3A_67 : memref<128xi32, #tpu.memory_space<vmem>>) semaphore(%arg14 : memref<!tpu.dma_semaphore, #tpu.memory_space<semaphore_mem>>)
      %gt3A_71 = arith.constant 0 : i32
      %gt3A_72 = arith.cmpi sgt, %while3A_52, %gt3A_71 : i32
      %convert_element_type3A_73 = arith.extui %gt3A_72 : i1 to i32
      %cond3A_74 = arith.constant 0 : i32
      %cond3A_75 = arith.cmpi ne, %convert_element_type3A_73, %cond3A_74 : i32
      scf.if %cond3A_75 {
        %dma_wait3A_173 = arith.constant 0 : i32
        %dma_wait3A_174 = arith.constant 1 : i32
        %dma_wait3A_175 = arith.constant 0 : i32
        %dma_wait3A_176 = tpu.memref_slice %arg8[%dma_wait3A_173, %dma_wait3A_174, %dma_wait3A_175] : memref<2x4x128xi32, #tpu.memory_space<vmem>> -> memref<1x1x128xi32, #tpu.memory_space<vmem>>
        %dma_wait3A_177 = tpu.memref_squeeze %dma_wait3A_176 : memref<1x1x128xi32, #tpu.memory_space<vmem>> -> memref<128xi32, #tpu.memory_space<vmem>>
        %dma_wait3A_178 = arith.constant 0 : i32
        %dma_wait3A_179 = arith.constant 0 : i32
        %dma_wait3A_180 = tpu.memref_slice %arg13[%dma_wait3A_178, %dma_wait3A_179] : memref<10112x160xbf16, #tpu.memory_space<vmem_shared>> -> memref<10112x160xbf16, #tpu.memory_space<vmem_shared>>
        tpu.wait_indirect_dma semaphore(%arg19 : memref<!tpu.dma_semaphore, #tpu.memory_space<semaphore_mem>>) src(%arg10 : memref<128x160xbf16, #tpu.memory_space<vmem>>) dst(%dma_wait3A_180 : memref<10112x160xbf16, #tpu.memory_space<vmem_shared>>)
      } else {
      }
      %dma_start3A_76 = arith.constant 1 : i32
      %dma_start3A_77 = arith.constant 0 : i32
      %dma_start3A_78 = tpu.memref_slice %arg7[%rem3A_53, %dma_start3A_76, %dma_start3A_77] : memref<2x4x128xi32, #tpu.memory_space<vmem>> -> memref<1x1x128xi32, #tpu.memory_space<vmem>>
      %dma_start3A_79 = tpu.memref_squeeze %dma_start3A_78 : memref<1x1x128xi32, #tpu.memory_space<vmem>> -> memref<128xi32, #tpu.memory_space<vmem>>
      %dma_start3A_80 = arith.constant 0 : i32
      %dma_start3A_81 = arith.constant 0 : i32
      %dma_start3A_82 = tpu.memref_slice %arg3[%dma_start3A_80, %dma_start3A_81] : memref<10112x160xbf16, #tpu.memory_space<hbm>> -> memref<10112x160xbf16, #tpu.memory_space<hbm>>
      tpu.enqueue_indirect_dma source(%dma_start3A_82 : memref<10112x160xbf16, #tpu.memory_space<hbm>>) target(%arg10 : memref<128x160xbf16, #tpu.memory_space<vmem>>) offsets(%dma_start3A_79 : memref<128xi32, #tpu.memory_space<vmem>>) semaphore(%arg15 : memref<!tpu.dma_semaphore, #tpu.memory_space<semaphore_mem>>)
      %gt3A_83 = arith.constant 0 : i32
      %gt3A_84 = arith.cmpi sgt, %while3A_52, %gt3A_83 : i32
      %convert_element_type3A_85 = arith.extui %gt3A_84 : i1 to i32
      %cond3A_86 = arith.constant 0 : i32
      %cond3A_87 = arith.cmpi ne, %convert_element_type3A_85, %cond3A_86 : i32
      scf.if %cond3A_87 {
        %dma_wait3A_173 = arith.constant 0 : i32
        %dma_wait3A_174 = arith.constant 2 : i32
        %dma_wait3A_175 = arith.constant 0 : i32
        %dma_wait3A_176 = tpu.memref_slice %arg8[%dma_wait3A_173, %dma_wait3A_174, %dma_wait3A_175] : memref<2x4x128xi32, #tpu.memory_space<vmem>> -> memref<1x1x128xi32, #tpu.memory_space<vmem>>
        %dma_wait3A_177 = tpu.memref_squeeze %dma_wait3A_176 : memref<1x1x128xi32, #tpu.memory_space<vmem>> -> memref<128xi32, #tpu.memory_space<vmem>>
        %dma_wait3A_178 = arith.constant 0 : i32
        %dma_wait3A_179 = arith.constant 0 : i32
        %dma_wait3A_180 = tpu.memref_slice %arg13[%dma_wait3A_178, %dma_wait3A_179] : memref<10112x160xbf16, #tpu.memory_space<vmem_shared>> -> memref<10112x160xbf16, #tpu.memory_space<vmem_shared>>
        tpu.wait_indirect_dma semaphore(%arg20 : memref<!tpu.dma_semaphore, #tpu.memory_space<semaphore_mem>>) src(%arg11 : memref<128x160xbf16, #tpu.memory_space<vmem>>) dst(%dma_wait3A_180 : memref<10112x160xbf16, #tpu.memory_space<vmem_shared>>)
      } else {
      }
      %dma_start3A_88 = arith.constant 2 : i32
      %dma_start3A_89 = arith.constant 0 : i32
      %dma_start3A_90 = tpu.memref_slice %arg7[%rem3A_53, %dma_start3A_88, %dma_start3A_89] : memref<2x4x128xi32, #tpu.memory_space<vmem>> -> memref<1x1x128xi32, #tpu.memory_space<vmem>>
      %dma_start3A_91 = tpu.memref_squeeze %dma_start3A_90 : memref<1x1x128xi32, #tpu.memory_space<vmem>> -> memref<128xi32, #tpu.memory_space<vmem>>
      %dma_start3A_92 = arith.constant 0 : i32
      %dma_start3A_93 = arith.constant 0 : i32
      %dma_start3A_94 = tpu.memref_slice %arg3[%dma_start3A_92, %dma_start3A_93] : memref<10112x160xbf16, #tpu.memory_space<hbm>> -> memref<10112x160xbf16, #tpu.memory_space<hbm>>
      tpu.enqueue_indirect_dma source(%dma_start3A_94 : memref<10112x160xbf16, #tpu.memory_space<hbm>>) target(%arg11 : memref<128x160xbf16, #tpu.memory_space<vmem>>) offsets(%dma_start3A_91 : memref<128xi32, #tpu.memory_space<vmem>>) semaphore(%arg16 : memref<!tpu.dma_semaphore, #tpu.memory_space<semaphore_mem>>)
      %gt3A_95 = arith.constant 0 : i32
      %gt3A_96 = arith.cmpi sgt, %while3A_52, %gt3A_95 : i32
      %convert_element_type3A_97 = arith.extui %gt3A_96 : i1 to i32
      %cond3A_98 = arith.constant 0 : i32
      %cond3A_99 = arith.cmpi ne, %convert_element_type3A_97, %cond3A_98 : i32
      scf.if %cond3A_99 {
        %dma_wait3A_173 = arith.constant 0 : i32
        %dma_wait3A_174 = arith.constant 3 : i32
        %dma_wait3A_175 = arith.constant 0 : i32
        %dma_wait3A_176 = tpu.memref_slice %arg8[%dma_wait3A_173, %dma_wait3A_174, %dma_wait3A_175] : memref<2x4x128xi32, #tpu.memory_space<vmem>> -> memref<1x1x128xi32, #tpu.memory_space<vmem>>
        %dma_wait3A_177 = tpu.memref_squeeze %dma_wait3A_176 : memref<1x1x128xi32, #tpu.memory_space<vmem>> -> memref<128xi32, #tpu.memory_space<vmem>>
        %dma_wait3A_178 = arith.constant 0 : i32
        %dma_wait3A_179 = arith.constant 0 : i32
        %dma_wait3A_180 = tpu.memref_slice %arg13[%dma_wait3A_178, %dma_wait3A_179] : memref<10112x160xbf16, #tpu.memory_space<vmem_shared>> -> memref<10112x160xbf16, #tpu.memory_space<vmem_shared>>
        tpu.wait_indirect_dma semaphore(%arg21 : memref<!tpu.dma_semaphore, #tpu.memory_space<semaphore_mem>>) src(%arg12 : memref<128x160xbf16, #tpu.memory_space<vmem>>) dst(%dma_wait3A_180 : memref<10112x160xbf16, #tpu.memory_space<vmem_shared>>)
      } else {
      }
      %dma_start3A_100 = arith.constant 3 : i32
      %dma_start3A_101 = arith.constant 0 : i32
      %dma_start3A_102 = tpu.memref_slice %arg7[%rem3A_53, %dma_start3A_100, %dma_start3A_101] : memref<2x4x128xi32, #tpu.memory_space<vmem>> -> memref<1x1x128xi32, #tpu.memory_space<vmem>>
      %dma_start3A_103 = tpu.memref_squeeze %dma_start3A_102 : memref<1x1x128xi32, #tpu.memory_space<vmem>> -> memref<128xi32, #tpu.memory_space<vmem>>
      %dma_start3A_104 = arith.constant 0 : i32
      %dma_start3A_105 = arith.constant 0 : i32
      %dma_start3A_106 = tpu.memref_slice %arg3[%dma_start3A_104, %dma_start3A_105] : memref<10112x160xbf16, #tpu.memory_space<hbm>> -> memref<10112x160xbf16, #tpu.memory_space<hbm>>
      tpu.enqueue_indirect_dma source(%dma_start3A_106 : memref<10112x160xbf16, #tpu.memory_space<hbm>>) target(%arg12 : memref<128x160xbf16, #tpu.memory_space<vmem>>) offsets(%dma_start3A_103 : memref<128xi32, #tpu.memory_space<vmem>>) semaphore(%arg17 : memref<!tpu.dma_semaphore, #tpu.memory_space<semaphore_mem>>)
      %dma_wait3A_107 = arith.constant 0 : i32
      %dma_wait3A_108 = arith.constant 0 : i32
      %dma_wait3A_109 = arith.constant 0 : i32
      %dma_wait3A_110 = tpu.memref_slice %arg7[%dma_wait3A_107, %dma_wait3A_108, %dma_wait3A_109] : memref<2x4x128xi32, #tpu.memory_space<vmem>> -> memref<1x1x128xi32, #tpu.memory_space<vmem>>
      %dma_wait3A_111 = tpu.memref_squeeze %dma_wait3A_110 : memref<1x1x128xi32, #tpu.memory_space<vmem>> -> memref<128xi32, #tpu.memory_space<vmem>>
      %dma_wait3A_112 = arith.constant 0 : i32
      %dma_wait3A_113 = arith.constant 0 : i32
      %dma_wait3A_114 = tpu.memref_slice %arg3[%dma_wait3A_112, %dma_wait3A_113] : memref<10112x160xbf16, #tpu.memory_space<hbm>> -> memref<10112x160xbf16, #tpu.memory_space<hbm>>
      tpu.wait_indirect_dma semaphore(%arg14 : memref<!tpu.dma_semaphore, #tpu.memory_space<semaphore_mem>>) src(%dma_wait3A_114 : memref<10112x160xbf16, #tpu.memory_space<hbm>>) dst(%arg9 : memref<128x160xbf16, #tpu.memory_space<vmem>>)
      %dma_start3A_115 = arith.constant 0 : i32
      %dma_start3A_116 = arith.constant 0 : i32
      %dma_start3A_117 = tpu.memref_slice %arg8[%rem3A_53, %dma_start3A_115, %dma_start3A_116] : memref<2x4x128xi32, #tpu.memory_space<vmem>> -> memref<1x1x128xi32, #tpu.memory_space<vmem>>
      %dma_start3A_118 = tpu.memref_squeeze %dma_start3A_117 : memref<1x1x128xi32, #tpu.memory_space<vmem>> -> memref<128xi32, #tpu.memory_space<vmem>>
      %dma_start3A_119 = arith.constant 0 : i32
      %dma_start3A_120 = arith.constant 0 : i32
      %dma_start3A_121 = tpu.memref_slice %arg13[%dma_start3A_119, %dma_start3A_120] : memref<10112x160xbf16, #tpu.memory_space<vmem_shared>> -> memref<10112x160xbf16, #tpu.memory_space<vmem_shared>>
      tpu.enqueue_indirect_dma source(%arg9 : memref<128x160xbf16, #tpu.memory_space<vmem>>) target(%dma_start3A_121 : memref<10112x160xbf16, #tpu.memory_space<vmem_shared>>) offsets(%dma_start3A_118 : memref<128xi32, #tpu.memory_space<vmem>>) semaphore(%arg18 : memref<!tpu.dma_semaphore, #tpu.memory_space<semaphore_mem>>) {add = true}
      %dma_wait3A_122 = arith.constant 0 : i32
      %dma_wait3A_123 = arith.constant 1 : i32
      %dma_wait3A_124 = arith.constant 0 : i32
      %dma_wait3A_125 = tpu.memref_slice %arg7[%dma_wait3A_122, %dma_wait3A_123, %dma_wait3A_124] : memref<2x4x128xi32, #tpu.memory_space<vmem>> -> memref<1x1x128xi32, #tpu.memory_space<vmem>>
      %dma_wait3A_126 = tpu.memref_squeeze %dma_wait3A_125 : memref<1x1x128xi32, #tpu.memory_space<vmem>> -> memref<128xi32, #tpu.memory_space<vmem>>
      %dma_wait3A_127 = arith.constant 0 : i32
      %dma_wait3A_128 = arith.constant 0 : i32
      %dma_wait3A_129 = tpu.memref_slice %arg3[%dma_wait3A_127, %dma_wait3A_128] : memref<10112x160xbf16, #tpu.memory_space<hbm>> -> memref<10112x160xbf16, #tpu.memory_space<hbm>>
      tpu.wait_indirect_dma semaphore(%arg15 : memref<!tpu.dma_semaphore, #tpu.memory_space<semaphore_mem>>) src(%dma_wait3A_129 : memref<10112x160xbf16, #tpu.memory_space<hbm>>) dst(%arg10 : memref<128x160xbf16, #tpu.memory_space<vmem>>)
      %dma_start3A_130 = arith.constant 1 : i32
      %dma_start3A_131 = arith.constant 0 : i32
      %dma_start3A_132 = tpu.memref_slice %arg8[%rem3A_53, %dma_start3A_130, %dma_start3A_131] : memref<2x4x128xi32, #tpu.memory_space<vmem>> -> memref<1x1x128xi32, #tpu.memory_space<vmem>>
      %dma_start3A_133 = tpu.memref_squeeze %dma_start3A_132 : memref<1x1x128xi32, #tpu.memory_space<vmem>> -> memref<128xi32, #tpu.memory_space<vmem>>
      %dma_start3A_134 = arith.constant 0 : i32
      %dma_start3A_135 = arith.constant 0 : i32
      %dma_start3A_136 = tpu.memref_slice %arg13[%dma_start3A_134, %dma_start3A_135] : memref<10112x160xbf16, #tpu.memory_space<vmem_shared>> -> memref<10112x160xbf16, #tpu.memory_space<vmem_shared>>
      tpu.enqueue_indirect_dma source(%arg10 : memref<128x160xbf16, #tpu.memory_space<vmem>>) target(%dma_start3A_136 : memref<10112x160xbf16, #tpu.memory_space<vmem_shared>>) offsets(%dma_start3A_133 : memref<128xi32, #tpu.memory_space<vmem>>) semaphore(%arg19 : memref<!tpu.dma_semaphore, #tpu.memory_space<semaphore_mem>>) {add = true}
      %dma_wait3A_137 = arith.constant 0 : i32
      %dma_wait3A_138 = arith.constant 2 : i32
      %dma_wait3A_139 = arith.constant 0 : i32
      %dma_wait3A_140 = tpu.memref_slice %arg7[%dma_wait3A_137, %dma_wait3A_138, %dma_wait3A_139] : memref<2x4x128xi32, #tpu.memory_space<vmem>> -> memref<1x1x128xi32, #tpu.memory_space<vmem>>
      %dma_wait3A_141 = tpu.memref_squeeze %dma_wait3A_140 : memref<1x1x128xi32, #tpu.memory_space<vmem>> -> memref<128xi32, #tpu.memory_space<vmem>>
      %dma_wait3A_142 = arith.constant 0 : i32
      %dma_wait3A_143 = arith.constant 0 : i32
      %dma_wait3A_144 = tpu.memref_slice %arg3[%dma_wait3A_142, %dma_wait3A_143] : memref<10112x160xbf16, #tpu.memory_space<hbm>> -> memref<10112x160xbf16, #tpu.memory_space<hbm>>
      tpu.wait_indirect_dma semaphore(%arg16 : memref<!tpu.dma_semaphore, #tpu.memory_space<semaphore_mem>>) src(%dma_wait3A_144 : memref<10112x160xbf16, #tpu.memory_space<hbm>>) dst(%arg11 : memref<128x160xbf16, #tpu.memory_space<vmem>>)
      %dma_start3A_145 = arith.constant 2 : i32
      %dma_start3A_146 = arith.constant 0 : i32
      %dma_start3A_147 = tpu.memref_slice %arg8[%rem3A_53, %dma_start3A_145, %dma_start3A_146] : memref<2x4x128xi32, #tpu.memory_space<vmem>> -> memref<1x1x128xi32, #tpu.memory_space<vmem>>
      %dma_start3A_148 = tpu.memref_squeeze %dma_start3A_147 : memref<1x1x128xi32, #tpu.memory_space<vmem>> -> memref<128xi32, #tpu.memory_space<vmem>>
      %dma_start3A_149 = arith.constant 0 : i32
      %dma_start3A_150 = arith.constant 0 : i32
      %dma_start3A_151 = tpu.memref_slice %arg13[%dma_start3A_149, %dma_start3A_150] : memref<10112x160xbf16, #tpu.memory_space<vmem_shared>> -> memref<10112x160xbf16, #tpu.memory_space<vmem_shared>>
      tpu.enqueue_indirect_dma source(%arg11 : memref<128x160xbf16, #tpu.memory_space<vmem>>) target(%dma_start3A_151 : memref<10112x160xbf16, #tpu.memory_space<vmem_shared>>) offsets(%dma_start3A_148 : memref<128xi32, #tpu.memory_space<vmem>>) semaphore(%arg20 : memref<!tpu.dma_semaphore, #tpu.memory_space<semaphore_mem>>) {add = true}
      %dma_wait3A_152 = arith.constant 0 : i32
      %dma_wait3A_153 = arith.constant 3 : i32
      %dma_wait3A_154 = arith.constant 0 : i32
      %dma_wait3A_155 = tpu.memref_slice %arg7[%dma_wait3A_152, %dma_wait3A_153, %dma_wait3A_154] : memref<2x4x128xi32, #tpu.memory_space<vmem>> -> memref<1x1x128xi32, #tpu.memory_space<vmem>>
      %dma_wait3A_156 = tpu.memref_squeeze %dma_wait3A_155 : memref<1x1x128xi32, #tpu.memory_space<vmem>> -> memref<128xi32, #tpu.memory_space<vmem>>
      %dma_wait3A_157 = arith.constant 0 : i32
      %dma_wait3A_158 = arith.constant 0 : i32
      %dma_wait3A_159 = tpu.memref_slice %arg3[%dma_wait3A_157, %dma_wait3A_158] : memref<10112x160xbf16, #tpu.memory_space<hbm>> -> memref<10112x160xbf16, #tpu.memory_space<hbm>>
      tpu.wait_indirect_dma semaphore(%arg17 : memref<!tpu.dma_semaphore, #tpu.memory_space<semaphore_mem>>) src(%dma_wait3A_159 : memref<10112x160xbf16, #tpu.memory_space<hbm>>) dst(%arg12 : memref<128x160xbf16, #tpu.memory_space<vmem>>)
      %dma_start3A_160 = arith.constant 3 : i32
      %dma_start3A_161 = arith.constant 0 : i32
      %dma_start3A_162 = tpu.memref_slice %arg8[%rem3A_53, %dma_start3A_160, %dma_start3A_161] : memref<2x4x128xi32, #tpu.memory_space<vmem>> -> memref<1x1x128xi32, #tpu.memory_space<vmem>>
      %dma_start3A_163 = tpu.memref_squeeze %dma_start3A_162 : memref<1x1x128xi32, #tpu.memory_space<vmem>> -> memref<128xi32, #tpu.memory_space<vmem>>
      %dma_start3A_164 = arith.constant 0 : i32
      %dma_start3A_165 = arith.constant 0 : i32
      %dma_start3A_166 = tpu.memref_slice %arg13[%dma_start3A_164, %dma_start3A_165] : memref<10112x160xbf16, #tpu.memory_space<vmem_shared>> -> memref<10112x160xbf16, #tpu.memory_space<vmem_shared>>
      tpu.enqueue_indirect_dma source(%arg12 : memref<128x160xbf16, #tpu.memory_space<vmem>>) target(%dma_start3A_166 : memref<10112x160xbf16, #tpu.memory_space<vmem_shared>>) offsets(%dma_start3A_163 : memref<128xi32, #tpu.memory_space<vmem>>) semaphore(%arg21 : memref<!tpu.dma_semaphore, #tpu.memory_space<semaphore_mem>>) {add = true}
      %add3A_167 = arith.constant 1 : i32
      %add3A_168 = arith.addi %while3A_52, %add3A_167 : i32
      %lt3A_169 = arith.cmpi slt, %add3A_168, %select_n3A_9 : i32
      %convert_element_type3A_170 = arith.extui %lt3A_169 : i1 to i32
      %cond3A_171 = arith.constant 0 : i32
      %cond3A_172 = arith.cmpi ne, %convert_element_type3A_170, %cond3A_171 : i32
      scf.if %cond3A_172 {
        %dma_wait3A_173 = arith.constant 0 : i32
        %dma_wait3A_174 = arith.constant 0 : i32
        %dma_wait3A_175 = arith.constant 0 : i32
        %dma_wait3A_176 = tpu.memref_slice %arg8[%dma_wait3A_173, %dma_wait3A_174, %dma_wait3A_175] : memref<2x4x128xi32, #tpu.memory_space<vmem>> -> memref<1x4x128xi32, #tpu.memory_space<vmem>>
        %dma_wait3A_177 = tpu.memref_squeeze %dma_wait3A_176 : memref<1x4x128xi32, #tpu.memory_space<vmem>> -> memref<4x128xi32, #tpu.memory_space<vmem>>
        %dma_wait3A_178 = arith.constant 0 : i32
        %dma_wait3A_179 = arith.constant 0 : i32
        %dma_wait3A_180 = tpu.memref_slice %arg5[%dma_wait3A_178, %dma_wait3A_179] : memref<2560x128xi32, #tpu.memory_space<hbm>> -> memref<4x128xi32, #tpu.memory_space<hbm>>
        %dma_wait3A_181 = arith.constant 0 : i32
        %dma_wait3A_182 = arith.constant 0 : i32
        %dma_wait3A_183 = tpu.memref_slice %arg8[%dma_wait3A_173, %dma_wait3A_181, %dma_wait3A_182] : memref<2x4x128xi32, #tpu.memory_space<vmem>> -> memref<1x4x128xi32, #tpu.memory_space<vmem>>
        %dma_wait3A_184 = tpu.memref_squeeze %dma_wait3A_183 : memref<1x4x128xi32, #tpu.memory_space<vmem>> -> memref<4x128xi32, #tpu.memory_space<vmem>>
        %dma_wait3A_185 = arith.constant 0 : i32
        %dma_wait3A_186 = arith.constant 0 : i32
        %dma_wait3A_187 = tpu.memref_slice %arg5[%dma_wait3A_185, %dma_wait3A_186] : memref<2560x128xi32, #tpu.memory_space<hbm>> -> memref<4x128xi32, #tpu.memory_space<hbm>>
        tpu.wait_dma2 semaphore(%arg22 : memref<!tpu.dma_semaphore, #tpu.memory_space<semaphore_mem>>) src(%dma_wait3A_187 : memref<4x128xi32, #tpu.memory_space<hbm>>) dst(%dma_wait3A_184 : memref<4x128xi32, #tpu.memory_space<vmem>>)
        %dma_wait3A_188 = arith.constant 0 : i32
        %dma_wait3A_189 = arith.constant 0 : i32
        %dma_wait3A_190 = arith.constant 0 : i32
        %dma_wait3A_191 = tpu.memref_slice %arg7[%dma_wait3A_188, %dma_wait3A_189, %dma_wait3A_190] : memref<2x4x128xi32, #tpu.memory_space<vmem>> -> memref<1x4x128xi32, #tpu.memory_space<vmem>>
        %dma_wait3A_192 = tpu.memref_squeeze %dma_wait3A_191 : memref<1x4x128xi32, #tpu.memory_space<vmem>> -> memref<4x128xi32, #tpu.memory_space<vmem>>
        %dma_wait3A_193 = arith.constant 0 : i32
        %dma_wait3A_194 = arith.constant 0 : i32
        %dma_wait3A_195 = tpu.memref_slice %arg4[%dma_wait3A_193, %dma_wait3A_194] : memref<2560x128xi32, #tpu.memory_space<hbm>> -> memref<4x128xi32, #tpu.memory_space<hbm>>
        %dma_wait3A_196 = arith.constant 0 : i32
        %dma_wait3A_197 = arith.constant 0 : i32
        %dma_wait3A_198 = tpu.memref_slice %arg7[%dma_wait3A_188, %dma_wait3A_196, %dma_wait3A_197] : memref<2x4x128xi32, #tpu.memory_space<vmem>> -> memref<1x4x128xi32, #tpu.memory_space<vmem>>
        %dma_wait3A_199 = tpu.memref_squeeze %dma_wait3A_198 : memref<1x4x128xi32, #tpu.memory_space<vmem>> -> memref<4x128xi32, #tpu.memory_space<vmem>>
        %dma_wait3A_200 = arith.constant 0 : i32
        %dma_wait3A_201 = arith.constant 0 : i32
        %dma_wait3A_202 = tpu.memref_slice %arg4[%dma_wait3A_200, %dma_wait3A_201] : memref<2560x128xi32, #tpu.memory_space<hbm>> -> memref<4x128xi32, #tpu.memory_space<hbm>>
        tpu.wait_dma2 semaphore(%arg22 : memref<!tpu.dma_semaphore, #tpu.memory_space<semaphore_mem>>) src(%dma_wait3A_202 : memref<4x128xi32, #tpu.memory_space<hbm>>) dst(%dma_wait3A_199 : memref<4x128xi32, #tpu.memory_space<vmem>>)
      } else {
      }
    }
    %dma_wait3A = arith.constant 0 : i32
    %dma_wait3A_20 = arith.constant 0 : i32
    %dma_wait3A_21 = arith.constant 0 : i32
    %dma_wait3A_22 = tpu.memref_slice %arg8[%dma_wait3A, %dma_wait3A_20, %dma_wait3A_21] : memref<2x4x128xi32, #tpu.memory_space<vmem>> -> memref<1x1x128xi32, #tpu.memory_space<vmem>>
    %dma_wait3A_23 = tpu.memref_squeeze %dma_wait3A_22 : memref<1x1x128xi32, #tpu.memory_space<vmem>> -> memref<128xi32, #tpu.memory_space<vmem>>
    %dma_wait3A_24 = arith.constant 0 : i32
    %dma_wait3A_25 = arith.constant 0 : i32
    %dma_wait3A_26 = tpu.memref_slice %arg13[%dma_wait3A_24, %dma_wait3A_25] : memref<10112x160xbf16, #tpu.memory_space<vmem_shared>> -> memref<10112x160xbf16, #tpu.memory_space<vmem_shared>>
    tpu.wait_indirect_dma semaphore(%arg18 : memref<!tpu.dma_semaphore, #tpu.memory_space<semaphore_mem>>) src(%arg9 : memref<128x160xbf16, #tpu.memory_space<vmem>>) dst(%dma_wait3A_26 : memref<10112x160xbf16, #tpu.memory_space<vmem_shared>>)
    %dma_wait3A_27 = arith.constant 0 : i32
    %dma_wait3A_28 = arith.constant 1 : i32
    %dma_wait3A_29 = arith.constant 0 : i32
    %dma_wait3A_30 = tpu.memref_slice %arg8[%dma_wait3A_27, %dma_wait3A_28, %dma_wait3A_29] : memref<2x4x128xi32, #tpu.memory_space<vmem>> -> memref<1x1x128xi32, #tpu.memory_space<vmem>>
    %dma_wait3A_31 = tpu.memref_squeeze %dma_wait3A_30 : memref<1x1x128xi32, #tpu.memory_space<vmem>> -> memref<128xi32, #tpu.memory_space<vmem>>
    %dma_wait3A_32 = arith.constant 0 : i32
    %dma_wait3A_33 = arith.constant 0 : i32
    %dma_wait3A_34 = tpu.memref_slice %arg13[%dma_wait3A_32, %dma_wait3A_33] : memref<10112x160xbf16, #tpu.memory_space<vmem_shared>> -> memref<10112x160xbf16, #tpu.memory_space<vmem_shared>>
    tpu.wait_indirect_dma semaphore(%arg19 : memref<!tpu.dma_semaphore, #tpu.memory_space<semaphore_mem>>) src(%arg10 : memref<128x160xbf16, #tpu.memory_space<vmem>>) dst(%dma_wait3A_34 : memref<10112x160xbf16, #tpu.memory_space<vmem_shared>>)
    %dma_wait3A_35 = arith.constant 0 : i32
    %dma_wait3A_36 = arith.constant 2 : i32
    %dma_wait3A_37 = arith.constant 0 : i32
    %dma_wait3A_38 = tpu.memref_slice %arg8[%dma_wait3A_35, %dma_wait3A_36, %dma_wait3A_37] : memref<2x4x128xi32, #tpu.memory_space<vmem>> -> memref<1x1x128xi32, #tpu.memory_space<vmem>>
    %dma_wait3A_39 = tpu.memref_squeeze %dma_wait3A_38 : memref<1x1x128xi32, #tpu.memory_space<vmem>> -> memref<128xi32, #tpu.memory_space<vmem>>
    %dma_wait3A_40 = arith.constant 0 : i32
    %dma_wait3A_41 = arith.constant 0 : i32
    %dma_wait3A_42 = tpu.memref_slice %arg13[%dma_wait3A_40, %dma_wait3A_41] : memref<10112x160xbf16, #tpu.memory_space<vmem_shared>> -> memref<10112x160xbf16, #tpu.memory_space<vmem_shared>>
    tpu.wait_indirect_dma semaphore(%arg20 : memref<!tpu.dma_semaphore, #tpu.memory_space<semaphore_mem>>) src(%arg11 : memref<128x160xbf16, #tpu.memory_space<vmem>>) dst(%dma_wait3A_42 : memref<10112x160xbf16, #tpu.memory_space<vmem_shared>>)
    %dma_wait3A_43 = arith.constant 0 : i32
    %dma_wait3A_44 = arith.constant 3 : i32
    %dma_wait3A_45 = arith.constant 0 : i32
    %dma_wait3A_46 = tpu.memref_slice %arg8[%dma_wait3A_43, %dma_wait3A_44, %dma_wait3A_45] : memref<2x4x128xi32, #tpu.memory_space<vmem>> -> memref<1x1x128xi32, #tpu.memory_space<vmem>>
    %dma_wait3A_47 = tpu.memref_squeeze %dma_wait3A_46 : memref<1x1x128xi32, #tpu.memory_space<vmem>> -> memref<128xi32, #tpu.memory_space<vmem>>
    %dma_wait3A_48 = arith.constant 0 : i32
    %dma_wait3A_49 = arith.constant 0 : i32
    %dma_wait3A_50 = tpu.memref_slice %arg13[%dma_wait3A_48, %dma_wait3A_49] : memref<10112x160xbf16, #tpu.memory_space<vmem_shared>> -> memref<10112x160xbf16, #tpu.memory_space<vmem_shared>>
    tpu.wait_indirect_dma semaphore(%arg21 : memref<!tpu.dma_semaphore, #tpu.memory_space<semaphore_mem>>) src(%arg12 : memref<128x160xbf16, #tpu.memory_space<vmem>>) dst(%dma_wait3A_50 : memref<10112x160xbf16, #tpu.memory_space<vmem_shared>>)
    %barrier3A_51 = arith.constant 0 : index
    tpu.barrier barrier_id(%barrier3A_51)
    "tpu.region"() ({
      %run_scoped3A_52 = tpu.sem_alloc : memref<!tpu.dma_semaphore, #tpu.memory_space<semaphore_mem>>
      %dma_start3A = arith.constant 0 : i32
      %dma_start3A_53 = tpu.memref_slice %arg6[%arg0, %mul3A_0, %dma_start3A] : memref<2x10112x160xbf16, #tpu.memory_space<hbm>> -> memref<1x632x160xbf16, #tpu.memory_space<hbm>>
      %dma_start3A_54 = tpu.memref_squeeze %dma_start3A_53 : memref<1x632x160xbf16, #tpu.memory_space<hbm>> -> memref<632x160xbf16, #tpu.memory_space<hbm>>
      %dma_start3A_55 = arith.constant 0 : i32
      %dma_start3A_56 = tpu.memref_slice %arg13[%mul3A_0, %dma_start3A_55] : memref<10112x160xbf16, #tpu.memory_space<vmem_shared>> -> memref<632x160xbf16, #tpu.memory_space<vmem_shared>>
      tpu.enqueue_dma source(%dma_start3A_56 : memref<632x160xbf16, #tpu.memory_space<vmem_shared>>) target(%dma_start3A_54 : memref<632x160xbf16, #tpu.memory_space<hbm>>) target_semaphore(%run_scoped3A_52 : memref<!tpu.dma_semaphore, #tpu.memory_space<semaphore_mem>>)
      %dma_wait3A_57 = arith.constant 0 : i32
      %dma_wait3A_58 = tpu.memref_slice %arg6[%arg0, %mul3A_0, %dma_wait3A_57] : memref<2x10112x160xbf16, #tpu.memory_space<hbm>> -> memref<1x632x160xbf16, #tpu.memory_space<hbm>>
      %dma_wait3A_59 = tpu.memref_squeeze %dma_wait3A_58 : memref<1x632x160xbf16, #tpu.memory_space<hbm>> -> memref<632x160xbf16, #tpu.memory_space<hbm>>
      %dma_wait3A_60 = arith.constant 0 : i32
      %dma_wait3A_61 = tpu.memref_slice %arg13[%mul3A_0, %dma_wait3A_60] : memref<10112x160xbf16, #tpu.memory_space<vmem_shared>> -> memref<632x160xbf16, #tpu.memory_space<vmem_shared>>
      tpu.wait_dma2 semaphore(%run_scoped3A_52 : memref<!tpu.dma_semaphore, #tpu.memory_space<semaphore_mem>>) src(%dma_wait3A_61 : memref<632x160xbf16, #tpu.memory_space<vmem_shared>>) dst(%dma_wait3A_59 : memref<632x160xbf16, #tpu.memory_space<hbm>>)
      tpu.yield
    }) : () -> ()
    return
  }
}

#map = affine_map<(d0, d1) -> (0, 0)>
#map1 = affine_map<(d0, d1) -> (0, 0, 0)>
module attributes {stable_mosaic.version = 14 : i64} {
  func.func @sc_pass(%arg0: i32, %arg1: i32, %arg2: memref<10112x160xbf16, #tpu.memory_space<hbm>>, %arg3: memref<10112x160xbf16, #tpu.memory_space<hbm>>, %arg4: memref<2560x128xi32, #tpu.memory_space<hbm>>, %arg5: memref<2560x128xi32, #tpu.memory_space<hbm>>, %arg6: memref<2x10112x160xbf16, #tpu.memory_space<hbm>>, %arg7: memref<2x4x128xi32, #tpu.memory_space<vmem>>, %arg8: memref<2x4x128xi32, #tpu.memory_space<vmem>>, %arg9: memref<128x160xbf16, #tpu.memory_space<vmem>>, %arg10: memref<128x160xbf16, #tpu.memory_space<vmem>>, %arg11: memref<128x160xbf16, #tpu.memory_space<vmem>>, %arg12: memref<128x160xbf16, #tpu.memory_space<vmem>>, %arg13: memref<10112x160xbf16, #tpu.memory_space<vmem_shared>>, %arg14: memref<!tpu.dma_semaphore, #tpu.memory_space<semaphore_mem>>, %arg15: memref<!tpu.dma_semaphore, #tpu.memory_space<semaphore_mem>>, %arg16: memref<!tpu.dma_semaphore, #tpu.memory_space<semaphore_mem>>, %arg17: memref<!tpu.dma_semaphore, #tpu.memory_space<semaphore_mem>>, %arg18: memref<!tpu.dma_semaphore, #tpu.memory_space<semaphore_mem>>, %arg19: memref<!tpu.dma_semaphore, #tpu.memory_space<semaphore_mem>>, %arg20: memref<!tpu.dma_semaphore, #tpu.memory_space<semaphore_mem>>, %arg21: memref<!tpu.dma_semaphore, #tpu.memory_space<semaphore_mem>>, %arg22: memref<!tpu.dma_semaphore, #tpu.memory_space<semaphore_mem>>) attributes {dimension_semantics = [#tpu.dimension_semantics<core_parallel>, #tpu.dimension_semantics<subcore_parallel>], iteration_bounds = array<i64: 2, 16>, scalar_prefetch = 0 : i64, scratch_operands = 16 : i64, tpu.core_type = #tpu.core_type<sc_vector_subcore>, window_params = [{transform_indices = #map}, {transform_indices = #map}, {transform_indices = #map}, {transform_indices = #map}, {transform_indices = #map1}]} {
    %mul3A = arith.constant 632 : i32
    %mul3A_0 = arith.muli %arg1, %mul3A : i32
    "tpu.region"() ({
      %run_scoped3A_52 = tpu.sem_alloc : memref<!tpu.dma_semaphore, #tpu.memory_space<semaphore_mem>>
      %dma_start3A = arith.constant 0 : i32
      %dma_start3A_53 = tpu.memref_slice %arg13[%mul3A_0, %dma_start3A] : memref<10112x160xbf16, #tpu.memory_space<vmem_shared>> -> memref<632x160xbf16, #tpu.memory_space<vmem_shared>>
      %dma_start3A_54 = arith.constant 0 : i32
      %dma_start3A_55 = tpu.memref_slice %arg2[%mul3A_0, %dma_start3A_54] : memref<10112x160xbf16, #tpu.memory_space<hbm>> -> memref<632x160xbf16, #tpu.memory_space<hbm>>
      tpu.enqueue_dma source(%dma_start3A_55 : memref<632x160xbf16, #tpu.memory_space<hbm>>) target(%dma_start3A_53 : memref<632x160xbf16, #tpu.memory_space<vmem_shared>>) target_semaphore(%run_scoped3A_52 : memref<!tpu.dma_semaphore, #tpu.memory_space<semaphore_mem>>)
      %dma_wait3A_56 = arith.constant 0 : i32
      %dma_wait3A_57 = tpu.memref_slice %arg13[%mul3A_0, %dma_wait3A_56] : memref<10112x160xbf16, #tpu.memory_space<vmem_shared>> -> memref<632x160xbf16, #tpu.memory_space<vmem_shared>>
      %dma_wait3A_58 = arith.constant 0 : i32
      %dma_wait3A_59 = tpu.memref_slice %arg2[%mul3A_0, %dma_wait3A_58] : memref<10112x160xbf16, #tpu.memory_space<hbm>> -> memref<632x160xbf16, #tpu.memory_space<hbm>>
      tpu.wait_dma2 semaphore(%run_scoped3A_52 : memref<!tpu.dma_semaphore, #tpu.memory_space<semaphore_mem>>) src(%dma_wait3A_59 : memref<632x160xbf16, #tpu.memory_space<hbm>>) dst(%dma_wait3A_57 : memref<632x160xbf16, #tpu.memory_space<vmem_shared>>)
      tpu.yield
    }) : () -> ()
    %mul3A_1 = arith.constant 160 : i32
    %mul3A_2 = arith.muli %arg1, %mul3A_1 : i32
    %eq3A = arith.constant 0 : i32
    %eq3A_3 = arith.cmpi eq, %arg0, %eq3A : i32
    %jit3A = arith.constant 0 : i32
    %jit3A_4 = arith.constant 116 : i32
    %select_n3A = arith.select %eq3A_3, %jit3A, %jit3A_4 : i32
    %add3A = arith.addi %mul3A_2, %select_n3A : i32
    %eq3A_5 = arith.constant 0 : i32
    %eq3A_6 = arith.cmpi eq, %arg0, %eq3A_5 : i32
    %jit3A_7 = arith.constant 29 : i32
    %jit3A_8 = arith.constant 11 : i32
    %select_n3A_9 = arith.select %eq3A_6, %jit3A_7, %jit3A_8 : i32
    %run_scoped3A = arith.constant 0 : i32
    "tpu.region"() ({
      %run_scoped3A_52 = tpu.sem_alloc : memref<!tpu.dma_semaphore, #tpu.memory_space<semaphore_mem>>
      %dma_start3A = arith.constant 0 : i32
      %dma_start3A_53 = arith.constant 0 : i32
      %dma_start3A_54 = tpu.memref_slice %arg8[%run_scoped3A, %dma_start3A, %dma_start3A_53] : memref<2x4x128xi32, #tpu.memory_space<vmem>> -> memref<1x4x128xi32, #tpu.memory_space<vmem>>
      %dma_start3A_55 = tpu.memref_squeeze %dma_start3A_54 : memref<1x4x128xi32, #tpu.memory_space<vmem>> -> memref<4x128xi32, #tpu.memory_space<vmem>>
      %dma_start3A_56 = arith.constant 0 : i32
      %dma_start3A_57 = tpu.memref_slice %arg5[%add3A, %dma_start3A_56] : memref<2560x128xi32, #tpu.memory_space<hbm>> -> memref<4x128xi32, #tpu.memory_space<hbm>>
      %dma_start3A_58 = arith.constant 0 : i32
      %dma_start3A_59 = arith.constant 0 : i32
      %dma_start3A_60 = tpu.memref_slice %arg8[%run_scoped3A, %dma_start3A_58, %dma_start3A_59] : memref<2x4x128xi32, #tpu.memory_space<vmem>> -> memref<1x4x128xi32, #tpu.memory_space<vmem>>
      %dma_start3A_61 = tpu.memref_squeeze %dma_start3A_60 : memref<1x4x128xi32, #tpu.memory_space<vmem>> -> memref<4x128xi32, #tpu.memory_space<vmem>>
      %dma_start3A_62 = arith.constant 0 : i32
      %dma_start3A_63 = tpu.memref_slice %arg5[%add3A, %dma_start3A_62] : memref<2560x128xi32, #tpu.memory_space<hbm>> -> memref<4x128xi32, #tpu.memory_space<hbm>>
      tpu.enqueue_dma source(%dma_start3A_63 : memref<4x128xi32, #tpu.memory_space<hbm>>) target(%dma_start3A_61 : memref<4x128xi32, #tpu.memory_space<vmem>>) target_semaphore(%run_scoped3A_52 : memref<!tpu.dma_semaphore, #tpu.memory_space<semaphore_mem>>)
      %dma_wait3A_64 = arith.constant 0 : i32
      %dma_wait3A_65 = arith.constant 0 : i32
      %dma_wait3A_66 = tpu.memref_slice %arg8[%run_scoped3A, %dma_wait3A_64, %dma_wait3A_65] : memref<2x4x128xi32, #tpu.memory_space<vmem>> -> memref<1x4x128xi32, #tpu.memory_space<vmem>>
      %dma_wait3A_67 = tpu.memref_squeeze %dma_wait3A_66 : memref<1x4x128xi32, #tpu.memory_space<vmem>> -> memref<4x128xi32, #tpu.memory_space<vmem>>
      %dma_wait3A_68 = arith.constant 0 : i32
      %dma_wait3A_69 = tpu.memref_slice %arg5[%add3A, %dma_wait3A_68] : memref<2560x128xi32, #tpu.memory_space<hbm>> -> memref<4x128xi32, #tpu.memory_space<hbm>>
      %dma_wait3A_70 = arith.constant 0 : i32
      %dma_wait3A_71 = arith.constant 0 : i32
      %dma_wait3A_72 = tpu.memref_slice %arg8[%run_scoped3A, %dma_wait3A_70, %dma_wait3A_71] : memref<2x4x128xi32, #tpu.memory_space<vmem>> -> memref<1x4x128xi32, #tpu.memory_space<vmem>>
      %dma_wait3A_73 = tpu.memref_squeeze %dma_wait3A_72 : memref<1x4x128xi32, #tpu.memory_space<vmem>> -> memref<4x128xi32, #tpu.memory_space<vmem>>
      %dma_wait3A_74 = arith.constant 0 : i32
      %dma_wait3A_75 = tpu.memref_slice %arg5[%add3A, %dma_wait3A_74] : memref<2560x128xi32, #tpu.memory_space<hbm>> -> memref<4x128xi32, #tpu.memory_space<hbm>>
      tpu.wait_dma2 semaphore(%run_scoped3A_52 : memref<!tpu.dma_semaphore, #tpu.memory_space<semaphore_mem>>) src(%dma_wait3A_75 : memref<4x128xi32, #tpu.memory_space<hbm>>) dst(%dma_wait3A_73 : memref<4x128xi32, #tpu.memory_space<vmem>>)
      tpu.yield
    }) : () -> ()
    %run_scoped3A_10 = arith.constant 0 : i32
    "tpu.region"() ({
      %run_scoped3A_52 = tpu.sem_alloc : memref<!tpu.dma_semaphore, #tpu.memory_space<semaphore_mem>>
      %dma_start3A = arith.constant 0 : i32
      %dma_start3A_53 = arith.constant 0 : i32
      %dma_start3A_54 = tpu.memref_slice %arg7[%run_scoped3A_10, %dma_start3A, %dma_start3A_53] : memref<2x4x128xi32, #tpu.memory_space<vmem>> -> memref<1x4x128xi32, #tpu.memory_space<vmem>>
      %dma_start3A_55 = tpu.memref_squeeze %dma_start3A_54 : memref<1x4x128xi32, #tpu.memory_space<vmem>> -> memref<4x128xi32, #tpu.memory_space<vmem>>
      %dma_start3A_56 = arith.constant 0 : i32
      %dma_start3A_57 = tpu.memref_slice %arg4[%add3A, %dma_start3A_56] : memref<2560x128xi32, #tpu.memory_space<hbm>> -> memref<4x128xi32, #tpu.memory_space<hbm>>
      %dma_start3A_58 = arith.constant 0 : i32
      %dma_start3A_59 = arith.constant 0 : i32
      %dma_start3A_60 = tpu.memref_slice %arg7[%run_scoped3A_10, %dma_start3A_58, %dma_start3A_59] : memref<2x4x128xi32, #tpu.memory_space<vmem>> -> memref<1x4x128xi32, #tpu.memory_space<vmem>>
      %dma_start3A_61 = tpu.memref_squeeze %dma_start3A_60 : memref<1x4x128xi32, #tpu.memory_space<vmem>> -> memref<4x128xi32, #tpu.memory_space<vmem>>
      %dma_start3A_62 = arith.constant 0 : i32
      %dma_start3A_63 = tpu.memref_slice %arg4[%add3A, %dma_start3A_62] : memref<2560x128xi32, #tpu.memory_space<hbm>> -> memref<4x128xi32, #tpu.memory_space<hbm>>
      tpu.enqueue_dma source(%dma_start3A_63 : memref<4x128xi32, #tpu.memory_space<hbm>>) target(%dma_start3A_61 : memref<4x128xi32, #tpu.memory_space<vmem>>) target_semaphore(%run_scoped3A_52 : memref<!tpu.dma_semaphore, #tpu.memory_space<semaphore_mem>>)
      %dma_wait3A_64 = arith.constant 0 : i32
      %dma_wait3A_65 = arith.constant 0 : i32
      %dma_wait3A_66 = tpu.memref_slice %arg7[%run_scoped3A_10, %dma_wait3A_64, %dma_wait3A_65] : memref<2x4x128xi32, #tpu.memory_space<vmem>> -> memref<1x4x128xi32, #tpu.memory_space<vmem>>
      %dma_wait3A_67 = tpu.memref_squeeze %dma_wait3A_66 : memref<1x4x128xi32, #tpu.memory_space<vmem>> -> memref<4x128xi32, #tpu.memory_space<vmem>>
      %dma_wait3A_68 = arith.constant 0 : i32
      %dma_wait3A_69 = tpu.memref_slice %arg4[%add3A, %dma_wait3A_68] : memref<2560x128xi32, #tpu.memory_space<hbm>> -> memref<4x128xi32, #tpu.memory_space<hbm>>
      %dma_wait3A_70 = arith.constant 0 : i32
      %dma_wait3A_71 = arith.constant 0 : i32
      %dma_wait3A_72 = tpu.memref_slice %arg7[%run_scoped3A_10, %dma_wait3A_70, %dma_wait3A_71] : memref<2x4x128xi32, #tpu.memory_space<vmem>> -> memref<1x4x128xi32, #tpu.memory_space<vmem>>
      %dma_wait3A_73 = tpu.memref_squeeze %dma_wait3A_72 : memref<1x4x128xi32, #tpu.memory_space<vmem>> -> memref<4x128xi32, #tpu.memory_space<vmem>>
      %dma_wait3A_74 = arith.constant 0 : i32
      %dma_wait3A_75 = tpu.memref_slice %arg4[%add3A, %dma_wait3A_74] : memref<2560x128xi32, #tpu.memory_space<hbm>> -> memref<4x128xi32, #tpu.memory_space<hbm>>
      tpu.wait_dma2 semaphore(%run_scoped3A_52 : memref<!tpu.dma_semaphore, #tpu.memory_space<semaphore_mem>>) src(%dma_wait3A_75 : memref<4x128xi32, #tpu.memory_space<hbm>>) dst(%dma_wait3A_73 : memref<4x128xi32, #tpu.memory_space<vmem>>)
      tpu.yield
    }) : () -> ()
    %barrier3A = arith.constant 0 : index
    tpu.barrier barrier_id(%barrier3A)
    %while3A = arith.constant 0 : i32
    %while3A_11 = arith.constant 0 : i32
    %while3A_12 = arith.subi %select_n3A_9, %while3A_11 : i32
    %while3A_13 = arith.addi %while3A_11, %while3A_12 : i32
    %while3A_14 = arith.constant 1 : i32
    %while3A_15 = arith.divsi %while3A_12, %while3A_14 : i32
    %while3A_16 = arith.muli %while3A_15, %while3A_14 : i32
    %while3A_17 = arith.addi %while3A_11, %while3A_16 : i32
    %while3A_18 = arith.constant 1 : i32
    scf.for %while3A_52 = %while3A_11 to %while3A_17 step %while3A_18  : i32 {
      %rem3A = arith.constant 2 : i32
      %rem3A_53 = arith.remsi %while3A_52, %rem3A : i32
      %add3A_54 = arith.constant 1 : i32
      %add3A_55 = arith.addi %while3A_52, %add3A_54 : i32
      %rem3A_56 = arith.constant 2 : i32
      %rem3A_57 = arith.remsi %add3A_55, %rem3A_56 : i32
      %add3A_58 = arith.constant 1 : i32
      %add3A_59 = arith.addi %while3A_52, %add3A_58 : i32
      %lt3A = arith.cmpi slt, %add3A_59, %select_n3A_9 : i32
      %convert_element_type3A = arith.extui %lt3A : i1 to i32
      %cond3A = arith.constant 0 : i32
      %cond3A_60 = arith.cmpi ne, %convert_element_type3A, %cond3A : i32
      scf.if %cond3A_60 {
        %add3A_173 = arith.constant 1 : i32
        %add3A_174 = arith.addi %while3A_52, %add3A_173 : i32
        %mul3A_175 = arith.constant 4 : i32
        %mul3A_176 = arith.muli %add3A_174, %mul3A_175 : i32
        %add3A_177 = arith.addi %add3A, %mul3A_176 : i32
        %dma_start3A_178 = arith.constant 0 : i32
        %dma_start3A_179 = arith.constant 0 : i32
        %dma_start3A_180 = tpu.memref_slice %arg8[%rem3A_57, %dma_start3A_178, %dma_start3A_179] : memref<2x4x128xi32, #tpu.memory_space<vmem>> -> memref<1x4x128xi32, #tpu.memory_space<vmem>>
        %dma_start3A_181 = tpu.memref_squeeze %dma_start3A_180 : memref<1x4x128xi32, #tpu.memory_space<vmem>> -> memref<4x128xi32, #tpu.memory_space<vmem>>
        %dma_start3A_182 = arith.constant 0 : i32
        %dma_start3A_183 = tpu.memref_slice %arg5[%add3A_177, %dma_start3A_182] : memref<2560x128xi32, #tpu.memory_space<hbm>> -> memref<4x128xi32, #tpu.memory_space<hbm>>
        %dma_start3A_184 = arith.constant 0 : i32
        %dma_start3A_185 = arith.constant 0 : i32
        %dma_start3A_186 = tpu.memref_slice %arg8[%rem3A_57, %dma_start3A_184, %dma_start3A_185] : memref<2x4x128xi32, #tpu.memory_space<vmem>> -> memref<1x4x128xi32, #tpu.memory_space<vmem>>
        %dma_start3A_187 = tpu.memref_squeeze %dma_start3A_186 : memref<1x4x128xi32, #tpu.memory_space<vmem>> -> memref<4x128xi32, #tpu.memory_space<vmem>>
        %dma_start3A_188 = arith.constant 0 : i32
        %dma_start3A_189 = tpu.memref_slice %arg5[%add3A_177, %dma_start3A_188] : memref<2560x128xi32, #tpu.memory_space<hbm>> -> memref<4x128xi32, #tpu.memory_space<hbm>>
        tpu.enqueue_dma source(%dma_start3A_189 : memref<4x128xi32, #tpu.memory_space<hbm>>) target(%dma_start3A_187 : memref<4x128xi32, #tpu.memory_space<vmem>>) target_semaphore(%arg22 : memref<!tpu.dma_semaphore, #tpu.memory_space<semaphore_mem>>)
        %dma_start3A_190 = arith.constant 0 : i32
        %dma_start3A_191 = arith.constant 0 : i32
        %dma_start3A_192 = tpu.memref_slice %arg7[%rem3A_57, %dma_start3A_190, %dma_start3A_191] : memref<2x4x128xi32, #tpu.memory_space<vmem>> -> memref<1x4x128xi32, #tpu.memory_space<vmem>>
        %dma_start3A_193 = tpu.memref_squeeze %dma_start3A_192 : memref<1x4x128xi32, #tpu.memory_space<vmem>> -> memref<4x128xi32, #tpu.memory_space<vmem>>
        %dma_start3A_194 = arith.constant 0 : i32
        %dma_start3A_195 = tpu.memref_slice %arg4[%add3A_177, %dma_start3A_194] : memref<2560x128xi32, #tpu.memory_space<hbm>> -> memref<4x128xi32, #tpu.memory_space<hbm>>
        %dma_start3A_196 = arith.constant 0 : i32
        %dma_start3A_197 = arith.constant 0 : i32
        %dma_start3A_198 = tpu.memref_slice %arg7[%rem3A_57, %dma_start3A_196, %dma_start3A_197] : memref<2x4x128xi32, #tpu.memory_space<vmem>> -> memref<1x4x128xi32, #tpu.memory_space<vmem>>
        %dma_start3A_199 = tpu.memref_squeeze %dma_start3A_198 : memref<1x4x128xi32, #tpu.memory_space<vmem>> -> memref<4x128xi32, #tpu.memory_space<vmem>>
        %dma_start3A_200 = arith.constant 0 : i32
        %dma_start3A_201 = tpu.memref_slice %arg4[%add3A_177, %dma_start3A_200] : memref<2560x128xi32, #tpu.memory_space<hbm>> -> memref<4x128xi32, #tpu.memory_space<hbm>>
        tpu.enqueue_dma source(%dma_start3A_201 : memref<4x128xi32, #tpu.memory_space<hbm>>) target(%dma_start3A_199 : memref<4x128xi32, #tpu.memory_space<vmem>>) target_semaphore(%arg22 : memref<!tpu.dma_semaphore, #tpu.memory_space<semaphore_mem>>)
      } else {
      }
      %gt3A = arith.constant 0 : i32
      %gt3A_61 = arith.cmpi sgt, %while3A_52, %gt3A : i32
      %convert_element_type3A_62 = arith.extui %gt3A_61 : i1 to i32
      %cond3A_63 = arith.constant 0 : i32
      %cond3A_64 = arith.cmpi ne, %convert_element_type3A_62, %cond3A_63 : i32
      scf.if %cond3A_64 {
        %dma_wait3A_173 = arith.constant 0 : i32
        %dma_wait3A_174 = arith.constant 0 : i32
        %dma_wait3A_175 = arith.constant 0 : i32
        %dma_wait3A_176 = tpu.memref_slice %arg8[%dma_wait3A_173, %dma_wait3A_174, %dma_wait3A_175] : memref<2x4x128xi32, #tpu.memory_space<vmem>> -> memref<1x1x128xi32, #tpu.memory_space<vmem>>
        %dma_wait3A_177 = tpu.memref_squeeze %dma_wait3A_176 : memref<1x1x128xi32, #tpu.memory_space<vmem>> -> memref<128xi32, #tpu.memory_space<vmem>>
        %dma_wait3A_178 = arith.constant 0 : i32
        %dma_wait3A_179 = arith.constant 0 : i32
        %dma_wait3A_180 = tpu.memref_slice %arg13[%dma_wait3A_178, %dma_wait3A_179] : memref<10112x160xbf16, #tpu.memory_space<vmem_shared>> -> memref<10112x160xbf16, #tpu.memory_space<vmem_shared>>
        tpu.wait_indirect_dma semaphore(%arg18 : memref<!tpu.dma_semaphore, #tpu.memory_space<semaphore_mem>>) src(%arg9 : memref<128x160xbf16, #tpu.memory_space<vmem>>) dst(%dma_wait3A_180 : memref<10112x160xbf16, #tpu.memory_space<vmem_shared>>)
      } else {
      }
      %dma_start3A = arith.constant 0 : i32
      %dma_start3A_65 = arith.constant 0 : i32
      %dma_start3A_66 = tpu.memref_slice %arg7[%rem3A_53, %dma_start3A, %dma_start3A_65] : memref<2x4x128xi32, #tpu.memory_space<vmem>> -> memref<1x1x128xi32, #tpu.memory_space<vmem>>
      %dma_start3A_67 = tpu.memref_squeeze %dma_start3A_66 : memref<1x1x128xi32, #tpu.memory_space<vmem>> -> memref<128xi32, #tpu.memory_space<vmem>>
      %dma_start3A_68 = arith.constant 0 : i32
      %dma_start3A_69 = arith.constant 0 : i32
      %dma_start3A_70 = tpu.memref_slice %arg3[%dma_start3A_68, %dma_start3A_69] : memref<10112x160xbf16, #tpu.memory_space<hbm>> -> memref<10112x160xbf16, #tpu.memory_space<hbm>>
      tpu.enqueue_indirect_dma source(%dma_start3A_70 : memref<10112x160xbf16, #tpu.memory_space<hbm>>) target(%arg9 : memref<128x160xbf16, #tpu.memory_space<vmem>>) offsets(%dma_start3A_67 : memref<128xi32, #tpu.memory_space<vmem>>) semaphore(%arg14 : memref<!tpu.dma_semaphore, #tpu.memory_space<semaphore_mem>>)
      %gt3A_71 = arith.constant 0 : i32
      %gt3A_72 = arith.cmpi sgt, %while3A_52, %gt3A_71 : i32
      %convert_element_type3A_73 = arith.extui %gt3A_72 : i1 to i32
      %cond3A_74 = arith.constant 0 : i32
      %cond3A_75 = arith.cmpi ne, %convert_element_type3A_73, %cond3A_74 : i32
      scf.if %cond3A_75 {
        %dma_wait3A_173 = arith.constant 0 : i32
        %dma_wait3A_174 = arith.constant 1 : i32
        %dma_wait3A_175 = arith.constant 0 : i32
        %dma_wait3A_176 = tpu.memref_slice %arg8[%dma_wait3A_173, %dma_wait3A_174, %dma_wait3A_175] : memref<2x4x128xi32, #tpu.memory_space<vmem>> -> memref<1x1x128xi32, #tpu.memory_space<vmem>>
        %dma_wait3A_177 = tpu.memref_squeeze %dma_wait3A_176 : memref<1x1x128xi32, #tpu.memory_space<vmem>> -> memref<128xi32, #tpu.memory_space<vmem>>
        %dma_wait3A_178 = arith.constant 0 : i32
        %dma_wait3A_179 = arith.constant 0 : i32
        %dma_wait3A_180 = tpu.memref_slice %arg13[%dma_wait3A_178, %dma_wait3A_179] : memref<10112x160xbf16, #tpu.memory_space<vmem_shared>> -> memref<10112x160xbf16, #tpu.memory_space<vmem_shared>>
        tpu.wait_indirect_dma semaphore(%arg19 : memref<!tpu.dma_semaphore, #tpu.memory_space<semaphore_mem>>) src(%arg10 : memref<128x160xbf16, #tpu.memory_space<vmem>>) dst(%dma_wait3A_180 : memref<10112x160xbf16, #tpu.memory_space<vmem_shared>>)
      } else {
      }
      %dma_start3A_76 = arith.constant 1 : i32
      %dma_start3A_77 = arith.constant 0 : i32
      %dma_start3A_78 = tpu.memref_slice %arg7[%rem3A_53, %dma_start3A_76, %dma_start3A_77] : memref<2x4x128xi32, #tpu.memory_space<vmem>> -> memref<1x1x128xi32, #tpu.memory_space<vmem>>
      %dma_start3A_79 = tpu.memref_squeeze %dma_start3A_78 : memref<1x1x128xi32, #tpu.memory_space<vmem>> -> memref<128xi32, #tpu.memory_space<vmem>>
      %dma_start3A_80 = arith.constant 0 : i32
      %dma_start3A_81 = arith.constant 0 : i32
      %dma_start3A_82 = tpu.memref_slice %arg3[%dma_start3A_80, %dma_start3A_81] : memref<10112x160xbf16, #tpu.memory_space<hbm>> -> memref<10112x160xbf16, #tpu.memory_space<hbm>>
      tpu.enqueue_indirect_dma source(%dma_start3A_82 : memref<10112x160xbf16, #tpu.memory_space<hbm>>) target(%arg10 : memref<128x160xbf16, #tpu.memory_space<vmem>>) offsets(%dma_start3A_79 : memref<128xi32, #tpu.memory_space<vmem>>) semaphore(%arg15 : memref<!tpu.dma_semaphore, #tpu.memory_space<semaphore_mem>>)
      %gt3A_83 = arith.constant 0 : i32
      %gt3A_84 = arith.cmpi sgt, %while3A_52, %gt3A_83 : i32
      %convert_element_type3A_85 = arith.extui %gt3A_84 : i1 to i32
      %cond3A_86 = arith.constant 0 : i32
      %cond3A_87 = arith.cmpi ne, %convert_element_type3A_85, %cond3A_86 : i32
      scf.if %cond3A_87 {
        %dma_wait3A_173 = arith.constant 0 : i32
        %dma_wait3A_174 = arith.constant 2 : i32
        %dma_wait3A_175 = arith.constant 0 : i32
        %dma_wait3A_176 = tpu.memref_slice %arg8[%dma_wait3A_173, %dma_wait3A_174, %dma_wait3A_175] : memref<2x4x128xi32, #tpu.memory_space<vmem>> -> memref<1x1x128xi32, #tpu.memory_space<vmem>>
        %dma_wait3A_177 = tpu.memref_squeeze %dma_wait3A_176 : memref<1x1x128xi32, #tpu.memory_space<vmem>> -> memref<128xi32, #tpu.memory_space<vmem>>
        %dma_wait3A_178 = arith.constant 0 : i32
        %dma_wait3A_179 = arith.constant 0 : i32
        %dma_wait3A_180 = tpu.memref_slice %arg13[%dma_wait3A_178, %dma_wait3A_179] : memref<10112x160xbf16, #tpu.memory_space<vmem_shared>> -> memref<10112x160xbf16, #tpu.memory_space<vmem_shared>>
        tpu.wait_indirect_dma semaphore(%arg20 : memref<!tpu.dma_semaphore, #tpu.memory_space<semaphore_mem>>) src(%arg11 : memref<128x160xbf16, #tpu.memory_space<vmem>>) dst(%dma_wait3A_180 : memref<10112x160xbf16, #tpu.memory_space<vmem_shared>>)
      } else {
      }
      %dma_start3A_88 = arith.constant 2 : i32
      %dma_start3A_89 = arith.constant 0 : i32
      %dma_start3A_90 = tpu.memref_slice %arg7[%rem3A_53, %dma_start3A_88, %dma_start3A_89] : memref<2x4x128xi32, #tpu.memory_space<vmem>> -> memref<1x1x128xi32, #tpu.memory_space<vmem>>
      %dma_start3A_91 = tpu.memref_squeeze %dma_start3A_90 : memref<1x1x128xi32, #tpu.memory_space<vmem>> -> memref<128xi32, #tpu.memory_space<vmem>>
      %dma_start3A_92 = arith.constant 0 : i32
      %dma_start3A_93 = arith.constant 0 : i32
      %dma_start3A_94 = tpu.memref_slice %arg3[%dma_start3A_92, %dma_start3A_93] : memref<10112x160xbf16, #tpu.memory_space<hbm>> -> memref<10112x160xbf16, #tpu.memory_space<hbm>>
      tpu.enqueue_indirect_dma source(%dma_start3A_94 : memref<10112x160xbf16, #tpu.memory_space<hbm>>) target(%arg11 : memref<128x160xbf16, #tpu.memory_space<vmem>>) offsets(%dma_start3A_91 : memref<128xi32, #tpu.memory_space<vmem>>) semaphore(%arg16 : memref<!tpu.dma_semaphore, #tpu.memory_space<semaphore_mem>>)
      %gt3A_95 = arith.constant 0 : i32
      %gt3A_96 = arith.cmpi sgt, %while3A_52, %gt3A_95 : i32
      %convert_element_type3A_97 = arith.extui %gt3A_96 : i1 to i32
      %cond3A_98 = arith.constant 0 : i32
      %cond3A_99 = arith.cmpi ne, %convert_element_type3A_97, %cond3A_98 : i32
      scf.if %cond3A_99 {
        %dma_wait3A_173 = arith.constant 0 : i32
        %dma_wait3A_174 = arith.constant 3 : i32
        %dma_wait3A_175 = arith.constant 0 : i32
        %dma_wait3A_176 = tpu.memref_slice %arg8[%dma_wait3A_173, %dma_wait3A_174, %dma_wait3A_175] : memref<2x4x128xi32, #tpu.memory_space<vmem>> -> memref<1x1x128xi32, #tpu.memory_space<vmem>>
        %dma_wait3A_177 = tpu.memref_squeeze %dma_wait3A_176 : memref<1x1x128xi32, #tpu.memory_space<vmem>> -> memref<128xi32, #tpu.memory_space<vmem>>
        %dma_wait3A_178 = arith.constant 0 : i32
        %dma_wait3A_179 = arith.constant 0 : i32
        %dma_wait3A_180 = tpu.memref_slice %arg13[%dma_wait3A_178, %dma_wait3A_179] : memref<10112x160xbf16, #tpu.memory_space<vmem_shared>> -> memref<10112x160xbf16, #tpu.memory_space<vmem_shared>>
        tpu.wait_indirect_dma semaphore(%arg21 : memref<!tpu.dma_semaphore, #tpu.memory_space<semaphore_mem>>) src(%arg12 : memref<128x160xbf16, #tpu.memory_space<vmem>>) dst(%dma_wait3A_180 : memref<10112x160xbf16, #tpu.memory_space<vmem_shared>>)
      } else {
      }
      %dma_start3A_100 = arith.constant 3 : i32
      %dma_start3A_101 = arith.constant 0 : i32
      %dma_start3A_102 = tpu.memref_slice %arg7[%rem3A_53, %dma_start3A_100, %dma_start3A_101] : memref<2x4x128xi32, #tpu.memory_space<vmem>> -> memref<1x1x128xi32, #tpu.memory_space<vmem>>
      %dma_start3A_103 = tpu.memref_squeeze %dma_start3A_102 : memref<1x1x128xi32, #tpu.memory_space<vmem>> -> memref<128xi32, #tpu.memory_space<vmem>>
      %dma_start3A_104 = arith.constant 0 : i32
      %dma_start3A_105 = arith.constant 0 : i32
      %dma_start3A_106 = tpu.memref_slice %arg3[%dma_start3A_104, %dma_start3A_105] : memref<10112x160xbf16, #tpu.memory_space<hbm>> -> memref<10112x160xbf16, #tpu.memory_space<hbm>>
      tpu.enqueue_indirect_dma source(%dma_start3A_106 : memref<10112x160xbf16, #tpu.memory_space<hbm>>) target(%arg12 : memref<128x160xbf16, #tpu.memory_space<vmem>>) offsets(%dma_start3A_103 : memref<128xi32, #tpu.memory_space<vmem>>) semaphore(%arg17 : memref<!tpu.dma_semaphore, #tpu.memory_space<semaphore_mem>>)
      %dma_wait3A_107 = arith.constant 0 : i32
      %dma_wait3A_108 = arith.constant 0 : i32
      %dma_wait3A_109 = arith.constant 0 : i32
      %dma_wait3A_110 = tpu.memref_slice %arg7[%dma_wait3A_107, %dma_wait3A_108, %dma_wait3A_109] : memref<2x4x128xi32, #tpu.memory_space<vmem>> -> memref<1x1x128xi32, #tpu.memory_space<vmem>>
      %dma_wait3A_111 = tpu.memref_squeeze %dma_wait3A_110 : memref<1x1x128xi32, #tpu.memory_space<vmem>> -> memref<128xi32, #tpu.memory_space<vmem>>
      %dma_wait3A_112 = arith.constant 0 : i32
      %dma_wait3A_113 = arith.constant 0 : i32
      %dma_wait3A_114 = tpu.memref_slice %arg3[%dma_wait3A_112, %dma_wait3A_113] : memref<10112x160xbf16, #tpu.memory_space<hbm>> -> memref<10112x160xbf16, #tpu.memory_space<hbm>>
      tpu.wait_indirect_dma semaphore(%arg14 : memref<!tpu.dma_semaphore, #tpu.memory_space<semaphore_mem>>) src(%dma_wait3A_114 : memref<10112x160xbf16, #tpu.memory_space<hbm>>) dst(%arg9 : memref<128x160xbf16, #tpu.memory_space<vmem>>)
      %dma_start3A_115 = arith.constant 0 : i32
      %dma_start3A_116 = arith.constant 0 : i32
      %dma_start3A_117 = tpu.memref_slice %arg8[%rem3A_53, %dma_start3A_115, %dma_start3A_116] : memref<2x4x128xi32, #tpu.memory_space<vmem>> -> memref<1x1x128xi32, #tpu.memory_space<vmem>>
      %dma_start3A_118 = tpu.memref_squeeze %dma_start3A_117 : memref<1x1x128xi32, #tpu.memory_space<vmem>> -> memref<128xi32, #tpu.memory_space<vmem>>
      %dma_start3A_119 = arith.constant 0 : i32
      %dma_start3A_120 = arith.constant 0 : i32
      %dma_start3A_121 = tpu.memref_slice %arg13[%dma_start3A_119, %dma_start3A_120] : memref<10112x160xbf16, #tpu.memory_space<vmem_shared>> -> memref<10112x160xbf16, #tpu.memory_space<vmem_shared>>
      tpu.enqueue_indirect_dma source(%arg9 : memref<128x160xbf16, #tpu.memory_space<vmem>>) target(%dma_start3A_121 : memref<10112x160xbf16, #tpu.memory_space<vmem_shared>>) offsets(%dma_start3A_118 : memref<128xi32, #tpu.memory_space<vmem>>) semaphore(%arg18 : memref<!tpu.dma_semaphore, #tpu.memory_space<semaphore_mem>>) {add = true}
      %dma_wait3A_122 = arith.constant 0 : i32
      %dma_wait3A_123 = arith.constant 1 : i32
      %dma_wait3A_124 = arith.constant 0 : i32
      %dma_wait3A_125 = tpu.memref_slice %arg7[%dma_wait3A_122, %dma_wait3A_123, %dma_wait3A_124] : memref<2x4x128xi32, #tpu.memory_space<vmem>> -> memref<1x1x128xi32, #tpu.memory_space<vmem>>
      %dma_wait3A_126 = tpu.memref_squeeze %dma_wait3A_125 : memref<1x1x128xi32, #tpu.memory_space<vmem>> -> memref<128xi32, #tpu.memory_space<vmem>>
      %dma_wait3A_127 = arith.constant 0 : i32
      %dma_wait3A_128 = arith.constant 0 : i32
      %dma_wait3A_129 = tpu.memref_slice %arg3[%dma_wait3A_127, %dma_wait3A_128] : memref<10112x160xbf16, #tpu.memory_space<hbm>> -> memref<10112x160xbf16, #tpu.memory_space<hbm>>
      tpu.wait_indirect_dma semaphore(%arg15 : memref<!tpu.dma_semaphore, #tpu.memory_space<semaphore_mem>>) src(%dma_wait3A_129 : memref<10112x160xbf16, #tpu.memory_space<hbm>>) dst(%arg10 : memref<128x160xbf16, #tpu.memory_space<vmem>>)
      %dma_start3A_130 = arith.constant 1 : i32
      %dma_start3A_131 = arith.constant 0 : i32
      %dma_start3A_132 = tpu.memref_slice %arg8[%rem3A_53, %dma_start3A_130, %dma_start3A_131] : memref<2x4x128xi32, #tpu.memory_space<vmem>> -> memref<1x1x128xi32, #tpu.memory_space<vmem>>
      %dma_start3A_133 = tpu.memref_squeeze %dma_start3A_132 : memref<1x1x128xi32, #tpu.memory_space<vmem>> -> memref<128xi32, #tpu.memory_space<vmem>>
      %dma_start3A_134 = arith.constant 0 : i32
      %dma_start3A_135 = arith.constant 0 : i32
      %dma_start3A_136 = tpu.memref_slice %arg13[%dma_start3A_134, %dma_start3A_135] : memref<10112x160xbf16, #tpu.memory_space<vmem_shared>> -> memref<10112x160xbf16, #tpu.memory_space<vmem_shared>>
      tpu.enqueue_indirect_dma source(%arg10 : memref<128x160xbf16, #tpu.memory_space<vmem>>) target(%dma_start3A_136 : memref<10112x160xbf16, #tpu.memory_space<vmem_shared>>) offsets(%dma_start3A_133 : memref<128xi32, #tpu.memory_space<vmem>>) semaphore(%arg19 : memref<!tpu.dma_semaphore, #tpu.memory_space<semaphore_mem>>) {add = true}
      %dma_wait3A_137 = arith.constant 0 : i32
      %dma_wait3A_138 = arith.constant 2 : i32
      %dma_wait3A_139 = arith.constant 0 : i32
      %dma_wait3A_140 = tpu.memref_slice %arg7[%dma_wait3A_137, %dma_wait3A_138, %dma_wait3A_139] : memref<2x4x128xi32, #tpu.memory_space<vmem>> -> memref<1x1x128xi32, #tpu.memory_space<vmem>>
      %dma_wait3A_141 = tpu.memref_squeeze %dma_wait3A_140 : memref<1x1x128xi32, #tpu.memory_space<vmem>> -> memref<128xi32, #tpu.memory_space<vmem>>
      %dma_wait3A_142 = arith.constant 0 : i32
      %dma_wait3A_143 = arith.constant 0 : i32
      %dma_wait3A_144 = tpu.memref_slice %arg3[%dma_wait3A_142, %dma_wait3A_143] : memref<10112x160xbf16, #tpu.memory_space<hbm>> -> memref<10112x160xbf16, #tpu.memory_space<hbm>>
      tpu.wait_indirect_dma semaphore(%arg16 : memref<!tpu.dma_semaphore, #tpu.memory_space<semaphore_mem>>) src(%dma_wait3A_144 : memref<10112x160xbf16, #tpu.memory_space<hbm>>) dst(%arg11 : memref<128x160xbf16, #tpu.memory_space<vmem>>)
      %dma_start3A_145 = arith.constant 2 : i32
      %dma_start3A_146 = arith.constant 0 : i32
      %dma_start3A_147 = tpu.memref_slice %arg8[%rem3A_53, %dma_start3A_145, %dma_start3A_146] : memref<2x4x128xi32, #tpu.memory_space<vmem>> -> memref<1x1x128xi32, #tpu.memory_space<vmem>>
      %dma_start3A_148 = tpu.memref_squeeze %dma_start3A_147 : memref<1x1x128xi32, #tpu.memory_space<vmem>> -> memref<128xi32, #tpu.memory_space<vmem>>
      %dma_start3A_149 = arith.constant 0 : i32
      %dma_start3A_150 = arith.constant 0 : i32
      %dma_start3A_151 = tpu.memref_slice %arg13[%dma_start3A_149, %dma_start3A_150] : memref<10112x160xbf16, #tpu.memory_space<vmem_shared>> -> memref<10112x160xbf16, #tpu.memory_space<vmem_shared>>
      tpu.enqueue_indirect_dma source(%arg11 : memref<128x160xbf16, #tpu.memory_space<vmem>>) target(%dma_start3A_151 : memref<10112x160xbf16, #tpu.memory_space<vmem_shared>>) offsets(%dma_start3A_148 : memref<128xi32, #tpu.memory_space<vmem>>) semaphore(%arg20 : memref<!tpu.dma_semaphore, #tpu.memory_space<semaphore_mem>>) {add = true}
      %dma_wait3A_152 = arith.constant 0 : i32
      %dma_wait3A_153 = arith.constant 3 : i32
      %dma_wait3A_154 = arith.constant 0 : i32
      %dma_wait3A_155 = tpu.memref_slice %arg7[%dma_wait3A_152, %dma_wait3A_153, %dma_wait3A_154] : memref<2x4x128xi32, #tpu.memory_space<vmem>> -> memref<1x1x128xi32, #tpu.memory_space<vmem>>
      %dma_wait3A_156 = tpu.memref_squeeze %dma_wait3A_155 : memref<1x1x128xi32, #tpu.memory_space<vmem>> -> memref<128xi32, #tpu.memory_space<vmem>>
      %dma_wait3A_157 = arith.constant 0 : i32
      %dma_wait3A_158 = arith.constant 0 : i32
      %dma_wait3A_159 = tpu.memref_slice %arg3[%dma_wait3A_157, %dma_wait3A_158] : memref<10112x160xbf16, #tpu.memory_space<hbm>> -> memref<10112x160xbf16, #tpu.memory_space<hbm>>
      tpu.wait_indirect_dma semaphore(%arg17 : memref<!tpu.dma_semaphore, #tpu.memory_space<semaphore_mem>>) src(%dma_wait3A_159 : memref<10112x160xbf16, #tpu.memory_space<hbm>>) dst(%arg12 : memref<128x160xbf16, #tpu.memory_space<vmem>>)
      %dma_start3A_160 = arith.constant 3 : i32
      %dma_start3A_161 = arith.constant 0 : i32
      %dma_start3A_162 = tpu.memref_slice %arg8[%rem3A_53, %dma_start3A_160, %dma_start3A_161] : memref<2x4x128xi32, #tpu.memory_space<vmem>> -> memref<1x1x128xi32, #tpu.memory_space<vmem>>
      %dma_start3A_163 = tpu.memref_squeeze %dma_start3A_162 : memref<1x1x128xi32, #tpu.memory_space<vmem>> -> memref<128xi32, #tpu.memory_space<vmem>>
      %dma_start3A_164 = arith.constant 0 : i32
      %dma_start3A_165 = arith.constant 0 : i32
      %dma_start3A_166 = tpu.memref_slice %arg13[%dma_start3A_164, %dma_start3A_165] : memref<10112x160xbf16, #tpu.memory_space<vmem_shared>> -> memref<10112x160xbf16, #tpu.memory_space<vmem_shared>>
      tpu.enqueue_indirect_dma source(%arg12 : memref<128x160xbf16, #tpu.memory_space<vmem>>) target(%dma_start3A_166 : memref<10112x160xbf16, #tpu.memory_space<vmem_shared>>) offsets(%dma_start3A_163 : memref<128xi32, #tpu.memory_space<vmem>>) semaphore(%arg21 : memref<!tpu.dma_semaphore, #tpu.memory_space<semaphore_mem>>) {add = true}
      %add3A_167 = arith.constant 1 : i32
      %add3A_168 = arith.addi %while3A_52, %add3A_167 : i32
      %lt3A_169 = arith.cmpi slt, %add3A_168, %select_n3A_9 : i32
      %convert_element_type3A_170 = arith.extui %lt3A_169 : i1 to i32
      %cond3A_171 = arith.constant 0 : i32
      %cond3A_172 = arith.cmpi ne, %convert_element_type3A_170, %cond3A_171 : i32
      scf.if %cond3A_172 {
        %dma_wait3A_173 = arith.constant 0 : i32
        %dma_wait3A_174 = arith.constant 0 : i32
        %dma_wait3A_175 = arith.constant 0 : i32
        %dma_wait3A_176 = tpu.memref_slice %arg8[%dma_wait3A_173, %dma_wait3A_174, %dma_wait3A_175] : memref<2x4x128xi32, #tpu.memory_space<vmem>> -> memref<1x4x128xi32, #tpu.memory_space<vmem>>
        %dma_wait3A_177 = tpu.memref_squeeze %dma_wait3A_176 : memref<1x4x128xi32, #tpu.memory_space<vmem>> -> memref<4x128xi32, #tpu.memory_space<vmem>>
        %dma_wait3A_178 = arith.constant 0 : i32
        %dma_wait3A_179 = arith.constant 0 : i32
        %dma_wait3A_180 = tpu.memref_slice %arg5[%dma_wait3A_178, %dma_wait3A_179] : memref<2560x128xi32, #tpu.memory_space<hbm>> -> memref<4x128xi32, #tpu.memory_space<hbm>>
        %dma_wait3A_181 = arith.constant 0 : i32
        %dma_wait3A_182 = arith.constant 0 : i32
        %dma_wait3A_183 = tpu.memref_slice %arg8[%dma_wait3A_173, %dma_wait3A_181, %dma_wait3A_182] : memref<2x4x128xi32, #tpu.memory_space<vmem>> -> memref<1x4x128xi32, #tpu.memory_space<vmem>>
        %dma_wait3A_184 = tpu.memref_squeeze %dma_wait3A_183 : memref<1x4x128xi32, #tpu.memory_space<vmem>> -> memref<4x128xi32, #tpu.memory_space<vmem>>
        %dma_wait3A_185 = arith.constant 0 : i32
        %dma_wait3A_186 = arith.constant 0 : i32
        %dma_wait3A_187 = tpu.memref_slice %arg5[%dma_wait3A_185, %dma_wait3A_186] : memref<2560x128xi32, #tpu.memory_space<hbm>> -> memref<4x128xi32, #tpu.memory_space<hbm>>
        tpu.wait_dma2 semaphore(%arg22 : memref<!tpu.dma_semaphore, #tpu.memory_space<semaphore_mem>>) src(%dma_wait3A_187 : memref<4x128xi32, #tpu.memory_space<hbm>>) dst(%dma_wait3A_184 : memref<4x128xi32, #tpu.memory_space<vmem>>)
        %dma_wait3A_188 = arith.constant 0 : i32
        %dma_wait3A_189 = arith.constant 0 : i32
        %dma_wait3A_190 = arith.constant 0 : i32
        %dma_wait3A_191 = tpu.memref_slice %arg7[%dma_wait3A_188, %dma_wait3A_189, %dma_wait3A_190] : memref<2x4x128xi32, #tpu.memory_space<vmem>> -> memref<1x4x128xi32, #tpu.memory_space<vmem>>
        %dma_wait3A_192 = tpu.memref_squeeze %dma_wait3A_191 : memref<1x4x128xi32, #tpu.memory_space<vmem>> -> memref<4x128xi32, #tpu.memory_space<vmem>>
        %dma_wait3A_193 = arith.constant 0 : i32
        %dma_wait3A_194 = arith.constant 0 : i32
        %dma_wait3A_195 = tpu.memref_slice %arg4[%dma_wait3A_193, %dma_wait3A_194] : memref<2560x128xi32, #tpu.memory_space<hbm>> -> memref<4x128xi32, #tpu.memory_space<hbm>>
        %dma_wait3A_196 = arith.constant 0 : i32
        %dma_wait3A_197 = arith.constant 0 : i32
        %dma_wait3A_198 = tpu.memref_slice %arg7[%dma_wait3A_188, %dma_wait3A_196, %dma_wait3A_197] : memref<2x4x128xi32, #tpu.memory_space<vmem>> -> memref<1x4x128xi32, #tpu.memory_space<vmem>>
        %dma_wait3A_199 = tpu.memref_squeeze %dma_wait3A_198 : memref<1x4x128xi32, #tpu.memory_space<vmem>> -> memref<4x128xi32, #tpu.memory_space<vmem>>
        %dma_wait3A_200 = arith.constant 0 : i32
        %dma_wait3A_201 = arith.constant 0 : i32
        %dma_wait3A_202 = tpu.memref_slice %arg4[%dma_wait3A_200, %dma_wait3A_201] : memref<2560x128xi32, #tpu.memory_space<hbm>> -> memref<4x128xi32, #tpu.memory_space<hbm>>
        tpu.wait_dma2 semaphore(%arg22 : memref<!tpu.dma_semaphore, #tpu.memory_space<semaphore_mem>>) src(%dma_wait3A_202 : memref<4x128xi32, #tpu.memory_space<hbm>>) dst(%dma_wait3A_199 : memref<4x128xi32, #tpu.memory_space<vmem>>)
      } else {
      }
    }
    %while3A_19 = arith.constant 1 : i32
    scf.for %while3A_52 = %while3A_17 to %while3A_13 step %while3A_19  : i32 {
      %rem3A = arith.constant 2 : i32
      %rem3A_53 = arith.remsi %while3A_52, %rem3A : i32
      %add3A_54 = arith.constant 1 : i32
      %add3A_55 = arith.addi %while3A_52, %add3A_54 : i32
      %rem3A_56 = arith.constant 2 : i32
      %rem3A_57 = arith.remsi %add3A_55, %rem3A_56 : i32
      %add3A_58 = arith.constant 1 : i32
      %add3A_59 = arith.addi %while3A_52, %add3A_58 : i32
      %lt3A = arith.cmpi slt, %add3A_59, %select_n3A_9 : i32
      %convert_element_type3A = arith.extui %lt3A : i1 to i32
      %cond3A = arith.constant 0 : i32
      %cond3A_60 = arith.cmpi ne, %convert_element_type3A, %cond3A : i32
      scf.if %cond3A_60 {
        %add3A_173 = arith.constant 1 : i32
        %add3A_174 = arith.addi %while3A_52, %add3A_173 : i32
        %mul3A_175 = arith.constant 4 : i32
        %mul3A_176 = arith.muli %add3A_174, %mul3A_175 : i32
        %add3A_177 = arith.addi %add3A, %mul3A_176 : i32
        %dma_start3A_178 = arith.constant 0 : i32
        %dma_start3A_179 = arith.constant 0 : i32
        %dma_start3A_180 = tpu.memref_slice %arg8[%rem3A_57, %dma_start3A_178, %dma_start3A_179] : memref<2x4x128xi32, #tpu.memory_space<vmem>> -> memref<1x4x128xi32, #tpu.memory_space<vmem>>
        %dma_start3A_181 = tpu.memref_squeeze %dma_start3A_180 : memref<1x4x128xi32, #tpu.memory_space<vmem>> -> memref<4x128xi32, #tpu.memory_space<vmem>>
        %dma_start3A_182 = arith.constant 0 : i32
        %dma_start3A_183 = tpu.memref_slice %arg5[%add3A_177, %dma_start3A_182] : memref<2560x128xi32, #tpu.memory_space<hbm>> -> memref<4x128xi32, #tpu.memory_space<hbm>>
        %dma_start3A_184 = arith.constant 0 : i32
        %dma_start3A_185 = arith.constant 0 : i32
        %dma_start3A_186 = tpu.memref_slice %arg8[%rem3A_57, %dma_start3A_184, %dma_start3A_185] : memref<2x4x128xi32, #tpu.memory_space<vmem>> -> memref<1x4x128xi32, #tpu.memory_space<vmem>>
        %dma_start3A_187 = tpu.memref_squeeze %dma_start3A_186 : memref<1x4x128xi32, #tpu.memory_space<vmem>> -> memref<4x128xi32, #tpu.memory_space<vmem>>
        %dma_start3A_188 = arith.constant 0 : i32
        %dma_start3A_189 = tpu.memref_slice %arg5[%add3A_177, %dma_start3A_188] : memref<2560x128xi32, #tpu.memory_space<hbm>> -> memref<4x128xi32, #tpu.memory_space<hbm>>
        tpu.enqueue_dma source(%dma_start3A_189 : memref<4x128xi32, #tpu.memory_space<hbm>>) target(%dma_start3A_187 : memref<4x128xi32, #tpu.memory_space<vmem>>) target_semaphore(%arg22 : memref<!tpu.dma_semaphore, #tpu.memory_space<semaphore_mem>>)
        %dma_start3A_190 = arith.constant 0 : i32
        %dma_start3A_191 = arith.constant 0 : i32
        %dma_start3A_192 = tpu.memref_slice %arg7[%rem3A_57, %dma_start3A_190, %dma_start3A_191] : memref<2x4x128xi32, #tpu.memory_space<vmem>> -> memref<1x4x128xi32, #tpu.memory_space<vmem>>
        %dma_start3A_193 = tpu.memref_squeeze %dma_start3A_192 : memref<1x4x128xi32, #tpu.memory_space<vmem>> -> memref<4x128xi32, #tpu.memory_space<vmem>>
        %dma_start3A_194 = arith.constant 0 : i32
        %dma_start3A_195 = tpu.memref_slice %arg4[%add3A_177, %dma_start3A_194] : memref<2560x128xi32, #tpu.memory_space<hbm>> -> memref<4x128xi32, #tpu.memory_space<hbm>>
        %dma_start3A_196 = arith.constant 0 : i32
        %dma_start3A_197 = arith.constant 0 : i32
        %dma_start3A_198 = tpu.memref_slice %arg7[%rem3A_57, %dma_start3A_196, %dma_start3A_197] : memref<2x4x128xi32, #tpu.memory_space<vmem>> -> memref<1x4x128xi32, #tpu.memory_space<vmem>>
        %dma_start3A_199 = tpu.memref_squeeze %dma_start3A_198 : memref<1x4x128xi32, #tpu.memory_space<vmem>> -> memref<4x128xi32, #tpu.memory_space<vmem>>
        %dma_start3A_200 = arith.constant 0 : i32
        %dma_start3A_201 = tpu.memref_slice %arg4[%add3A_177, %dma_start3A_200] : memref<2560x128xi32, #tpu.memory_space<hbm>> -> memref<4x128xi32, #tpu.memory_space<hbm>>
        tpu.enqueue_dma source(%dma_start3A_201 : memref<4x128xi32, #tpu.memory_space<hbm>>) target(%dma_start3A_199 : memref<4x128xi32, #tpu.memory_space<vmem>>) target_semaphore(%arg22 : memref<!tpu.dma_semaphore, #tpu.memory_space<semaphore_mem>>)
      } else {
      }
      %gt3A = arith.constant 0 : i32
      %gt3A_61 = arith.cmpi sgt, %while3A_52, %gt3A : i32
      %convert_element_type3A_62 = arith.extui %gt3A_61 : i1 to i32
      %cond3A_63 = arith.constant 0 : i32
      %cond3A_64 = arith.cmpi ne, %convert_element_type3A_62, %cond3A_63 : i32
      scf.if %cond3A_64 {
        %dma_wait3A_173 = arith.constant 0 : i32
        %dma_wait3A_174 = arith.constant 0 : i32
        %dma_wait3A_175 = arith.constant 0 : i32
        %dma_wait3A_176 = tpu.memref_slice %arg8[%dma_wait3A_173, %dma_wait3A_174, %dma_wait3A_175] : memref<2x4x128xi32, #tpu.memory_space<vmem>> -> memref<1x1x128xi32, #tpu.memory_space<vmem>>
        %dma_wait3A_177 = tpu.memref_squeeze %dma_wait3A_176 : memref<1x1x128xi32, #tpu.memory_space<vmem>> -> memref<128xi32, #tpu.memory_space<vmem>>
        %dma_wait3A_178 = arith.constant 0 : i32
        %dma_wait3A_179 = arith.constant 0 : i32
        %dma_wait3A_180 = tpu.memref_slice %arg13[%dma_wait3A_178, %dma_wait3A_179] : memref<10112x160xbf16, #tpu.memory_space<vmem_shared>> -> memref<10112x160xbf16, #tpu.memory_space<vmem_shared>>
        tpu.wait_indirect_dma semaphore(%arg18 : memref<!tpu.dma_semaphore, #tpu.memory_space<semaphore_mem>>) src(%arg9 : memref<128x160xbf16, #tpu.memory_space<vmem>>) dst(%dma_wait3A_180 : memref<10112x160xbf16, #tpu.memory_space<vmem_shared>>)
      } else {
      }
      %dma_start3A = arith.constant 0 : i32
      %dma_start3A_65 = arith.constant 0 : i32
      %dma_start3A_66 = tpu.memref_slice %arg7[%rem3A_53, %dma_start3A, %dma_start3A_65] : memref<2x4x128xi32, #tpu.memory_space<vmem>> -> memref<1x1x128xi32, #tpu.memory_space<vmem>>
      %dma_start3A_67 = tpu.memref_squeeze %dma_start3A_66 : memref<1x1x128xi32, #tpu.memory_space<vmem>> -> memref<128xi32, #tpu.memory_space<vmem>>
      %dma_start3A_68 = arith.constant 0 : i32
      %dma_start3A_69 = arith.constant 0 : i32
      %dma_start3A_70 = tpu.memref_slice %arg3[%dma_start3A_68, %dma_start3A_69] : memref<10112x160xbf16, #tpu.memory_space<hbm>> -> memref<10112x160xbf16, #tpu.memory_space<hbm>>
      tpu.enqueue_indirect_dma source(%dma_start3A_70 : memref<10112x160xbf16, #tpu.memory_space<hbm>>) target(%arg9 : memref<128x160xbf16, #tpu.memory_space<vmem>>) offsets(%dma_start3A_67 : memref<128xi32, #tpu.memory_space<vmem>>) semaphore(%arg14 : memref<!tpu.dma_semaphore, #tpu.memory_space<semaphore_mem>>)
      %gt3A_71 = arith.constant 0 : i32
      %gt3A_72 = arith.cmpi sgt, %while3A_52, %gt3A_71 : i32
      %convert_element_type3A_73 = arith.extui %gt3A_72 : i1 to i32
      %cond3A_74 = arith.constant 0 : i32
      %cond3A_75 = arith.cmpi ne, %convert_element_type3A_73, %cond3A_74 : i32
      scf.if %cond3A_75 {
        %dma_wait3A_173 = arith.constant 0 : i32
        %dma_wait3A_174 = arith.constant 1 : i32
        %dma_wait3A_175 = arith.constant 0 : i32
        %dma_wait3A_176 = tpu.memref_slice %arg8[%dma_wait3A_173, %dma_wait3A_174, %dma_wait3A_175] : memref<2x4x128xi32, #tpu.memory_space<vmem>> -> memref<1x1x128xi32, #tpu.memory_space<vmem>>
        %dma_wait3A_177 = tpu.memref_squeeze %dma_wait3A_176 : memref<1x1x128xi32, #tpu.memory_space<vmem>> -> memref<128xi32, #tpu.memory_space<vmem>>
        %dma_wait3A_178 = arith.constant 0 : i32
        %dma_wait3A_179 = arith.constant 0 : i32
        %dma_wait3A_180 = tpu.memref_slice %arg13[%dma_wait3A_178, %dma_wait3A_179] : memref<10112x160xbf16, #tpu.memory_space<vmem_shared>> -> memref<10112x160xbf16, #tpu.memory_space<vmem_shared>>
        tpu.wait_indirect_dma semaphore(%arg19 : memref<!tpu.dma_semaphore, #tpu.memory_space<semaphore_mem>>) src(%arg10 : memref<128x160xbf16, #tpu.memory_space<vmem>>) dst(%dma_wait3A_180 : memref<10112x160xbf16, #tpu.memory_space<vmem_shared>>)
      } else {
      }
      %dma_start3A_76 = arith.constant 1 : i32
      %dma_start3A_77 = arith.constant 0 : i32
      %dma_start3A_78 = tpu.memref_slice %arg7[%rem3A_53, %dma_start3A_76, %dma_start3A_77] : memref<2x4x128xi32, #tpu.memory_space<vmem>> -> memref<1x1x128xi32, #tpu.memory_space<vmem>>
      %dma_start3A_79 = tpu.memref_squeeze %dma_start3A_78 : memref<1x1x128xi32, #tpu.memory_space<vmem>> -> memref<128xi32, #tpu.memory_space<vmem>>
      %dma_start3A_80 = arith.constant 0 : i32
      %dma_start3A_81 = arith.constant 0 : i32
      %dma_start3A_82 = tpu.memref_slice %arg3[%dma_start3A_80, %dma_start3A_81] : memref<10112x160xbf16, #tpu.memory_space<hbm>> -> memref<10112x160xbf16, #tpu.memory_space<hbm>>
      tpu.enqueue_indirect_dma source(%dma_start3A_82 : memref<10112x160xbf16, #tpu.memory_space<hbm>>) target(%arg10 : memref<128x160xbf16, #tpu.memory_space<vmem>>) offsets(%dma_start3A_79 : memref<128xi32, #tpu.memory_space<vmem>>) semaphore(%arg15 : memref<!tpu.dma_semaphore, #tpu.memory_space<semaphore_mem>>)
      %gt3A_83 = arith.constant 0 : i32
      %gt3A_84 = arith.cmpi sgt, %while3A_52, %gt3A_83 : i32
      %convert_element_type3A_85 = arith.extui %gt3A_84 : i1 to i32
      %cond3A_86 = arith.constant 0 : i32
      %cond3A_87 = arith.cmpi ne, %convert_element_type3A_85, %cond3A_86 : i32
      scf.if %cond3A_87 {
        %dma_wait3A_173 = arith.constant 0 : i32
        %dma_wait3A_174 = arith.constant 2 : i32
        %dma_wait3A_175 = arith.constant 0 : i32
        %dma_wait3A_176 = tpu.memref_slice %arg8[%dma_wait3A_173, %dma_wait3A_174, %dma_wait3A_175] : memref<2x4x128xi32, #tpu.memory_space<vmem>> -> memref<1x1x128xi32, #tpu.memory_space<vmem>>
        %dma_wait3A_177 = tpu.memref_squeeze %dma_wait3A_176 : memref<1x1x128xi32, #tpu.memory_space<vmem>> -> memref<128xi32, #tpu.memory_space<vmem>>
        %dma_wait3A_178 = arith.constant 0 : i32
        %dma_wait3A_179 = arith.constant 0 : i32
        %dma_wait3A_180 = tpu.memref_slice %arg13[%dma_wait3A_178, %dma_wait3A_179] : memref<10112x160xbf16, #tpu.memory_space<vmem_shared>> -> memref<10112x160xbf16, #tpu.memory_space<vmem_shared>>
        tpu.wait_indirect_dma semaphore(%arg20 : memref<!tpu.dma_semaphore, #tpu.memory_space<semaphore_mem>>) src(%arg11 : memref<128x160xbf16, #tpu.memory_space<vmem>>) dst(%dma_wait3A_180 : memref<10112x160xbf16, #tpu.memory_space<vmem_shared>>)
      } else {
      }
      %dma_start3A_88 = arith.constant 2 : i32
      %dma_start3A_89 = arith.constant 0 : i32
      %dma_start3A_90 = tpu.memref_slice %arg7[%rem3A_53, %dma_start3A_88, %dma_start3A_89] : memref<2x4x128xi32, #tpu.memory_space<vmem>> -> memref<1x1x128xi32, #tpu.memory_space<vmem>>
      %dma_start3A_91 = tpu.memref_squeeze %dma_start3A_90 : memref<1x1x128xi32, #tpu.memory_space<vmem>> -> memref<128xi32, #tpu.memory_space<vmem>>
      %dma_start3A_92 = arith.constant 0 : i32
      %dma_start3A_93 = arith.constant 0 : i32
      %dma_start3A_94 = tpu.memref_slice %arg3[%dma_start3A_92, %dma_start3A_93] : memref<10112x160xbf16, #tpu.memory_space<hbm>> -> memref<10112x160xbf16, #tpu.memory_space<hbm>>
      tpu.enqueue_indirect_dma source(%dma_start3A_94 : memref<10112x160xbf16, #tpu.memory_space<hbm>>) target(%arg11 : memref<128x160xbf16, #tpu.memory_space<vmem>>) offsets(%dma_start3A_91 : memref<128xi32, #tpu.memory_space<vmem>>) semaphore(%arg16 : memref<!tpu.dma_semaphore, #tpu.memory_space<semaphore_mem>>)
      %gt3A_95 = arith.constant 0 : i32
      %gt3A_96 = arith.cmpi sgt, %while3A_52, %gt3A_95 : i32
      %convert_element_type3A_97 = arith.extui %gt3A_96 : i1 to i32
      %cond3A_98 = arith.constant 0 : i32
      %cond3A_99 = arith.cmpi ne, %convert_element_type3A_97, %cond3A_98 : i32
      scf.if %cond3A_99 {
        %dma_wait3A_173 = arith.constant 0 : i32
        %dma_wait3A_174 = arith.constant 3 : i32
        %dma_wait3A_175 = arith.constant 0 : i32
        %dma_wait3A_176 = tpu.memref_slice %arg8[%dma_wait3A_173, %dma_wait3A_174, %dma_wait3A_175] : memref<2x4x128xi32, #tpu.memory_space<vmem>> -> memref<1x1x128xi32, #tpu.memory_space<vmem>>
        %dma_wait3A_177 = tpu.memref_squeeze %dma_wait3A_176 : memref<1x1x128xi32, #tpu.memory_space<vmem>> -> memref<128xi32, #tpu.memory_space<vmem>>
        %dma_wait3A_178 = arith.constant 0 : i32
        %dma_wait3A_179 = arith.constant 0 : i32
        %dma_wait3A_180 = tpu.memref_slice %arg13[%dma_wait3A_178, %dma_wait3A_179] : memref<10112x160xbf16, #tpu.memory_space<vmem_shared>> -> memref<10112x160xbf16, #tpu.memory_space<vmem_shared>>
        tpu.wait_indirect_dma semaphore(%arg21 : memref<!tpu.dma_semaphore, #tpu.memory_space<semaphore_mem>>) src(%arg12 : memref<128x160xbf16, #tpu.memory_space<vmem>>) dst(%dma_wait3A_180 : memref<10112x160xbf16, #tpu.memory_space<vmem_shared>>)
      } else {
      }
      %dma_start3A_100 = arith.constant 3 : i32
      %dma_start3A_101 = arith.constant 0 : i32
      %dma_start3A_102 = tpu.memref_slice %arg7[%rem3A_53, %dma_start3A_100, %dma_start3A_101] : memref<2x4x128xi32, #tpu.memory_space<vmem>> -> memref<1x1x128xi32, #tpu.memory_space<vmem>>
      %dma_start3A_103 = tpu.memref_squeeze %dma_start3A_102 : memref<1x1x128xi32, #tpu.memory_space<vmem>> -> memref<128xi32, #tpu.memory_space<vmem>>
      %dma_start3A_104 = arith.constant 0 : i32
      %dma_start3A_105 = arith.constant 0 : i32
      %dma_start3A_106 = tpu.memref_slice %arg3[%dma_start3A_104, %dma_start3A_105] : memref<10112x160xbf16, #tpu.memory_space<hbm>> -> memref<10112x160xbf16, #tpu.memory_space<hbm>>
      tpu.enqueue_indirect_dma source(%dma_start3A_106 : memref<10112x160xbf16, #tpu.memory_space<hbm>>) target(%arg12 : memref<128x160xbf16, #tpu.memory_space<vmem>>) offsets(%dma_start3A_103 : memref<128xi32, #tpu.memory_space<vmem>>) semaphore(%arg17 : memref<!tpu.dma_semaphore, #tpu.memory_space<semaphore_mem>>)
      %dma_wait3A_107 = arith.constant 0 : i32
      %dma_wait3A_108 = arith.constant 0 : i32
      %dma_wait3A_109 = arith.constant 0 : i32
      %dma_wait3A_110 = tpu.memref_slice %arg7[%dma_wait3A_107, %dma_wait3A_108, %dma_wait3A_109] : memref<2x4x128xi32, #tpu.memory_space<vmem>> -> memref<1x1x128xi32, #tpu.memory_space<vmem>>
      %dma_wait3A_111 = tpu.memref_squeeze %dma_wait3A_110 : memref<1x1x128xi32, #tpu.memory_space<vmem>> -> memref<128xi32, #tpu.memory_space<vmem>>
      %dma_wait3A_112 = arith.constant 0 : i32
      %dma_wait3A_113 = arith.constant 0 : i32
      %dma_wait3A_114 = tpu.memref_slice %arg3[%dma_wait3A_112, %dma_wait3A_113] : memref<10112x160xbf16, #tpu.memory_space<hbm>> -> memref<10112x160xbf16, #tpu.memory_space<hbm>>
      tpu.wait_indirect_dma semaphore(%arg14 : memref<!tpu.dma_semaphore, #tpu.memory_space<semaphore_mem>>) src(%dma_wait3A_114 : memref<10112x160xbf16, #tpu.memory_space<hbm>>) dst(%arg9 : memref<128x160xbf16, #tpu.memory_space<vmem>>)
      %dma_start3A_115 = arith.constant 0 : i32
      %dma_start3A_116 = arith.constant 0 : i32
      %dma_start3A_117 = tpu.memref_slice %arg8[%rem3A_53, %dma_start3A_115, %dma_start3A_116] : memref<2x4x128xi32, #tpu.memory_space<vmem>> -> memref<1x1x128xi32, #tpu.memory_space<vmem>>
      %dma_start3A_118 = tpu.memref_squeeze %dma_start3A_117 : memref<1x1x128xi32, #tpu.memory_space<vmem>> -> memref<128xi32, #tpu.memory_space<vmem>>
      %dma_start3A_119 = arith.constant 0 : i32
      %dma_start3A_120 = arith.constant 0 : i32
      %dma_start3A_121 = tpu.memref_slice %arg13[%dma_start3A_119, %dma_start3A_120] : memref<10112x160xbf16, #tpu.memory_space<vmem_shared>> -> memref<10112x160xbf16, #tpu.memory_space<vmem_shared>>
      tpu.enqueue_indirect_dma source(%arg9 : memref<128x160xbf16, #tpu.memory_space<vmem>>) target(%dma_start3A_121 : memref<10112x160xbf16, #tpu.memory_space<vmem_shared>>) offsets(%dma_start3A_118 : memref<128xi32, #tpu.memory_space<vmem>>) semaphore(%arg18 : memref<!tpu.dma_semaphore, #tpu.memory_space<semaphore_mem>>) {add = true}
      %dma_wait3A_122 = arith.constant 0 : i32
      %dma_wait3A_123 = arith.constant 1 : i32
      %dma_wait3A_124 = arith.constant 0 : i32
      %dma_wait3A_125 = tpu.memref_slice %arg7[%dma_wait3A_122, %dma_wait3A_123, %dma_wait3A_124] : memref<2x4x128xi32, #tpu.memory_space<vmem>> -> memref<1x1x128xi32, #tpu.memory_space<vmem>>
      %dma_wait3A_126 = tpu.memref_squeeze %dma_wait3A_125 : memref<1x1x128xi32, #tpu.memory_space<vmem>> -> memref<128xi32, #tpu.memory_space<vmem>>
      %dma_wait3A_127 = arith.constant 0 : i32
      %dma_wait3A_128 = arith.constant 0 : i32
      %dma_wait3A_129 = tpu.memref_slice %arg3[%dma_wait3A_127, %dma_wait3A_128] : memref<10112x160xbf16, #tpu.memory_space<hbm>> -> memref<10112x160xbf16, #tpu.memory_space<hbm>>
      tpu.wait_indirect_dma semaphore(%arg15 : memref<!tpu.dma_semaphore, #tpu.memory_space<semaphore_mem>>) src(%dma_wait3A_129 : memref<10112x160xbf16, #tpu.memory_space<hbm>>) dst(%arg10 : memref<128x160xbf16, #tpu.memory_space<vmem>>)
      %dma_start3A_130 = arith.constant 1 : i32
      %dma_start3A_131 = arith.constant 0 : i32
      %dma_start3A_132 = tpu.memref_slice %arg8[%rem3A_53, %dma_start3A_130, %dma_start3A_131] : memref<2x4x128xi32, #tpu.memory_space<vmem>> -> memref<1x1x128xi32, #tpu.memory_space<vmem>>
      %dma_start3A_133 = tpu.memref_squeeze %dma_start3A_132 : memref<1x1x128xi32, #tpu.memory_space<vmem>> -> memref<128xi32, #tpu.memory_space<vmem>>
      %dma_start3A_134 = arith.constant 0 : i32
      %dma_start3A_135 = arith.constant 0 : i32
      %dma_start3A_136 = tpu.memref_slice %arg13[%dma_start3A_134, %dma_start3A_135] : memref<10112x160xbf16, #tpu.memory_space<vmem_shared>> -> memref<10112x160xbf16, #tpu.memory_space<vmem_shared>>
      tpu.enqueue_indirect_dma source(%arg10 : memref<128x160xbf16, #tpu.memory_space<vmem>>) target(%dma_start3A_136 : memref<10112x160xbf16, #tpu.memory_space<vmem_shared>>) offsets(%dma_start3A_133 : memref<128xi32, #tpu.memory_space<vmem>>) semaphore(%arg19 : memref<!tpu.dma_semaphore, #tpu.memory_space<semaphore_mem>>) {add = true}
      %dma_wait3A_137 = arith.constant 0 : i32
      %dma_wait3A_138 = arith.constant 2 : i32
      %dma_wait3A_139 = arith.constant 0 : i32
      %dma_wait3A_140 = tpu.memref_slice %arg7[%dma_wait3A_137, %dma_wait3A_138, %dma_wait3A_139] : memref<2x4x128xi32, #tpu.memory_space<vmem>> -> memref<1x1x128xi32, #tpu.memory_space<vmem>>
      %dma_wait3A_141 = tpu.memref_squeeze %dma_wait3A_140 : memref<1x1x128xi32, #tpu.memory_space<vmem>> -> memref<128xi32, #tpu.memory_space<vmem>>
      %dma_wait3A_142 = arith.constant 0 : i32
      %dma_wait3A_143 = arith.constant 0 : i32
      %dma_wait3A_144 = tpu.memref_slice %arg3[%dma_wait3A_142, %dma_wait3A_143] : memref<10112x160xbf16, #tpu.memory_space<hbm>> -> memref<10112x160xbf16, #tpu.memory_space<hbm>>
      tpu.wait_indirect_dma semaphore(%arg16 : memref<!tpu.dma_semaphore, #tpu.memory_space<semaphore_mem>>) src(%dma_wait3A_144 : memref<10112x160xbf16, #tpu.memory_space<hbm>>) dst(%arg11 : memref<128x160xbf16, #tpu.memory_space<vmem>>)
      %dma_start3A_145 = arith.constant 2 : i32
      %dma_start3A_146 = arith.constant 0 : i32
      %dma_start3A_147 = tpu.memref_slice %arg8[%rem3A_53, %dma_start3A_145, %dma_start3A_146] : memref<2x4x128xi32, #tpu.memory_space<vmem>> -> memref<1x1x128xi32, #tpu.memory_space<vmem>>
      %dma_start3A_148 = tpu.memref_squeeze %dma_start3A_147 : memref<1x1x128xi32, #tpu.memory_space<vmem>> -> memref<128xi32, #tpu.memory_space<vmem>>
      %dma_start3A_149 = arith.constant 0 : i32
      %dma_start3A_150 = arith.constant 0 : i32
      %dma_start3A_151 = tpu.memref_slice %arg13[%dma_start3A_149, %dma_start3A_150] : memref<10112x160xbf16, #tpu.memory_space<vmem_shared>> -> memref<10112x160xbf16, #tpu.memory_space<vmem_shared>>
      tpu.enqueue_indirect_dma source(%arg11 : memref<128x160xbf16, #tpu.memory_space<vmem>>) target(%dma_start3A_151 : memref<10112x160xbf16, #tpu.memory_space<vmem_shared>>) offsets(%dma_start3A_148 : memref<128xi32, #tpu.memory_space<vmem>>) semaphore(%arg20 : memref<!tpu.dma_semaphore, #tpu.memory_space<semaphore_mem>>) {add = true}
      %dma_wait3A_152 = arith.constant 0 : i32
      %dma_wait3A_153 = arith.constant 3 : i32
      %dma_wait3A_154 = arith.constant 0 : i32
      %dma_wait3A_155 = tpu.memref_slice %arg7[%dma_wait3A_152, %dma_wait3A_153, %dma_wait3A_154] : memref<2x4x128xi32, #tpu.memory_space<vmem>> -> memref<1x1x128xi32, #tpu.memory_space<vmem>>
      %dma_wait3A_156 = tpu.memref_squeeze %dma_wait3A_155 : memref<1x1x128xi32, #tpu.memory_space<vmem>> -> memref<128xi32, #tpu.memory_space<vmem>>
      %dma_wait3A_157 = arith.constant 0 : i32
      %dma_wait3A_158 = arith.constant 0 : i32
      %dma_wait3A_159 = tpu.memref_slice %arg3[%dma_wait3A_157, %dma_wait3A_158] : memref<10112x160xbf16, #tpu.memory_space<hbm>> -> memref<10112x160xbf16, #tpu.memory_space<hbm>>
      tpu.wait_indirect_dma semaphore(%arg17 : memref<!tpu.dma_semaphore, #tpu.memory_space<semaphore_mem>>) src(%dma_wait3A_159 : memref<10112x160xbf16, #tpu.memory_space<hbm>>) dst(%arg12 : memref<128x160xbf16, #tpu.memory_space<vmem>>)
      %dma_start3A_160 = arith.constant 3 : i32
      %dma_start3A_161 = arith.constant 0 : i32
      %dma_start3A_162 = tpu.memref_slice %arg8[%rem3A_53, %dma_start3A_160, %dma_start3A_161] : memref<2x4x128xi32, #tpu.memory_space<vmem>> -> memref<1x1x128xi32, #tpu.memory_space<vmem>>
      %dma_start3A_163 = tpu.memref_squeeze %dma_start3A_162 : memref<1x1x128xi32, #tpu.memory_space<vmem>> -> memref<128xi32, #tpu.memory_space<vmem>>
      %dma_start3A_164 = arith.constant 0 : i32
      %dma_start3A_165 = arith.constant 0 : i32
      %dma_start3A_166 = tpu.memref_slice %arg13[%dma_start3A_164, %dma_start3A_165] : memref<10112x160xbf16, #tpu.memory_space<vmem_shared>> -> memref<10112x160xbf16, #tpu.memory_space<vmem_shared>>
      tpu.enqueue_indirect_dma source(%arg12 : memref<128x160xbf16, #tpu.memory_space<vmem>>) target(%dma_start3A_166 : memref<10112x160xbf16, #tpu.memory_space<vmem_shared>>) offsets(%dma_start3A_163 : memref<128xi32, #tpu.memory_space<vmem>>) semaphore(%arg21 : memref<!tpu.dma_semaphore, #tpu.memory_space<semaphore_mem>>) {add = true}
      %add3A_167 = arith.constant 1 : i32
      %add3A_168 = arith.addi %while3A_52, %add3A_167 : i32
      %lt3A_169 = arith.cmpi slt, %add3A_168, %select_n3A_9 : i32
      %convert_element_type3A_170 = arith.extui %lt3A_169 : i1 to i32
      %cond3A_171 = arith.constant 0 : i32
      %cond3A_172 = arith.cmpi ne, %convert_element_type3A_170, %cond3A_171 : i32
      scf.if %cond3A_172 {
        %dma_wait3A_173 = arith.constant 0 : i32
        %dma_wait3A_174 = arith.constant 0 : i32
        %dma_wait3A_175 = arith.constant 0 : i32
        %dma_wait3A_176 = tpu.memref_slice %arg8[%dma_wait3A_173, %dma_wait3A_174, %dma_wait3A_175] : memref<2x4x128xi32, #tpu.memory_space<vmem>> -> memref<1x4x128xi32, #tpu.memory_space<vmem>>
        %dma_wait3A_177 = tpu.memref_squeeze %dma_wait3A_176 : memref<1x4x128xi32, #tpu.memory_space<vmem>> -> memref<4x128xi32, #tpu.memory_space<vmem>>
        %dma_wait3A_178 = arith.constant 0 : i32
        %dma_wait3A_179 = arith.constant 0 : i32
        %dma_wait3A_180 = tpu.memref_slice %arg5[%dma_wait3A_178, %dma_wait3A_179] : memref<2560x128xi32, #tpu.memory_space<hbm>> -> memref<4x128xi32, #tpu.memory_space<hbm>>
        %dma_wait3A_181 = arith.constant 0 : i32
        %dma_wait3A_182 = arith.constant 0 : i32
        %dma_wait3A_183 = tpu.memref_slice %arg8[%dma_wait3A_173, %dma_wait3A_181, %dma_wait3A_182] : memref<2x4x128xi32, #tpu.memory_space<vmem>> -> memref<1x4x128xi32, #tpu.memory_space<vmem>>
        %dma_wait3A_184 = tpu.memref_squeeze %dma_wait3A_183 : memref<1x4x128xi32, #tpu.memory_space<vmem>> -> memref<4x128xi32, #tpu.memory_space<vmem>>
        %dma_wait3A_185 = arith.constant 0 : i32
        %dma_wait3A_186 = arith.constant 0 : i32
        %dma_wait3A_187 = tpu.memref_slice %arg5[%dma_wait3A_185, %dma_wait3A_186] : memref<2560x128xi32, #tpu.memory_space<hbm>> -> memref<4x128xi32, #tpu.memory_space<hbm>>
        tpu.wait_dma2 semaphore(%arg22 : memref<!tpu.dma_semaphore, #tpu.memory_space<semaphore_mem>>) src(%dma_wait3A_187 : memref<4x128xi32, #tpu.memory_space<hbm>>) dst(%dma_wait3A_184 : memref<4x128xi32, #tpu.memory_space<vmem>>)
        %dma_wait3A_188 = arith.constant 0 : i32
        %dma_wait3A_189 = arith.constant 0 : i32
        %dma_wait3A_190 = arith.constant 0 : i32
        %dma_wait3A_191 = tpu.memref_slice %arg7[%dma_wait3A_188, %dma_wait3A_189, %dma_wait3A_190] : memref<2x4x128xi32, #tpu.memory_space<vmem>> -> memref<1x4x128xi32, #tpu.memory_space<vmem>>
        %dma_wait3A_192 = tpu.memref_squeeze %dma_wait3A_191 : memref<1x4x128xi32, #tpu.memory_space<vmem>> -> memref<4x128xi32, #tpu.memory_space<vmem>>
        %dma_wait3A_193 = arith.constant 0 : i32
        %dma_wait3A_194 = arith.constant 0 : i32
        %dma_wait3A_195 = tpu.memref_slice %arg4[%dma_wait3A_193, %dma_wait3A_194] : memref<2560x128xi32, #tpu.memory_space<hbm>> -> memref<4x128xi32, #tpu.memory_space<hbm>>
        %dma_wait3A_196 = arith.constant 0 : i32
        %dma_wait3A_197 = arith.constant 0 : i32
        %dma_wait3A_198 = tpu.memref_slice %arg7[%dma_wait3A_188, %dma_wait3A_196, %dma_wait3A_197] : memref<2x4x128xi32, #tpu.memory_space<vmem>> -> memref<1x4x128xi32, #tpu.memory_space<vmem>>
        %dma_wait3A_199 = tpu.memref_squeeze %dma_wait3A_198 : memref<1x4x128xi32, #tpu.memory_space<vmem>> -> memref<4x128xi32, #tpu.memory_space<vmem>>
        %dma_wait3A_200 = arith.constant 0 : i32
        %dma_wait3A_201 = arith.constant 0 : i32
        %dma_wait3A_202 = tpu.memref_slice %arg4[%dma_wait3A_200, %dma_wait3A_201] : memref<2560x128xi32, #tpu.memory_space<hbm>> -> memref<4x128xi32, #tpu.memory_space<hbm>>
        tpu.wait_dma2 semaphore(%arg22 : memref<!tpu.dma_semaphore, #tpu.memory_space<semaphore_mem>>) src(%dma_wait3A_202 : memref<4x128xi32, #tpu.memory_space<hbm>>) dst(%dma_wait3A_199 : memref<4x128xi32, #tpu.memory_space<vmem>>)
      } else {
      }
    }
    %dma_wait3A = arith.constant 0 : i32
    %dma_wait3A_20 = arith.constant 0 : i32
    %dma_wait3A_21 = arith.constant 0 : i32
    %dma_wait3A_22 = tpu.memref_slice %arg8[%dma_wait3A, %dma_wait3A_20, %dma_wait3A_21] : memref<2x4x128xi32, #tpu.memory_space<vmem>> -> memref<1x1x128xi32, #tpu.memory_space<vmem>>
    %dma_wait3A_23 = tpu.memref_squeeze %dma_wait3A_22 : memref<1x1x128xi32, #tpu.memory_space<vmem>> -> memref<128xi32, #tpu.memory_space<vmem>>
    %dma_wait3A_24 = arith.constant 0 : i32
    %dma_wait3A_25 = arith.constant 0 : i32
    %dma_wait3A_26 = tpu.memref_slice %arg13[%dma_wait3A_24, %dma_wait3A_25] : memref<10112x160xbf16, #tpu.memory_space<vmem_shared>> -> memref<10112x160xbf16, #tpu.memory_space<vmem_shared>>
    tpu.wait_indirect_dma semaphore(%arg18 : memref<!tpu.dma_semaphore, #tpu.memory_space<semaphore_mem>>) src(%arg9 : memref<128x160xbf16, #tpu.memory_space<vmem>>) dst(%dma_wait3A_26 : memref<10112x160xbf16, #tpu.memory_space<vmem_shared>>)
    %dma_wait3A_27 = arith.constant 0 : i32
    %dma_wait3A_28 = arith.constant 1 : i32
    %dma_wait3A_29 = arith.constant 0 : i32
    %dma_wait3A_30 = tpu.memref_slice %arg8[%dma_wait3A_27, %dma_wait3A_28, %dma_wait3A_29] : memref<2x4x128xi32, #tpu.memory_space<vmem>> -> memref<1x1x128xi32, #tpu.memory_space<vmem>>
    %dma_wait3A_31 = tpu.memref_squeeze %dma_wait3A_30 : memref<1x1x128xi32, #tpu.memory_space<vmem>> -> memref<128xi32, #tpu.memory_space<vmem>>
    %dma_wait3A_32 = arith.constant 0 : i32
    %dma_wait3A_33 = arith.constant 0 : i32
    %dma_wait3A_34 = tpu.memref_slice %arg13[%dma_wait3A_32, %dma_wait3A_33] : memref<10112x160xbf16, #tpu.memory_space<vmem_shared>> -> memref<10112x160xbf16, #tpu.memory_space<vmem_shared>>
    tpu.wait_indirect_dma semaphore(%arg19 : memref<!tpu.dma_semaphore, #tpu.memory_space<semaphore_mem>>) src(%arg10 : memref<128x160xbf16, #tpu.memory_space<vmem>>) dst(%dma_wait3A_34 : memref<10112x160xbf16, #tpu.memory_space<vmem_shared>>)
    %dma_wait3A_35 = arith.constant 0 : i32
    %dma_wait3A_36 = arith.constant 2 : i32
    %dma_wait3A_37 = arith.constant 0 : i32
    %dma_wait3A_38 = tpu.memref_slice %arg8[%dma_wait3A_35, %dma_wait3A_36, %dma_wait3A_37] : memref<2x4x128xi32, #tpu.memory_space<vmem>> -> memref<1x1x128xi32, #tpu.memory_space<vmem>>
    %dma_wait3A_39 = tpu.memref_squeeze %dma_wait3A_38 : memref<1x1x128xi32, #tpu.memory_space<vmem>> -> memref<128xi32, #tpu.memory_space<vmem>>
    %dma_wait3A_40 = arith.constant 0 : i32
    %dma_wait3A_41 = arith.constant 0 : i32
    %dma_wait3A_42 = tpu.memref_slice %arg13[%dma_wait3A_40, %dma_wait3A_41] : memref<10112x160xbf16, #tpu.memory_space<vmem_shared>> -> memref<10112x160xbf16, #tpu.memory_space<vmem_shared>>
    tpu.wait_indirect_dma semaphore(%arg20 : memref<!tpu.dma_semaphore, #tpu.memory_space<semaphore_mem>>) src(%arg11 : memref<128x160xbf16, #tpu.memory_space<vmem>>) dst(%dma_wait3A_42 : memref<10112x160xbf16, #tpu.memory_space<vmem_shared>>)
    %dma_wait3A_43 = arith.constant 0 : i32
    %dma_wait3A_44 = arith.constant 3 : i32
    %dma_wait3A_45 = arith.constant 0 : i32
    %dma_wait3A_46 = tpu.memref_slice %arg8[%dma_wait3A_43, %dma_wait3A_44, %dma_wait3A_45] : memref<2x4x128xi32, #tpu.memory_space<vmem>> -> memref<1x1x128xi32, #tpu.memory_space<vmem>>
    %dma_wait3A_47 = tpu.memref_squeeze %dma_wait3A_46 : memref<1x1x128xi32, #tpu.memory_space<vmem>> -> memref<128xi32, #tpu.memory_space<vmem>>
    %dma_wait3A_48 = arith.constant 0 : i32
    %dma_wait3A_49 = arith.constant 0 : i32
    %dma_wait3A_50 = tpu.memref_slice %arg13[%dma_wait3A_48, %dma_wait3A_49] : memref<10112x160xbf16, #tpu.memory_space<vmem_shared>> -> memref<10112x160xbf16, #tpu.memory_space<vmem_shared>>
    tpu.wait_indirect_dma semaphore(%arg21 : memref<!tpu.dma_semaphore, #tpu.memory_space<semaphore_mem>>) src(%arg12 : memref<128x160xbf16, #tpu.memory_space<vmem>>) dst(%dma_wait3A_50 : memref<10112x160xbf16, #tpu.memory_space<vmem_shared>>)
    %barrier3A_51 = arith.constant 0 : index
    tpu.barrier barrier_id(%barrier3A_51)
    "tpu.region"() ({
      %run_scoped3A_52 = tpu.sem_alloc : memref<!tpu.dma_semaphore, #tpu.memory_space<semaphore_mem>>
      %dma_start3A = arith.constant 0 : i32
      %dma_start3A_53 = tpu.memref_slice %arg6[%arg0, %mul3A_0, %dma_start3A] : memref<2x10112x160xbf16, #tpu.memory_space<hbm>> -> memref<1x632x160xbf16, #tpu.memory_space<hbm>>
      %dma_start3A_54 = tpu.memref_squeeze %dma_start3A_53 : memref<1x632x160xbf16, #tpu.memory_space<hbm>> -> memref<632x160xbf16, #tpu.memory_space<hbm>>
      %dma_start3A_55 = arith.constant 0 : i32
      %dma_start3A_56 = tpu.memref_slice %arg13[%mul3A_0, %dma_start3A_55] : memref<10112x160xbf16, #tpu.memory_space<vmem_shared>> -> memref<632x160xbf16, #tpu.memory_space<vmem_shared>>
      tpu.enqueue_dma source(%dma_start3A_56 : memref<632x160xbf16, #tpu.memory_space<vmem_shared>>) target(%dma_start3A_54 : memref<632x160xbf16, #tpu.memory_space<hbm>>) target_semaphore(%run_scoped3A_52 : memref<!tpu.dma_semaphore, #tpu.memory_space<semaphore_mem>>)
      %dma_wait3A_57 = arith.constant 0 : i32
      %dma_wait3A_58 = tpu.memref_slice %arg6[%arg0, %mul3A_0, %dma_wait3A_57] : memref<2x10112x160xbf16, #tpu.memory_space<hbm>> -> memref<1x632x160xbf16, #tpu.memory_space<hbm>>
      %dma_wait3A_59 = tpu.memref_squeeze %dma_wait3A_58 : memref<1x632x160xbf16, #tpu.memory_space<hbm>> -> memref<632x160xbf16, #tpu.memory_space<hbm>>
      %dma_wait3A_60 = arith.constant 0 : i32
      %dma_wait3A_61 = tpu.memref_slice %arg13[%mul3A_0, %dma_wait3A_60] : memref<10112x160xbf16, #tpu.memory_space<vmem_shared>> -> memref<632x160xbf16, #tpu.memory_space<vmem_shared>>
      tpu.wait_dma2 semaphore(%run_scoped3A_52 : memref<!tpu.dma_semaphore, #tpu.memory_space<semaphore_mem>>) src(%dma_wait3A_61 : memref<632x160xbf16, #tpu.memory_space<vmem_shared>>) dst(%dma_wait3A_59 : memref<632x160xbf16, #tpu.memory_space<hbm>>)
      tpu.yield
    }) : () -> ()
    return
  }
}

module attributes {stable_mosaic.version = 14 : i64} {
  func.func @body(%arg0: i32, %arg1: memref<2x2528x16xf32, #tpu.memory_space<vmem>>, %arg2: memref<2528x128xf32, #tpu.memory_space<vmem>>, %arg3: memref<128x160xf32, #tpu.memory_space<vmem>>, %arg4: memref<2528x8xf32, #tpu.memory_space<vmem>>, %arg5: memref<2528x160xbf16, #tpu.memory_space<vmem>>) attributes {dimension_semantics = [#tpu.dimension_semantics<arbitrary>], iteration_bounds = array<i64: 4>, scalar_prefetch = 0 : i64, scratch_operands = 0 : i64, tpu.core_type = #tpu.core_type<tc>, window_params = [{transform_indices = @transform_0, window_bounds = array<i64: 2, 2528, 16>}, {transform_indices = @transform_1, window_bounds = array<i64: 2528, 128>}, {pipeline_mode = #tpu.pipeline_mode<synchronous>, transform_indices = @transform_2, window_bounds = array<i64: 128, 160>}, {transform_indices = @transform_3, window_bounds = array<i64: 2528, 8>}, {transform_indices = @transform_4, window_bounds = array<i64: 2528, 160>}]} {
    %get3A = arith.constant 0 : index
    %get3A_0 = arith.constant 0 : index
    %get3A_1 = arith.constant 0 : index
    %get3A_2 = vector.load %arg1[%get3A, %get3A_0, %get3A_1] : memref<2x2528x16xf32, #tpu.memory_space<vmem>>, vector<1x2528x1xf32>
    %get3A_3 = vector.shape_cast %get3A_2 : vector<1x2528x1xf32> to vector<2528x1xf32>
    %get3A_4 = arith.constant 1 : index
    %get3A_5 = arith.constant 0 : index
    %get3A_6 = arith.constant 0 : index
    %get3A_7 = vector.load %arg1[%get3A_4, %get3A_5, %get3A_6] : memref<2x2528x16xf32, #tpu.memory_space<vmem>>, vector<1x2528x1xf32>
    %get3A_8 = vector.shape_cast %get3A_7 : vector<1x2528x1xf32> to vector<2528x1xf32>
    %add3A = arith.addf %get3A_3, %get3A_8 : vector<2528x1xf32>
    %rsqrt3A = math.rsqrt %add3A : vector<2528x1xf32>
    %broadcast_in_dim3A = vector.shape_cast %rsqrt3A : vector<2528x1xf32> to vector<2528x1xf32>
    %broadcast_in_dim3A_9 = vector.broadcast %broadcast_in_dim3A : vector<2528x1xf32> to vector<2528x8xf32>
    %swap3A = arith.constant 0 : index
    %swap3A_10 = arith.constant 0 : index
    %swap3A_11 = vector.load %arg4[%swap3A, %swap3A_10] : memref<2528x8xf32, #tpu.memory_space<vmem>>, vector<2528x8xf32>
    tpu.vector_store %arg4[%swap3A, %swap3A_10], %broadcast_in_dim3A_9 {strides = array<i32>} : memref<2528x8xf32, #tpu.memory_space<vmem>>, vector<2528x8xf32>,
    %get3A_12 = arith.constant 0 : index
    %get3A_13 = arith.constant 0 : index
    %get3A_14 = vector.load %arg2[%get3A_12, %get3A_13] : memref<2528x128xf32, #tpu.memory_space<vmem>>, vector<2528x128xf32>
    %get3A_15 = arith.constant 0 : index
    %get3A_16 = arith.constant 0 : index
    %get3A_17 = vector.load %arg3[%get3A_15, %get3A_16] : memref<128x160xf32, #tpu.memory_space<vmem>>, vector<128x160xf32>
    %dot_general3A = arith.constant dense<0.000000e+00> : vector<2528x160xf32>
    %dot_general3A_18 = tpu.matmul %get3A_14, %get3A_17, %dot_general3A {dimension_numbers = #tpu.dot_dimension_numbers<[1], [0], [0], [1], [0, 0, 1, 1], [], []>, transpose_lhs_hint = false} : vector<2528x128xf32>, vector<128x160xf32>, vector<2528x160xf32> -> vector<2528x160xf32>
    %mul3A = vector.broadcast %rsqrt3A : vector<2528x1xf32> to vector<2528x160xf32>
    %mul3A_19 = arith.mulf %mul3A, %dot_general3A_18 : vector<2528x160xf32>
    %convert_element_type3A = arith.truncf %mul3A_19 : vector<2528x160xf32> to vector<2528x160xbf16>
    %swap3A_20 = arith.constant 0 : index
    %swap3A_21 = arith.constant 0 : index
    %swap3A_22 = vector.load %arg5[%swap3A_20, %swap3A_21] : memref<2528x160xbf16, #tpu.memory_space<vmem>>, vector<2528x160xbf16>
    tpu.vector_store %arg5[%swap3A_20, %swap3A_21], %convert_element_type3A {strides = array<i32>} : memref<2528x160xbf16, #tpu.memory_space<vmem>>, vector<2528x160xbf16>,
    return
  }
  func.func @transform_0(%arg0: i32) -> (i32, i32, i32) {
    %c0_i32 = arith.constant 0 : i32
    %c0_i32_0 = arith.constant 0 : i32
    %c0_i32_1 = arith.constant 0 : i32
    return %c0_i32, %arg0, %c0_i32_0 : i32, i32, i32
  }
  func.func @transform_1(%arg0: i32) -> (i32, i32) {
    %c0_i32 = arith.constant 0 : i32
    %c0_i32_0 = arith.constant 0 : i32
    return %arg0, %c0_i32 : i32, i32
  }
  func.func @transform_2(%arg0: i32) -> (i32, i32) {
    %c0_i32 = arith.constant 0 : i32
    %c0_i32_0 = arith.constant 0 : i32
    %c0_i32_1 = arith.constant 0 : i32
    return %c0_i32, %c0_i32_0 : i32, i32
  }
  func.func @transform_3(%arg0: i32) -> (i32, i32) {
    %c0_i32 = arith.constant 0 : i32
    %c0_i32_0 = arith.constant 0 : i32
    return %arg0, %c0_i32 : i32, i32
  }
  func.func @transform_4(%arg0: i32) -> (i32, i32) {
    %c0_i32 = arith.constant 0 : i32
    %c0_i32_0 = arith.constant 0 : i32
    return %arg0, %c0_i32 : i32, i32
  }
}

module attributes {stable_mosaic.version = 14 : i64} {
  func.func @body(%arg0: i32, %arg1: memref<2x2528x160xbf16, #tpu.memory_space<vmem>>, %arg2: memref<2528x8xf32, #tpu.memory_space<vmem>>, %arg3: memref<1x160xf32, #tpu.memory_space<vmem>>, %arg4: memref<160x160xf32, #tpu.memory_space<vmem>>, %arg5: memref<2528x160xbf16, #tpu.memory_space<vmem>>) attributes {dimension_semantics = [#tpu.dimension_semantics<arbitrary>], iteration_bounds = array<i64: 4>, scalar_prefetch = 0 : i64, scratch_operands = 0 : i64, tpu.core_type = #tpu.core_type<tc>, window_params = [{transform_indices = @transform_0, window_bounds = array<i64: 2, 2528, 160>}, {transform_indices = @transform_1, window_bounds = array<i64: 2528, 8>}, {pipeline_mode = #tpu.pipeline_mode<synchronous>, transform_indices = @transform_2, window_bounds = array<i64: 1, 160>}, {pipeline_mode = #tpu.pipeline_mode<synchronous>, transform_indices = @transform_3, window_bounds = array<i64: 160, 160>}, {transform_indices = @transform_4, window_bounds = array<i64: 2528, 160>}]} {
    %get3A = arith.constant 0 : index
    %get3A_0 = arith.constant 0 : index
    %get3A_1 = vector.load %arg2[%get3A, %get3A_0] : memref<2528x8xf32, #tpu.memory_space<vmem>>, vector<2528x1xf32>
    %get3A_2 = arith.constant 0 : index
    %get3A_3 = arith.constant 0 : index
    %get3A_4 = arith.constant 0 : index
    %get3A_5 = vector.load %arg1[%get3A_2, %get3A_3, %get3A_4] : memref<2x2528x160xbf16, #tpu.memory_space<vmem>>, vector<1x2528x160xbf16>
    %get3A_6 = vector.shape_cast %get3A_5 : vector<1x2528x160xbf16> to vector<2528x160xbf16>
    %convert_element_type3A = arith.extf %get3A_6 : vector<2528x160xbf16> to vector<2528x160xf32>
    %get3A_7 = arith.constant 1 : index
    %get3A_8 = arith.constant 0 : index
    %get3A_9 = arith.constant 0 : index
    %get3A_10 = vector.load %arg1[%get3A_7, %get3A_8, %get3A_9] : memref<2x2528x160xbf16, #tpu.memory_space<vmem>>, vector<1x2528x160xbf16>
    %get3A_11 = vector.shape_cast %get3A_10 : vector<1x2528x160xbf16> to vector<2528x160xbf16>
    %convert_element_type3A_12 = arith.extf %get3A_11 : vector<2528x160xbf16> to vector<2528x160xf32>
    %add3A = arith.addf %convert_element_type3A, %convert_element_type3A_12 : vector<2528x160xf32>
    %mul3A = vector.broadcast %get3A_1 : vector<2528x1xf32> to vector<2528x160xf32>
    %mul3A_13 = arith.mulf %mul3A, %add3A : vector<2528x160xf32>
    %get3A_14 = arith.constant 0 : index
    %get3A_15 = arith.constant 0 : index
    %get3A_16 = vector.load %arg3[%get3A_14, %get3A_15] : memref<1x160xf32, #tpu.memory_space<vmem>>, vector<1x160xf32>
    %add3A_17 = vector.broadcast %get3A_16 : vector<1x160xf32> to vector<2528x160xf32>
    %add3A_18 = arith.addf %mul3A_13, %add3A_17 : vector<2528x160xf32>
    %get3A_19 = arith.constant 0 : index
    %get3A_20 = arith.constant 0 : index
    %get3A_21 = vector.load %arg4[%get3A_19, %get3A_20] : memref<160x160xf32, #tpu.memory_space<vmem>>, vector<160x160xf32>
    %dot_general3A = arith.constant dense<0.000000e+00> : vector<2528x160xf32>
    %dot_general3A_22 = tpu.matmul %add3A_18, %get3A_21, %dot_general3A {dimension_numbers = #tpu.dot_dimension_numbers<[1], [0], [0], [1], [0, 0, 1, 1], [], []>, transpose_lhs_hint = false} : vector<2528x160xf32>, vector<160x160xf32>, vector<2528x160xf32> -> vector<2528x160xf32>
    %mul3A_23 = vector.broadcast %get3A_1 : vector<2528x1xf32> to vector<2528x160xf32>
    %mul3A_24 = arith.mulf %mul3A_23, %dot_general3A_22 : vector<2528x160xf32>
    %convert_element_type3A_25 = arith.truncf %mul3A_24 : vector<2528x160xf32> to vector<2528x160xbf16>
    %swap3A = arith.constant 0 : index
    %swap3A_26 = arith.constant 0 : index
    %swap3A_27 = vector.load %arg5[%swap3A, %swap3A_26] : memref<2528x160xbf16, #tpu.memory_space<vmem>>, vector<2528x160xbf16>
    tpu.vector_store %arg5[%swap3A, %swap3A_26], %convert_element_type3A_25 {strides = array<i32>} : memref<2528x160xbf16, #tpu.memory_space<vmem>>, vector<2528x160xbf16>,
    return
  }
  func.func @transform_0(%arg0: i32) -> (i32, i32, i32) {
    %c0_i32 = arith.constant 0 : i32
    %c0_i32_0 = arith.constant 0 : i32
    %c0_i32_1 = arith.constant 0 : i32
    return %c0_i32, %arg0, %c0_i32_0 : i32, i32, i32
  }
  func.func @transform_1(%arg0: i32) -> (i32, i32) {
    %c0_i32 = arith.constant 0 : i32
    %c0_i32_0 = arith.constant 0 : i32
    return %arg0, %c0_i32 : i32, i32
  }
  func.func @transform_2(%arg0: i32) -> (i32, i32) {
    %c0_i32 = arith.constant 0 : i32
    %c0_i32_0 = arith.constant 0 : i32
    %c0_i32_1 = arith.constant 0 : i32
    return %c0_i32, %c0_i32_0 : i32, i32
  }
  func.func @transform_3(%arg0: i32) -> (i32, i32) {
    %c0_i32 = arith.constant 0 : i32
    %c0_i32_0 = arith.constant 0 : i32
    %c0_i32_1 = arith.constant 0 : i32
    return %c0_i32, %c0_i32_0 : i32, i32
  }
  func.func @transform_4(%arg0: i32) -> (i32, i32) {
    %c0_i32 = arith.constant 0 : i32
    %c0_i32_0 = arith.constant 0 : i32
    return %arg0, %c0_i32 : i32, i32
  }
}

module attributes {stable_mosaic.version = 14 : i64} {
  func.func @body(%arg0: i32, %arg1: memref<2x2528x160xbf16, #tpu.memory_space<vmem>>, %arg2: memref<2528x8xf32, #tpu.memory_space<vmem>>, %arg3: memref<1x160xf32, #tpu.memory_space<vmem>>, %arg4: memref<160x128xf32, #tpu.memory_space<vmem>>, %arg5: memref<2528x128xbf16, #tpu.memory_space<vmem>>) attributes {dimension_semantics = [#tpu.dimension_semantics<arbitrary>], iteration_bounds = array<i64: 4>, scalar_prefetch = 0 : i64, scratch_operands = 0 : i64, tpu.core_type = #tpu.core_type<tc>, window_params = [{transform_indices = @transform_0, window_bounds = array<i64: 2, 2528, 160>}, {transform_indices = @transform_1, window_bounds = array<i64: 2528, 8>}, {pipeline_mode = #tpu.pipeline_mode<synchronous>, transform_indices = @transform_2, window_bounds = array<i64: 1, 160>}, {pipeline_mode = #tpu.pipeline_mode<synchronous>, transform_indices = @transform_3, window_bounds = array<i64: 160, 128>}, {transform_indices = @transform_4, window_bounds = array<i64: 2528, 128>}]} {
    %get3A = arith.constant 0 : index
    %get3A_0 = arith.constant 0 : index
    %get3A_1 = vector.load %arg2[%get3A, %get3A_0] : memref<2528x8xf32, #tpu.memory_space<vmem>>, vector<2528x1xf32>
    %get3A_2 = arith.constant 0 : index
    %get3A_3 = arith.constant 0 : index
    %get3A_4 = arith.constant 0 : index
    %get3A_5 = vector.load %arg1[%get3A_2, %get3A_3, %get3A_4] : memref<2x2528x160xbf16, #tpu.memory_space<vmem>>, vector<1x2528x160xbf16>
    %get3A_6 = vector.shape_cast %get3A_5 : vector<1x2528x160xbf16> to vector<2528x160xbf16>
    %convert_element_type3A = arith.extf %get3A_6 : vector<2528x160xbf16> to vector<2528x160xf32>
    %get3A_7 = arith.constant 1 : index
    %get3A_8 = arith.constant 0 : index
    %get3A_9 = arith.constant 0 : index
    %get3A_10 = vector.load %arg1[%get3A_7, %get3A_8, %get3A_9] : memref<2x2528x160xbf16, #tpu.memory_space<vmem>>, vector<1x2528x160xbf16>
    %get3A_11 = vector.shape_cast %get3A_10 : vector<1x2528x160xbf16> to vector<2528x160xbf16>
    %convert_element_type3A_12 = arith.extf %get3A_11 : vector<2528x160xbf16> to vector<2528x160xf32>
    %add3A = arith.addf %convert_element_type3A, %convert_element_type3A_12 : vector<2528x160xf32>
    %mul3A = vector.broadcast %get3A_1 : vector<2528x1xf32> to vector<2528x160xf32>
    %mul3A_13 = arith.mulf %mul3A, %add3A : vector<2528x160xf32>
    %get3A_14 = arith.constant 0 : index
    %get3A_15 = arith.constant 0 : index
    %get3A_16 = vector.load %arg3[%get3A_14, %get3A_15] : memref<1x160xf32, #tpu.memory_space<vmem>>, vector<1x160xf32>
    %add3A_17 = vector.broadcast %get3A_16 : vector<1x160xf32> to vector<2528x160xf32>
    %add3A_18 = arith.addf %mul3A_13, %add3A_17 : vector<2528x160xf32>
    %get3A_19 = arith.constant 0 : index
    %get3A_20 = arith.constant 0 : index
    %get3A_21 = vector.load %arg4[%get3A_19, %get3A_20] : memref<160x128xf32, #tpu.memory_space<vmem>>, vector<160x128xf32>
    %dot_general3A = arith.constant dense<0.000000e+00> : vector<2528x128xf32>
    %dot_general3A_22 = tpu.matmul %add3A_18, %get3A_21, %dot_general3A {dimension_numbers = #tpu.dot_dimension_numbers<[1], [0], [0], [1], [0, 0, 1, 1], [], []>, transpose_lhs_hint = false} : vector<2528x160xf32>, vector<160x128xf32>, vector<2528x128xf32> -> vector<2528x128xf32>
    %mul3A_23 = vector.broadcast %get3A_1 : vector<2528x1xf32> to vector<2528x128xf32>
    %mul3A_24 = arith.mulf %mul3A_23, %dot_general3A_22 : vector<2528x128xf32>
    %convert_element_type3A_25 = arith.truncf %mul3A_24 : vector<2528x128xf32> to vector<2528x128xbf16>
    %swap3A = arith.constant 0 : index
    %swap3A_26 = arith.constant 0 : index
    %swap3A_27 = vector.load %arg5[%swap3A, %swap3A_26] : memref<2528x128xbf16, #tpu.memory_space<vmem>>, vector<2528x128xbf16>
    tpu.vector_store %arg5[%swap3A, %swap3A_26], %convert_element_type3A_25 {strides = array<i32>} : memref<2528x128xbf16, #tpu.memory_space<vmem>>, vector<2528x128xbf16>,
    return
  }
  func.func @transform_0(%arg0: i32) -> (i32, i32, i32) {
    %c0_i32 = arith.constant 0 : i32
    %c0_i32_0 = arith.constant 0 : i32
    %c0_i32_1 = arith.constant 0 : i32
    return %c0_i32, %arg0, %c0_i32_0 : i32, i32, i32
  }
  func.func @transform_1(%arg0: i32) -> (i32, i32) {
    %c0_i32 = arith.constant 0 : i32
    %c0_i32_0 = arith.constant 0 : i32
    return %arg0, %c0_i32 : i32, i32
  }
  func.func @transform_2(%arg0: i32) -> (i32, i32) {
    %c0_i32 = arith.constant 0 : i32
    %c0_i32_0 = arith.constant 0 : i32
    %c0_i32_1 = arith.constant 0 : i32
    return %c0_i32, %c0_i32_0 : i32, i32
  }
  func.func @transform_3(%arg0: i32) -> (i32, i32) {
    %c0_i32 = arith.constant 0 : i32
    %c0_i32_0 = arith.constant 0 : i32
    %c0_i32_1 = arith.constant 0 : i32
    return %c0_i32, %c0_i32_0 : i32, i32
  }
  func.func @transform_4(%arg0: i32) -> (i32, i32) {
    %c0_i32 = arith.constant 0 : i32
    %c0_i32_0 = arith.constant 0 : i32
    return %arg0, %c0_i32 : i32, i32
  }
}

module attributes {stable_mosaic.version = 14 : i64} {
  func.func @body(%arg0: i32, %arg1: memref<2x2528x128xbf16, #tpu.memory_space<vmem>>, %arg2: memref<2528x8xf32, #tpu.memory_space<vmem>>, %arg3: memref<1x128xf32, #tpu.memory_space<vmem>>, %arg4: memref<2528x1xi32, #tpu.memory_space<vmem>>, %arg5: memref<128x10xf32, #tpu.memory_space<vmem>>, %arg6: memref<1x10xf32, #tpu.memory_space<vmem>>, %arg7: memref<128x10xf32, #tpu.memory_space<vmem>>, %arg8: memref<128x128xf32, #tpu.memory_space<vmem>>, %arg9: memref<128x128xf32, #tpu.memory_space<vmem>>) attributes {dimension_semantics = [#tpu.dimension_semantics<arbitrary>], iteration_bounds = array<i64: 4>, scalar_prefetch = 0 : i64, scratch_operands = 2 : i64, tpu.core_type = #tpu.core_type<tc>, window_params = [{transform_indices = @transform_0, window_bounds = array<i64: 2, 2528, 128>}, {transform_indices = @transform_1, window_bounds = array<i64: 2528, 8>}, {pipeline_mode = #tpu.pipeline_mode<synchronous>, transform_indices = @transform_2, window_bounds = array<i64: 1, 128>}, {transform_indices = @transform_3, window_bounds = array<i64: 2528, 1>}, {pipeline_mode = #tpu.pipeline_mode<synchronous>, transform_indices = @transform_4, window_bounds = array<i64: 128, 10>}, {pipeline_mode = #tpu.pipeline_mode<synchronous>, transform_indices = @transform_5, window_bounds = array<i64: 1, 10>}, {pipeline_mode = #tpu.pipeline_mode<synchronous>, transform_indices = @transform_6, window_bounds = array<i64: 128, 10>}]} {
    %eq3A = arith.constant 0 : i32
    %eq3A_0 = arith.cmpi eq, %arg0, %eq3A : i32
    %convert_element_type3A = arith.extui %eq3A_0 : i1 to i32
    %cond3A = arith.constant 0 : i32
    %cond3A_1 = arith.cmpi ne, %convert_element_type3A, %cond3A : i32
    scf.if %cond3A_1 {
      %broadcast_in_dim3A_51 = arith.constant 0.000000e+00 : f32
      %broadcast_in_dim3A_52 = vector.broadcast %broadcast_in_dim3A_51 : f32 to vector<128x128xf32>
      %swap3A_53 = arith.constant 0 : index
      %swap3A_54 = arith.constant 0 : index
      %swap3A_55 = vector.load %arg8[%swap3A_53, %swap3A_54] : memref<128x128xf32, #tpu.memory_space<vmem>>, vector<128x128xf32>
      tpu.vector_store %arg8[%swap3A_53, %swap3A_54], %broadcast_in_dim3A_52 {strides = array<i32>} : memref<128x128xf32, #tpu.memory_space<vmem>>, vector<128x128xf32>,
      %broadcast_in_dim3A_56 = arith.constant 0.000000e+00 : f32
      %broadcast_in_dim3A_57 = vector.broadcast %broadcast_in_dim3A_56 : f32 to vector<128x128xf32>
      %swap3A_58 = arith.constant 0 : index
      %swap3A_59 = arith.constant 0 : index
      %swap3A_60 = vector.load %arg9[%swap3A_58, %swap3A_59] : memref<128x128xf32, #tpu.memory_space<vmem>>, vector<128x128xf32>
      tpu.vector_store %arg9[%swap3A_58, %swap3A_59], %broadcast_in_dim3A_57 {strides = array<i32>} : memref<128x128xf32, #tpu.memory_space<vmem>>, vector<128x128xf32>,
    } else {
    }
    %get3A = arith.constant 0 : index
    %get3A_2 = arith.constant 0 : index
    %get3A_3 = vector.load %arg2[%get3A, %get3A_2] : memref<2528x8xf32, #tpu.memory_space<vmem>>, vector<2528x1xf32>
    %get3A_4 = arith.constant 0 : index
    %get3A_5 = arith.constant 0 : index
    %get3A_6 = arith.constant 0 : index
    %get3A_7 = vector.load %arg1[%get3A_4, %get3A_5, %get3A_6] : memref<2x2528x128xbf16, #tpu.memory_space<vmem>>, vector<1x2528x128xbf16>
    %get3A_8 = vector.shape_cast %get3A_7 : vector<1x2528x128xbf16> to vector<2528x128xbf16>
    %convert_element_type3A_9 = arith.extf %get3A_8 : vector<2528x128xbf16> to vector<2528x128xf32>
    %get3A_10 = arith.constant 1 : index
    %get3A_11 = arith.constant 0 : index
    %get3A_12 = arith.constant 0 : index
    %get3A_13 = vector.load %arg1[%get3A_10, %get3A_11, %get3A_12] : memref<2x2528x128xbf16, #tpu.memory_space<vmem>>, vector<1x2528x128xbf16>
    %get3A_14 = vector.shape_cast %get3A_13 : vector<1x2528x128xbf16> to vector<2528x128xbf16>
    %convert_element_type3A_15 = arith.extf %get3A_14 : vector<2528x128xbf16> to vector<2528x128xf32>
    %add3A = arith.addf %convert_element_type3A_9, %convert_element_type3A_15 : vector<2528x128xf32>
    %mul3A = vector.broadcast %get3A_3 : vector<2528x1xf32> to vector<2528x128xf32>
    %mul3A_16 = arith.mulf %mul3A, %add3A : vector<2528x128xf32>
    %get3A_17 = arith.constant 0 : index
    %get3A_18 = arith.constant 0 : index
    %get3A_19 = vector.load %arg3[%get3A_17, %get3A_18] : memref<1x128xf32, #tpu.memory_space<vmem>>, vector<1x128xf32>
    %add3A_20 = vector.broadcast %get3A_19 : vector<1x128xf32> to vector<2528x128xf32>
    %add3A_21 = arith.addf %mul3A_16, %add3A_20 : vector<2528x128xf32>
    %get3A_22 = arith.constant 0 : index
    %get3A_23 = arith.constant 0 : index
    %get3A_24 = vector.load %arg4[%get3A_22, %get3A_23] : memref<2528x1xi32, #tpu.memory_space<vmem>>, vector<2528x1xi32>
    %iota3A = tpu.iota {dimensions = array<i32: 1>} : vector<2528x128xi32>
    %eq3A_25 = vector.broadcast %get3A_24 : vector<2528x1xi32> to vector<2528x128xi32>
    %eq3A_26 = arith.cmpi eq, %eq3A_25, %iota3A : vector<2528x128xi32>
    %convert_element_type3A_27 = arith.extui %eq3A_26 : vector<2528x128xi1> to vector<2528x128xi32>
    %convert_element_type3A_28 = arith.sitofp %convert_element_type3A_27 : vector<2528x128xi32> to vector<2528x128xf32>
    %get3A_29 = arith.constant 0 : index
    %get3A_30 = arith.constant 0 : index
    %get3A_31 = vector.load %arg8[%get3A_29, %get3A_30] : memref<128x128xf32, #tpu.memory_space<vmem>>, vector<128x128xf32>
    %dot_general3A = arith.constant dense<0.000000e+00> : vector<128x128xf32>
    %dot_general3A_32 = tpu.matmul %convert_element_type3A_28, %add3A_21, %dot_general3A {dimension_numbers = #tpu.dot_dimension_numbers<[0], [0], [1], [1], [0, 1, 1, 1], [], []>, transpose_lhs_hint = false} : vector<2528x128xf32>, vector<2528x128xf32>, vector<128x128xf32> -> vector<128x128xf32>
    %add3A_33 = arith.addf %get3A_31, %dot_general3A_32 : vector<128x128xf32>
    %swap3A = arith.constant 0 : index
    %swap3A_34 = arith.constant 0 : index
    %swap3A_35 = vector.load %arg8[%swap3A, %swap3A_34] : memref<128x128xf32, #tpu.memory_space<vmem>>, vector<128x128xf32>
    tpu.vector_store %arg8[%swap3A, %swap3A_34], %add3A_33 {strides = array<i32>} : memref<128x128xf32, #tpu.memory_space<vmem>>, vector<128x128xf32>,
    %get3A_36 = arith.constant 0 : index
    %get3A_37 = arith.constant 0 : index
    %get3A_38 = vector.load %arg9[%get3A_36, %get3A_37] : memref<128x128xf32, #tpu.memory_space<vmem>>, vector<128x128xf32>
    %broadcast_in_dim3A = arith.constant 1.000000e+00 : f32
    %broadcast_in_dim3A_39 = vector.broadcast %broadcast_in_dim3A : f32 to vector<2528x128xf32>
    %dot_general3A_40 = arith.constant dense<0.000000e+00> : vector<128x128xf32>
    %dot_general3A_41 = tpu.matmul %convert_element_type3A_28, %broadcast_in_dim3A_39, %dot_general3A_40 {dimension_numbers = #tpu.dot_dimension_numbers<[0], [0], [1], [1], [0, 1, 1, 1], [], []>, transpose_lhs_hint = false} : vector<2528x128xf32>, vector<2528x128xf32>, vector<128x128xf32> -> vector<128x128xf32>
    %add3A_42 = arith.addf %get3A_38, %dot_general3A_41 : vector<128x128xf32>
    %swap3A_43 = arith.constant 0 : index
    %swap3A_44 = arith.constant 0 : index
    %swap3A_45 = vector.load %arg9[%swap3A_43, %swap3A_44] : memref<128x128xf32, #tpu.memory_space<vmem>>, vector<128x128xf32>
    tpu.vector_store %arg9[%swap3A_43, %swap3A_44], %add3A_42 {strides = array<i32>} : memref<128x128xf32, #tpu.memory_space<vmem>>, vector<128x128xf32>,
    %eq3A_46 = arith.constant 3 : i32
    %eq3A_47 = arith.cmpi eq, %arg0, %eq3A_46 : i32
    %convert_element_type3A_48 = arith.extui %eq3A_47 : i1 to i32
    %cond3A_49 = arith.constant 0 : i32
    %cond3A_50 = arith.cmpi ne, %convert_element_type3A_48, %cond3A_49 : i32
    scf.if %cond3A_50 {
      %get3A_51 = arith.constant 0 : index
      %get3A_52 = arith.constant 0 : index
      %get3A_53 = vector.load %arg8[%get3A_51, %get3A_52] : memref<128x128xf32, #tpu.memory_space<vmem>>, vector<128x128xf32>
      %get3A_54 = arith.constant 0 : index
      %get3A_55 = arith.constant 0 : index
      %get3A_56 = vector.load %arg9[%get3A_54, %get3A_55] : memref<128x128xf32, #tpu.memory_space<vmem>>, vector<128x128xf32>
      %max3A = arith.constant 1.000000e+00 : f32
      %max3A_57 = vector.broadcast %max3A : f32 to vector<128x128xf32>
      %max3A_58 = arith.maximumf %get3A_56, %max3A_57 : vector<128x128xf32>
      %div3A = arith.divf %get3A_53, %max3A_58 : vector<128x128xf32>
      %get3A_59 = arith.constant 0 : index
      %get3A_60 = arith.constant 0 : index
      %get3A_61 = vector.load %arg5[%get3A_59, %get3A_60] : memref<128x10xf32, #tpu.memory_space<vmem>>, vector<128x10xf32>
      %dot_general3A_62 = arith.constant dense<0.000000e+00> : vector<128x10xf32>
      %dot_general3A_63 = tpu.matmul %div3A, %get3A_61, %dot_general3A_62 {dimension_numbers = #tpu.dot_dimension_numbers<[1], [0], [0], [1], [0, 0, 1, 1], [], []>, transpose_lhs_hint = false} : vector<128x128xf32>, vector<128x10xf32>, vector<128x10xf32> -> vector<128x10xf32>
      %get3A_64 = arith.constant 0 : index
      %get3A_65 = arith.constant 0 : index
      %get3A_66 = vector.load %arg6[%get3A_64, %get3A_65] : memref<1x10xf32, #tpu.memory_space<vmem>>, vector<1x10xf32>
      %add3A_67 = vector.broadcast %get3A_66 : vector<1x10xf32> to vector<128x10xf32>
      %add3A_68 = arith.addf %dot_general3A_63, %add3A_67 : vector<128x10xf32>
      %reduce_max3A = arith.constant dense<0xFF800000> : vector<128xf32>
      %reduce_max3A_69 = vector.multi_reduction <maximumf>, %add3A_68, %reduce_max3A [1] : vector<128x10xf32> to vector<128xf32>
      %broadcast_in_dim3A_70 = vector.shape_cast %reduce_max3A_69 : vector<128xf32> to vector<128x1xf32>
      %sub3A = vector.broadcast %broadcast_in_dim3A_70 : vector<128x1xf32> to vector<128x10xf32>
      %sub3A_71 = arith.subf %add3A_68, %sub3A : vector<128x10xf32>
      %exp3A = math.exp %sub3A_71 : vector<128x10xf32>
      %reduce_sum3A = arith.constant dense<0.000000e+00> : vector<128xf32>
      %reduce_sum3A_72 = vector.multi_reduction <add>, %exp3A, %reduce_sum3A [1] : vector<128x10xf32> to vector<128xf32>
      %broadcast_in_dim3A_73 = vector.shape_cast %reduce_sum3A_72 : vector<128xf32> to vector<128x1xf32>
      %log3A = math.log %broadcast_in_dim3A_73 : vector<128x1xf32>
      %add3A_74 = arith.addf %log3A, %broadcast_in_dim3A_70 : vector<128x1xf32>
      %sub3A_75 = vector.broadcast %add3A_74 : vector<128x1xf32> to vector<128x10xf32>
      %sub3A_76 = arith.subf %add3A_68, %sub3A_75 : vector<128x10xf32>
      %swap3A_77 = arith.constant 0 : index
      %swap3A_78 = arith.constant 0 : index
      %swap3A_79 = vector.load %arg7[%swap3A_77, %swap3A_78] : memref<128x10xf32, #tpu.memory_space<vmem>>, vector<128x10xf32>
      tpu.vector_store %arg7[%swap3A_77, %swap3A_78], %sub3A_76 {strides = array<i32>} : memref<128x10xf32, #tpu.memory_space<vmem>>, vector<128x10xf32>,
    } else {
    }
    return
  }
  func.func @transform_0(%arg0: i32) -> (i32, i32, i32) {
    %c0_i32 = arith.constant 0 : i32
    %c0_i32_0 = arith.constant 0 : i32
    %c0_i32_1 = arith.constant 0 : i32
    return %c0_i32, %arg0, %c0_i32_0 : i32, i32, i32
  }
  func.func @transform_1(%arg0: i32) -> (i32, i32) {
    %c0_i32 = arith.constant 0 : i32
    %c0_i32_0 = arith.constant 0 : i32
    return %arg0, %c0_i32 : i32, i32
  }
  func.func @transform_2(%arg0: i32) -> (i32, i32) {
    %c0_i32 = arith.constant 0 : i32
    %c0_i32_0 = arith.constant 0 : i32
    %c0_i32_1 = arith.constant 0 : i32
    return %c0_i32, %c0_i32_0 : i32, i32
  }
  func.func @transform_3(%arg0: i32) -> (i32, i32) {
    %c0_i32 = arith.constant 0 : i32
    %c0_i32_0 = arith.constant 0 : i32
    return %arg0, %c0_i32 : i32, i32
  }
  func.func @transform_4(%arg0: i32) -> (i32, i32) {
    %c0_i32 = arith.constant 0 : i32
    %c0_i32_0 = arith.constant 0 : i32
    %c0_i32_1 = arith.constant 0 : i32
    return %c0_i32, %c0_i32_0 : i32, i32
  }
  func.func @transform_5(%arg0: i32) -> (i32, i32) {
    %c0_i32 = arith.constant 0 : i32
    %c0_i32_0 = arith.constant 0 : i32
    %c0_i32_1 = arith.constant 0 : i32
    return %c0_i32, %c0_i32_0 : i32, i32
  }
  func.func @transform_6(%arg0: i32) -> (i32, i32) {
    %c0_i32 = arith.constant 0 : i32
    %c0_i32_0 = arith.constant 0 : i32
    %c0_i32_1 = arith.constant 0 : i32
    return %c0_i32, %c0_i32_0 : i32, i32
  }
}

</mosaic_0001>

<sc_bundles>
// kernel: kernel.10.cloned.1.call-start
scs
__scs_entry_jumppad:
0x0: {  	(pc) =	sbr.rel $0x88, $3  }
0x1: {  	(tag) =	ssettag $0x0;
	lr =	simm.s32 $0x1  }
0x2: {  	[smem:$0x3F96] =	sst lr;
	_ =	strace $0xD0000000  }
0x3: {  	_ = 	snop  }
0x4: {  	_ = 	snop  }
0x5: {  	_ = 	snop  }
0x6: {  	_ = 	snop  }
0x7: {  	_ = 	snop  }
__scs_overlays_trampoline_lowered:
0x8: {  	[smem:$0x3FA5] =	sst s0  }
0x9: {  	[smem:$0x3FA6] =	sst s1  }
0xa: {  	[smem:$0x3FA7] =	sst s2  }
0xb: {  	[smem:$0x3FA8] =	sst s3  }
0xc: {  	[smem:$0x3FA9] =	sst s4  }
0xd: {  	[smem:$0x3FAA] =	sst s5  }
0xe: {  	[smem:$0x3FAB] =	sst s6  }
0xf: {  	[smem:$0x3FAC] =	sst s7  }
0x10: {  	[smem:$0x3FAD] =	sst s8  }
0x11: {  	[smem:$0x3FAE] =	sst s9;
	s0 =	simm.s32 @!p0 $0x0  }
0x12: {  	s1 =	sld [smem:$0x3F94];
	s0 =	simm.s32 @p0 $0x1  }
0x13: {  	[smem:$0x3FAF] =	sst s0;
	s0 =	simm.s32 @!p1 $0x0  }
0x14: {  	s2 =	sld [smem:$0x3F93];
	s0 =	simm.s32 @p1 $0x1  }
0x15: {  	[smem:$0x3FB0] =	sst s0;
	s0 =	simm.s32 @!p2 $0x0  }
0x16: {  	s3 =	sld [smem:$0x3FDB];
	s0 =	simm.s32 @p2 $0x1  }
0x17: {  	s4 =	simm.s32 $0x1BF5;
	[smem:$0x3FB2] =	sst s0  }
0x18: {  	s0 =	sld [smem:$0x3F95];
	_ =	swait.ge [sflag:s4], $0x0  }
0x19: {  	s7 =	sld [smem:$0x3F96]  }
0x1a: {  	s8 =	sadd.s32 $0xFFFFE003, lr  }
0x1b: {  	s9 =	sadd.s32 $0xFFFFFEF7, lr;
	s5 =	simm.s32 $0xFFFFFFFF;
	p2 =	slt.u32 s8, $0xFFFFF086  }
0x1c: {  	p1 =	slt.u32 s9, $0xF7A;
	s5 =	simm.s32 @!p2 $0x0  }
0x1d: {  	s5 =	simm.s32 @p1 $0x1;
	p0 =	seq.s32 s7, s2  }
0x1e: {  	s7 =	smul.u32 @!p0 $0xF7A, s2;
	p2 =	seq.s32 @!p0 s5, $0x0  }
0x1f: {  	s9 =	smul.u32 $0xF7A, s1;
	s8 =	simm.s32 @!p0 $0x1BF5;
	p2 =	por !p2, p0  }
0x20: {  	[sflag:s8] =	ssyncset.s32 @!p0 $0xFFFFF086;
	s6 =	sadd.s32 @!p0 s3, s7;
	s7 =	simm.s32 @!p0 $0x108  }
0x21: {  	s3 =	sadd.s32 s3, s9;
	s6 =	sadd.s32 @!p0 $0x88, s6;
	s7 =	simm.s32 @p2 $0x1082  }
0x22: {  	[simem:s7], [sflag:s8] =	dma.local @!p0 [hbm:s6], $0xF7A  }
0x23: {  	s9 =	sor.u32 $0xD0000000, s2;
	s6 =	simm.s32 $0x108;
	_ =	swait.ge @!p0 [sflag:s8], $0x0  }
0x24: {  	s3 =	sadd.s32 $0x88, s3;
	s6 =	simm.s32 @!p1 $0x1082;
	[sflag:s4] =	ssyncset.s32 $0xFFFFF086  }
0x25: {  	[simem:s6], [sflag:s4] =	dma.local [hbm:s3], $0xF7A  }
0x26: {  	[smem:$0x3F96] =	sst s1;
	(tag) =	ssettag s2;
	_ =	strace s9  }
0x27: {  	s1 =	sld [smem:$0x3FA6]  }
0x28: {  	s2 =	sld [smem:$0x3FA7]  }
0x29: {  	s4 =	sld [smem:$0x3FA9]  }
0x2a: {  	p0 =	seq.s32 s5, $0x0;
	s5 =	sld [smem:$0x3FAA]  }
0x2b: {  	s6 =	sld [smem:$0x3FAB]  }
0x2c: {  	s7 =	sld [smem:$0x3FAC]  }
0x2d: {  	s3 =	simm.s32 $0x108;
	s8 =	sld [smem:$0x3FAD]  }
0x2e: {  	s3 =	simm.s32 @!p0 $0x1082;
	s9 =	sld [smem:$0x3FAE]  }
0x2f: {  	lr =	sadd.s32 s0, s3;
	s0 =	sld [smem:$0x3FA5]  }
0x30: {  	s3 =	sld [smem:$0x3FA8]  }
0x31: {  	[smem:$0x3FB1] =	sst s10  }
0x32: {  	s10 =	sld [smem:$0x3FAF];
	_ =	sdelay $0x3  }
0x33: {  	p0 =	seq.s32 s10, $0x1;
	s10 =	sld [smem:$0x3FB1];
	_ =	sdelay $0x3  }
0x34: {  	[smem:$0x3FB1] =	sst s10  }
0x35: {  	s10 =	sld [smem:$0x3FB0];
	_ =	sdelay $0x3  }
0x36: {  	p1 =	seq.s32 s10, $0x1;
	s10 =	sld [smem:$0x3FB1];
	_ =	sdelay $0x3  }
0x37: {  	[smem:$0x3FB1] =	sst s10  }
0x38: {  	s10 =	sld [smem:$0x3FB2]  }
0x39: {  	_ = 	snop;
	(pc) =	sbr.ind lr, $3  }
0x3a: {  	_ = 	snop  }
0x3b: {  	_ = 	snop  }
0x3c: {  	p2 =	seq.s32 s10, $0x1;
	s10 =	sld [smem:$0x3FB1]  }
0x3d: {  	_ =	shalt  }
0x3e: {  	_ =	shalt  }
0x3f: {  	_ =	shalt  }
0x40: {  	_ =	shalt  }
0x41: {  	_ =	shalt  }
0x42: {  	_ =	shalt  }
0x43: {  	_ =	shalt  }
0x44: {  	_ =	shalt  }
0x45: {  	_ =	shalt  }
0x46: {  	_ =	shalt  }
0x47: {  	_ =	shalt  }
0x48: {  	_ =	shalt  }
0x49: {  	_ =	shalt  }
0x4a: {  	_ =	shalt  }
0x4b: {  	_ =	shalt  }
0x4c: {  	_ =	shalt  }
0x4d: {  	_ =	shalt  }
0x4e: {  	_ =	shalt  }
0x4f: {  	_ =	shalt  }
0x50: {  	_ =	shalt  }
0x51: {  	_ =	shalt  }
0x52: {  	_ =	shalt  }
0x53: {  	_ =	shalt  }
0x54: {  	_ =	shalt  }
0x55: {  	_ =	shalt  }
0x56: {  	_ =	shalt  }
0x57: {  	_ =	shalt  }
0x58: {  	_ =	shalt  }
0x59: {  	_ =	shalt  }
0x5a: {  	_ =	shalt  }
0x5b: {  	_ =	shalt  }
0x5c: {  	_ =	shalt  }
0x5d: {  	_ =	shalt  }
0x5e: {  	_ =	shalt  }
0x5f: {  	_ =	shalt  }
0x60: {  	_ =	shalt  }
0x61: {  	_ =	shalt  }
0x62: {  	_ =	shalt  }
0x63: {  	_ =	shalt  }
0x64: {  	_ =	shalt  }
0x65: {  	_ =	shalt  }
0x66: {  	_ =	shalt  }
0x67: {  	_ =	shalt  }
0x68: {  	_ =	shalt  }
0x69: {  	_ =	shalt  }
0x6a: {  	_ =	shalt  }
0x6b: {  	_ =	shalt  }
0x6c: {  	_ =	shalt  }
0x6d: {  	_ =	shalt  }
0x6e: {  	_ =	shalt  }
0x6f: {  	_ =	shalt  }
0x70: {  	_ =	shalt  }
0x71: {  	_ =	shalt  }
0x72: {  	_ =	shalt  }
0x73: {  	_ =	shalt  }
0x74: {  	_ =	shalt  }
0x75: {  	_ =	shalt  }
0x76: {  	_ =	shalt  }
0x77: {  	_ =	shalt  }
0x78: {  	_ =	shalt  }
0x79: {  	_ =	shalt  }
0x7a: {  	_ =	shalt  }
0x7b: {  	_ =	shalt  }
0x7c: {  	_ =	shalt  }
0x7d: {  	_ =	shalt  }
0x7e: {  	_ =	shalt  }
0x7f: {  	_ =	shalt  }
0x80: {  	_ =	shalt  }
0x81: {  	_ =	shalt  }
0x82: {  	_ =	shalt  }
0x83: {  	_ =	shalt  }
0x84: {  	_ =	shalt  }
0x85: {  	_ =	shalt  }
0x86: {  	_ =	shalt  }
0x87: {  	_ =	shalt  }
.Lfunc_end0:
.L_simem_size_0:
called_computation_lowered:
.L_overlay_start_0:
0x88: {  	s2 =	sld [smem:$0x3FD9]  }
0x89: {  	s3 =	sld [smem:$0x3FFE];
	_ =	sdelay $0x1  }
0x8a: {  	s1 =	srdreg.scid  }
0x8b: {  	s0 =	sand.u32 $0x1, s1  }
0x8c: {  	s16 =	sshll.u32 s0, $0xA;
	s2 =	sadd.s32 s3, s2  }
0x8d: {  	s2 =	sadd.s32 s2, s16  }
0x8e: {  	[smem:$0x3FBD] =	sst s2  }
0x8f: {  	_ = 	snop  }
0x90: {  	(tm) =	ssettm $0x1  }
0x91: {  	s17 =	sld [smem:$0x3FFB];
	_ =	sdelay $0x3  }
0x92: {  	_ =	strace s17  }
0x93: {  	s2 =	sld [smem:$0x3FFC];
	_ =	sdelay $0x3  }
0x94: {  	_ =	strace s2  }
0x95: {  	s2 =	sld [smem:$0x3FFD];
	_ =	sdelay $0x3  }
0x96: {  	_ =	strace s2  }
0x97: {  	_ =	strace $0x8FFFFFFF  }
0x98: {  	s18 =	sld [smem:$0x3FDB];
	_ =	sdelay $0x1  }
0x99: {  	s19 =	simm.s32 $_scs_section_size  }
0x9a: {  	s4 =	simm.s32 $_size__tile_overlayer_lowered;
	s5 =	simm.s32 $_tile_overlayer_lowered  }
0x9b: {  	s22 =	simm.s32 $0x1BFF;
	s21 =	sshll.u32 s5, $0x1;
	s2 =	sadd.s32 s19, s18  }
0x9c: {  	s6 =	simm.s32 $0x0;
	s20 =	sshll.u32 s4, $0x1;
	s4 =	sadd.s32 s21, s2  }
0x9d: {  	[timem:s6], [sflag:s22] =	dma.local [hbm:s4], s20  }
0x9e: {  	_ =	swait.ge [sflag:s22], s20  }
0x9f: {  	s3 =	ssub.s32 $0x0, s20;
	[sflag:s22] =	ssyncset.done $0x0  }
0xa0: {  	[sflag:s22] =	ssyncadd.s32 s3;
	_ =	sdelay $0x1  }
0xa1: {  	s23 =	simm.s32 $0x1B8B  }
0xa2: {  	_ =	swait.ge [sflag:s23], $0x1  }
0xa3: {  	[sflag:s23] =	ssyncset.done $0x0  }
0xa4: {  	s25 =	simm.s32 $0x1B8E;
	s24 =	sld [smem:$0x3FFE];
	[sflag:s23] =	ssyncadd.s32 $0xFFFFFFFF  }
0xa5: {  	s26 =	simm.s32 $execute0_lowered;
	[smem:$0x3FD2] =	sst s25  }
0xa6: {  	s4 =	sshll.u32 s26, $0x1;
	_ =	strace $0x80000046;
	[dreg:$0x1] =	wrdreg $0xFFFFFFFF  }
0xa7: {  	s28 =	simm.s32 $_size_execute0_lowered;
	s2 =	sadd.s32 s2, s4;
	[dreg:$0x0] =	wrdreg $0x0  }
0xa8: {  	s4 =	sshll.u32 s28, $0x1;
	[dreg:$0x2] =	wrdreg s2  }
0xa9: {  	[dreg:$0x3] =	wrdreg s4  }
0xaa: {  	[dreg:$0x4] =	wrdreg $0xC0  }
0xab: {  	_ =	task [dreg:s6], $0x5FFFF  }
0xac: {  	[dreg:$0x1] =	wrdreg $0xFFFFFFFF  }
0xad: {  	[dreg:$0x0] =	wrdreg $0x60  }
0xae: {  	[dreg:$0x2] =	wrdreg s24  }
0xaf: {  	[dreg:$0x3] =	wrdreg $0x24000  }
0xb0: {  	[dreg:$0x4] =	wrdreg $0x9  }
0xb1: {  	_ =	task.clear_ibuf [dreg:s6], $0x5FFFF;
	_ =	strace $0x90000046  }
0xb2: {  	s29 =	simm.s32 $0x9;
	_ =	strace $0x80000048  }
0xb3: {  	_ =	swait.ge [sflag:s29], $0x1  }
0xb4: {  	[sflag:s29] =	ssyncadd.s32 $0xFFFFFFFF  }
0xb5: {  	_ =	strace $0x90000048  }
0xb6: {  	_ =	sfence  }
0xb7: {  	s30 =	sld [smem:$0x0];
	_ =	sdelay $0x2  }
0xb8: {  	s31 =	sshll.u32 s1, $0xD;
	s1 =	sshrl.u32 s1, $0x2  }
0xb9: {  	s3 =	sand.u32 $0x4000, s31;
	s1 =	sadd.s32 s1, s30  }
0xba: {  	s0 =	sor.u32 s3, s0;
	s1 =	sshll.u32 s1, $0x11  }
0xbb: {  	s0 =	sor.u32 s1, s0  }
0xbc: {  	s0 =	sadd.s32 $0x8F2B, s0  }
0xbd: {  	[sflag:s0] =	ssyncadd.remote.s32 $0x1  }
0xbe: {  	_ =	sfence.sel $0xFFFF  }
0xbf: {  	[dreg:$0x0] =	wrdreg $0xFFFFFFFF;
	(pc) =	sbr.abs _section_cstart, $3  }
0xc0: {  	[dreg:$0x1] =	wrdreg $0xFFFFFFFF  }
0xc1: {  	_ =	task.clear_ibuf [dreg:s6], $0x2FFFF;
	_ =	strace $0x9FFFFFFF  }
0xc2: {  	(tm) =	ssettm $0x7FFFFFFF  }
0xc3: {  	_ =	shalt  }
tec
execute0_lowered:
.L_overlay_start_1:
0x0: {  	(tag) =	ssettag $0x1  }
0x1: {  	s5 =	rddreg [dreg:$0x0]  }
0x2: {  	s2 =	rddreg [dreg:$0x1]  }
0x3: {  	s4 =	srdreg.scid;
	s1 =	stileid.u32  }
0x4: {  	s3 =	simm.s32 $0x0;
	s15 =	simm.s32 $0xC00;
	s16 =	simm.s32 $0x1400  }
0x5: {  	s17 =	simm.s32 $0x1C00;
	s18 =	simm.s32 $0x80;
	s19 =	simm.s32 $0x100  }
0x6: {  	s20 =	simm.s32 $0x180;
	s21 =	simm.s32 $0x5;
	s22 =	simm.s32 $0x1  }
0x7: {  	s23 =	simm.s32 $0x2;
	s24 =	simm.s32 $0x3;
	s7 =	smul.u32 $0x2780, s1  }
0x8: {  	s25 =	simm.s32 $0x4;
	s6 =	sand.u32 $0x1, s4;
	s29 =	smul.u32 $0xA0, s1  }
0x9: {  	[smem:$0x7FF] =	sst s3;
	s4 =	sadd.s32 $0x16400, s5;
	s14 =	smul.u32 $0xA00, s1  }
0xa: {  	s10 =	sadd.s32 $0x2400, s5;
	s30 =	sshll.u32 s1, $0x6;
	s8 =	smul.u32 $0x27800, s6  }
0xb: {  	_ =	strace $0x80000047;
	s9 =	ssub.s32 $0x2, s6;
	s26 =	ssub.s32 $0x0, s6  }
0xc: {  	s6 =	sor.u32 $0x1C06, s30;
	s11 =	sshrl.u32 s9, $0x1;
	s12 =	sadd.s32 s7, s2  }
0xd: {  	s28 =	sshrl.u32 s7, $0x3;
	s13 =	sand.u32 $0x50, s26;
	s31 =	sadd.s32 s14, s10  }
0xe: {  	s14 =	simm.s32 $0x400;
	s26 =	simm.s32 $0x0;
	s8 =	sadd.s32 s7, s8  }
0xf: {  	s9 =	ssub.s32 s9, s11;
	s7 =	sadd.s32 s29, s13;
	s13 =	sshll.u32 s13, $0x4  }
0x10: {  	s12 =	sshrl.u32 s12, $0x3;
	s8 =	sshrl.u32 s8, $0x3;
	s7 =	sshll.u32 s7, $0x4  }
0x11: {  	s11 =	sadd.s32 s13, s31;
	s9 =	smax.u32 s9, $0x1;
	s13 =	simm.s32 $0x6  }
0x12: {  	s8 =	sadd.s32 s8, s5;
	s5 =	sadd.s32 s4, s28;
	s7 =	sadd.s32 s10, s7  }
0x13: {  	s11 =	sadd.s32 $0x80, s11;
	s8 =	sadd.s32 $0x1B400, s8;
	s10 =	sadd.s32 $0x40, s7  }
.LBB2_1:
0x14: {  	[spmem:s12], [sflag:s6] =	dma.local [hbm:s5], $0x4F0  }
0x15: {  	_ =	swait.ge [sflag:s13], $0x4F0  }
0x16: {  	[sflag:s13] =	ssyncset.done $0x0  }
0x17: {  	[sflag:s13] =	ssyncadd.s32 $0xFFFFFB10  }
0x18: {  	[tilespmem:s3], [sflag:$0x6] =	stream.linear.gather [hbm4b:s7+s3], $0x200, $0x38;
	[tilespmem:$0x4B80] =	vst v63  }
0x19: {  	_ =	swait.ge [sflag:s13], $0x200  }
0x1a: {  	[sflag:s13] =	ssyncset.done $0x0  }
0x1b: {  	[sflag:s13] =	ssyncadd.s32 $0xFFFFFE00  }
0x1c: {  	[tilespmem:s14], [sflag:$0x6] =	stream.linear.gather [hbm4b:s4+s3], $0x800, $0x38;
	[tilespmem:$0x4B80] =	vst v63  }
0x1d: {  	_ =	swait.ge [sflag:s13], $0x800  }
0x1e: {  	[sflag:s13] =	ssyncset.done $0x0  }
0x1f: {  	[sflag:s13] =	ssyncadd.s32 $0xFFFFF800  }
0x20: {  	[tilespmem:s15], [sflag:$0x6] =	stream.linear.gather [hbm4b:s4+s3], $0x800, $0x38;
	[tilespmem:$0x4B80] =	vst v63  }
0x21: {  	_ =	swait.ge [sflag:s13], $0x800  }
0x22: {  	[sflag:s13] =	ssyncset.done $0x0  }
0x23: {  	[sflag:s13] =	ssyncadd.s32 $0xFFFFF800  }
0x24: {  	[tilespmem:s16], [sflag:$0x6] =	stream.linear.gather [hbm4b:s4+s3], $0x800, $0x38;
	[tilespmem:$0x4B80] =	vst v63  }
0x25: {  	_ =	swait.ge [sflag:s13], $0x800  }
0x26: {  	[sflag:s13] =	ssyncset.done $0x0  }
0x27: {  	[sflag:s13] =	ssyncadd.s32 $0xFFFFF800  }
0x28: {  	[tilespmem:s17], [sflag:$0x6] =	stream.linear.gather [hbm4b:s4+s3], $0x800, $0x38;
	[tilespmem:$0x4B80] =	vst v63  }
0x29: {  	_ =	swait.ge [sflag:s13], $0x800  }
0x2a: {  	[sflag:s13] =	ssyncset.done $0x0  }
0x2b: {  	[sflag:s13] =	ssyncadd.s32 $0xFFFFF800  }
0x2c: {  	s28 =	simm.s32 $0x200;
	[bflag:$0x0] =	sbarrier.arrive $0xFFFF  }
0x2d: {  	[tilespmem:s28], [sflag:$0x5] =	stream.linear.gather [hbm4b:s10+s3], $0x200, $0x38;
	[tilespmem:$0x4B80] =	vst v63  }
0x2e: {  	_ = 	snop  }
0x2f: {  	[spmem:s2] =	stream.indirect.scatter.add.f32 [tilespmem:s14], [sflag:$0x1], $0x10, s3, s18, $0xb8;
	[tilespmem:$0x4B80] =	vst v63  }
0x30: {  	_ = 	snop  }
0x31: {  	[spmem:s2] =	stream.indirect.scatter.add.f32 [tilespmem:s15], [sflag:$0x2], $0x10, s18, s18, $0xb8;
	[tilespmem:$0x4B80] =	vst v63  }
0x32: {  	_ = 	snop  }
0x33: {  	[spmem:s2] =	stream.indirect.scatter.add.f32 [tilespmem:s16], [sflag:$0x3], $0x10, s19, s18, $0xb8;
	[tilespmem:$0x4B80] =	vst v63  }
0x34: {  	_ = 	snop  }
0x35: {  	[spmem:s2] =	stream.indirect.scatter.add.f32 [tilespmem:s17], [sflag:$0x4], $0x10, s20, s18, $0xb8;
	[tilespmem:$0x4B80] =	vst v63  }
0x36: {  	_ =	swait.ge [sflag:s21], $0x200  }
0x37: {  	[sflag:s21] =	ssyncset.done $0x0  }
0x38: {  	s29 =	simm.s32 $0x1000;
	s30 =	smov.u32 s11;
	[sflag:s21] =	ssyncadd.s32 $0xFFFFFE00  }
.LBB2_2:
0x39: {  	p0 =	seq.s32 s29, $0xA000  }
0x3a: {  	s31 =	sand.u32 @!p0 $0x800, s29  }
0x3b: {  	s0 =	simm.s32 @!p0 $0x0;
	s31 =	sshrl.u32 @!p0 s31, $0x2  }
0x3c: {  	[tilespmem:s31], [sflag:$0x5] =	stream.linear.gather @!p0 [hbm4b:s30+s0], $0x200, $0x38;
	[tilespmem:$0x4B80] =	vst v63  }
0x3d: {  	_ =	swait.ge [sflag:s22], $0x800  }
0x3e: {  	[sflag:s22] =	ssyncset.done $0x0  }
0x3f: {  	s0 =	sand.u32 $0x200, s28;
	[sflag:s22] =	ssyncadd.s32 $0xFFFFF800  }
0x40: {  	[spmem:s2] =	stream.indirect.scatter.add.f32 [tilespmem:s14], [sflag:$0x1], $0x10, s0, s18, $0xb8;
	[tilespmem:$0x4B80] =	vst v63  }
0x41: {  	_ =	swait.ge [sflag:s23], $0x800  }
0x42: {  	[sflag:s23] =	ssyncset.done $0x0  }
0x43: {  	s31 =	sor.u32 $0x80, s0;
	[sflag:s23] =	ssyncadd.s32 $0xFFFFF800  }
0x44: {  	[spmem:s2] =	stream.indirect.scatter.add.f32 [tilespmem:s15], [sflag:$0x2], $0x10, s31, s18, $0xb8;
	[tilespmem:$0x4B80] =	vst v63  }
0x45: {  	_ =	swait.ge [sflag:s24], $0x800  }
0x46: {  	[sflag:s24] =	ssyncset.done $0x0  }
0x47: {  	s31 =	sor.u32 $0x100, s0;
	[sflag:s24] =	ssyncadd.s32 $0xFFFFF800  }
0x48: {  	[spmem:s2] =	stream.indirect.scatter.add.f32 [tilespmem:s16], [sflag:$0x3], $0x10, s31, s18, $0xb8;
	[tilespmem:$0x4B80] =	vst v63  }
0x49: {  	s29 =	sadd.s32 @!p0 $0x800, s29;
	_ =	swait.ge [sflag:s25], $0x800  }
0x4a: {  	p1 =	sne.s32 @!p0 s29, $0xA800;
	[sflag:s25] =	ssyncset.done $0x0  }
0x4b: {  	p1 =	por p0, !p1;
	s0 =	sor.u32 $0x180, s0;
	[sflag:s25] =	ssyncadd.s32 $0xFFFFF800  }
0x4c: {  	[spmem:s2] =	stream.indirect.scatter.add.f32 [tilespmem:s17], [sflag:$0x4], $0x10, s0, s18, $0xb8;
	[tilespmem:$0x4B80] =	vst v63  }
.Ltmp0:
0x4d: {  	_ = 	snop;
	(pc) =	sbr.rel @!p1 .LBB2_2-.Ltmp0, $4  }
0x4e: {  	s0 =	simm.s32 @!p0 $0x5  }
0x4f: {  	_ =	swait.ge @!p0 [sflag:s0], $0x200  }
0x50: {  	[sflag:s0] =	ssyncset.done @!p0 $0x0  }
0x51: {  	s30 =	sadd.s32 @!p0 $0x40, s30;
	s28 =	sadd.s32 @!p0 $0x200, s28;
	[sflag:s0] =	ssyncadd.s32 @!p0 $0xFFFFFE00  }
0x52: {  	_ =	swait.ge [sflag:s22], $0x800  }
0x53: {  	[sflag:s22] =	ssyncset.done $0x0  }
0x54: {  	[sflag:s22] =	ssyncadd.s32 $0xFFFFF800  }
0x55: {  	_ =	swait.ge [sflag:s23], $0x800  }
0x56: {  	[sflag:s23] =	ssyncset.done $0x0  }
0x57: {  	[sflag:s23] =	ssyncadd.s32 $0xFFFFF800  }
0x58: {  	_ =	swait.ge [sflag:s24], $0x800  }
0x59: {  	[sflag:s24] =	ssyncset.done $0x0  }
0x5a: {  	[sflag:s24] =	ssyncadd.s32 $0xFFFFF800  }
0x5b: {  	_ =	swait.ge [sflag:s25], $0x800  }
0x5c: {  	s26 =	sadd.s32 $0x1, s26;
	[sflag:s25] =	ssyncset.done $0x0  }
0x5d: {  	p0 =	sne.s32 s26, s9;
	[sflag:s25] =	ssyncadd.s32 $0xFFFFF800  }
.Ltmp1:
0x5e: {  	[bflag:$0x0] =	sbarrier.arrive $0xFFFF;
	(pc) =	sbr.rel @p0 .LBB2_1-.Ltmp1, $4  }
0x5f: {  	[hbm:s8], [sflag:s6] =	dma.local [spmem:s12], $0x4F0  }
0x60: {  	_ =	swait.ge [sflag:s13], $0x4F0  }
0x61: {  	[sflag:s13] =	ssyncset.done $0x0  }
0x62: {  	[sflag:s13] =	ssyncadd.s32 $0xFFFFFB10  }
0x63: {  	_ =	sfence.sel $0x180000  }
0x64: {  	[bflag:$0x0] =	sbarrier.arrive $0xFFFF  }
0x65: {  	_ =	strace $0x90000047  }
0x66: {  	[bflag:$0x2] =	sbarrier.arrive $0xFFFF  }
0x67: {  	p0 =	sne.s32 s1, $0x0;
	s0 =	rddreg [dreg:$0x2]  }
0x68: {  	s0 =	sadd.s32 @!p0 $0x100000, s0  }
0x69: {  	[sflag:s0] =	ssyncadd.tile.s32 @!p0 $0x1;
	_ =	shalt  }
.Lfunc_end2:
_tile_overlayer_lowered:
.L_overlay_start_2:
0x6a: {  	(tag) =	ssettag $0x2  }
0x6b: {  	s0 =	rddreg [dreg:$0x0];
	s2 =	stileid.u32  }
0x6c: {  	s1 =	rddreg [dreg:$0x1];
	p0 =	sne.s32 s2, $0x0  }
0x6d: {  	s3 =	rddreg [dreg:$0x2];
	[bflag:$0x3] =	sbarrier.arrive $0xFFFF;
	s2 =	simm.s32 @!p0 $0x1C06  }
0x6e: {  	[timem:s3], [sflag:s2] =	dma.local @!p0 [hbm:s0], s1  }
0x6f: {  	s0 =	simm.s32 @!p0 $0x6  }
0x70: {  	_ =	swait.ge @!p0 [sflag:s0], s1  }
0x71: {  	s1 =	ssub.s32 @!p0 $0x0, s1;
	[sflag:s0] =	ssyncset.done @!p0 $0x0  }
0x72: {  	[sflag:s0] =	ssyncadd.s32 @!p0 s1  }
0x73: {  	[bflag:$0x3] =	sbarrier.arrive $0xFFFF  }
0x74: {  	_ =	shalt  }

// kernel: kernel.13.cloned.1.call-start
scs
__scs_entry_jumppad:
0x0: {  	(pc) =	sbr.rel $0x88, $3  }
0x1: {  	(tag) =	ssettag $0x0;
	lr =	simm.s32 $0x1  }
0x2: {  	[smem:$0x3F96] =	sst lr;
	_ =	strace $0xD0000000  }
0x3: {  	_ = 	snop  }
0x4: {  	_ = 	snop  }
0x5: {  	_ = 	snop  }
0x6: {  	_ = 	snop  }
0x7: {  	_ = 	snop  }
__scs_overlays_trampoline_lowered:
0x8: {  	[smem:$0x3FA5] =	sst s0  }
0x9: {  	[smem:$0x3FA6] =	sst s1  }
0xa: {  	[smem:$0x3FA7] =	sst s2  }
0xb: {  	[smem:$0x3FA8] =	sst s3  }
0xc: {  	[smem:$0x3FA9] =	sst s4  }
0xd: {  	[smem:$0x3FAA] =	sst s5  }
0xe: {  	[smem:$0x3FAB] =	sst s6  }
0xf: {  	[smem:$0x3FAC] =	sst s7  }
0x10: {  	[smem:$0x3FAD] =	sst s8  }
0x11: {  	[smem:$0x3FAE] =	sst s9;
	s0 =	simm.s32 @!p0 $0x0  }
0x12: {  	s1 =	sld [smem:$0x3F94];
	s0 =	simm.s32 @p0 $0x1  }
0x13: {  	[smem:$0x3FAF] =	sst s0;
	s0 =	simm.s32 @!p1 $0x0  }
0x14: {  	s2 =	sld [smem:$0x3F93];
	s0 =	simm.s32 @p1 $0x1  }
0x15: {  	[smem:$0x3FB0] =	sst s0;
	s0 =	simm.s32 @!p2 $0x0  }
0x16: {  	s3 =	sld [smem:$0x3FDB];
	s0 =	simm.s32 @p2 $0x1  }
0x17: {  	s4 =	simm.s32 $0x1BF5;
	[smem:$0x3FB2] =	sst s0  }
0x18: {  	s0 =	sld [smem:$0x3F95];
	_ =	swait.ge [sflag:s4], $0x0  }
0x19: {  	s7 =	sld [smem:$0x3F96]  }
0x1a: {  	s8 =	sadd.s32 $0xFFFFE003, lr  }
0x1b: {  	s9 =	sadd.s32 $0xFFFFFEF7, lr;
	s5 =	simm.s32 $0xFFFFFFFF;
	p2 =	slt.u32 s8, $0xFFFFF086  }
0x1c: {  	p1 =	slt.u32 s9, $0xF7A;
	s5 =	simm.s32 @!p2 $0x0  }
0x1d: {  	s5 =	simm.s32 @p1 $0x1;
	p0 =	seq.s32 s7, s2  }
0x1e: {  	s7 =	smul.u32 @!p0 $0xF7A, s2;
	p2 =	seq.s32 @!p0 s5, $0x0  }
0x1f: {  	s9 =	smul.u32 $0xF7A, s1;
	s8 =	simm.s32 @!p0 $0x1BF5;
	p2 =	por !p2, p0  }
0x20: {  	[sflag:s8] =	ssyncset.s32 @!p0 $0xFFFFF086;
	s6 =	sadd.s32 @!p0 s3, s7;
	s7 =	simm.s32 @!p0 $0x108  }
0x21: {  	s3 =	sadd.s32 s3, s9;
	s6 =	sadd.s32 @!p0 $0x88, s6;
	s7 =	simm.s32 @p2 $0x1082  }
0x22: {  	[simem:s7], [sflag:s8] =	dma.local @!p0 [hbm:s6], $0xF7A  }
0x23: {  	s9 =	sor.u32 $0xD0000000, s2;
	s6 =	simm.s32 $0x108;
	_ =	swait.ge @!p0 [sflag:s8], $0x0  }
0x24: {  	s3 =	sadd.s32 $0x88, s3;
	s6 =	simm.s32 @!p1 $0x1082;
	[sflag:s4] =	ssyncset.s32 $0xFFFFF086  }
0x25: {  	[simem:s6], [sflag:s4] =	dma.local [hbm:s3], $0xF7A  }
0x26: {  	[smem:$0x3F96] =	sst s1;
	(tag) =	ssettag s2;
	_ =	strace s9  }
0x27: {  	s1 =	sld [smem:$0x3FA6]  }
0x28: {  	s2 =	sld [smem:$0x3FA7]  }
0x29: {  	s4 =	sld [smem:$0x3FA9]  }
0x2a: {  	p0 =	seq.s32 s5, $0x0;
	s5 =	sld [smem:$0x3FAA]  }
0x2b: {  	s6 =	sld [smem:$0x3FAB]  }
0x2c: {  	s7 =	sld [smem:$0x3FAC]  }
0x2d: {  	s3 =	simm.s32 $0x108;
	s8 =	sld [smem:$0x3FAD]  }
0x2e: {  	s3 =	simm.s32 @!p0 $0x1082;
	s9 =	sld [smem:$0x3FAE]  }
0x2f: {  	lr =	sadd.s32 s0, s3;
	s0 =	sld [smem:$0x3FA5]  }
0x30: {  	s3 =	sld [smem:$0x3FA8]  }
0x31: {  	[smem:$0x3FB1] =	sst s10  }
0x32: {  	s10 =	sld [smem:$0x3FAF];
	_ =	sdelay $0x3  }
0x33: {  	p0 =	seq.s32 s10, $0x1;
	s10 =	sld [smem:$0x3FB1];
	_ =	sdelay $0x3  }
0x34: {  	[smem:$0x3FB1] =	sst s10  }
0x35: {  	s10 =	sld [smem:$0x3FB0];
	_ =	sdelay $0x3  }
0x36: {  	p1 =	seq.s32 s10, $0x1;
	s10 =	sld [smem:$0x3FB1];
	_ =	sdelay $0x3  }
0x37: {  	[smem:$0x3FB1] =	sst s10  }
0x38: {  	s10 =	sld [smem:$0x3FB2]  }
0x39: {  	_ = 	snop;
	(pc) =	sbr.ind lr, $3  }
0x3a: {  	_ = 	snop  }
0x3b: {  	_ = 	snop  }
0x3c: {  	p2 =	seq.s32 s10, $0x1;
	s10 =	sld [smem:$0x3FB1]  }
0x3d: {  	_ =	shalt  }
0x3e: {  	_ =	shalt  }
0x3f: {  	_ =	shalt  }
0x40: {  	_ =	shalt  }
0x41: {  	_ =	shalt  }
0x42: {  	_ =	shalt  }
0x43: {  	_ =	shalt  }
0x44: {  	_ =	shalt  }
0x45: {  	_ =	shalt  }
0x46: {  	_ =	shalt  }
0x47: {  	_ =	shalt  }
0x48: {  	_ =	shalt  }
0x49: {  	_ =	shalt  }
0x4a: {  	_ =	shalt  }
0x4b: {  	_ =	shalt  }
0x4c: {  	_ =	shalt  }
0x4d: {  	_ =	shalt  }
0x4e: {  	_ =	shalt  }
0x4f: {  	_ =	shalt  }
0x50: {  	_ =	shalt  }
0x51: {  	_ =	shalt  }
0x52: {  	_ =	shalt  }
0x53: {  	_ =	shalt  }
0x54: {  	_ =	shalt  }
0x55: {  	_ =	shalt  }
0x56: {  	_ =	shalt  }
0x57: {  	_ =	shalt  }
0x58: {  	_ =	shalt  }
0x59: {  	_ =	shalt  }
0x5a: {  	_ =	shalt  }
0x5b: {  	_ =	shalt  }
0x5c: {  	_ =	shalt  }
0x5d: {  	_ =	shalt  }
0x5e: {  	_ =	shalt  }
0x5f: {  	_ =	shalt  }
0x60: {  	_ =	shalt  }
0x61: {  	_ =	shalt  }
0x62: {  	_ =	shalt  }
0x63: {  	_ =	shalt  }
0x64: {  	_ =	shalt  }
0x65: {  	_ =	shalt  }
0x66: {  	_ =	shalt  }
0x67: {  	_ =	shalt  }
0x68: {  	_ =	shalt  }
0x69: {  	_ =	shalt  }
0x6a: {  	_ =	shalt  }
0x6b: {  	_ =	shalt  }
0x6c: {  	_ =	shalt  }
0x6d: {  	_ =	shalt  }
0x6e: {  	_ =	shalt  }
0x6f: {  	_ =	shalt  }
0x70: {  	_ =	shalt  }
0x71: {  	_ =	shalt  }
0x72: {  	_ =	shalt  }
0x73: {  	_ =	shalt  }
0x74: {  	_ =	shalt  }
0x75: {  	_ =	shalt  }
0x76: {  	_ =	shalt  }
0x77: {  	_ =	shalt  }
0x78: {  	_ =	shalt  }
0x79: {  	_ =	shalt  }
0x7a: {  	_ =	shalt  }
0x7b: {  	_ =	shalt  }
0x7c: {  	_ =	shalt  }
0x7d: {  	_ =	shalt  }
0x7e: {  	_ =	shalt  }
0x7f: {  	_ =	shalt  }
0x80: {  	_ =	shalt  }
0x81: {  	_ =	shalt  }
0x82: {  	_ =	shalt  }
0x83: {  	_ =	shalt  }
0x84: {  	_ =	shalt  }
0x85: {  	_ =	shalt  }
0x86: {  	_ =	shalt  }
0x87: {  	_ =	shalt  }
.Lfunc_end0:
.L_simem_size_0:
called_computation.1_lowered:
.L_overlay_start_0:
0x88: {  	s2 =	sld [smem:$0x3FD9]  }
0x89: {  	s3 =	sld [smem:$0x3FFE];
	_ =	sdelay $0x1  }
0x8a: {  	s1 =	srdreg.scid  }
0x8b: {  	s0 =	sand.u32 $0x1, s1  }
0x8c: {  	s16 =	sshll.u32 s0, $0xA;
	s2 =	sadd.s32 s3, s2  }
0x8d: {  	s2 =	sadd.s32 s2, s16  }
0x8e: {  	[smem:$0x3FBD] =	sst s2  }
0x8f: {  	_ = 	snop  }
0x90: {  	(tm) =	ssettm $0x1  }
0x91: {  	s17 =	sld [smem:$0x3FFB];
	_ =	sdelay $0x3  }
0x92: {  	_ =	strace s17  }
0x93: {  	s2 =	sld [smem:$0x3FFC];
	_ =	sdelay $0x3  }
0x94: {  	_ =	strace s2  }
0x95: {  	s2 =	sld [smem:$0x3FFD];
	_ =	sdelay $0x3  }
0x96: {  	_ =	strace s2  }
0x97: {  	_ =	strace $0x8FFFFFFF  }
0x98: {  	s18 =	sld [smem:$0x3FDB];
	_ =	sdelay $0x1  }
0x99: {  	s19 =	simm.s32 $_scs_section_size  }
0x9a: {  	s4 =	simm.s32 $_size__tile_overlayer_lowered;
	s5 =	simm.s32 $_tile_overlayer_lowered  }
0x9b: {  	s22 =	simm.s32 $0x1BFF;
	s21 =	sshll.u32 s5, $0x1;
	s2 =	sadd.s32 s19, s18  }
0x9c: {  	s6 =	simm.s32 $0x0;
	s20 =	sshll.u32 s4, $0x1;
	s4 =	sadd.s32 s21, s2  }
0x9d: {  	[timem:s6], [sflag:s22] =	dma.local [hbm:s4], s20  }
0x9e: {  	_ =	swait.ge [sflag:s22], s20  }
0x9f: {  	s3 =	ssub.s32 $0x0, s20;
	[sflag:s22] =	ssyncset.done $0x0  }
0xa0: {  	[sflag:s22] =	ssyncadd.s32 s3;
	_ =	sdelay $0x1  }
0xa1: {  	s23 =	simm.s32 $0x1B8B  }
0xa2: {  	_ =	swait.ge [sflag:s23], $0x1  }
0xa3: {  	[sflag:s23] =	ssyncset.done $0x0  }
0xa4: {  	s25 =	simm.s32 $0x1B8E;
	s24 =	sld [smem:$0x3FFE];
	[sflag:s23] =	ssyncadd.s32 $0xFFFFFFFF  }
0xa5: {  	s26 =	simm.s32 $execute0_lowered;
	[smem:$0x3FD2] =	sst s25  }
0xa6: {  	s4 =	sshll.u32 s26, $0x1;
	_ =	strace $0x80000049;
	[dreg:$0x1] =	wrdreg $0xFFFFFFFF  }
0xa7: {  	s28 =	simm.s32 $_size_execute0_lowered;
	s2 =	sadd.s32 s2, s4;
	[dreg:$0x0] =	wrdreg $0x0  }
0xa8: {  	s4 =	sshll.u32 s28, $0x1;
	[dreg:$0x2] =	wrdreg s2  }
0xa9: {  	[dreg:$0x3] =	wrdreg s4  }
0xaa: {  	[dreg:$0x4] =	wrdreg $0xC0  }
0xab: {  	_ =	task [dreg:s6], $0x5FFFF  }
0xac: {  	[dreg:$0x1] =	wrdreg $0xFFFFFFFF  }
0xad: {  	[dreg:$0x0] =	wrdreg $0x60  }
0xae: {  	[dreg:$0x2] =	wrdreg s24  }
0xaf: {  	[dreg:$0x3] =	wrdreg $0xA8000  }
0xb0: {  	[dreg:$0x4] =	wrdreg $0x9  }
0xb1: {  	_ =	task.clear_ibuf [dreg:s6], $0x5FFFF;
	_ =	strace $0x90000049  }
0xb2: {  	s29 =	simm.s32 $0x9;
	_ =	strace $0x8000004B  }
0xb3: {  	_ =	swait.ge [sflag:s29], $0x1  }
0xb4: {  	[sflag:s29] =	ssyncadd.s32 $0xFFFFFFFF  }
0xb5: {  	_ =	strace $0x9000004B  }
0xb6: {  	_ =	sfence  }
0xb7: {  	s30 =	sld [smem:$0x0];
	_ =	sdelay $0x2  }
0xb8: {  	s31 =	sshll.u32 s1, $0xD;
	s1 =	sshrl.u32 s1, $0x2  }
0xb9: {  	s3 =	sand.u32 $0x4000, s31;
	s1 =	sadd.s32 s1, s30  }
0xba: {  	s0 =	sor.u32 s3, s0;
	s1 =	sshll.u32 s1, $0x11  }
0xbb: {  	s0 =	sor.u32 s1, s0  }
0xbc: {  	s0 =	sadd.s32 $0x8F2B, s0  }
0xbd: {  	[sflag:s0] =	ssyncadd.remote.s32 $0x1  }
0xbe: {  	_ =	sfence.sel $0xFFFF  }
0xbf: {  	[dreg:$0x0] =	wrdreg $0xFFFFFFFF;
	(pc) =	sbr.abs _section_cstart, $3  }
0xc0: {  	[dreg:$0x1] =	wrdreg $0xFFFFFFFF  }
0xc1: {  	_ =	task.clear_ibuf [dreg:s6], $0x2FFFF;
	_ =	strace $0x9FFFFFFF  }
0xc2: {  	(tm) =	ssettm $0x7FFFFFFF  }
0xc3: {  	_ =	shalt  }
tec
execute0_lowered:
.L_overlay_start_1:
0x0: {  	(tag) =	ssettag $0x1  }
0x1: {  	s7 =	rddreg [dreg:$0x0]  }
0x2: {  	s2 =	rddreg [dreg:$0x1]  }
0x3: {  	s4 =	srdreg.scid;
	s0 =	stileid.u32  }
0x4: {  	s1 =	simm.s32 $0x0;
	s17 =	simm.s32 $0x80;
	s19 =	simm.s32 $0x800  }
0x5: {  	s18 =	simm.s32 $0x8000;
	s28 =	simm.s32 $0x0;
	s8 =	smul.u32 $0x18B00, s0  }
0x6: {  	s9 =	sand.u32 $0x1, s4;
	[smem:$0x7FF] =	sst s1;
	s24 =	smul.u32 $0xA0, s0  }
0x7: {  	s4 =	sadd.s32 $0x16400, s7;
	s5 =	sadd.s32 $0xC400, s7;
	s29 =	smul.u32 $0x5000, s0  }
0x8: {  	s23 =	sshll.u32 s0, $0x6;
	s6 =	smul.u32 $0x18B000, s9;
	_ =	strace $0x8000004A  }
0x9: {  	s11 =	ssub.s32 $0x2, s9;
	s13 =	ssub.s32 $0x0, s9;
	p0 =	seq.s32 s9, $0x0  }
0xa: {  	s9 =	simm.s32 $0x1D;
	[dreg:$0x4] =	wrdreg s19;
	s19 =	simm.s32 $0x1  }
0xb: {  	s20 =	sshrl.u32 s11, $0x1;
	s21 =	sshrl.u32 s8, $0x1;
	s22 =	sshrl.u32 s8, $0x4  }
0xc: {  	s26 =	sand.u32 $0x74, s13;
	s9 =	simm.s32 @!p0 $0xB;
	s10 =	sadd.s32 s8, s6  }
0xd: {  	s6 =	sadd.s32 $0x2400, s7;
	s14 =	ssub.s32 s11, s20;
	s15 =	sadd.s32 s21, s2  }
0xe: {  	s25 =	sadd.s32 s4, s22;
	s8 =	sor.u32 $0x1C0A, s23;
	s11 =	sshll.u32 s26, $0x7  }
0xf: {  	s31 =	sshll.u32 s9, $0x9;
	s20 =	simm.s32 $0x3000;
	[dreg:$0x8] =	wrdreg s25  }
0x10: {  	s22 =	simm.s32 $0x5800;
	s21 =	simm.s32 $0x3;
	[dreg:$0x7] =	wrdreg s31  }
0x11: {  	s23 =	simm.s32 $0x5;
	s10 =	sshrl.u32 s10, $0x4;
	[dreg:$0x5] =	wrdreg s20  }
0x12: {  	s13 =	sadd.s32 s11, s29;
	s20 =	simm.s32 $0x2;
	[dreg:$0x6] =	wrdreg s22  }
0x13: {  	s22 =	simm.s32 $0x4;
	s25 =	simm.s32 $0x7;
	s12 =	sadd.s32 s10, s7  }
0x14: {  	s10 =	sadd.s32 s24, s26;
	s30 =	sadd.s32 $0x200, s13;
	s13 =	smax.u32 s14, $0x1  }
0x15: {  	s14 =	sshrl.u32 s15, $0x3;
	s15 =	simm.s32 $0xA;
	s24 =	simm.s32 $0x6  }
0x16: {  	s26 =	simm.s32 $0x8;
	s16 =	sshll.u32 s10, $0x4;
	s12 =	sadd.s32 $0x2F000, s12  }
0x17: {  	[dreg:$0x3] =	wrdreg s30;
	s10 =	sadd.s32 s6, s16;
	s11 =	sadd.s32 s5, s16  }
.LBB2_1:
0x18: {  	s0 =	rddreg [dreg:$0x8]  }
0x19: {  	[spmem:s14], [sflag:s8] =	dma.local [hbm:s0], $0x18B0  }
0x1a: {  	_ =	swait.ge [sflag:s15], $0x18B0  }
0x1b: {  	[sflag:s15] =	ssyncset.done $0x0  }
0x1c: {  	s31 =	simm.s32 $0x0;
	s1 =	simm.s32 $0x400;
	[sflag:s15] =	ssyncadd.s32 $0xFFFFE750  }
0x1d: {  	[tilespmem:s1], [sflag:$0xA] =	stream.linear.gather [hbm4b:s10+s31], $0x200, $0x38;
	[tilespmem:$0x16D80] =	vst v63  }
0x1e: {  	_ =	swait.ge [sflag:s15], $0x200  }
0x1f: {  	[sflag:s15] =	ssyncset.done $0x0  }
0x20: {  	[sflag:s15] =	ssyncadd.s32 $0xFFFFFE00  }
0x21: {  	[tilespmem:s31], [sflag:$0xA] =	stream.linear.gather [hbm4b:s11+s31], $0x200, $0x38;
	[tilespmem:$0x16D80] =	vst v63  }
0x22: {  	_ =	swait.ge [sflag:s15], $0x200  }
0x23: {  	[sflag:s15] =	ssyncset.done $0x0  }
0x24: {  	[sflag:s15] =	ssyncadd.s32 $0xFFFFFE00  }
0x25: {  	s29 =	simm.s32 $0x1;
	s30 =	simm.s32 $0x0;
	[bflag:$0x0] =	sbarrier.arrive $0xFFFF  }
.LBB2_2:
0x26: {  	s31 =	rddreg [dreg:$0x3];
	p0 =	sge.u32 s29, s9  }
0x27: {  	s31 =	sadd.s32 @!p0 s30, s31;
	s0 =	sxor.u32 @!p0 $0xFFFFFFFF, s30  }
0x28: {  	s0 =	sand.u32 @!p0 $0x200, s0;
	s31 =	sshrl.u32 @!p0 s31, $0x3  }
0x29: {  	s3 =	simm.s32 @!p0 $0x0;
	s1 =	sor.u32 @!p0 $0x400, s0;
	s16 =	sadd.s32 @!p0 s6, s31  }
0x2a: {  	[tilespmem:s1], [sflag:$0x9] =	stream.linear.gather @!p0 [hbm4b:s16+s3], $0x200, $0x38;
	[tilespmem:$0x16D80] =	vst v63  }
0x2b: {  	p1 =	sne.s32 s30, $0x0;
	s1 =	sadd.s32 @!p0 s5, s31  }
0x2c: {  	[tilespmem:s0], [sflag:$0x9] =	stream.linear.gather @!p0 [hbm4b:s1+s3], $0x200, $0x38;
	[tilespmem:$0x16D80] =	vst v63  }
0x2d: {  	s0 =	simm.s32 @p1 $0x5  }
0x2e: {  	_ =	swait.ge @p1 [sflag:s0], $0x2800  }
0x2f: {  	s1 =	simm.s32 @p1 $0x80;
	[sflag:s0] =	ssyncset.done @p1 $0x0  }
0x30: {  	s3 =	simm.s32 @p1 $0x800;
	[sflag:s0] =	ssyncadd.s32 @p1 $0xFFFFD800;
	s0 =	sand.u32 @p1 $0x200, s30  }
0x31: {  	[tilespmem:s3], [sflag:$0x1] =	stream.indirect.gather @p1 [hbm4b:s4+s1], $0x50, s0, s1, $0xb8;
	[tilespmem:$0x16D80] =	vst v63  }
0x32: {  	s3 =	simm.s32 @p1 $0x6  }
0x33: {  	_ =	swait.ge @p1 [sflag:s3], $0x2800  }
0x34: {  	[sflag:s3] =	ssyncset.done @p1 $0x0  }
0x35: {  	s16 =	simm.s32 @p1 $0x3000;
	[sflag:s3] =	ssyncadd.s32 @p1 $0xFFFFD800;
	s3 =	sor.u32 @p1 $0x80, s0  }
0x36: {  	[tilespmem:s16], [sflag:$0x2] =	stream.indirect.gather @p1 [hbm4b:s4+s1], $0x50, s3, s1, $0xb8;
	[tilespmem:$0x16D80] =	vst v63  }
0x37: {  	s16 =	simm.s32 @p1 $0x7  }
0x38: {  	_ =	swait.ge @p1 [sflag:s16], $0x2800  }
0x39: {  	[sflag:s16] =	ssyncset.done @p1 $0x0  }
0x3a: {  	s31 =	simm.s32 @p1 $0x5800;
	[sflag:s16] =	ssyncadd.s32 @p1 $0xFFFFD800;
	s16 =	sor.u32 @p1 $0x100, s0  }
0x3b: {  	[tilespmem:s31], [sflag:$0x3] =	stream.indirect.gather @p1 [hbm4b:s4+s1], $0x50, s16, s1, $0xb8;
	[tilespmem:$0x16D80] =	vst v63  }
0x3c: {  	s1 =	simm.s32 @p1 $0x8  }
0x3d: {  	_ =	swait.ge @p1 [sflag:s1], $0x2800  }
0x3e: {  	s7 =	simm.s32 @!p1 $0x800;
	[sflag:s1] =	ssyncset.done @p1 $0x0  }
0x3f: {  	s31 =	simm.s32 @!p1 $0x0;
	[sflag:s1] =	ssyncadd.s32 @p1 $0xFFFFD800;
	s1 =	simm.s32 @!p1 $0x80  }
0x40: {  	[tilespmem:s7], [sflag:$0x1] =	stream.indirect.gather @!p1 [hbm4b:s4+s1], $0x50, s31, s1, $0xb8;
	[tilespmem:$0x16D80] =	vst v63  }
0x41: {  	s7 =	simm.s32 @!p1 $0x3000  }
0x42: {  	[tilespmem:s7], [sflag:$0x2] =	stream.indirect.gather @!p1 [hbm4b:s4+s1], $0x50, s1, s1, $0xb8;
	[tilespmem:$0x16D80] =	vst v63  }
0x43: {  	s0 =	simm.s32 @!p1 $0x0;
	s31 =	simm.s32 @!p1 $0x5800;
	s7 =	simm.s32 @!p1 $0x100  }
0x44: {  	[tilespmem:s31], [sflag:$0x3] =	stream.indirect.gather @!p1 [hbm4b:s4+s1], $0x50, s7, s1, $0xb8;
	[tilespmem:$0x16D80] =	vst v63  }
0x45: {  	s31 =	sor.u32 $0x180, s0  }
0x46: {  	[tilespmem:s18], [sflag:$0x4] =	stream.indirect.gather [hbm4b:s4+s17], $0x50, s31, s17, $0xb8;
	[tilespmem:$0x16D80] =	vst v63  }
0x47: {  	_ =	swait.ge [sflag:s19], $0x2800  }
0x48: {  	[sflag:s19] =	ssyncset.done $0x0  }
0x49: {  	s31 =	sor.u32 $0x400, s0;
	s7 =	rddreg [dreg:$0x4];
	[sflag:s19] =	ssyncadd.s32 $0xFFFFD800  }
0x4a: {  	[spmem:s2] =	stream.indirect.scatter.add.bf16 [tilespmem:s7], [sflag:$0x5], $0x50, s31, s17, $0xb8;
	[tilespmem:$0x16D80] =	vst v63  }
0x4b: {  	_ =	swait.ge [sflag:s20], $0x2800  }
0x4c: {  	s3 =	simm.s32 @!p1 $0x80;
	[sflag:s20] =	ssyncset.done $0x0  }
0x4d: {  	s3 =	sor.u32 $0x400, s3;
	s31 =	rddreg [dreg:$0x5];
	[sflag:s20] =	ssyncadd.s32 $0xFFFFD800  }
0x4e: {  	[spmem:s2] =	stream.indirect.scatter.add.bf16 [tilespmem:s31], [sflag:$0x6], $0x50, s3, s17, $0xb8;
	[tilespmem:$0x16D80] =	vst v63  }
0x4f: {  	_ =	swait.ge [sflag:s21], $0x2800  }
0x50: {  	s16 =	simm.s32 @!p1 $0x100;
	[sflag:s21] =	ssyncset.done $0x0  }
0x51: {  	s16 =	sor.u32 $0x400, s16;
	s7 =	rddreg [dreg:$0x6];
	[sflag:s21] =	ssyncadd.s32 $0xFFFFD800  }
0x52: {  	[spmem:s2] =	stream.indirect.scatter.add.bf16 [tilespmem:s7], [sflag:$0x7], $0x50, s16, s17, $0xb8;
	[tilespmem:$0x16D80] =	vst v63  }
0x53: {  	_ =	swait.ge [sflag:s22], $0x2800  }
0x54: {  	[sflag:s22] =	ssyncset.done $0x0  }
0x55: {  	s0 =	sor.u32 $0x580, s0;
	[sflag:s22] =	ssyncadd.s32 $0xFFFFD800  }
0x56: {  	[spmem:s2] =	stream.indirect.scatter.add.bf16 [tilespmem:s18], [sflag:$0x8], $0x50, s0, s17, $0xb8;
	[tilespmem:$0x16D80] =	vst v63  }
0x57: {  	s0 =	simm.s32 @!p0 $0x9  }
0x58: {  	_ =	swait.ge @!p0 [sflag:s0], $0x200  }
0x59: {  	[sflag:s0] =	ssyncset.done @!p0 $0x0  }
0x5a: {  	[sflag:s0] =	ssyncadd.s32 @!p0 $0xFFFFFE00  }
0x5b: {  	_ =	swait.ge @!p0 [sflag:s0], $0x200  }
0x5c: {  	s30 =	sadd.s32 $0x200, s30;
	s31 =	rddreg [dreg:$0x7]  }
0x5d: {  	p1 =	sne.s32 s31, s30  }
.Ltmp0:
0x5e: {  	_ = 	snop;
	(pc) =	sbr.rel @p1 .LBB2_2-.Ltmp0, $3  }
0x5f: {  	_ =	sdelay $0x1  }
0x60: {  	[sflag:s0] =	ssyncset.done @!p0 $0x0  }
0x61: {  	s29 =	sadd.s32 $0x1, s29;
	[sflag:s0] =	ssyncadd.s32 @!p0 $0xFFFFFE00  }
0x62: {  	_ =	swait.ge [sflag:s23], $0x2800  }
0x63: {  	[sflag:s23] =	ssyncset.done $0x0  }
0x64: {  	[sflag:s23] =	ssyncadd.s32 $0xFFFFD800  }
0x65: {  	_ =	swait.ge [sflag:s24], $0x2800  }
0x66: {  	[sflag:s24] =	ssyncset.done $0x0  }
0x67: {  	[sflag:s24] =	ssyncadd.s32 $0xFFFFD800  }
0x68: {  	_ =	swait.ge [sflag:s25], $0x2800  }
0x69: {  	[sflag:s25] =	ssyncset.done $0x0  }
0x6a: {  	[sflag:s25] =	ssyncadd.s32 $0xFFFFD800  }
0x6b: {  	_ =	swait.ge [sflag:s26], $0x2800  }
0x6c: {  	s28 =	sadd.s32 $0x1, s28;
	[sflag:s26] =	ssyncset.done $0x0  }
0x6d: {  	p0 =	sne.s32 s28, s13;
	[sflag:s26] =	ssyncadd.s32 $0xFFFFD800  }
.Ltmp1:
0x6e: {  	[bflag:$0x0] =	sbarrier.arrive $0xFFFF;
	(pc) =	sbr.rel @p0 .LBB2_1-.Ltmp1, $4  }
0x6f: {  	[hbm:s12], [sflag:s8] =	dma.local [spmem:s14], $0x18B0  }
0x70: {  	_ =	swait.ge [sflag:s15], $0x18B0  }
0x71: {  	[sflag:s15] =	ssyncset.done $0x0  }
0x72: {  	[sflag:s15] =	ssyncadd.s32 $0xFFFFE750  }
0x73: {  	_ =	sfence.sel $0x180000  }
0x74: {  	[bflag:$0x0] =	sbarrier.arrive $0xFFFF  }
0x75: {  	_ =	strace $0x9000004A  }
0x76: {  	s0 =	stileid.u32;
	[bflag:$0x2] =	sbarrier.arrive $0xFFFF  }
0x77: {  	p0 =	sne.s32 s0, $0x0;
	s0 =	rddreg [dreg:$0x2]  }
0x78: {  	s0 =	sadd.s32 @!p0 $0x100000, s0  }
0x79: {  	[sflag:s0] =	ssyncadd.tile.s32 @!p0 $0x1;
	_ =	shalt  }
.Lfunc_end2:
_tile_overlayer_lowered:
.L_overlay_start_2:
0x7a: {  	(tag) =	ssettag $0x2  }
0x7b: {  	s0 =	rddreg [dreg:$0x0];
	s2 =	stileid.u32  }
0x7c: {  	s1 =	rddreg [dreg:$0x1];
	p0 =	sne.s32 s2, $0x0  }
0x7d: {  	s3 =	rddreg [dreg:$0x2];
	[bflag:$0x3] =	sbarrier.arrive $0xFFFF;
	s2 =	simm.s32 @!p0 $0x1C0A  }
0x7e: {  	[timem:s3], [sflag:s2] =	dma.local @!p0 [hbm:s0], s1  }
0x7f: {  	s0 =	simm.s32 @!p0 $0xA  }
0x80: {  	_ =	swait.ge @!p0 [sflag:s0], s1  }
0x81: {  	s1 =	ssub.s32 @!p0 $0x0, s1;
	[sflag:s0] =	ssyncset.done @!p0 $0x0  }
0x82: {  	[sflag:s0] =	ssyncadd.s32 @!p0 s1  }
0x83: {  	[bflag:$0x3] =	sbarrier.arrive $0xFFFF  }
0x84: {  	_ =	shalt  }

// kernel: kernel.16.cloned.1.call-start
scs
__scs_entry_jumppad:
0x0: {  	(pc) =	sbr.rel $0x88, $3  }
0x1: {  	(tag) =	ssettag $0x0;
	lr =	simm.s32 $0x1  }
0x2: {  	[smem:$0x3F96] =	sst lr;
	_ =	strace $0xD0000000  }
0x3: {  	_ = 	snop  }
0x4: {  	_ = 	snop  }
0x5: {  	_ = 	snop  }
0x6: {  	_ = 	snop  }
0x7: {  	_ = 	snop  }
__scs_overlays_trampoline_lowered:
0x8: {  	[smem:$0x3FA5] =	sst s0  }
0x9: {  	[smem:$0x3FA6] =	sst s1  }
0xa: {  	[smem:$0x3FA7] =	sst s2  }
0xb: {  	[smem:$0x3FA8] =	sst s3  }
0xc: {  	[smem:$0x3FA9] =	sst s4  }
0xd: {  	[smem:$0x3FAA] =	sst s5  }
0xe: {  	[smem:$0x3FAB] =	sst s6  }
0xf: {  	[smem:$0x3FAC] =	sst s7  }
0x10: {  	[smem:$0x3FAD] =	sst s8  }
0x11: {  	[smem:$0x3FAE] =	sst s9;
	s0 =	simm.s32 @!p0 $0x0  }
0x12: {  	s1 =	sld [smem:$0x3F94];
	s0 =	simm.s32 @p0 $0x1  }
0x13: {  	[smem:$0x3FAF] =	sst s0;
	s0 =	simm.s32 @!p1 $0x0  }
0x14: {  	s2 =	sld [smem:$0x3F93];
	s0 =	simm.s32 @p1 $0x1  }
0x15: {  	[smem:$0x3FB0] =	sst s0;
	s0 =	simm.s32 @!p2 $0x0  }
0x16: {  	s3 =	sld [smem:$0x3FDB];
	s0 =	simm.s32 @p2 $0x1  }
0x17: {  	s4 =	simm.s32 $0x1BF5;
	[smem:$0x3FB2] =	sst s0  }
0x18: {  	s0 =	sld [smem:$0x3F95];
	_ =	swait.ge [sflag:s4], $0x0  }
0x19: {  	s7 =	sld [smem:$0x3F96]  }
0x1a: {  	s8 =	sadd.s32 $0xFFFFE003, lr  }
0x1b: {  	s9 =	sadd.s32 $0xFFFFFEF7, lr;
	s5 =	simm.s32 $0xFFFFFFFF;
	p2 =	slt.u32 s8, $0xFFFFF086  }
0x1c: {  	p1 =	slt.u32 s9, $0xF7A;
	s5 =	simm.s32 @!p2 $0x0  }
0x1d: {  	s5 =	simm.s32 @p1 $0x1;
	p0 =	seq.s32 s7, s2  }
0x1e: {  	s7 =	smul.u32 @!p0 $0xF7A, s2;
	p2 =	seq.s32 @!p0 s5, $0x0  }
0x1f: {  	s9 =	smul.u32 $0xF7A, s1;
	s8 =	simm.s32 @!p0 $0x1BF5;
	p2 =	por !p2, p0  }
0x20: {  	[sflag:s8] =	ssyncset.s32 @!p0 $0xFFFFF086;
	s6 =	sadd.s32 @!p0 s3, s7;
	s7 =	simm.s32 @!p0 $0x108  }
0x21: {  	s3 =	sadd.s32 s3, s9;
	s6 =	sadd.s32 @!p0 $0x88, s6;
	s7 =	simm.s32 @p2 $0x1082  }
0x22: {  	[simem:s7], [sflag:s8] =	dma.local @!p0 [hbm:s6], $0xF7A  }
0x23: {  	s9 =	sor.u32 $0xD0000000, s2;
	s6 =	simm.s32 $0x108;
	_ =	swait.ge @!p0 [sflag:s8], $0x0  }
0x24: {  	s3 =	sadd.s32 $0x88, s3;
	s6 =	simm.s32 @!p1 $0x1082;
	[sflag:s4] =	ssyncset.s32 $0xFFFFF086  }
0x25: {  	[simem:s6], [sflag:s4] =	dma.local [hbm:s3], $0xF7A  }
0x26: {  	[smem:$0x3F96] =	sst s1;
	(tag) =	ssettag s2;
	_ =	strace s9  }
0x27: {  	s1 =	sld [smem:$0x3FA6]  }
0x28: {  	s2 =	sld [smem:$0x3FA7]  }
0x29: {  	s4 =	sld [smem:$0x3FA9]  }
0x2a: {  	p0 =	seq.s32 s5, $0x0;
	s5 =	sld [smem:$0x3FAA]  }
0x2b: {  	s6 =	sld [smem:$0x3FAB]  }
0x2c: {  	s7 =	sld [smem:$0x3FAC]  }
0x2d: {  	s3 =	simm.s32 $0x108;
	s8 =	sld [smem:$0x3FAD]  }
0x2e: {  	s3 =	simm.s32 @!p0 $0x1082;
	s9 =	sld [smem:$0x3FAE]  }
0x2f: {  	lr =	sadd.s32 s0, s3;
	s0 =	sld [smem:$0x3FA5]  }
0x30: {  	s3 =	sld [smem:$0x3FA8]  }
0x31: {  	[smem:$0x3FB1] =	sst s10  }
0x32: {  	s10 =	sld [smem:$0x3FAF];
	_ =	sdelay $0x3  }
0x33: {  	p0 =	seq.s32 s10, $0x1;
	s10 =	sld [smem:$0x3FB1];
	_ =	sdelay $0x3  }
0x34: {  	[smem:$0x3FB1] =	sst s10  }
0x35: {  	s10 =	sld [smem:$0x3FB0];
	_ =	sdelay $0x3  }
0x36: {  	p1 =	seq.s32 s10, $0x1;
	s10 =	sld [smem:$0x3FB1];
	_ =	sdelay $0x3  }
0x37: {  	[smem:$0x3FB1] =	sst s10  }
0x38: {  	s10 =	sld [smem:$0x3FB2]  }
0x39: {  	_ = 	snop;
	(pc) =	sbr.ind lr, $3  }
0x3a: {  	_ = 	snop  }
0x3b: {  	_ = 	snop  }
0x3c: {  	p2 =	seq.s32 s10, $0x1;
	s10 =	sld [smem:$0x3FB1]  }
0x3d: {  	_ =	shalt  }
0x3e: {  	_ =	shalt  }
0x3f: {  	_ =	shalt  }
0x40: {  	_ =	shalt  }
0x41: {  	_ =	shalt  }
0x42: {  	_ =	shalt  }
0x43: {  	_ =	shalt  }
0x44: {  	_ =	shalt  }
0x45: {  	_ =	shalt  }
0x46: {  	_ =	shalt  }
0x47: {  	_ =	shalt  }
0x48: {  	_ =	shalt  }
0x49: {  	_ =	shalt  }
0x4a: {  	_ =	shalt  }
0x4b: {  	_ =	shalt  }
0x4c: {  	_ =	shalt  }
0x4d: {  	_ =	shalt  }
0x4e: {  	_ =	shalt  }
0x4f: {  	_ =	shalt  }
0x50: {  	_ =	shalt  }
0x51: {  	_ =	shalt  }
0x52: {  	_ =	shalt  }
0x53: {  	_ =	shalt  }
0x54: {  	_ =	shalt  }
0x55: {  	_ =	shalt  }
0x56: {  	_ =	shalt  }
0x57: {  	_ =	shalt  }
0x58: {  	_ =	shalt  }
0x59: {  	_ =	shalt  }
0x5a: {  	_ =	shalt  }
0x5b: {  	_ =	shalt  }
0x5c: {  	_ =	shalt  }
0x5d: {  	_ =	shalt  }
0x5e: {  	_ =	shalt  }
0x5f: {  	_ =	shalt  }
0x60: {  	_ =	shalt  }
0x61: {  	_ =	shalt  }
0x62: {  	_ =	shalt  }
0x63: {  	_ =	shalt  }
0x64: {  	_ =	shalt  }
0x65: {  	_ =	shalt  }
0x66: {  	_ =	shalt  }
0x67: {  	_ =	shalt  }
0x68: {  	_ =	shalt  }
0x69: {  	_ =	shalt  }
0x6a: {  	_ =	shalt  }
0x6b: {  	_ =	shalt  }
0x6c: {  	_ =	shalt  }
0x6d: {  	_ =	shalt  }
0x6e: {  	_ =	shalt  }
0x6f: {  	_ =	shalt  }
0x70: {  	_ =	shalt  }
0x71: {  	_ =	shalt  }
0x72: {  	_ =	shalt  }
0x73: {  	_ =	shalt  }
0x74: {  	_ =	shalt  }
0x75: {  	_ =	shalt  }
0x76: {  	_ =	shalt  }
0x77: {  	_ =	shalt  }
0x78: {  	_ =	shalt  }
0x79: {  	_ =	shalt  }
0x7a: {  	_ =	shalt  }
0x7b: {  	_ =	shalt  }
0x7c: {  	_ =	shalt  }
0x7d: {  	_ =	shalt  }
0x7e: {  	_ =	shalt  }
0x7f: {  	_ =	shalt  }
0x80: {  	_ =	shalt  }
0x81: {  	_ =	shalt  }
0x82: {  	_ =	shalt  }
0x83: {  	_ =	shalt  }
0x84: {  	_ =	shalt  }
0x85: {  	_ =	shalt  }
0x86: {  	_ =	shalt  }
0x87: {  	_ =	shalt  }
.Lfunc_end0:
.L_simem_size_0:
called_computation.2_lowered:
.L_overlay_start_0:
0x88: {  	s2 =	sld [smem:$0x3FD9]  }
0x89: {  	s3 =	sld [smem:$0x3FFE];
	_ =	sdelay $0x1  }
0x8a: {  	s1 =	srdreg.scid  }
0x8b: {  	s0 =	sand.u32 $0x1, s1  }
0x8c: {  	s16 =	sshll.u32 s0, $0xA;
	s2 =	sadd.s32 s3, s2  }
0x8d: {  	s2 =	sadd.s32 s2, s16  }
0x8e: {  	[smem:$0x3FBD] =	sst s2  }
0x8f: {  	_ = 	snop  }
0x90: {  	(tm) =	ssettm $0x1  }
0x91: {  	s17 =	sld [smem:$0x3FFB];
	_ =	sdelay $0x3  }
0x92: {  	_ =	strace s17  }
0x93: {  	s2 =	sld [smem:$0x3FFC];
	_ =	sdelay $0x3  }
0x94: {  	_ =	strace s2  }
0x95: {  	s2 =	sld [smem:$0x3FFD];
	_ =	sdelay $0x3  }
0x96: {  	_ =	strace s2  }
0x97: {  	_ =	strace $0x8FFFFFFF  }
0x98: {  	s18 =	sld [smem:$0x3FDB];
	_ =	sdelay $0x1  }
0x99: {  	s19 =	simm.s32 $_scs_section_size  }
0x9a: {  	s4 =	simm.s32 $_size__tile_overlayer_lowered;
	s5 =	simm.s32 $_tile_overlayer_lowered  }
0x9b: {  	s22 =	simm.s32 $0x1BFF;
	s21 =	sshll.u32 s5, $0x1;
	s2 =	sadd.s32 s19, s18  }
0x9c: {  	s6 =	simm.s32 $0x0;
	s20 =	sshll.u32 s4, $0x1;
	s4 =	sadd.s32 s21, s2  }
0x9d: {  	[timem:s6], [sflag:s22] =	dma.local [hbm:s4], s20  }
0x9e: {  	_ =	swait.ge [sflag:s22], s20  }
0x9f: {  	s3 =	ssub.s32 $0x0, s20;
	[sflag:s22] =	ssyncset.done $0x0  }
0xa0: {  	[sflag:s22] =	ssyncadd.s32 s3;
	_ =	sdelay $0x1  }
0xa1: {  	s23 =	simm.s32 $0x1B8B  }
0xa2: {  	_ =	swait.ge [sflag:s23], $0x1  }
0xa3: {  	[sflag:s23] =	ssyncset.done $0x0  }
0xa4: {  	s25 =	simm.s32 $0x1B8E;
	s24 =	sld [smem:$0x3FFE];
	[sflag:s23] =	ssyncadd.s32 $0xFFFFFFFF  }
0xa5: {  	s26 =	simm.s32 $execute0_lowered;
	[smem:$0x3FD2] =	sst s25  }
0xa6: {  	s4 =	sshll.u32 s26, $0x1;
	_ =	strace $0x8000004C;
	[dreg:$0x1] =	wrdreg $0xFFFFFFFF  }
0xa7: {  	s28 =	simm.s32 $_size_execute0_lowered;
	s2 =	sadd.s32 s2, s4;
	[dreg:$0x0] =	wrdreg $0x0  }
0xa8: {  	s4 =	sshll.u32 s28, $0x1;
	[dreg:$0x2] =	wrdreg s2  }
0xa9: {  	[dreg:$0x3] =	wrdreg s4  }
0xaa: {  	[dreg:$0x4] =	wrdreg $0xC0  }
0xab: {  	_ =	task [dreg:s6], $0x5FFFF  }
0xac: {  	[dreg:$0x1] =	wrdreg $0xFFFFFFFF  }
0xad: {  	[dreg:$0x0] =	wrdreg $0x60  }
0xae: {  	[dreg:$0x2] =	wrdreg s24  }
0xaf: {  	[dreg:$0x3] =	wrdreg $0xA8000  }
0xb0: {  	[dreg:$0x4] =	wrdreg $0x9  }
0xb1: {  	_ =	task.clear_ibuf [dreg:s6], $0x5FFFF;
	_ =	strace $0x9000004C  }
0xb2: {  	s29 =	simm.s32 $0x9;
	_ =	strace $0x8000004E  }
0xb3: {  	_ =	swait.ge [sflag:s29], $0x1  }
0xb4: {  	[sflag:s29] =	ssyncadd.s32 $0xFFFFFFFF  }
0xb5: {  	_ =	strace $0x9000004E  }
0xb6: {  	_ =	sfence  }
0xb7: {  	s30 =	sld [smem:$0x0];
	_ =	sdelay $0x2  }
0xb8: {  	s31 =	sshll.u32 s1, $0xD;
	s1 =	sshrl.u32 s1, $0x2  }
0xb9: {  	s3 =	sand.u32 $0x4000, s31;
	s1 =	sadd.s32 s1, s30  }
0xba: {  	s0 =	sor.u32 s3, s0;
	s1 =	sshll.u32 s1, $0x11  }
0xbb: {  	s0 =	sor.u32 s1, s0  }
0xbc: {  	s0 =	sadd.s32 $0x8F2B, s0  }
0xbd: {  	[sflag:s0] =	ssyncadd.remote.s32 $0x1  }
0xbe: {  	_ =	sfence.sel $0xFFFF  }
0xbf: {  	[dreg:$0x0] =	wrdreg $0xFFFFFFFF;
	(pc) =	sbr.abs _section_cstart, $3  }
0xc0: {  	[dreg:$0x1] =	wrdreg $0xFFFFFFFF  }
0xc1: {  	_ =	task.clear_ibuf [dreg:s6], $0x2FFFF;
	_ =	strace $0x9FFFFFFF  }
0xc2: {  	(tm) =	ssettm $0x7FFFFFFF  }
0xc3: {  	_ =	shalt  }
tec
execute0_lowered:
.L_overlay_start_1:
0x0: {  	(tag) =	ssettag $0x1  }
0x1: {  	s7 =	rddreg [dreg:$0x0]  }
0x2: {  	s2 =	rddreg [dreg:$0x1]  }
0x3: {  	s4 =	srdreg.scid;
	s0 =	stileid.u32  }
0x4: {  	s1 =	simm.s32 $0x0;
	s17 =	simm.s32 $0x80;
	s19 =	simm.s32 $0x800  }
0x5: {  	s18 =	simm.s32 $0x8000;
	s28 =	simm.s32 $0x0;
	s8 =	smul.u32 $0x18B00, s0  }
0x6: {  	s9 =	sand.u32 $0x1, s4;
	[smem:$0x7FF] =	sst s1;
	s24 =	smul.u32 $0xA0, s0  }
0x7: {  	s4 =	sadd.s32 $0x16400, s7;
	s5 =	sadd.s32 $0xC400, s7;
	s29 =	smul.u32 $0x5000, s0  }
0x8: {  	s23 =	sshll.u32 s0, $0x6;
	s6 =	smul.u32 $0x18B000, s9;
	_ =	strace $0x8000004D  }
0x9: {  	s11 =	ssub.s32 $0x2, s9;
	s13 =	ssub.s32 $0x0, s9;
	p0 =	seq.s32 s9, $0x0  }
0xa: {  	s9 =	simm.s32 $0x1D;
	[dreg:$0x4] =	wrdreg s19;
	s19 =	simm.s32 $0x1  }
0xb: {  	s20 =	sshrl.u32 s11, $0x1;
	s21 =	sshrl.u32 s8, $0x1;
	s22 =	sshrl.u32 s8, $0x4  }
0xc: {  	s26 =	sand.u32 $0x74, s13;
	s9 =	simm.s32 @!p0 $0xB;
	s10 =	sadd.s32 s8, s6  }
0xd: {  	s6 =	sadd.s32 $0x2400, s7;
	s14 =	ssub.s32 s11, s20;
	s15 =	sadd.s32 s21, s2  }
0xe: {  	s25 =	sadd.s32 s4, s22;
	s8 =	sor.u32 $0x1C0A, s23;
	s11 =	sshll.u32 s26, $0x7  }
0xf: {  	s31 =	sshll.u32 s9, $0x9;
	s20 =	simm.s32 $0x3000;
	[dreg:$0x8] =	wrdreg s25  }
0x10: {  	s22 =	simm.s32 $0x5800;
	s21 =	simm.s32 $0x3;
	[dreg:$0x7] =	wrdreg s31  }
0x11: {  	s23 =	simm.s32 $0x5;
	s10 =	sshrl.u32 s10, $0x4;
	[dreg:$0x5] =	wrdreg s20  }
0x12: {  	s13 =	sadd.s32 s11, s29;
	s20 =	simm.s32 $0x2;
	[dreg:$0x6] =	wrdreg s22  }
0x13: {  	s22 =	simm.s32 $0x4;
	s25 =	simm.s32 $0x7;
	s12 =	sadd.s32 s10, s7  }
0x14: {  	s10 =	sadd.s32 s24, s26;
	s30 =	sadd.s32 $0x200, s13;
	s13 =	smax.u32 s14, $0x1  }
0x15: {  	s14 =	sshrl.u32 s15, $0x3;
	s15 =	simm.s32 $0xA;
	s24 =	simm.s32 $0x6  }
0x16: {  	s26 =	simm.s32 $0x8;
	s16 =	sshll.u32 s10, $0x4;
	s12 =	sadd.s32 $0x2F000, s12  }
0x17: {  	[dreg:$0x3] =	wrdreg s30;
	s10 =	sadd.s32 s6, s16;
	s11 =	sadd.s32 s5, s16  }
.LBB2_1:
0x18: {  	s0 =	rddreg [dreg:$0x8]  }
0x19: {  	[spmem:s14], [sflag:s8] =	dma.local [hbm:s0], $0x18B0  }
0x1a: {  	_ =	swait.ge [sflag:s15], $0x18B0  }
0x1b: {  	[sflag:s15] =	ssyncset.done $0x0  }
0x1c: {  	s31 =	simm.s32 $0x0;
	s1 =	simm.s32 $0x400;
	[sflag:s15] =	ssyncadd.s32 $0xFFFFE750  }
0x1d: {  	[tilespmem:s1], [sflag:$0xA] =	stream.linear.gather [hbm4b:s10+s31], $0x200, $0x38;
	[tilespmem:$0x16D80] =	vst v63  }
0x1e: {  	_ =	swait.ge [sflag:s15], $0x200  }
0x1f: {  	[sflag:s15] =	ssyncset.done $0x0  }
0x20: {  	[sflag:s15] =	ssyncadd.s32 $0xFFFFFE00  }
0x21: {  	[tilespmem:s31], [sflag:$0xA] =	stream.linear.gather [hbm4b:s11+s31], $0x200, $0x38;
	[tilespmem:$0x16D80] =	vst v63  }
0x22: {  	_ =	swait.ge [sflag:s15], $0x200  }
0x23: {  	[sflag:s15] =	ssyncset.done $0x0  }
0x24: {  	[sflag:s15] =	ssyncadd.s32 $0xFFFFFE00  }
0x25: {  	s29 =	simm.s32 $0x1;
	s30 =	simm.s32 $0x0;
	[bflag:$0x0] =	sbarrier.arrive $0xFFFF  }
.LBB2_2:
0x26: {  	s31 =	rddreg [dreg:$0x3];
	p0 =	sge.u32 s29, s9  }
0x27: {  	s31 =	sadd.s32 @!p0 s30, s31;
	s0 =	sxor.u32 @!p0 $0xFFFFFFFF, s30  }
0x28: {  	s0 =	sand.u32 @!p0 $0x200, s0;
	s31 =	sshrl.u32 @!p0 s31, $0x3  }
0x29: {  	s3 =	simm.s32 @!p0 $0x0;
	s1 =	sor.u32 @!p0 $0x400, s0;
	s16 =	sadd.s32 @!p0 s6, s31  }
0x2a: {  	[tilespmem:s1], [sflag:$0x9] =	stream.linear.gather @!p0 [hbm4b:s16+s3], $0x200, $0x38;
	[tilespmem:$0x16D80] =	vst v63  }
0x2b: {  	p1 =	sne.s32 s30, $0x0;
	s1 =	sadd.s32 @!p0 s5, s31  }
0x2c: {  	[tilespmem:s0], [sflag:$0x9] =	stream.linear.gather @!p0 [hbm4b:s1+s3], $0x200, $0x38;
	[tilespmem:$0x16D80] =	vst v63  }
0x2d: {  	s0 =	simm.s32 @p1 $0x5  }
0x2e: {  	_ =	swait.ge @p1 [sflag:s0], $0x2800  }
0x2f: {  	s1 =	simm.s32 @p1 $0x80;
	[sflag:s0] =	ssyncset.done @p1 $0x0  }
0x30: {  	s3 =	simm.s32 @p1 $0x800;
	[sflag:s0] =	ssyncadd.s32 @p1 $0xFFFFD800;
	s0 =	sand.u32 @p1 $0x200, s30  }
0x31: {  	[tilespmem:s3], [sflag:$0x1] =	stream.indirect.gather @p1 [hbm4b:s4+s1], $0x50, s0, s1, $0xb8;
	[tilespmem:$0x16D80] =	vst v63  }
0x32: {  	s3 =	simm.s32 @p1 $0x6  }
0x33: {  	_ =	swait.ge @p1 [sflag:s3], $0x2800  }
0x34: {  	[sflag:s3] =	ssyncset.done @p1 $0x0  }
0x35: {  	s16 =	simm.s32 @p1 $0x3000;
	[sflag:s3] =	ssyncadd.s32 @p1 $0xFFFFD800;
	s3 =	sor.u32 @p1 $0x80, s0  }
0x36: {  	[tilespmem:s16], [sflag:$0x2] =	stream.indirect.gather @p1 [hbm4b:s4+s1], $0x50, s3, s1, $0xb8;
	[tilespmem:$0x16D80] =	vst v63  }
0x37: {  	s16 =	simm.s32 @p1 $0x7  }
0x38: {  	_ =	swait.ge @p1 [sflag:s16], $0x2800  }
0x39: {  	[sflag:s16] =	ssyncset.done @p1 $0x0  }
0x3a: {  	s31 =	simm.s32 @p1 $0x5800;
	[sflag:s16] =	ssyncadd.s32 @p1 $0xFFFFD800;
	s16 =	sor.u32 @p1 $0x100, s0  }
0x3b: {  	[tilespmem:s31], [sflag:$0x3] =	stream.indirect.gather @p1 [hbm4b:s4+s1], $0x50, s16, s1, $0xb8;
	[tilespmem:$0x16D80] =	vst v63  }
0x3c: {  	s1 =	simm.s32 @p1 $0x8  }
0x3d: {  	_ =	swait.ge @p1 [sflag:s1], $0x2800  }
0x3e: {  	s7 =	simm.s32 @!p1 $0x800;
	[sflag:s1] =	ssyncset.done @p1 $0x0  }
0x3f: {  	s31 =	simm.s32 @!p1 $0x0;
	[sflag:s1] =	ssyncadd.s32 @p1 $0xFFFFD800;
	s1 =	simm.s32 @!p1 $0x80  }
0x40: {  	[tilespmem:s7], [sflag:$0x1] =	stream.indirect.gather @!p1 [hbm4b:s4+s1], $0x50, s31, s1, $0xb8;
	[tilespmem:$0x16D80] =	vst v63  }
0x41: {  	s7 =	simm.s32 @!p1 $0x3000  }
0x42: {  	[tilespmem:s7], [sflag:$0x2] =	stream.indirect.gather @!p1 [hbm4b:s4+s1], $0x50, s1, s1, $0xb8;
	[tilespmem:$0x16D80] =	vst v63  }
0x43: {  	s0 =	simm.s32 @!p1 $0x0;
	s31 =	simm.s32 @!p1 $0x5800;
	s7 =	simm.s32 @!p1 $0x100  }
0x44: {  	[tilespmem:s31], [sflag:$0x3] =	stream.indirect.gather @!p1 [hbm4b:s4+s1], $0x50, s7, s1, $0xb8;
	[tilespmem:$0x16D80] =	vst v63  }
0x45: {  	s31 =	sor.u32 $0x180, s0  }
0x46: {  	[tilespmem:s18], [sflag:$0x4] =	stream.indirect.gather [hbm4b:s4+s17], $0x50, s31, s17, $0xb8;
	[tilespmem:$0x16D80] =	vst v63  }
0x47: {  	_ =	swait.ge [sflag:s19], $0x2800  }
0x48: {  	[sflag:s19] =	ssyncset.done $0x0  }
0x49: {  	s31 =	sor.u32 $0x400, s0;
	s7 =	rddreg [dreg:$0x4];
	[sflag:s19] =	ssyncadd.s32 $0xFFFFD800  }
0x4a: {  	[spmem:s2] =	stream.indirect.scatter.add.bf16 [tilespmem:s7], [sflag:$0x5], $0x50, s31, s17, $0xb8;
	[tilespmem:$0x16D80] =	vst v63  }
0x4b: {  	_ =	swait.ge [sflag:s20], $0x2800  }
0x4c: {  	s3 =	simm.s32 @!p1 $0x80;
	[sflag:s20] =	ssyncset.done $0x0  }
0x4d: {  	s3 =	sor.u32 $0x400, s3;
	s31 =	rddreg [dreg:$0x5];
	[sflag:s20] =	ssyncadd.s32 $0xFFFFD800  }
0x4e: {  	[spmem:s2] =	stream.indirect.scatter.add.bf16 [tilespmem:s31], [sflag:$0x6], $0x50, s3, s17, $0xb8;
	[tilespmem:$0x16D80] =	vst v63  }
0x4f: {  	_ =	swait.ge [sflag:s21], $0x2800  }
0x50: {  	s16 =	simm.s32 @!p1 $0x100;
	[sflag:s21] =	ssyncset.done $0x0  }
0x51: {  	s16 =	sor.u32 $0x400, s16;
	s7 =	rddreg [dreg:$0x6];
	[sflag:s21] =	ssyncadd.s32 $0xFFFFD800  }
0x52: {  	[spmem:s2] =	stream.indirect.scatter.add.bf16 [tilespmem:s7], [sflag:$0x7], $0x50, s16, s17, $0xb8;
	[tilespmem:$0x16D80] =	vst v63  }
0x53: {  	_ =	swait.ge [sflag:s22], $0x2800  }
0x54: {  	[sflag:s22] =	ssyncset.done $0x0  }
0x55: {  	s0 =	sor.u32 $0x580, s0;
	[sflag:s22] =	ssyncadd.s32 $0xFFFFD800  }
0x56: {  	[spmem:s2] =	stream.indirect.scatter.add.bf16 [tilespmem:s18], [sflag:$0x8], $0x50, s0, s17, $0xb8;
	[tilespmem:$0x16D80] =	vst v63  }
0x57: {  	s0 =	simm.s32 @!p0 $0x9  }
0x58: {  	_ =	swait.ge @!p0 [sflag:s0], $0x200  }
0x59: {  	[sflag:s0] =	ssyncset.done @!p0 $0x0  }
0x5a: {  	[sflag:s0] =	ssyncadd.s32 @!p0 $0xFFFFFE00  }
0x5b: {  	_ =	swait.ge @!p0 [sflag:s0], $0x200  }
0x5c: {  	s30 =	sadd.s32 $0x200, s30;
	s31 =	rddreg [dreg:$0x7]  }
0x5d: {  	p1 =	sne.s32 s31, s30  }
.Ltmp0:
0x5e: {  	_ = 	snop;
	(pc) =	sbr.rel @p1 .LBB2_2-.Ltmp0, $3  }
0x5f: {  	_ =	sdelay $0x1  }
0x60: {  	[sflag:s0] =	ssyncset.done @!p0 $0x0  }
0x61: {  	s29 =	sadd.s32 $0x1, s29;
	[sflag:s0] =	ssyncadd.s32 @!p0 $0xFFFFFE00  }
0x62: {  	_ =	swait.ge [sflag:s23], $0x2800  }
0x63: {  	[sflag:s23] =	ssyncset.done $0x0  }
0x64: {  	[sflag:s23] =	ssyncadd.s32 $0xFFFFD800  }
0x65: {  	_ =	swait.ge [sflag:s24], $0x2800  }
0x66: {  	[sflag:s24] =	ssyncset.done $0x0  }
0x67: {  	[sflag:s24] =	ssyncadd.s32 $0xFFFFD800  }
0x68: {  	_ =	swait.ge [sflag:s25], $0x2800  }
0x69: {  	[sflag:s25] =	ssyncset.done $0x0  }
0x6a: {  	[sflag:s25] =	ssyncadd.s32 $0xFFFFD800  }
0x6b: {  	_ =	swait.ge [sflag:s26], $0x2800  }
0x6c: {  	s28 =	sadd.s32 $0x1, s28;
	[sflag:s26] =	ssyncset.done $0x0  }
0x6d: {  	p0 =	sne.s32 s28, s13;
	[sflag:s26] =	ssyncadd.s32 $0xFFFFD800  }
.Ltmp1:
0x6e: {  	[bflag:$0x0] =	sbarrier.arrive $0xFFFF;
	(pc) =	sbr.rel @p0 .LBB2_1-.Ltmp1, $4  }
0x6f: {  	[hbm:s12], [sflag:s8] =	dma.local [spmem:s14], $0x18B0  }
0x70: {  	_ =	swait.ge [sflag:s15], $0x18B0  }
0x71: {  	[sflag:s15] =	ssyncset.done $0x0  }
0x72: {  	[sflag:s15] =	ssyncadd.s32 $0xFFFFE750  }
0x73: {  	_ =	sfence.sel $0x180000  }
0x74: {  	[bflag:$0x0] =	sbarrier.arrive $0xFFFF  }
0x75: {  	_ =	strace $0x9000004D  }
0x76: {  	s0 =	stileid.u32;
	[bflag:$0x2] =	sbarrier.arrive $0xFFFF  }
0x77: {  	p0 =	sne.s32 s0, $0x0;
	s0 =	rddreg [dreg:$0x2]  }
0x78: {  	s0 =	sadd.s32 @!p0 $0x100000, s0  }
0x79: {  	[sflag:s0] =	ssyncadd.tile.s32 @!p0 $0x1;
	_ =	shalt  }
.Lfunc_end2:
_tile_overlayer_lowered:
.L_overlay_start_2:
0x7a: {  	(tag) =	ssettag $0x2  }
0x7b: {  	s0 =	rddreg [dreg:$0x0];
	s2 =	stileid.u32  }
0x7c: {  	s1 =	rddreg [dreg:$0x1];
	p0 =	sne.s32 s2, $0x0  }
0x7d: {  	s3 =	rddreg [dreg:$0x2];
	[bflag:$0x3] =	sbarrier.arrive $0xFFFF;
	s2 =	simm.s32 @!p0 $0x1C0A  }
0x7e: {  	[timem:s3], [sflag:s2] =	dma.local @!p0 [hbm:s0], s1  }
0x7f: {  	s0 =	simm.s32 @!p0 $0xA  }
0x80: {  	_ =	swait.ge @!p0 [sflag:s0], s1  }
0x81: {  	s1 =	ssub.s32 @!p0 $0x0, s1;
	[sflag:s0] =	ssyncset.done @!p0 $0x0  }
0x82: {  	[sflag:s0] =	ssyncadd.s32 @!p0 s1  }
0x83: {  	[bflag:$0x3] =	sbarrier.arrive $0xFFFF  }
0x84: {  	_ =	shalt  }

// kernel: kernel.19.cloned.1.call-start
scs
__scs_entry_jumppad:
0x0: {  	(pc) =	sbr.rel $0x88, $3  }
0x1: {  	(tag) =	ssettag $0x0;
	lr =	simm.s32 $0x1  }
0x2: {  	[smem:$0x3F96] =	sst lr;
	_ =	strace $0xD0000000  }
0x3: {  	_ = 	snop  }
0x4: {  	_ = 	snop  }
0x5: {  	_ = 	snop  }
0x6: {  	_ = 	snop  }
0x7: {  	_ = 	snop  }
__scs_overlays_trampoline_lowered:
0x8: {  	[smem:$0x3FA5] =	sst s0  }
0x9: {  	[smem:$0x3FA6] =	sst s1  }
0xa: {  	[smem:$0x3FA7] =	sst s2  }
0xb: {  	[smem:$0x3FA8] =	sst s3  }
0xc: {  	[smem:$0x3FA9] =	sst s4  }
0xd: {  	[smem:$0x3FAA] =	sst s5  }
0xe: {  	[smem:$0x3FAB] =	sst s6  }
0xf: {  	[smem:$0x3FAC] =	sst s7  }
0x10: {  	[smem:$0x3FAD] =	sst s8  }
0x11: {  	[smem:$0x3FAE] =	sst s9;
	s0 =	simm.s32 @!p0 $0x0  }
0x12: {  	s1 =	sld [smem:$0x3F94];
	s0 =	simm.s32 @p0 $0x1  }
0x13: {  	[smem:$0x3FAF] =	sst s0;
	s0 =	simm.s32 @!p1 $0x0  }
0x14: {  	s2 =	sld [smem:$0x3F93];
	s0 =	simm.s32 @p1 $0x1  }
0x15: {  	[smem:$0x3FB0] =	sst s0;
	s0 =	simm.s32 @!p2 $0x0  }
0x16: {  	s3 =	sld [smem:$0x3FDB];
	s0 =	simm.s32 @p2 $0x1  }
0x17: {  	s4 =	simm.s32 $0x1BF5;
	[smem:$0x3FB2] =	sst s0  }
0x18: {  	s0 =	sld [smem:$0x3F95];
	_ =	swait.ge [sflag:s4], $0x0  }
0x19: {  	s7 =	sld [smem:$0x3F96]  }
0x1a: {  	s8 =	sadd.s32 $0xFFFFE003, lr  }
0x1b: {  	s9 =	sadd.s32 $0xFFFFFEF7, lr;
	s5 =	simm.s32 $0xFFFFFFFF;
	p2 =	slt.u32 s8, $0xFFFFF086  }
0x1c: {  	p1 =	slt.u32 s9, $0xF7A;
	s5 =	simm.s32 @!p2 $0x0  }
0x1d: {  	s5 =	simm.s32 @p1 $0x1;
	p0 =	seq.s32 s7, s2  }
0x1e: {  	s7 =	smul.u32 @!p0 $0xF7A, s2;
	p2 =	seq.s32 @!p0 s5, $0x0  }
0x1f: {  	s9 =	smul.u32 $0xF7A, s1;
	s8 =	simm.s32 @!p0 $0x1BF5;
	p2 =	por !p2, p0  }
0x20: {  	[sflag:s8] =	ssyncset.s32 @!p0 $0xFFFFF086;
	s6 =	sadd.s32 @!p0 s3, s7;
	s7 =	simm.s32 @!p0 $0x108  }
0x21: {  	s3 =	sadd.s32 s3, s9;
	s6 =	sadd.s32 @!p0 $0x88, s6;
	s7 =	simm.s32 @p2 $0x1082  }
0x22: {  	[simem:s7], [sflag:s8] =	dma.local @!p0 [hbm:s6], $0xF7A  }
0x23: {  	s9 =	sor.u32 $0xD0000000, s2;
	s6 =	simm.s32 $0x108;
	_ =	swait.ge @!p0 [sflag:s8], $0x0  }
0x24: {  	s3 =	sadd.s32 $0x88, s3;
	s6 =	simm.s32 @!p1 $0x1082;
	[sflag:s4] =	ssyncset.s32 $0xFFFFF086  }
0x25: {  	[simem:s6], [sflag:s4] =	dma.local [hbm:s3], $0xF7A  }
0x26: {  	[smem:$0x3F96] =	sst s1;
	(tag) =	ssettag s2;
	_ =	strace s9  }
0x27: {  	s1 =	sld [smem:$0x3FA6]  }
0x28: {  	s2 =	sld [smem:$0x3FA7]  }
0x29: {  	s4 =	sld [smem:$0x3FA9]  }
0x2a: {  	p0 =	seq.s32 s5, $0x0;
	s5 =	sld [smem:$0x3FAA]  }
0x2b: {  	s6 =	sld [smem:$0x3FAB]  }
0x2c: {  	s7 =	sld [smem:$0x3FAC]  }
0x2d: {  	s3 =	simm.s32 $0x108;
	s8 =	sld [smem:$0x3FAD]  }
0x2e: {  	s3 =	simm.s32 @!p0 $0x1082;
	s9 =	sld [smem:$0x3FAE]  }
0x2f: {  	lr =	sadd.s32 s0, s3;
	s0 =	sld [smem:$0x3FA5]  }
0x30: {  	s3 =	sld [smem:$0x3FA8]  }
0x31: {  	[smem:$0x3FB1] =	sst s10  }
0x32: {  	s10 =	sld [smem:$0x3FAF];
	_ =	sdelay $0x3  }
0x33: {  	p0 =	seq.s32 s10, $0x1;
	s10 =	sld [smem:$0x3FB1];
	_ =	sdelay $0x3  }
0x34: {  	[smem:$0x3FB1] =	sst s10  }
0x35: {  	s10 =	sld [smem:$0x3FB0];
	_ =	sdelay $0x3  }
0x36: {  	p1 =	seq.s32 s10, $0x1;
	s10 =	sld [smem:$0x3FB1];
	_ =	sdelay $0x3  }
0x37: {  	[smem:$0x3FB1] =	sst s10  }
0x38: {  	s10 =	sld [smem:$0x3FB2]  }
0x39: {  	_ = 	snop;
	(pc) =	sbr.ind lr, $3  }
0x3a: {  	_ = 	snop  }
0x3b: {  	_ = 	snop  }
0x3c: {  	p2 =	seq.s32 s10, $0x1;
	s10 =	sld [smem:$0x3FB1]  }
0x3d: {  	_ =	shalt  }
0x3e: {  	_ =	shalt  }
0x3f: {  	_ =	shalt  }
0x40: {  	_ =	shalt  }
0x41: {  	_ =	shalt  }
0x42: {  	_ =	shalt  }
0x43: {  	_ =	shalt  }
0x44: {  	_ =	shalt  }
0x45: {  	_ =	shalt  }
0x46: {  	_ =	shalt  }
0x47: {  	_ =	shalt  }
0x48: {  	_ =	shalt  }
0x49: {  	_ =	shalt  }
0x4a: {  	_ =	shalt  }
0x4b: {  	_ =	shalt  }
0x4c: {  	_ =	shalt  }
0x4d: {  	_ =	shalt  }
0x4e: {  	_ =	shalt  }
0x4f: {  	_ =	shalt  }
0x50: {  	_ =	shalt  }
0x51: {  	_ =	shalt  }
0x52: {  	_ =	shalt  }
0x53: {  	_ =	shalt  }
0x54: {  	_ =	shalt  }
0x55: {  	_ =	shalt  }
0x56: {  	_ =	shalt  }
0x57: {  	_ =	shalt  }
0x58: {  	_ =	shalt  }
0x59: {  	_ =	shalt  }
0x5a: {  	_ =	shalt  }
0x5b: {  	_ =	shalt  }
0x5c: {  	_ =	shalt  }
0x5d: {  	_ =	shalt  }
0x5e: {  	_ =	shalt  }
0x5f: {  	_ =	shalt  }
0x60: {  	_ =	shalt  }
0x61: {  	_ =	shalt  }
0x62: {  	_ =	shalt  }
0x63: {  	_ =	shalt  }
0x64: {  	_ =	shalt  }
0x65: {  	_ =	shalt  }
0x66: {  	_ =	shalt  }
0x67: {  	_ =	shalt  }
0x68: {  	_ =	shalt  }
0x69: {  	_ =	shalt  }
0x6a: {  	_ =	shalt  }
0x6b: {  	_ =	shalt  }
0x6c: {  	_ =	shalt  }
0x6d: {  	_ =	shalt  }
0x6e: {  	_ =	shalt  }
0x6f: {  	_ =	shalt  }
0x70: {  	_ =	shalt  }
0x71: {  	_ =	shalt  }
0x72: {  	_ =	shalt  }
0x73: {  	_ =	shalt  }
0x74: {  	_ =	shalt  }
0x75: {  	_ =	shalt  }
0x76: {  	_ =	shalt  }
0x77: {  	_ =	shalt  }
0x78: {  	_ =	shalt  }
0x79: {  	_ =	shalt  }
0x7a: {  	_ =	shalt  }
0x7b: {  	_ =	shalt  }
0x7c: {  	_ =	shalt  }
0x7d: {  	_ =	shalt  }
0x7e: {  	_ =	shalt  }
0x7f: {  	_ =	shalt  }
0x80: {  	_ =	shalt  }
0x81: {  	_ =	shalt  }
0x82: {  	_ =	shalt  }
0x83: {  	_ =	shalt  }
0x84: {  	_ =	shalt  }
0x85: {  	_ =	shalt  }
0x86: {  	_ =	shalt  }
0x87: {  	_ =	shalt  }
.Lfunc_end0:
.L_simem_size_0:
called_computation.3_lowered:
.L_overlay_start_0:
0x88: {  	s2 =	sld [smem:$0x3FD9]  }
0x89: {  	s3 =	sld [smem:$0x3FFE];
	_ =	sdelay $0x1  }
0x8a: {  	s1 =	srdreg.scid  }
0x8b: {  	s0 =	sand.u32 $0x1, s1  }
0x8c: {  	s16 =	sshll.u32 s0, $0xA;
	s2 =	sadd.s32 s3, s2  }
0x8d: {  	s2 =	sadd.s32 s2, s16  }
0x8e: {  	[smem:$0x3FBD] =	sst s2  }
0x8f: {  	_ = 	snop  }
0x90: {  	(tm) =	ssettm $0x1  }
0x91: {  	s17 =	sld [smem:$0x3FFB];
	_ =	sdelay $0x3  }
0x92: {  	_ =	strace s17  }
0x93: {  	s2 =	sld [smem:$0x3FFC];
	_ =	sdelay $0x3  }
0x94: {  	_ =	strace s2  }
0x95: {  	s2 =	sld [smem:$0x3FFD];
	_ =	sdelay $0x3  }
0x96: {  	_ =	strace s2  }
0x97: {  	_ =	strace $0x8FFFFFFF  }
0x98: {  	s18 =	sld [smem:$0x3FDB];
	_ =	sdelay $0x1  }
0x99: {  	s19 =	simm.s32 $_scs_section_size  }
0x9a: {  	s4 =	simm.s32 $_size__tile_overlayer_lowered;
	s5 =	simm.s32 $_tile_overlayer_lowered  }
0x9b: {  	s22 =	simm.s32 $0x1BFF;
	s21 =	sshll.u32 s5, $0x1;
	s2 =	sadd.s32 s19, s18  }
0x9c: {  	s6 =	simm.s32 $0x0;
	s20 =	sshll.u32 s4, $0x1;
	s4 =	sadd.s32 s21, s2  }
0x9d: {  	[timem:s6], [sflag:s22] =	dma.local [hbm:s4], s20  }
0x9e: {  	_ =	swait.ge [sflag:s22], s20  }
0x9f: {  	s3 =	ssub.s32 $0x0, s20;
	[sflag:s22] =	ssyncset.done $0x0  }
0xa0: {  	[sflag:s22] =	ssyncadd.s32 s3;
	_ =	sdelay $0x1  }
0xa1: {  	s23 =	simm.s32 $0x1B8B  }
0xa2: {  	_ =	swait.ge [sflag:s23], $0x1  }
0xa3: {  	[sflag:s23] =	ssyncset.done $0x0  }
0xa4: {  	s25 =	simm.s32 $0x1B8E;
	s24 =	sld [smem:$0x3FFE];
	[sflag:s23] =	ssyncadd.s32 $0xFFFFFFFF  }
0xa5: {  	s26 =	simm.s32 $execute0_lowered;
	[smem:$0x3FD2] =	sst s25  }
0xa6: {  	s4 =	sshll.u32 s26, $0x1;
	_ =	strace $0x8000004F;
	[dreg:$0x1] =	wrdreg $0xFFFFFFFF  }
0xa7: {  	s28 =	simm.s32 $_size_execute0_lowered;
	s2 =	sadd.s32 s2, s4;
	[dreg:$0x0] =	wrdreg $0x0  }
0xa8: {  	s4 =	sshll.u32 s28, $0x1;
	[dreg:$0x2] =	wrdreg s2  }
0xa9: {  	[dreg:$0x3] =	wrdreg s4  }
0xaa: {  	[dreg:$0x4] =	wrdreg $0xC0  }
0xab: {  	_ =	task [dreg:s6], $0x5FFFF  }
0xac: {  	[dreg:$0x1] =	wrdreg $0xFFFFFFFF  }
0xad: {  	[dreg:$0x0] =	wrdreg $0x60  }
0xae: {  	[dreg:$0x2] =	wrdreg s24  }
0xaf: {  	[dreg:$0x3] =	wrdreg $0x88000  }
0xb0: {  	[dreg:$0x4] =	wrdreg $0x9  }
0xb1: {  	_ =	task.clear_ibuf [dreg:s6], $0x5FFFF;
	_ =	strace $0x9000004F  }
0xb2: {  	s29 =	simm.s32 $0x9;
	_ =	strace $0x80000051  }
0xb3: {  	_ =	swait.ge [sflag:s29], $0x1  }
0xb4: {  	[sflag:s29] =	ssyncadd.s32 $0xFFFFFFFF  }
0xb5: {  	_ =	strace $0x90000051  }
0xb6: {  	_ =	sfence  }
0xb7: {  	s30 =	sld [smem:$0x0];
	_ =	sdelay $0x2  }
0xb8: {  	s31 =	sshll.u32 s1, $0xD;
	s1 =	sshrl.u32 s1, $0x2  }
0xb9: {  	s3 =	sand.u32 $0x4000, s31;
	s1 =	sadd.s32 s1, s30  }
0xba: {  	s0 =	sor.u32 s3, s0;
	s1 =	sshll.u32 s1, $0x11  }
0xbb: {  	s0 =	sor.u32 s1, s0  }
0xbc: {  	s0 =	sadd.s32 $0x8F2B, s0  }
0xbd: {  	[sflag:s0] =	ssyncadd.remote.s32 $0x1  }
0xbe: {  	_ =	sfence.sel $0xFFFF  }
0xbf: {  	[dreg:$0x0] =	wrdreg $0xFFFFFFFF;
	(pc) =	sbr.abs _section_cstart, $3  }
0xc0: {  	[dreg:$0x1] =	wrdreg $0xFFFFFFFF  }
0xc1: {  	_ =	task.clear_ibuf [dreg:s6], $0x2FFFF;
	_ =	strace $0x9FFFFFFF  }
0xc2: {  	(tm) =	ssettm $0x7FFFFFFF  }
0xc3: {  	_ =	shalt  }
tec
execute0_lowered:
.L_overlay_start_1:
0x0: {  	(tag) =	ssettag $0x1  }
0x1: {  	s7 =	rddreg [dreg:$0x0]  }
0x2: {  	s2 =	rddreg [dreg:$0x1]  }
0x3: {  	s4 =	srdreg.scid;
	s0 =	stileid.u32  }
0x4: {  	s1 =	simm.s32 $0x0;
	s17 =	simm.s32 $0x80;
	s19 =	simm.s32 $0x800  }
0x5: {  	s18 =	simm.s32 $0x6800;
	s28 =	simm.s32 $0x0;
	s8 =	smul.u32 $0x13C00, s0  }
0x6: {  	s9 =	sand.u32 $0x1, s4;
	[smem:$0x7FF] =	sst s1;
	s24 =	smul.u32 $0xA0, s0  }
0x7: {  	s4 =	sadd.s32 $0x16400, s7;
	s5 =	sadd.s32 $0xC400, s7;
	s29 =	smul.u32 $0x5000, s0  }
0x8: {  	s23 =	sshll.u32 s0, $0x6;
	s6 =	smul.u32 $0x13C000, s9;
	_ =	strace $0x80000050  }
0x9: {  	s11 =	ssub.s32 $0x2, s9;
	s13 =	ssub.s32 $0x0, s9;
	p0 =	seq.s32 s9, $0x0  }
0xa: {  	s9 =	simm.s32 $0x1D;
	[dreg:$0x4] =	wrdreg s19;
	s19 =	simm.s32 $0x1  }
0xb: {  	s20 =	sshrl.u32 s11, $0x1;
	s21 =	sshrl.u32 s8, $0x1;
	s22 =	sshrl.u32 s8, $0x4  }
0xc: {  	s26 =	sand.u32 $0x74, s13;
	s9 =	simm.s32 @!p0 $0xB;
	s10 =	sadd.s32 s8, s6  }
0xd: {  	s6 =	sadd.s32 $0x2400, s7;
	s14 =	ssub.s32 s11, s20;
	s15 =	sadd.s32 s21, s2  }
0xe: {  	s25 =	sadd.s32 s4, s22;
	s8 =	sor.u32 $0x1C0A, s23;
	s11 =	sshll.u32 s26, $0x7  }
0xf: {  	s31 =	sshll.u32 s9, $0x9;
	s20 =	simm.s32 $0x2800;
	[dreg:$0x8] =	wrdreg s25  }
0x10: {  	s22 =	simm.s32 $0x4800;
	s21 =	simm.s32 $0x3;
	[dreg:$0x7] =	wrdreg s31  }
0x11: {  	s23 =	simm.s32 $0x5;
	s10 =	sshrl.u32 s10, $0x4;
	[dreg:$0x5] =	wrdreg s20  }
0x12: {  	s13 =	sadd.s32 s11, s29;
	s20 =	simm.s32 $0x2;
	[dreg:$0x6] =	wrdreg s22  }
0x13: {  	s22 =	simm.s32 $0x4;
	s25 =	simm.s32 $0x7;
	s12 =	sadd.s32 s10, s7  }
0x14: {  	s10 =	sadd.s32 s24, s26;
	s30 =	sadd.s32 $0x200, s13;
	s13 =	smax.u32 s14, $0x1  }
0x15: {  	s14 =	sshrl.u32 s15, $0x3;
	s15 =	simm.s32 $0xA;
	s24 =	simm.s32 $0x6  }
0x16: {  	s26 =	simm.s32 $0x8;
	s16 =	sshll.u32 s10, $0x4;
	s12 =	sadd.s32 $0x2A000, s12  }
0x17: {  	[dreg:$0x3] =	wrdreg s30;
	s10 =	sadd.s32 s6, s16;
	s11 =	sadd.s32 s5, s16  }
.LBB2_1:
0x18: {  	s0 =	rddreg [dreg:$0x8]  }
0x19: {  	[spmem:s14], [sflag:s8] =	dma.local [hbm:s0], $0x13C0  }
0x1a: {  	_ =	swait.ge [sflag:s15], $0x13C0  }
0x1b: {  	[sflag:s15] =	ssyncset.done $0x0  }
0x1c: {  	s31 =	simm.s32 $0x0;
	s1 =	simm.s32 $0x400;
	[sflag:s15] =	ssyncadd.s32 $0xFFFFEC40  }
0x1d: {  	[tilespmem:s1], [sflag:$0xA] =	stream.linear.gather [hbm4b:s10+s31], $0x200, $0x38;
	[tilespmem:$0x12600] =	vst v63  }
0x1e: {  	_ =	swait.ge [sflag:s15], $0x200  }
0x1f: {  	[sflag:s15] =	ssyncset.done $0x0  }
0x20: {  	[sflag:s15] =	ssyncadd.s32 $0xFFFFFE00  }
0x21: {  	[tilespmem:s31], [sflag:$0xA] =	stream.linear.gather [hbm4b:s11+s31], $0x200, $0x38;
	[tilespmem:$0x12600] =	vst v63  }
0x22: {  	_ =	swait.ge [sflag:s15], $0x200  }
0x23: {  	[sflag:s15] =	ssyncset.done $0x0  }
0x24: {  	[sflag:s15] =	ssyncadd.s32 $0xFFFFFE00  }
0x25: {  	s29 =	simm.s32 $0x1;
	s30 =	simm.s32 $0x0;
	[bflag:$0x0] =	sbarrier.arrive $0xFFFF  }
.LBB2_2:
0x26: {  	s31 =	rddreg [dreg:$0x3];
	p0 =	sge.u32 s29, s9  }
0x27: {  	s31 =	sadd.s32 @!p0 s30, s31;
	s0 =	sxor.u32 @!p0 $0xFFFFFFFF, s30  }
0x28: {  	s0 =	sand.u32 @!p0 $0x200, s0;
	s31 =	sshrl.u32 @!p0 s31, $0x3  }
0x29: {  	s3 =	simm.s32 @!p0 $0x0;
	s1 =	sor.u32 @!p0 $0x400, s0;
	s16 =	sadd.s32 @!p0 s6, s31  }
0x2a: {  	[tilespmem:s1], [sflag:$0x9] =	stream.linear.gather @!p0 [hbm4b:s16+s3], $0x200, $0x38;
	[tilespmem:$0x12600] =	vst v63  }
0x2b: {  	p1 =	sne.s32 s30, $0x0;
	s1 =	sadd.s32 @!p0 s5, s31  }
0x2c: {  	[tilespmem:s0], [sflag:$0x9] =	stream.linear.gather @!p0 [hbm4b:s1+s3], $0x200, $0x38;
	[tilespmem:$0x12600] =	vst v63  }
0x2d: {  	s0 =	simm.s32 @p1 $0x5  }
0x2e: {  	_ =	swait.ge @p1 [sflag:s0], $0x2000  }
0x2f: {  	s1 =	simm.s32 @p1 $0x80;
	[sflag:s0] =	ssyncset.done @p1 $0x0  }
0x30: {  	s3 =	simm.s32 @p1 $0x800;
	[sflag:s0] =	ssyncadd.s32 @p1 $0xFFFFE000;
	s0 =	sand.u32 @p1 $0x200, s30  }
0x31: {  	[tilespmem:s3], [sflag:$0x1] =	stream.indirect.gather @p1 [hbm4b:s4+s1], $0x40, s0, s1, $0xb8;
	[tilespmem:$0x12600] =	vst v63  }
0x32: {  	s3 =	simm.s32 @p1 $0x6  }
0x33: {  	_ =	swait.ge @p1 [sflag:s3], $0x2000  }
0x34: {  	[sflag:s3] =	ssyncset.done @p1 $0x0  }
0x35: {  	s16 =	simm.s32 @p1 $0x2800;
	[sflag:s3] =	ssyncadd.s32 @p1 $0xFFFFE000;
	s3 =	sor.u32 @p1 $0x80, s0  }
0x36: {  	[tilespmem:s16], [sflag:$0x2] =	stream.indirect.gather @p1 [hbm4b:s4+s1], $0x40, s3, s1, $0xb8;
	[tilespmem:$0x12600] =	vst v63  }
0x37: {  	s16 =	simm.s32 @p1 $0x7  }
0x38: {  	_ =	swait.ge @p1 [sflag:s16], $0x2000  }
0x39: {  	[sflag:s16] =	ssyncset.done @p1 $0x0  }
0x3a: {  	s31 =	simm.s32 @p1 $0x4800;
	[sflag:s16] =	ssyncadd.s32 @p1 $0xFFFFE000;
	s16 =	sor.u32 @p1 $0x100, s0  }
0x3b: {  	[tilespmem:s31], [sflag:$0x3] =	stream.indirect.gather @p1 [hbm4b:s4+s1], $0x40, s16, s1, $0xb8;
	[tilespmem:$0x12600] =	vst v63  }
0x3c: {  	s1 =	simm.s32 @p1 $0x8  }
0x3d: {  	_ =	swait.ge @p1 [sflag:s1], $0x2000  }
0x3e: {  	s7 =	simm.s32 @!p1 $0x800;
	[sflag:s1] =	ssyncset.done @p1 $0x0  }
0x3f: {  	s31 =	simm.s32 @!p1 $0x0;
	[sflag:s1] =	ssyncadd.s32 @p1 $0xFFFFE000;
	s1 =	simm.s32 @!p1 $0x80  }
0x40: {  	[tilespmem:s7], [sflag:$0x1] =	stream.indirect.gather @!p1 [hbm4b:s4+s1], $0x40, s31, s1, $0xb8;
	[tilespmem:$0x12600] =	vst v63  }
0x41: {  	s7 =	simm.s32 @!p1 $0x2800  }
0x42: {  	[tilespmem:s7], [sflag:$0x2] =	stream.indirect.gather @!p1 [hbm4b:s4+s1], $0x40, s1, s1, $0xb8;
	[tilespmem:$0x12600] =	vst v63  }
0x43: {  	s0 =	simm.s32 @!p1 $0x0;
	s31 =	simm.s32 @!p1 $0x4800;
	s7 =	simm.s32 @!p1 $0x100  }
0x44: {  	[tilespmem:s31], [sflag:$0x3] =	stream.indirect.gather @!p1 [hbm4b:s4+s1], $0x40, s7, s1, $0xb8;
	[tilespmem:$0x12600] =	vst v63  }
0x45: {  	s31 =	sor.u32 $0x180, s0  }
0x46: {  	[tilespmem:s18], [sflag:$0x4] =	stream.indirect.gather [hbm4b:s4+s17], $0x40, s31, s17, $0xb8;
	[tilespmem:$0x12600] =	vst v63  }
0x47: {  	_ =	swait.ge [sflag:s19], $0x2000  }
0x48: {  	[sflag:s19] =	ssyncset.done $0x0  }
0x49: {  	s31 =	sor.u32 $0x400, s0;
	s7 =	rddreg [dreg:$0x4];
	[sflag:s19] =	ssyncadd.s32 $0xFFFFE000  }
0x4a: {  	[spmem:s2] =	stream.indirect.scatter.add.bf16 [tilespmem:s7], [sflag:$0x5], $0x40, s31, s17, $0xb8;
	[tilespmem:$0x12600] =	vst v63  }
0x4b: {  	_ =	swait.ge [sflag:s20], $0x2000  }
0x4c: {  	s3 =	simm.s32 @!p1 $0x80;
	[sflag:s20] =	ssyncset.done $0x0  }
0x4d: {  	s3 =	sor.u32 $0x400, s3;
	s31 =	rddreg [dreg:$0x5];
	[sflag:s20] =	ssyncadd.s32 $0xFFFFE000  }
0x4e: {  	[spmem:s2] =	stream.indirect.scatter.add.bf16 [tilespmem:s31], [sflag:$0x6], $0x40, s3, s17, $0xb8;
	[tilespmem:$0x12600] =	vst v63  }
0x4f: {  	_ =	swait.ge [sflag:s21], $0x2000  }
0x50: {  	s16 =	simm.s32 @!p1 $0x100;
	[sflag:s21] =	ssyncset.done $0x0  }
0x51: {  	s16 =	sor.u32 $0x400, s16;
	s7 =	rddreg [dreg:$0x6];
	[sflag:s21] =	ssyncadd.s32 $0xFFFFE000  }
0x52: {  	[spmem:s2] =	stream.indirect.scatter.add.bf16 [tilespmem:s7], [sflag:$0x7], $0x40, s16, s17, $0xb8;
	[tilespmem:$0x12600] =	vst v63  }
0x53: {  	_ =	swait.ge [sflag:s22], $0x2000  }
0x54: {  	[sflag:s22] =	ssyncset.done $0x0  }
0x55: {  	s0 =	sor.u32 $0x580, s0;
	[sflag:s22] =	ssyncadd.s32 $0xFFFFE000  }
0x56: {  	[spmem:s2] =	stream.indirect.scatter.add.bf16 [tilespmem:s18], [sflag:$0x8], $0x40, s0, s17, $0xb8;
	[tilespmem:$0x12600] =	vst v63  }
0x57: {  	s0 =	simm.s32 @!p0 $0x9  }
0x58: {  	_ =	swait.ge @!p0 [sflag:s0], $0x200  }
0x59: {  	[sflag:s0] =	ssyncset.done @!p0 $0x0  }
0x5a: {  	[sflag:s0] =	ssyncadd.s32 @!p0 $0xFFFFFE00  }
0x5b: {  	_ =	swait.ge @!p0 [sflag:s0], $0x200  }
0x5c: {  	s30 =	sadd.s32 $0x200, s30;
	s31 =	rddreg [dreg:$0x7]  }
0x5d: {  	p1 =	sne.s32 s31, s30  }
.Ltmp0:
0x5e: {  	_ = 	snop;
	(pc) =	sbr.rel @p1 .LBB2_2-.Ltmp0, $3  }
0x5f: {  	_ =	sdelay $0x1  }
0x60: {  	[sflag:s0] =	ssyncset.done @!p0 $0x0  }
0x61: {  	s29 =	sadd.s32 $0x1, s29;
	[sflag:s0] =	ssyncadd.s32 @!p0 $0xFFFFFE00  }
0x62: {  	_ =	swait.ge [sflag:s23], $0x2000  }
0x63: {  	[sflag:s23] =	ssyncset.done $0x0  }
0x64: {  	[sflag:s23] =	ssyncadd.s32 $0xFFFFE000  }
0x65: {  	_ =	swait.ge [sflag:s24], $0x2000  }
0x66: {  	[sflag:s24] =	ssyncset.done $0x0  }
0x67: {  	[sflag:s24] =	ssyncadd.s32 $0xFFFFE000  }
0x68: {  	_ =	swait.ge [sflag:s25], $0x2000  }
0x69: {  	[sflag:s25] =	ssyncset.done $0x0  }
0x6a: {  	[sflag:s25] =	ssyncadd.s32 $0xFFFFE000  }
0x6b: {  	_ =	swait.ge [sflag:s26], $0x2000  }
0x6c: {  	s28 =	sadd.s32 $0x1, s28;
	[sflag:s26] =	ssyncset.done $0x0  }
0x6d: {  	p0 =	sne.s32 s28, s13;
	[sflag:s26] =	ssyncadd.s32 $0xFFFFE000  }
.Ltmp1:
0x6e: {  	[bflag:$0x0] =	sbarrier.arrive $0xFFFF;
	(pc) =	sbr.rel @p0 .LBB2_1-.Ltmp1, $4  }
0x6f: {  	[hbm:s12], [sflag:s8] =	dma.local [spmem:s14], $0x13C0  }
0x70: {  	_ =	swait.ge [sflag:s15], $0x13C0  }
0x71: {  	[sflag:s15] =	ssyncset.done $0x0  }
0x72: {  	[sflag:s15] =	ssyncadd.s32 $0xFFFFEC40  }
0x73: {  	_ =	sfence.sel $0x180000  }
0x74: {  	[bflag:$0x0] =	sbarrier.arrive $0xFFFF  }
0x75: {  	_ =	strace $0x90000050  }
0x76: {  	s0 =	stileid.u32;
	[bflag:$0x2] =	sbarrier.arrive $0xFFFF  }
0x77: {  	p0 =	sne.s32 s0, $0x0;
	s0 =	rddreg [dreg:$0x2]  }
0x78: {  	s0 =	sadd.s32 @!p0 $0x100000, s0  }
0x79: {  	[sflag:s0] =	ssyncadd.tile.s32 @!p0 $0x1;
	_ =	shalt  }
.Lfunc_end2:
_tile_overlayer_lowered:
.L_overlay_start_2:
0x7a: {  	(tag) =	ssettag $0x2  }
0x7b: {  	s0 =	rddreg [dreg:$0x0];
	s2 =	stileid.u32  }
0x7c: {  	s1 =	rddreg [dreg:$0x1];
	p0 =	sne.s32 s2, $0x0  }
0x7d: {  	s3 =	rddreg [dreg:$0x2];
	[bflag:$0x3] =	sbarrier.arrive $0xFFFF;
	s2 =	simm.s32 @!p0 $0x1C0A  }
0x7e: {  	[timem:s3], [sflag:s2] =	dma.local @!p0 [hbm:s0], s1  }
0x7f: {  	s0 =	simm.s32 @!p0 $0xA  }
0x80: {  	_ =	swait.ge @!p0 [sflag:s0], s1  }
0x81: {  	s1 =	ssub.s32 @!p0 $0x0, s1;
	[sflag:s0] =	ssyncset.done @!p0 $0x0  }
0x82: {  	[sflag:s0] =	ssyncadd.s32 @!p0 s1  }
0x83: {  	[bflag:$0x3] =	sbarrier.arrive $0xFFFF  }
0x84: {  	_ =	shalt  }

</sc_bundles>
